<compile_context>
chip_gen: v7x
topology: tpu7x:2x2x1
jax: 0.10.2.dev20260603
libtpu: 0.0.44.dev20260713+nightly
codegen_flags: <defaults>
</compile_context>

<pallas_src>
import functools
import jax
import jax.numpy as jnp
from jax import lax
from jax.experimental import pallas as pl
from jax.experimental.pallas import tpu as pltpu
from jax.experimental.pallas import tpu_sc as plsc

_K = 5
_R = 1024
_L = 16
_NPAD = 20480
_NW = 16
_BPW = _R // _NW
_NEG = -1e30


def _shift_left(row, idxp1):
    return lax.gather(
        row, idxp1[:, None],
        lax.GatherDimensionNumbers(offset_dims=(), collapsed_slice_dims=(0,),
                                   start_index_map=(0,)),
        slice_sizes=(1,), mode=lax.GatherScatterMode.PROMISE_IN_BOUNDS)


def _merge16(u, v):
    return lax.sort(jnp.maximum(u, lax.rev(v, (0,))))


def _sc_body(b_hbm, d_hbm, outa_hbm, outb_hbm, sums_hbm, mm_hbm,
             bv, dv, keys, bks, tab, tab2, tab3, tab4, scn, blk, sumv, tot,
             mmrow, mmall):
    c = lax.axis_index("c")
    s = lax.axis_index("s")
    is_a = c == 0
    lo = s * _BPW
    lanes = lax.iota(jnp.int32, _L)
    neg_row = jnp.full((_L,), _NEG, jnp.float32)

    pltpu.sync_copy(b_hbm, bv)
    pltpu.sync_copy(d_hbm, dv)

    nmm = _NPAD // _L // _NW
    def mm_body(i, carry):
        mb, md = carry
        return (jnp.minimum(mb, bv[pl.ds((s * nmm + i) * _L, _L)]),
                jnp.maximum(md, dv[pl.ds((s * nmm + i) * _L, _L)]))
    mb, md = lax.fori_loop(0, nmm, mm_body,
                           (jnp.full((_L,), 1e30, jnp.float32), neg_row))
    mmrow[pl.ds(0, _L)] = mb
    mmrow[pl.ds(_L, _L)] = md
    pltpu.sync_copy(mmrow, mm_hbm.at[pl.ds((c * _NW + s) * 2 * _L, 2 * _L)])
    plsc.subcore_barrier()
    pltpu.sync_copy(mm_hbm.at[pl.ds(c * _NW * 2 * _L, _NW * 2 * _L)], mmall)

    def mr_body(k, carry):
        mb, md = carry
        return (jnp.minimum(mb, mmall[pl.ds(k * 2 * _L, _L)]),
                jnp.maximum(md, mmall[pl.ds(k * 2 * _L + _L, _L)]))
    mb, md = lax.fori_loop(0, _NW, mr_body,
                           (jnp.full((_L,), 1e30, jnp.float32), neg_row))
    minb = lax.sort(mb)[0]
    maxd = lax.sort(md)[_L - 1]
    spanv = jnp.full((_L,), maxd - minb, jnp.float32)
    inv_dtv = jnp.where(spanv > 0, jnp.float32(_R - 1) / spanv,
                        jnp.zeros((_L,), jnp.float32))

    half = _NPAD // (2 * _L)
    base1 = _NPAD // 2 + _L

    def f_chunk(i, off, base):
        bb = bv[pl.ds(i * _L, _L)]
        dd = dv[pl.ds(i * _L, _L)]
        u = ((bb + dd) * 0.5 - minb) * inv_dtv
        ti = u.astype(jnp.int32)
        bk = jnp.where(ti.astype(jnp.float32) < u, ti + 1, ti)
        bk = jnp.clip(bk, 0, _R - 1)
        key = jnp.where(is_a, dd, -bb)
        msk = (bk >= lo) & (bk < lo + _BPW)
        mi = msk.astype(jnp.int32)
        cum = plsc.cumsum(mi)
        pos = base + off + cum - mi
        plsc.store_scatter(keys, [pos], key, mask=msk)
        plsc.store_scatter(bks, [pos], bk, mask=msk)
        return off + cum[_L - 1]

    def f_body(i, offs):
        o0 = f_chunk(2 * i, offs[0], 0)
        o1 = f_chunk(2 * i + half, offs[1], base1)
        o0 = f_chunk(2 * i + 1, o0, 0)
        o1 = f_chunk(2 * i + 1 + half, o1, base1)
        return (o0, o1)
    cnt0, cnt1 = lax.fori_loop(0, half // 2, f_body,
                               (jnp.int32(0), jnp.int32(0)))

    sets = (tab, tab2, tab3, tab4)
    for tb in sets:
        def ti_body(j, x, tb=tb):
            tb[pl.ds(j * _L, _L)] = neg_row
            return x
        lax.fori_loop(0, _BPW, ti_body, 0)

    bks[pl.ds(cnt0, _L)] = jnp.full((_L,), lo, jnp.int32)
    keys[pl.ds(cnt0, _L)] = neg_row
    bks[pl.ds(base1 + cnt1, _L)] = jnp.full((_L,), lo, jnp.int32)
    keys[pl.ds(base1 + cnt1, _L)] = neg_row

    idxp1 = jnp.minimum(lanes + 1, _L - 1)
    last = lanes == _L - 1

    def make_ins(base):
        def ins_body(g, x):
            bkv = bks[pl.ds(base + g * _L, _L)]
            kvv = keys[pl.ds(base + g * _L, _L)]
            for j in range(_L):
                tb = sets[j % 4]
                off = (bkv[j] - lo) * _L
                row = tb[pl.ds(off, _L)]
                v = kvv[j]
                shifted = jnp.where(last, jnp.float32(3e38),
                                    _shift_left(row, idxp1))
                row = jnp.where(shifted < v, shifted,
                                jnp.where(row < v, v, row))
                tb[pl.ds(off, _L)] = row
            return x
        return ins_body
    lax.fori_loop(0, (cnt0 + _L - 1) // _L, make_ins(0), 0)
    lax.fori_loop(0, (cnt1 + _L - 1) // _L, make_ins(base1), 0)

    def scan_body(p, acc):
        jj = jnp.where(is_a, p, _BPW - 1 - p)
        r01 = _merge16(tab[pl.ds(jj * _L, _L)], tab2[pl.ds(jj * _L, _L)])
        r23 = _merge16(tab3[pl.ds(jj * _L, _L)], tab4[pl.ds(jj * _L, _L)])
        merged = _merge16(acc, _merge16(r01, r23))
        scn[pl.ds(jj * _L, _L)] = jnp.where(is_a, merged, acc)
        return merged
    total = lax.fori_loop(0, _BPW, scan_body, neg_row)

    tot[...] = total
    pltpu.sync_copy(tot, sums_hbm.at[pl.ds((c * _NW + s) * _L, _L)])
    plsc.subcore_barrier()
    pltpu.sync_copy(sums_hbm.at[pl.ds(c * _NW * _L, _NW * _L)], sumv)

    def ca_body(j, acc):
        return _merge16(acc, sumv[pl.ds(j * _L, _L)])
    carry_a = lax.fori_loop(0, s, ca_body, neg_row)
    carry_b = lax.fori_loop(s + 1, _NW, ca_body, neg_row)
    carry = jnp.where(is_a, carry_a, carry_b)

    def ap_body(jj, x):
        blk[jj] = _merge16(scn[pl.ds(jj * _L, _L)], carry)
        return x
    lax.fori_loop(0, _BPW, ap_body, 0)

    @pl.when(is_a)
    def _():
        pltpu.sync_copy(blk, outa_hbm.at[pl.ds(lo, _BPW), :])

    @pl.when(jnp.logical_not(is_a))
    def _():
        pltpu.sync_copy(blk, outb_hbm.at[pl.ds(lo, _BPW), :])


_sc_call = functools.partial(
    pl.kernel,
    out_type=[
        jax.ShapeDtypeStruct((_R, _L), jnp.float32),
        jax.ShapeDtypeStruct((_R, _L), jnp.float32),
        jax.ShapeDtypeStruct((2 * _NW * _L,), jnp.float32),
        jax.ShapeDtypeStruct((2 * _NW * 2 * _L,), jnp.float32),
    ],
    mesh=plsc.VectorSubcoreMesh(core_axis_name="c", subcore_axis_name="s"),
    compiler_params=pltpu.CompilerParams(needs_layout_passes=False),
    scratch_types=[
        pltpu.VMEM((_NPAD,), jnp.float32),
        pltpu.VMEM((_NPAD,), jnp.float32),
        pltpu.VMEM((_NPAD + 2 * _L,), jnp.float32),
        pltpu.VMEM((_NPAD + 2 * _L,), jnp.int32),
        pltpu.VMEM((_BPW * _L,), jnp.float32),
        pltpu.VMEM((_BPW * _L,), jnp.float32),
        pltpu.VMEM((_BPW * _L,), jnp.float32),
        pltpu.VMEM((_BPW * _L,), jnp.float32),
        pltpu.VMEM((_BPW * _L,), jnp.float32),
        pltpu.VMEM((_BPW, _L), jnp.float32),
        pltpu.VMEM((_NW * _L,), jnp.float32),
        pltpu.VMEM((_L,), jnp.float32),
        pltpu.VMEM((2 * _L,), jnp.float32),
        pltpu.VMEM((_NW * 2 * _L,), jnp.float32),
    ],
)


def _insert(accs, v):
    out = []
    for a in accs:
        hi = jnp.maximum(a, v)
        v = jnp.minimum(a, v)
        out.append(hi)
    return out


def _combine_body(pairs_ref, pa_ref, nb_ref, out_ref):
    minb = jnp.min(pairs_ref[:, 0:1])
    maxd = jnp.max(pairs_ref[:, 1:2])
    step = (maxd - minb) / jnp.float32(_R - 1)
    lane = lax.broadcasted_iota(jnp.int32, (1, _R), 1)
    t = minb + step * lane.astype(jnp.float32)
    accs = [jnp.zeros((1, _R), jnp.float32)] * _K
    for k in range(_L - _K, _L):
        accs = _insert(accs, pa_ref[k:k + 1, :] - t)
        accs = _insert(accs, t + nb_ref[k:k + 1, :])
    accs.append(jnp.zeros((8 - _K, _R), jnp.float32))
    out_ref[:, :] = jnp.concatenate(accs, axis=0)


def kernel(pairs):
    n = pairs.shape[0]
    padn = _NPAD - n
    b = jnp.concatenate([pairs[:, 0], jnp.full((padn,), 2.0, jnp.float32)])
    d = jnp.concatenate([pairs[:, 1], jnp.full((padn,), -1.0, jnp.float32)])
    pa, nb, _, _ = _sc_call(_sc_body)(b, d)
    pa = pa.T
    nb = nb.T
    out = pl.pallas_call(
        _combine_body,
        out_shape=jax.ShapeDtypeStruct((8, _R), jnp.float32),
    )(pairs, pa, nb)
    return out[:_K]

# --- scband reference (transcript-rebuilt; emitter-appended) ---
"""Pipeline reference for scband-persistence-landscape-encoder-16269336117487 (READ-ONLY COPY).

The authoritative reference and input builder live on the scoring server;
editing this copy changes nothing except your own understanding.
"""

import jax, jax.numpy as jnp
import numpy as np

NUM_LANDSCAPES = 5
RESOLUTION = 1024
N_PAIRS = 20000


def setup_inputs(seed: int = 0) -> dict:
    key = jax.random.key(seed)
    pairs = jax.random.uniform(key, (N_PAIRS, 2), dtype=jnp.float32)
    return {"pairs": pairs}


def reference(pairs):
    # pairs: float32[N, 2] where pairs[:,0]=birth, pairs[:,1]=death
    birth = pairs[:, 0]
    death = pairs[:, 1]
    min_birth = jnp.min(birth)
    max_death = jnp.max(death)
    # evaluation grid over [min_birth, max_death]
    t = jnp.linspace(min_birth, max_death, RESOLUTION)  # [R]
    # tent function per pair: min(clamp(t - b, 0), clamp(d - t, 0))
    rising = jnp.clip(t[None, :] - birth[:, None], 0.0, None)   # [N, R]
    falling = jnp.clip(death[:, None] - t[None, :], 0.0, None)  # [N, R]
    tents = jnp.minimum(rising, falling)                         # [N, R]
    # sort descending along the pair axis (matches torch.sort(..., descending=True))
    sorted_tents = -jnp.sort(-tents, axis=0)                     # [N, R]
    k = min(NUM_LANDSCAPES, tents.shape[0])
    landscapes = sorted_tents[:k]                                # [k, R]
    if k < NUM_LANDSCAPES:
        padding = jnp.zeros((NUM_LANDSCAPES - k, RESOLUTION), dtype=landscapes.dtype)
        landscapes = jnp.concatenate([landscapes, padding], axis=0)
    return landscapes

if __name__ == "__main__":
    import jax
    _d = setup_inputs()
    print(jax.jit(kernel)(*tuple(_d.values())))

</pallas_src>

<mosaic_0001>
#map = affine_map<(d0, d1) -> (0)>
#map1 = affine_map<(d0, d1) -> (0, 0)>
module attributes {stable_mosaic.version = 14 : i64} {
  func.func @_sc_body(%arg0: i32, %arg1: i32, %arg2: memref<20480xf32, #tpu.memory_space<hbm>>, %arg3: memref<20480xf32, #tpu.memory_space<hbm>>, %arg4: memref<1024x16xf32, #tpu.memory_space<hbm>>, %arg5: memref<1024x16xf32, #tpu.memory_space<hbm>>, %arg6: memref<512xf32, #tpu.memory_space<hbm>>, %arg7: memref<1024xf32, #tpu.memory_space<hbm>>, %arg8: memref<20480xf32, #tpu.memory_space<vmem>>, %arg9: memref<20480xf32, #tpu.memory_space<vmem>>, %arg10: memref<20512xf32, #tpu.memory_space<vmem>>, %arg11: memref<20512xi32, #tpu.memory_space<vmem>>, %arg12: memref<1024xf32, #tpu.memory_space<vmem>>, %arg13: memref<1024xf32, #tpu.memory_space<vmem>>, %arg14: memref<1024xf32, #tpu.memory_space<vmem>>, %arg15: memref<1024xf32, #tpu.memory_space<vmem>>, %arg16: memref<1024xf32, #tpu.memory_space<vmem>>, %arg17: memref<64x16xf32, #tpu.memory_space<vmem>>, %arg18: memref<256xf32, #tpu.memory_space<vmem>>, %arg19: memref<16xf32, #tpu.memory_space<vmem>>, %arg20: memref<32xf32, #tpu.memory_space<vmem>>, %arg21: memref<512xf32, #tpu.memory_space<vmem>>) attributes {dimension_semantics = [#tpu.dimension_semantics<core_parallel>, #tpu.dimension_semantics<subcore_parallel>], iteration_bounds = array<i64: 2, 16>, scalar_prefetch = 0 : i64, scratch_operands = 14 : i64, tpu.core_type = #tpu.core_type<sc_vector_subcore>, window_params = [{transform_indices = #map}, {transform_indices = #map}, {transform_indices = #map1}, {transform_indices = #map1}, {transform_indices = #map}, {transform_indices = #map}]} {
    %eq3A = arith.constant 0 : i32
    %eq3A_0 = arith.cmpi eq, %arg0, %eq3A : i32
    %mul3A = arith.constant 64 : i32
    %mul3A_1 = arith.muli %arg1, %mul3A : i32
    %iota3A = tpu.iota {dimensions = array<i32: 0>} : vector<16xi32>
    %broadcast_in_dim3A = arith.constant -1.000000e+30 : f32
    %broadcast_in_dim3A_2 = vector.broadcast %broadcast_in_dim3A : f32 to vector<16xf32>
    "tpu.region"() ({
      %run_scoped3A = tpu.sem_alloc : memref<!tpu.dma_semaphore, #tpu.memory_space<semaphore_mem>>
      tpu.enqueue_dma source(%arg2 : memref<20480xf32, #tpu.memory_space<hbm>>) target(%arg8 : memref<20480xf32, #tpu.memory_space<vmem>>) target_semaphore(%run_scoped3A : memref<!tpu.dma_semaphore, #tpu.memory_space<semaphore_mem>>)
      tpu.wait_dma2 semaphore(%run_scoped3A : memref<!tpu.dma_semaphore, #tpu.memory_space<semaphore_mem>>) src(%arg2 : memref<20480xf32, #tpu.memory_space<hbm>>) dst(%arg8 : memref<20480xf32, #tpu.memory_space<vmem>>)
      tpu.yield
    }) : () -> ()
    "tpu.region"() ({
      %run_scoped3A = tpu.sem_alloc : memref<!tpu.dma_semaphore, #tpu.memory_space<semaphore_mem>>
      tpu.enqueue_dma source(%arg3 : memref<20480xf32, #tpu.memory_space<hbm>>) target(%arg9 : memref<20480xf32, #tpu.memory_space<vmem>>) target_semaphore(%run_scoped3A : memref<!tpu.dma_semaphore, #tpu.memory_space<semaphore_mem>>)
      tpu.wait_dma2 semaphore(%run_scoped3A : memref<!tpu.dma_semaphore, #tpu.memory_space<semaphore_mem>>) src(%arg3 : memref<20480xf32, #tpu.memory_space<hbm>>) dst(%arg9 : memref<20480xf32, #tpu.memory_space<vmem>>)
      tpu.yield
    }) : () -> ()
    %broadcast_in_dim3A_3 = arith.constant 1.000000e+30 : f32
    %broadcast_in_dim3A_4 = vector.broadcast %broadcast_in_dim3A_3 : f32 to vector<16xf32>
    %scan3A = arith.constant 0 : i32
    %scan3A_5 = arith.constant 80 : i32
    %scan3A_6 = arith.addi %scan3A, %scan3A_5 : i32
    %scan3A_7 = arith.constant 1 : i32
    %scan3A_8:2 = scf.for %scan3A_227 = %scan3A to %scan3A_6 step %scan3A_7 iter_args(%scan3A_228 = %broadcast_in_dim3A_4, %scan3A_229 = %broadcast_in_dim3A_2) -> (vector<16xf32>, vector<16xf32>)  : i32 {
      %mul3A_230 = arith.constant 80 : i32
      %mul3A_231 = arith.muli %arg1, %mul3A_230 : i32
      %add3A_232 = arith.addi %mul3A_231, %scan3A_227 : i32
      %mul3A_233 = arith.constant 16 : i32
      %mul3A_234 = arith.muli %add3A_232, %mul3A_233 : i32
      %get3A = arith.index_cast %mul3A_234 : i32 to index
      %get3A_235 = tpu.vector_load %arg8[%get3A] {strides = array<i32>} : memref<20480xf32, #tpu.memory_space<vmem>>, vector<16xf32>,
      %min3A_236 = arith.minimumf %scan3A_228, %get3A_235 : vector<16xf32>
      %mul3A_237 = arith.constant 80 : i32
      %mul3A_238 = arith.muli %arg1, %mul3A_237 : i32
      %add3A_239 = arith.addi %mul3A_238, %scan3A_227 : i32
      %mul3A_240 = arith.constant 16 : i32
      %mul3A_241 = arith.muli %add3A_239, %mul3A_240 : i32
      %get3A_242 = arith.index_cast %mul3A_241 : i32 to index
      %get3A_243 = tpu.vector_load %arg9[%get3A_242] {strides = array<i32>} : memref<20480xf32, #tpu.memory_space<vmem>>, vector<16xf32>,
      %max3A = arith.maximumf %scan3A_229, %get3A_243 : vector<16xf32>
      scf.yield %min3A_236, %max3A : vector<16xf32>, vector<16xf32>
    }
    %scan3A_9 = arith.constant 80 : i32
    %swap3A = arith.constant 0 : index
    %swap3A_10 = tpu.vector_load %arg20[%swap3A] {strides = array<i32>} : memref<32xf32, #tpu.memory_space<vmem>>, vector<16xf32>,
    tpu.vector_store %arg20[%swap3A], %scan3A_8#0 {strides = array<i32>} : memref<32xf32, #tpu.memory_space<vmem>>, vector<16xf32>,
    %swap3A_11 = arith.constant 16 : index
    %swap3A_12 = tpu.vector_load %arg20[%swap3A_11] {strides = array<i32>} : memref<32xf32, #tpu.memory_space<vmem>>, vector<16xf32>,
    tpu.vector_store %arg20[%swap3A_11], %scan3A_8#1 {strides = array<i32>} : memref<32xf32, #tpu.memory_space<vmem>>, vector<16xf32>,
    %mul3A_13 = arith.constant 16 : i32
    %mul3A_14 = arith.muli %arg0, %mul3A_13 : i32
    %add3A = arith.addi %mul3A_14, %arg1 : i32
    %mul3A_15 = arith.constant 2 : i32
    %mul3A_16 = arith.muli %add3A, %mul3A_15 : i32
    %mul3A_17 = arith.constant 16 : i32
    %mul3A_18 = arith.muli %mul3A_16, %mul3A_17 : i32
    "tpu.region"() ({
      %run_scoped3A = tpu.sem_alloc : memref<!tpu.dma_semaphore, #tpu.memory_space<semaphore_mem>>
      %dma_start3A = tpu.memref_slice %arg7[%mul3A_18] : memref<1024xf32, #tpu.memory_space<hbm>> -> memref<32xf32, #tpu.memory_space<hbm>>
      %dma_start3A_227 = tpu.memref_slice %arg7[%mul3A_18] : memref<1024xf32, #tpu.memory_space<hbm>> -> memref<32xf32, #tpu.memory_space<hbm>>
      tpu.enqueue_dma source(%arg20 : memref<32xf32, #tpu.memory_space<vmem>>) target(%dma_start3A_227 : memref<32xf32, #tpu.memory_space<hbm>>) target_semaphore(%run_scoped3A : memref<!tpu.dma_semaphore, #tpu.memory_space<semaphore_mem>>)
      %dma_wait3A = tpu.memref_slice %arg7[%mul3A_18] : memref<1024xf32, #tpu.memory_space<hbm>> -> memref<32xf32, #tpu.memory_space<hbm>>
      %dma_wait3A_228 = tpu.memref_slice %arg7[%mul3A_18] : memref<1024xf32, #tpu.memory_space<hbm>> -> memref<32xf32, #tpu.memory_space<hbm>>
      tpu.wait_dma2 semaphore(%run_scoped3A : memref<!tpu.dma_semaphore, #tpu.memory_space<semaphore_mem>>) src(%arg20 : memref<32xf32, #tpu.memory_space<vmem>>) dst(%dma_wait3A_228 : memref<32xf32, #tpu.memory_space<hbm>>)
      tpu.yield
    }) : () -> ()
    %barrier3A = arith.constant 0 : index
    tpu.barrier barrier_id(%barrier3A)
    %mul3A_19 = arith.constant 16 : i32
    %mul3A_20 = arith.muli %arg0, %mul3A_19 : i32
    %mul3A_21 = arith.constant 2 : i32
    %mul3A_22 = arith.muli %mul3A_20, %mul3A_21 : i32
    %mul3A_23 = arith.constant 16 : i32
    %mul3A_24 = arith.muli %mul3A_22, %mul3A_23 : i32
    "tpu.region"() ({
      %run_scoped3A = tpu.sem_alloc : memref<!tpu.dma_semaphore, #tpu.memory_space<semaphore_mem>>
      %dma_start3A = tpu.memref_slice %arg7[%mul3A_24] : memref<1024xf32, #tpu.memory_space<hbm>> -> memref<512xf32, #tpu.memory_space<hbm>>
      %dma_start3A_227 = tpu.memref_slice %arg7[%mul3A_24] : memref<1024xf32, #tpu.memory_space<hbm>> -> memref<512xf32, #tpu.memory_space<hbm>>
      tpu.enqueue_dma source(%dma_start3A_227 : memref<512xf32, #tpu.memory_space<hbm>>) target(%arg21 : memref<512xf32, #tpu.memory_space<vmem>>) target_semaphore(%run_scoped3A : memref<!tpu.dma_semaphore, #tpu.memory_space<semaphore_mem>>)
      %dma_wait3A = tpu.memref_slice %arg7[%mul3A_24] : memref<1024xf32, #tpu.memory_space<hbm>> -> memref<512xf32, #tpu.memory_space<hbm>>
      %dma_wait3A_228 = tpu.memref_slice %arg7[%mul3A_24] : memref<1024xf32, #tpu.memory_space<hbm>> -> memref<512xf32, #tpu.memory_space<hbm>>
      tpu.wait_dma2 semaphore(%run_scoped3A : memref<!tpu.dma_semaphore, #tpu.memory_space<semaphore_mem>>) src(%dma_wait3A_228 : memref<512xf32, #tpu.memory_space<hbm>>) dst(%arg21 : memref<512xf32, #tpu.memory_space<vmem>>)
      tpu.yield
    }) : () -> ()
    %broadcast_in_dim3A_25 = arith.constant 1.000000e+30 : f32
    %broadcast_in_dim3A_26 = vector.broadcast %broadcast_in_dim3A_25 : f32 to vector<16xf32>
    %scan3A_27 = arith.constant 0 : i32
    %scan3A_28 = arith.constant 16 : i32
    %scan3A_29 = arith.addi %scan3A_27, %scan3A_28 : i32
    %scan3A_30 = arith.constant 1 : i32
    %scan3A_31:2 = scf.for %scan3A_227 = %scan3A_27 to %scan3A_29 step %scan3A_30 iter_args(%scan3A_228 = %broadcast_in_dim3A_26, %scan3A_229 = %broadcast_in_dim3A_2) -> (vector<16xf32>, vector<16xf32>)  : i32 {
      %mul3A_230 = arith.constant 2 : i32
      %mul3A_231 = arith.muli %scan3A_227, %mul3A_230 : i32
      %mul3A_232 = arith.constant 16 : i32
      %mul3A_233 = arith.muli %mul3A_231, %mul3A_232 : i32
      %get3A = arith.index_cast %mul3A_233 : i32 to index
      %get3A_234 = tpu.vector_load %arg21[%get3A] {strides = array<i32>} : memref<512xf32, #tpu.memory_space<vmem>>, vector<16xf32>,
      %min3A_235 = arith.minimumf %scan3A_228, %get3A_234 : vector<16xf32>
      %mul3A_236 = arith.constant 2 : i32
      %mul3A_237 = arith.muli %scan3A_227, %mul3A_236 : i32
      %mul3A_238 = arith.constant 16 : i32
      %mul3A_239 = arith.muli %mul3A_237, %mul3A_238 : i32
      %add3A_240 = arith.constant 16 : i32
      %add3A_241 = arith.addi %mul3A_239, %add3A_240 : i32
      %get3A_242 = arith.index_cast %add3A_241 : i32 to index
      %get3A_243 = tpu.vector_load %arg21[%get3A_242] {strides = array<i32>} : memref<512xf32, #tpu.memory_space<vmem>>, vector<16xf32>,
      %max3A = arith.maximumf %scan3A_229, %get3A_243 : vector<16xf32>
      scf.yield %min3A_235, %max3A : vector<16xf32>, vector<16xf32>
    }
    %scan3A_32 = arith.constant 16 : i32
    %sort3A = arith.constant dense<true> : vector<16xi1>
    %sort3A_33, %sort3A_34, %sort3A_35 = tpu.sort %scan3A_31#0, %scan3A_31#0 masked %sort3A : (vector<16xf32>, vector<16xf32>, vector<16xi1>) -> (vector<16xi1>, vector<16xf32>, vector<16xf32>)
    %slice3A = vector.extract_strided_slice %sort3A_34 {offsets = [0], sizes = [1], strides = [1]} : vector<16xf32> to vector<1xf32>
    %squeeze3A = vector.extract %slice3A[0] : f32 from vector<1xf32>
    %sort3A_36 = arith.constant dense<true> : vector<16xi1>
    %sort3A_37, %sort3A_38, %sort3A_39 = tpu.sort %scan3A_31#1, %scan3A_31#1 masked %sort3A_36 : (vector<16xf32>, vector<16xf32>, vector<16xi1>) -> (vector<16xi1>, vector<16xf32>, vector<16xf32>)
    %slice3A_40 = vector.extract_strided_slice %sort3A_38 {offsets = [15], sizes = [1], strides = [1]} : vector<16xf32> to vector<1xf32>
    %squeeze3A_41 = vector.extract %slice3A_40[0] : f32 from vector<1xf32>
    %sub3A = arith.subf %squeeze3A_41, %squeeze3A : f32
    %broadcast_in_dim3A_42 = vector.broadcast %sub3A : f32 to vector<16xf32>
    %gt3A = arith.constant 0.000000e+00 : f32
    %gt3A_43 = vector.broadcast %gt3A : f32 to vector<16xf32>
    %gt3A_44 = arith.cmpf ogt, %broadcast_in_dim3A_42, %gt3A_43 : vector<16xf32>
    %div3A = arith.constant 1.023000e+03 : f32
    %div3A_45 = vector.broadcast %div3A : f32 to vector<16xf32>
    %div3A_46 = arith.divf %div3A_45, %broadcast_in_dim3A_42 : vector<16xf32>
    %broadcast_in_dim3A_47 = arith.constant 0.000000e+00 : f32
    %broadcast_in_dim3A_48 = vector.broadcast %broadcast_in_dim3A_47 : f32 to vector<16xf32>
    %select_n3A = arith.select %gt3A_44, %div3A_46, %broadcast_in_dim3A_48 : vector<16xi1>, vector<16xf32>
    %scan3A_49 = arith.constant 0 : i32
    %scan3A_50 = arith.constant 0 : i32
    %scan3A_51 = arith.constant 0 : i32
    %scan3A_52 = arith.constant 320 : i32
    %scan3A_53 = arith.addi %scan3A_51, %scan3A_52 : i32
    %scan3A_54 = arith.constant 1 : i32
    %scan3A_55:2 = scf.for %scan3A_227 = %scan3A_51 to %scan3A_53 step %scan3A_54 iter_args(%scan3A_228 = %scan3A_49, %scan3A_229 = %scan3A_50) -> (i32, i32)  : i32 {
      %mul3A_230 = arith.constant 2 : i32
      %mul3A_231 = arith.muli %mul3A_230, %scan3A_227 : i32
      %mul3A_232 = arith.constant 16 : i32
      %mul3A_233 = arith.muli %mul3A_231, %mul3A_232 : i32
      %get3A = arith.index_cast %mul3A_233 : i32 to index
      %get3A_234 = tpu.vector_load %arg8[%get3A] {strides = array<i32>} : memref<20480xf32, #tpu.memory_space<vmem>>, vector<16xf32>,
      %mul3A_235 = arith.constant 16 : i32
      %mul3A_236 = arith.muli %mul3A_231, %mul3A_235 : i32
      %get3A_237 = arith.index_cast %mul3A_236 : i32 to index
      %get3A_238 = tpu.vector_load %arg9[%get3A_237] {strides = array<i32>} : memref<20480xf32, #tpu.memory_space<vmem>>, vector<16xf32>,
      %add3A_239 = arith.addf %get3A_234, %get3A_238 : vector<16xf32>
      %mul3A_240 = arith.constant 5.000000e-01 : f32
      %mul3A_241 = vector.broadcast %mul3A_240 : f32 to vector<16xf32>
      %mul3A_242 = arith.mulf %add3A_239, %mul3A_241 : vector<16xf32>
      %sub3A_243 = vector.broadcast %squeeze3A : f32 to vector<16xf32>
      %sub3A_244 = arith.subf %mul3A_242, %sub3A_243 : vector<16xf32>
      %mul3A_245 = arith.mulf %sub3A_244, %select_n3A : vector<16xf32>
      %convert_element_type3A_246 = arith.fptosi %mul3A_245 : vector<16xf32> to vector<16xi32>
      %convert_element_type3A_247 = arith.sitofp %convert_element_type3A_246 : vector<16xi32> to vector<16xf32>
      %lt3A = arith.cmpf olt, %convert_element_type3A_247, %mul3A_245 : vector<16xf32>
      %add3A_248 = arith.constant 1 : i32
      %add3A_249 = vector.broadcast %add3A_248 : i32 to vector<16xi32>
      %add3A_250 = arith.addi %convert_element_type3A_246, %add3A_249 : vector<16xi32>
      %select_n3A_251 = arith.select %lt3A, %add3A_250, %convert_element_type3A_246 : vector<16xi1>, vector<16xi32>
      %jit3A_252 = arith.constant 0 : i32
      %jit3A_253 = arith.constant 1023 : i32
      %max3A = vector.broadcast %jit3A_252 : i32 to vector<16xi32>
      %max3A_254 = arith.maxsi %max3A, %select_n3A_251 : vector<16xi32>
      %min3A_255 = vector.broadcast %jit3A_253 : i32 to vector<16xi32>
      %min3A_256 = arith.minsi %min3A_255, %max3A_254 : vector<16xi32>
      %neg3A = arith.constant 0.000000e+00 : f32
      %neg3A_257 = vector.broadcast %neg3A : f32 to vector<16xf32>
      %neg3A_258 = arith.subf %neg3A_257, %get3A_234 : vector<16xf32>
      %select_n3A_259 = arith.select %eq3A_0, %get3A_238, %neg3A_258 : vector<16xf32>
      %ge3A = vector.broadcast %mul3A_1 : i32 to vector<16xi32>
      %ge3A_260 = arith.cmpi sge, %min3A_256, %ge3A : vector<16xi32>
      %add3A_261 = arith.constant 64 : i32
      %add3A_262 = arith.addi %mul3A_1, %add3A_261 : i32
      %lt3A_263 = vector.broadcast %add3A_262 : i32 to vector<16xi32>
      %lt3A_264 = arith.cmpi slt, %min3A_256, %lt3A_263 : vector<16xi32>
      %and3A_265 = arith.andi %ge3A_260, %lt3A_264 : vector<16xi1>
      %convert_element_type3A_266 = arith.extui %and3A_265 : vector<16xi1> to vector<16xi32>
      %broadcast_in_dim3A_267 = arith.constant true
      %broadcast_in_dim3A_268 = vector.broadcast %broadcast_in_dim3A_267 : i1 to vector<16xi1>
      %masked_cumsum3A = tpu.scan <sum>, %convert_element_type3A_266 masked %broadcast_in_dim3A_268 : vector<16xi32>, vector<16xi1> -> vector<16xi32>
      %add3A_269 = arith.constant 0 : i32
      %add3A_270 = arith.addi %add3A_269, %scan3A_228 : i32
      %add3A_271 = vector.broadcast %add3A_270 : i32 to vector<16xi32>
      %add3A_272 = arith.addi %add3A_271, %masked_cumsum3A : vector<16xi32>
      %sub3A_273 = arith.subi %add3A_272, %convert_element_type3A_266 : vector<16xi32>
      tpu.vector_store_idx %arg10[%sub3A_273], %select_n3A_259 masked %and3A_265 : memref<20512xf32, #tpu.memory_space<vmem>>[vector<16xi32>], vector<16xf32>, vector<16xi1>
      tpu.vector_store_idx %arg11[%sub3A_273], %min3A_256 masked %and3A_265 : memref<20512xi32, #tpu.memory_space<vmem>>[vector<16xi32>], vector<16xi32>, vector<16xi1>
      %slice3A_274 = vector.extract_strided_slice %masked_cumsum3A {offsets = [15], sizes = [1], strides = [1]} : vector<16xi32> to vector<1xi32>
      %squeeze3A_275 = vector.extract %slice3A_274[0] : i32 from vector<1xi32>
      %add3A_276 = arith.addi %scan3A_228, %squeeze3A_275 : i32
      %mul3A_277 = arith.constant 2 : i32
      %mul3A_278 = arith.muli %mul3A_277, %scan3A_227 : i32
      %add3A_279 = arith.constant 640 : i32
      %add3A_280 = arith.addi %mul3A_278, %add3A_279 : i32
      %mul3A_281 = arith.constant 16 : i32
      %mul3A_282 = arith.muli %add3A_280, %mul3A_281 : i32
      %get3A_283 = arith.index_cast %mul3A_282 : i32 to index
      %get3A_284 = tpu.vector_load %arg8[%get3A_283] {strides = array<i32>} : memref<20480xf32, #tpu.memory_space<vmem>>, vector<16xf32>,
      %mul3A_285 = arith.constant 16 : i32
      %mul3A_286 = arith.muli %add3A_280, %mul3A_285 : i32
      %get3A_287 = arith.index_cast %mul3A_286 : i32 to index
      %get3A_288 = tpu.vector_load %arg9[%get3A_287] {strides = array<i32>} : memref<20480xf32, #tpu.memory_space<vmem>>, vector<16xf32>,
      %add3A_289 = arith.addf %get3A_284, %get3A_288 : vector<16xf32>
      %mul3A_290 = arith.constant 5.000000e-01 : f32
      %mul3A_291 = vector.broadcast %mul3A_290 : f32 to vector<16xf32>
      %mul3A_292 = arith.mulf %add3A_289, %mul3A_291 : vector<16xf32>
      %sub3A_293 = vector.broadcast %squeeze3A : f32 to vector<16xf32>
      %sub3A_294 = arith.subf %mul3A_292, %sub3A_293 : vector<16xf32>
      %mul3A_295 = arith.mulf %sub3A_294, %select_n3A : vector<16xf32>
      %convert_element_type3A_296 = arith.fptosi %mul3A_295 : vector<16xf32> to vector<16xi32>
      %convert_element_type3A_297 = arith.sitofp %convert_element_type3A_296 : vector<16xi32> to vector<16xf32>
      %lt3A_298 = arith.cmpf olt, %convert_element_type3A_297, %mul3A_295 : vector<16xf32>
      %add3A_299 = arith.constant 1 : i32
      %add3A_300 = vector.broadcast %add3A_299 : i32 to vector<16xi32>
      %add3A_301 = arith.addi %convert_element_type3A_296, %add3A_300 : vector<16xi32>
      %select_n3A_302 = arith.select %lt3A_298, %add3A_301, %convert_element_type3A_296 : vector<16xi1>, vector<16xi32>
      %jit3A_303 = arith.constant 0 : i32
      %jit3A_304 = arith.constant 1023 : i32
      %max3A_305 = vector.broadcast %jit3A_303 : i32 to vector<16xi32>
      %max3A_306 = arith.maxsi %max3A_305, %select_n3A_302 : vector<16xi32>
      %min3A_307 = vector.broadcast %jit3A_304 : i32 to vector<16xi32>
      %min3A_308 = arith.minsi %min3A_307, %max3A_306 : vector<16xi32>
      %neg3A_309 = arith.constant 0.000000e+00 : f32
      %neg3A_310 = vector.broadcast %neg3A_309 : f32 to vector<16xf32>
      %neg3A_311 = arith.subf %neg3A_310, %get3A_284 : vector<16xf32>
      %select_n3A_312 = arith.select %eq3A_0, %get3A_288, %neg3A_311 : vector<16xf32>
      %ge3A_313 = vector.broadcast %mul3A_1 : i32 to vector<16xi32>
      %ge3A_314 = arith.cmpi sge, %min3A_308, %ge3A_313 : vector<16xi32>
      %add3A_315 = arith.constant 64 : i32
      %add3A_316 = arith.addi %mul3A_1, %add3A_315 : i32
      %lt3A_317 = vector.broadcast %add3A_316 : i32 to vector<16xi32>
      %lt3A_318 = arith.cmpi slt, %min3A_308, %lt3A_317 : vector<16xi32>
      %and3A_319 = arith.andi %ge3A_314, %lt3A_318 : vector<16xi1>
      %convert_element_type3A_320 = arith.extui %and3A_319 : vector<16xi1> to vector<16xi32>
      %broadcast_in_dim3A_321 = arith.constant true
      %broadcast_in_dim3A_322 = vector.broadcast %broadcast_in_dim3A_321 : i1 to vector<16xi1>
      %masked_cumsum3A_323 = tpu.scan <sum>, %convert_element_type3A_320 masked %broadcast_in_dim3A_322 : vector<16xi32>, vector<16xi1> -> vector<16xi32>
      %add3A_324 = arith.constant 10256 : i32
      %add3A_325 = arith.addi %add3A_324, %scan3A_229 : i32
      %add3A_326 = vector.broadcast %add3A_325 : i32 to vector<16xi32>
      %add3A_327 = arith.addi %add3A_326, %masked_cumsum3A_323 : vector<16xi32>
      %sub3A_328 = arith.subi %add3A_327, %convert_element_type3A_320 : vector<16xi32>
      tpu.vector_store_idx %arg10[%sub3A_328], %select_n3A_312 masked %and3A_319 : memref<20512xf32, #tpu.memory_space<vmem>>[vector<16xi32>], vector<16xf32>, vector<16xi1>
      tpu.vector_store_idx %arg11[%sub3A_328], %min3A_308 masked %and3A_319 : memref<20512xi32, #tpu.memory_space<vmem>>[vector<16xi32>], vector<16xi32>, vector<16xi1>
      %slice3A_329 = vector.extract_strided_slice %masked_cumsum3A_323 {offsets = [15], sizes = [1], strides = [1]} : vector<16xi32> to vector<1xi32>
      %squeeze3A_330 = vector.extract %slice3A_329[0] : i32 from vector<1xi32>
      %add3A_331 = arith.addi %scan3A_229, %squeeze3A_330 : i32
      %mul3A_332 = arith.constant 2 : i32
      %mul3A_333 = arith.muli %mul3A_332, %scan3A_227 : i32
      %add3A_334 = arith.constant 1 : i32
      %add3A_335 = arith.addi %mul3A_333, %add3A_334 : i32
      %mul3A_336 = arith.constant 16 : i32
      %mul3A_337 = arith.muli %add3A_335, %mul3A_336 : i32
      %get3A_338 = arith.index_cast %mul3A_337 : i32 to index
      %get3A_339 = tpu.vector_load %arg8[%get3A_338] {strides = array<i32>} : memref<20480xf32, #tpu.memory_space<vmem>>, vector<16xf32>,
      %mul3A_340 = arith.constant 16 : i32
      %mul3A_341 = arith.muli %add3A_335, %mul3A_340 : i32
      %get3A_342 = arith.index_cast %mul3A_341 : i32 to index
      %get3A_343 = tpu.vector_load %arg9[%get3A_342] {strides = array<i32>} : memref<20480xf32, #tpu.memory_space<vmem>>, vector<16xf32>,
      %add3A_344 = arith.addf %get3A_339, %get3A_343 : vector<16xf32>
      %mul3A_345 = arith.constant 5.000000e-01 : f32
      %mul3A_346 = vector.broadcast %mul3A_345 : f32 to vector<16xf32>
      %mul3A_347 = arith.mulf %add3A_344, %mul3A_346 : vector<16xf32>
      %sub3A_348 = vector.broadcast %squeeze3A : f32 to vector<16xf32>
      %sub3A_349 = arith.subf %mul3A_347, %sub3A_348 : vector<16xf32>
      %mul3A_350 = arith.mulf %sub3A_349, %select_n3A : vector<16xf32>
      %convert_element_type3A_351 = arith.fptosi %mul3A_350 : vector<16xf32> to vector<16xi32>
      %convert_element_type3A_352 = arith.sitofp %convert_element_type3A_351 : vector<16xi32> to vector<16xf32>
      %lt3A_353 = arith.cmpf olt, %convert_element_type3A_352, %mul3A_350 : vector<16xf32>
      %add3A_354 = arith.constant 1 : i32
      %add3A_355 = vector.broadcast %add3A_354 : i32 to vector<16xi32>
      %add3A_356 = arith.addi %convert_element_type3A_351, %add3A_355 : vector<16xi32>
      %select_n3A_357 = arith.select %lt3A_353, %add3A_356, %convert_element_type3A_351 : vector<16xi1>, vector<16xi32>
      %jit3A_358 = arith.constant 0 : i32
      %jit3A_359 = arith.constant 1023 : i32
      %max3A_360 = vector.broadcast %jit3A_358 : i32 to vector<16xi32>
      %max3A_361 = arith.maxsi %max3A_360, %select_n3A_357 : vector<16xi32>
      %min3A_362 = vector.broadcast %jit3A_359 : i32 to vector<16xi32>
      %min3A_363 = arith.minsi %min3A_362, %max3A_361 : vector<16xi32>
      %neg3A_364 = arith.constant 0.000000e+00 : f32
      %neg3A_365 = vector.broadcast %neg3A_364 : f32 to vector<16xf32>
      %neg3A_366 = arith.subf %neg3A_365, %get3A_339 : vector<16xf32>
      %select_n3A_367 = arith.select %eq3A_0, %get3A_343, %neg3A_366 : vector<16xf32>
      %ge3A_368 = vector.broadcast %mul3A_1 : i32 to vector<16xi32>
      %ge3A_369 = arith.cmpi sge, %min3A_363, %ge3A_368 : vector<16xi32>
      %add3A_370 = arith.constant 64 : i32
      %add3A_371 = arith.addi %mul3A_1, %add3A_370 : i32
      %lt3A_372 = vector.broadcast %add3A_371 : i32 to vector<16xi32>
      %lt3A_373 = arith.cmpi slt, %min3A_363, %lt3A_372 : vector<16xi32>
      %and3A_374 = arith.andi %ge3A_369, %lt3A_373 : vector<16xi1>
      %convert_element_type3A_375 = arith.extui %and3A_374 : vector<16xi1> to vector<16xi32>
      %broadcast_in_dim3A_376 = arith.constant true
      %broadcast_in_dim3A_377 = vector.broadcast %broadcast_in_dim3A_376 : i1 to vector<16xi1>
      %masked_cumsum3A_378 = tpu.scan <sum>, %convert_element_type3A_375 masked %broadcast_in_dim3A_377 : vector<16xi32>, vector<16xi1> -> vector<16xi32>
      %add3A_379 = arith.constant 0 : i32
      %add3A_380 = arith.addi %add3A_379, %add3A_276 : i32
      %add3A_381 = vector.broadcast %add3A_380 : i32 to vector<16xi32>
      %add3A_382 = arith.addi %add3A_381, %masked_cumsum3A_378 : vector<16xi32>
      %sub3A_383 = arith.subi %add3A_382, %convert_element_type3A_375 : vector<16xi32>
      tpu.vector_store_idx %arg10[%sub3A_383], %select_n3A_367 masked %and3A_374 : memref<20512xf32, #tpu.memory_space<vmem>>[vector<16xi32>], vector<16xf32>, vector<16xi1>
      tpu.vector_store_idx %arg11[%sub3A_383], %min3A_363 masked %and3A_374 : memref<20512xi32, #tpu.memory_space<vmem>>[vector<16xi32>], vector<16xi32>, vector<16xi1>
      %slice3A_384 = vector.extract_strided_slice %masked_cumsum3A_378 {offsets = [15], sizes = [1], strides = [1]} : vector<16xi32> to vector<1xi32>
      %squeeze3A_385 = vector.extract %slice3A_384[0] : i32 from vector<1xi32>
      %add3A_386 = arith.addi %add3A_276, %squeeze3A_385 : i32
      %mul3A_387 = arith.constant 2 : i32
      %mul3A_388 = arith.muli %mul3A_387, %scan3A_227 : i32
      %add3A_389 = arith.constant 1 : i32
      %add3A_390 = arith.addi %mul3A_388, %add3A_389 : i32
      %add3A_391 = arith.constant 640 : i32
      %add3A_392 = arith.addi %add3A_390, %add3A_391 : i32
      %mul3A_393 = arith.constant 16 : i32
      %mul3A_394 = arith.muli %add3A_392, %mul3A_393 : i32
      %get3A_395 = arith.index_cast %mul3A_394 : i32 to index
      %get3A_396 = tpu.vector_load %arg8[%get3A_395] {strides = array<i32>} : memref<20480xf32, #tpu.memory_space<vmem>>, vector<16xf32>,
      %mul3A_397 = arith.constant 16 : i32
      %mul3A_398 = arith.muli %add3A_392, %mul3A_397 : i32
      %get3A_399 = arith.index_cast %mul3A_398 : i32 to index
      %get3A_400 = tpu.vector_load %arg9[%get3A_399] {strides = array<i32>} : memref<20480xf32, #tpu.memory_space<vmem>>, vector<16xf32>,
      %add3A_401 = arith.addf %get3A_396, %get3A_400 : vector<16xf32>
      %mul3A_402 = arith.constant 5.000000e-01 : f32
      %mul3A_403 = vector.broadcast %mul3A_402 : f32 to vector<16xf32>
      %mul3A_404 = arith.mulf %add3A_401, %mul3A_403 : vector<16xf32>
      %sub3A_405 = vector.broadcast %squeeze3A : f32 to vector<16xf32>
      %sub3A_406 = arith.subf %mul3A_404, %sub3A_405 : vector<16xf32>
      %mul3A_407 = arith.mulf %sub3A_406, %select_n3A : vector<16xf32>
      %convert_element_type3A_408 = arith.fptosi %mul3A_407 : vector<16xf32> to vector<16xi32>
      %convert_element_type3A_409 = arith.sitofp %convert_element_type3A_408 : vector<16xi32> to vector<16xf32>
      %lt3A_410 = arith.cmpf olt, %convert_element_type3A_409, %mul3A_407 : vector<16xf32>
      %add3A_411 = arith.constant 1 : i32
      %add3A_412 = vector.broadcast %add3A_411 : i32 to vector<16xi32>
      %add3A_413 = arith.addi %convert_element_type3A_408, %add3A_412 : vector<16xi32>
      %select_n3A_414 = arith.select %lt3A_410, %add3A_413, %convert_element_type3A_408 : vector<16xi1>, vector<16xi32>
      %jit3A_415 = arith.constant 0 : i32
      %jit3A_416 = arith.constant 1023 : i32
      %max3A_417 = vector.broadcast %jit3A_415 : i32 to vector<16xi32>
      %max3A_418 = arith.maxsi %max3A_417, %select_n3A_414 : vector<16xi32>
      %min3A_419 = vector.broadcast %jit3A_416 : i32 to vector<16xi32>
      %min3A_420 = arith.minsi %min3A_419, %max3A_418 : vector<16xi32>
      %neg3A_421 = arith.constant 0.000000e+00 : f32
      %neg3A_422 = vector.broadcast %neg3A_421 : f32 to vector<16xf32>
      %neg3A_423 = arith.subf %neg3A_422, %get3A_396 : vector<16xf32>
      %select_n3A_424 = arith.select %eq3A_0, %get3A_400, %neg3A_423 : vector<16xf32>
      %ge3A_425 = vector.broadcast %mul3A_1 : i32 to vector<16xi32>
      %ge3A_426 = arith.cmpi sge, %min3A_420, %ge3A_425 : vector<16xi32>
      %add3A_427 = arith.constant 64 : i32
      %add3A_428 = arith.addi %mul3A_1, %add3A_427 : i32
      %lt3A_429 = vector.broadcast %add3A_428 : i32 to vector<16xi32>
      %lt3A_430 = arith.cmpi slt, %min3A_420, %lt3A_429 : vector<16xi32>
      %and3A_431 = arith.andi %ge3A_426, %lt3A_430 : vector<16xi1>
      %convert_element_type3A_432 = arith.extui %and3A_431 : vector<16xi1> to vector<16xi32>
      %broadcast_in_dim3A_433 = arith.constant true
      %broadcast_in_dim3A_434 = vector.broadcast %broadcast_in_dim3A_433 : i1 to vector<16xi1>
      %masked_cumsum3A_435 = tpu.scan <sum>, %convert_element_type3A_432 masked %broadcast_in_dim3A_434 : vector<16xi32>, vector<16xi1> -> vector<16xi32>
      %add3A_436 = arith.constant 10256 : i32
      %add3A_437 = arith.addi %add3A_436, %add3A_331 : i32
      %add3A_438 = vector.broadcast %add3A_437 : i32 to vector<16xi32>
      %add3A_439 = arith.addi %add3A_438, %masked_cumsum3A_435 : vector<16xi32>
      %sub3A_440 = arith.subi %add3A_439, %convert_element_type3A_432 : vector<16xi32>
      tpu.vector_store_idx %arg10[%sub3A_440], %select_n3A_424 masked %and3A_431 : memref<20512xf32, #tpu.memory_space<vmem>>[vector<16xi32>], vector<16xf32>, vector<16xi1>
      tpu.vector_store_idx %arg11[%sub3A_440], %min3A_420 masked %and3A_431 : memref<20512xi32, #tpu.memory_space<vmem>>[vector<16xi32>], vector<16xi32>, vector<16xi1>
      %slice3A_441 = vector.extract_strided_slice %masked_cumsum3A_435 {offsets = [15], sizes = [1], strides = [1]} : vector<16xi32> to vector<1xi32>
      %squeeze3A_442 = vector.extract %slice3A_441[0] : i32 from vector<1xi32>
      %add3A_443 = arith.addi %add3A_331, %squeeze3A_442 : i32
      scf.yield %add3A_386, %add3A_443 : i32, i32
    }
    %scan3A_56 = arith.constant 320 : i32
    %scan3A_57 = arith.constant 0 : i32
    %scan3A_58 = arith.constant 0 : i32
    %scan3A_59 = arith.constant 64 : i32
    %scan3A_60 = arith.addi %scan3A_58, %scan3A_59 : i32
    %scan3A_61 = arith.constant 1 : i32
    scf.for %scan3A_227 = %scan3A_58 to %scan3A_60 step %scan3A_61  : i32 {
      %mul3A_228 = arith.constant 16 : i32
      %mul3A_229 = arith.muli %scan3A_227, %mul3A_228 : i32
      %swap3A_230 = arith.index_cast %mul3A_229 : i32 to index
      %swap3A_231 = tpu.vector_load %arg12[%swap3A_230] {strides = array<i32>} : memref<1024xf32, #tpu.memory_space<vmem>>, vector<16xf32>,
      tpu.vector_store %arg12[%swap3A_230], %broadcast_in_dim3A_2 {strides = array<i32>} : memref<1024xf32, #tpu.memory_space<vmem>>, vector<16xf32>,
    }
    %scan3A_62 = arith.constant 64 : i32
    %scan3A_63 = arith.constant 0 : i32
    %scan3A_64 = arith.constant 0 : i32
    %scan3A_65 = arith.constant 64 : i32
    %scan3A_66 = arith.addi %scan3A_64, %scan3A_65 : i32
    %scan3A_67 = arith.constant 1 : i32
    scf.for %scan3A_227 = %scan3A_64 to %scan3A_66 step %scan3A_67  : i32 {
      %mul3A_228 = arith.constant 16 : i32
      %mul3A_229 = arith.muli %scan3A_227, %mul3A_228 : i32
      %swap3A_230 = arith.index_cast %mul3A_229 : i32 to index
      %swap3A_231 = tpu.vector_load %arg13[%swap3A_230] {strides = array<i32>} : memref<1024xf32, #tpu.memory_space<vmem>>, vector<16xf32>,
      tpu.vector_store %arg13[%swap3A_230], %broadcast_in_dim3A_2 {strides = array<i32>} : memref<1024xf32, #tpu.memory_space<vmem>>, vector<16xf32>,
    }
    %scan3A_68 = arith.constant 64 : i32
    %scan3A_69 = arith.constant 0 : i32
    %scan3A_70 = arith.constant 0 : i32
    %scan3A_71 = arith.constant 64 : i32
    %scan3A_72 = arith.addi %scan3A_70, %scan3A_71 : i32
    %scan3A_73 = arith.constant 1 : i32
    scf.for %scan3A_227 = %scan3A_70 to %scan3A_72 step %scan3A_73  : i32 {
      %mul3A_228 = arith.constant 16 : i32
      %mul3A_229 = arith.muli %scan3A_227, %mul3A_228 : i32
      %swap3A_230 = arith.index_cast %mul3A_229 : i32 to index
      %swap3A_231 = tpu.vector_load %arg14[%swap3A_230] {strides = array<i32>} : memref<1024xf32, #tpu.memory_space<vmem>>, vector<16xf32>,
      tpu.vector_store %arg14[%swap3A_230], %broadcast_in_dim3A_2 {strides = array<i32>} : memref<1024xf32, #tpu.memory_space<vmem>>, vector<16xf32>,
    }
    %scan3A_74 = arith.constant 64 : i32
    %scan3A_75 = arith.constant 0 : i32
    %scan3A_76 = arith.constant 0 : i32
    %scan3A_77 = arith.constant 64 : i32
    %scan3A_78 = arith.addi %scan3A_76, %scan3A_77 : i32
    %scan3A_79 = arith.constant 1 : i32
    scf.for %scan3A_227 = %scan3A_76 to %scan3A_78 step %scan3A_79  : i32 {
      %mul3A_228 = arith.constant 16 : i32
      %mul3A_229 = arith.muli %scan3A_227, %mul3A_228 : i32
      %swap3A_230 = arith.index_cast %mul3A_229 : i32 to index
      %swap3A_231 = tpu.vector_load %arg15[%swap3A_230] {strides = array<i32>} : memref<1024xf32, #tpu.memory_space<vmem>>, vector<16xf32>,
      tpu.vector_store %arg15[%swap3A_230], %broadcast_in_dim3A_2 {strides = array<i32>} : memref<1024xf32, #tpu.memory_space<vmem>>, vector<16xf32>,
    }
    %scan3A_80 = arith.constant 64 : i32
    %broadcast_in_dim3A_81 = vector.broadcast %mul3A_1 : i32 to vector<16xi32>
    %swap3A_82 = arith.index_cast %scan3A_55#0 : i32 to index
    %swap3A_83 = tpu.vector_load %arg11[%swap3A_82] {strides = array<i32>} : memref<20512xi32, #tpu.memory_space<vmem>>, vector<16xi32>,
    tpu.vector_store %arg11[%swap3A_82], %broadcast_in_dim3A_81 {strides = array<i32>} : memref<20512xi32, #tpu.memory_space<vmem>>, vector<16xi32>,
    %swap3A_84 = arith.index_cast %scan3A_55#0 : i32 to index
    %swap3A_85 = tpu.vector_load %arg10[%swap3A_84] {strides = array<i32>} : memref<20512xf32, #tpu.memory_space<vmem>>, vector<16xf32>,
    tpu.vector_store %arg10[%swap3A_84], %broadcast_in_dim3A_2 {strides = array<i32>} : memref<20512xf32, #tpu.memory_space<vmem>>, vector<16xf32>,
    %broadcast_in_dim3A_86 = vector.broadcast %mul3A_1 : i32 to vector<16xi32>
    %add3A_87 = arith.constant 10256 : i32
    %add3A_88 = arith.addi %add3A_87, %scan3A_55#1 : i32
    %swap3A_89 = arith.index_cast %add3A_88 : i32 to index
    %swap3A_90 = tpu.vector_load %arg11[%swap3A_89] {strides = array<i32>} : memref<20512xi32, #tpu.memory_space<vmem>>, vector<16xi32>,
    tpu.vector_store %arg11[%swap3A_89], %broadcast_in_dim3A_86 {strides = array<i32>} : memref<20512xi32, #tpu.memory_space<vmem>>, vector<16xi32>,
    %add3A_91 = arith.constant 10256 : i32
    %add3A_92 = arith.addi %add3A_91, %scan3A_55#1 : i32
    %swap3A_93 = arith.index_cast %add3A_92 : i32 to index
    %swap3A_94 = tpu.vector_load %arg10[%swap3A_93] {strides = array<i32>} : memref<20512xf32, #tpu.memory_space<vmem>>, vector<16xf32>,
    tpu.vector_store %arg10[%swap3A_93], %broadcast_in_dim3A_2 {strides = array<i32>} : memref<20512xf32, #tpu.memory_space<vmem>>, vector<16xf32>,
    %add3A_95 = arith.constant 1 : i32
    %add3A_96 = vector.broadcast %add3A_95 : i32 to vector<16xi32>
    %add3A_97 = arith.addi %iota3A, %add3A_96 : vector<16xi32>
    %min3A = arith.constant 15 : i32
    %min3A_98 = vector.broadcast %min3A : i32 to vector<16xi32>
    %min3A_99 = arith.minsi %add3A_97, %min3A_98 : vector<16xi32>
    %eq3A_100 = arith.constant 15 : i32
    %eq3A_101 = vector.broadcast %eq3A_100 : i32 to vector<16xi32>
    %eq3A_102 = arith.cmpi eq, %iota3A, %eq3A_101 : vector<16xi32>
    %add3A_103 = arith.constant 16 : i32
    %add3A_104 = arith.addi %scan3A_55#0, %add3A_103 : i32
    %sub3A_105 = arith.constant 1 : i32
    %sub3A_106 = arith.subi %add3A_104, %sub3A_105 : i32
    %jit3A = arith.constant 16 : i32
    %div3A_107 = arith.divsi %sub3A_106, %jit3A : i32
    %sign3A = arith.constant 0 : i32
    %sign3A_108 = arith.cmpi sgt, %sub3A_106, %sign3A : i32
    %sign3A_109 = arith.extui %sign3A_108 : i1 to i32
    %sign3A_110 = arith.constant 0 : i32
    %sign3A_111 = arith.cmpi slt, %sub3A_106, %sign3A_110 : i32
    %sign3A_112 = arith.extui %sign3A_111 : i1 to i32
    %sign3A_113 = arith.subi %sign3A_109, %sign3A_112 : i32
    %sign3A_114 = arith.constant 0 : i32
    %sign3A_115 = arith.cmpi sgt, %jit3A, %sign3A_114 : i32
    %sign3A_116 = arith.extui %sign3A_115 : i1 to i32
    %sign3A_117 = arith.constant 0 : i32
    %sign3A_118 = arith.cmpi slt, %jit3A, %sign3A_117 : i32
    %sign3A_119 = arith.extui %sign3A_118 : i1 to i32
    %sign3A_120 = arith.subi %sign3A_116, %sign3A_119 : i32
    %ne3A = arith.cmpi ne, %sign3A_113, %sign3A_120 : i32
    %rem3A = arith.remsi %sub3A_106, %jit3A : i32
    %ne3A_121 = arith.constant 0 : i32
    %ne3A_122 = arith.cmpi ne, %rem3A, %ne3A_121 : i32
    %and3A = arith.andi %ne3A, %ne3A_122 : i1
    %sub3A_123 = arith.constant 1 : i32
    %sub3A_124 = arith.subi %div3A_107, %sub3A_123 : i32
    %select_n3A_125 = arith.select %and3A, %sub3A_124, %div3A_107 : i32
    %while3A = arith.constant 0 : i32
    %while3A_126 = arith.constant 0 : i32
    %while3A_127 = arith.subi %select_n3A_125, %while3A_126 : i32
    %while3A_128 = arith.addi %while3A_126, %while3A_127 : i32
    %while3A_129 = arith.constant 1 : i32
    %while3A_130 = arith.divsi %while3A_127, %while3A_129 : i32
    %while3A_131 = arith.muli %while3A_130, %while3A_129 : i32
    %while3A_132 = arith.addi %while3A_126, %while3A_131 : i32
    %while3A_133 = arith.constant 1 : i32
    scf.for %while3A_227 = %while3A_126 to %while3A_132 step %while3A_133  : i32 {
      %mul3A_228 = arith.constant 16 : i32
      %mul3A_229 = arith.muli %while3A_227, %mul3A_228 : i32
      %add3A_230 = arith.constant 0 : i32
      %add3A_231 = arith.addi %add3A_230, %mul3A_229 : i32
      %get3A = arith.index_cast %add3A_231 : i32 to index
      %get3A_232 = tpu.vector_load %arg11[%get3A] {strides = array<i32>} : memref<20512xi32, #tpu.memory_space<vmem>>, vector<16xi32>,
      %mul3A_233 = arith.constant 16 : i32
      %mul3A_234 = arith.muli %while3A_227, %mul3A_233 : i32
      %add3A_235 = arith.constant 0 : i32
      %add3A_236 = arith.addi %add3A_235, %mul3A_234 : i32
      %get3A_237 = arith.index_cast %add3A_236 : i32 to index
      %get3A_238 = tpu.vector_load %arg10[%get3A_237] {strides = array<i32>} : memref<20512xf32, #tpu.memory_space<vmem>>, vector<16xf32>,
      %slice3A_239 = vector.extract_strided_slice %get3A_232 {offsets = [0], sizes = [1], strides = [1]} : vector<16xi32> to vector<1xi32>
      %squeeze3A_240 = vector.extract %slice3A_239[0] : i32 from vector<1xi32>
      %sub3A_241 = arith.subi %squeeze3A_240, %mul3A_1 : i32
      %mul3A_242 = arith.constant 16 : i32
      %mul3A_243 = arith.muli %sub3A_241, %mul3A_242 : i32
      %get3A_244 = arith.index_cast %mul3A_243 : i32 to index
      %get3A_245 = tpu.vector_load %arg12[%get3A_244] {strides = array<i32>} : memref<1024xf32, #tpu.memory_space<vmem>>, vector<16xf32>,
      %slice3A_246 = vector.extract_strided_slice %get3A_238 {offsets = [0], sizes = [1], strides = [1]} : vector<16xf32> to vector<1xf32>
      %squeeze3A_247 = vector.extract %slice3A_246[0] : f32 from vector<1xf32>
      %broadcast_in_dim3A_248 = vector.shape_cast %min3A_99 : vector<16xi32> to vector<16x1xi32>
      %gather3A = vector.shape_cast %broadcast_in_dim3A_248 : vector<16x1xi32> to vector<16xi32>
      %gather3A_249 = tpu.dynamic_gather %get3A_245[%gather3A] in [0] : vector<16xf32>, vector<16xi32> -> vector<16xf32>
      %jit3A_250 = arith.constant 3.000000e+38 : f32
      %broadcast_in_dim3A_251 = vector.broadcast %jit3A_250 : f32 to vector<16xf32>
      %select_n3A_252 = arith.select %eq3A_102, %broadcast_in_dim3A_251, %gather3A_249 : vector<16xi1>, vector<16xf32>
      %lt3A = vector.broadcast %squeeze3A_247 : f32 to vector<16xf32>
      %lt3A_253 = arith.cmpf olt, %select_n3A_252, %lt3A : vector<16xf32>
      %lt3A_254 = vector.broadcast %squeeze3A_247 : f32 to vector<16xf32>
      %lt3A_255 = arith.cmpf olt, %get3A_245, %lt3A_254 : vector<16xf32>
      %broadcast_in_dim3A_256 = vector.broadcast %squeeze3A_247 : f32 to vector<16xf32>
      %select_n3A_257 = arith.select %lt3A_255, %broadcast_in_dim3A_256, %get3A_245 : vector<16xi1>, vector<16xf32>
      %select_n3A_258 = arith.select %lt3A_253, %select_n3A_252, %select_n3A_257 : vector<16xi1>, vector<16xf32>
      %swap3A_259 = arith.index_cast %mul3A_243 : i32 to index
      %swap3A_260 = tpu.vector_load %arg12[%swap3A_259] {strides = array<i32>} : memref<1024xf32, #tpu.memory_space<vmem>>, vector<16xf32>,
      tpu.vector_store %arg12[%swap3A_259], %select_n3A_258 {strides = array<i32>} : memref<1024xf32, #tpu.memory_space<vmem>>, vector<16xf32>,
      %slice3A_261 = vector.extract_strided_slice %get3A_232 {offsets = [1], sizes = [1], strides = [1]} : vector<16xi32> to vector<1xi32>
      %squeeze3A_262 = vector.extract %slice3A_261[0] : i32 from vector<1xi32>
      %sub3A_263 = arith.subi %squeeze3A_262, %mul3A_1 : i32
      %mul3A_264 = arith.constant 16 : i32
      %mul3A_265 = arith.muli %sub3A_263, %mul3A_264 : i32
      %get3A_266 = arith.index_cast %mul3A_265 : i32 to index
      %get3A_267 = tpu.vector_load %arg13[%get3A_266] {strides = array<i32>} : memref<1024xf32, #tpu.memory_space<vmem>>, vector<16xf32>,
      %slice3A_268 = vector.extract_strided_slice %get3A_238 {offsets = [1], sizes = [1], strides = [1]} : vector<16xf32> to vector<1xf32>
      %squeeze3A_269 = vector.extract %slice3A_268[0] : f32 from vector<1xf32>
      %broadcast_in_dim3A_270 = vector.shape_cast %min3A_99 : vector<16xi32> to vector<16x1xi32>
      %gather3A_271 = vector.shape_cast %broadcast_in_dim3A_270 : vector<16x1xi32> to vector<16xi32>
      %gather3A_272 = tpu.dynamic_gather %get3A_267[%gather3A_271] in [0] : vector<16xf32>, vector<16xi32> -> vector<16xf32>
      %jit3A_273 = arith.constant 3.000000e+38 : f32
      %broadcast_in_dim3A_274 = vector.broadcast %jit3A_273 : f32 to vector<16xf32>
      %select_n3A_275 = arith.select %eq3A_102, %broadcast_in_dim3A_274, %gather3A_272 : vector<16xi1>, vector<16xf32>
      %lt3A_276 = vector.broadcast %squeeze3A_269 : f32 to vector<16xf32>
      %lt3A_277 = arith.cmpf olt, %select_n3A_275, %lt3A_276 : vector<16xf32>
      %lt3A_278 = vector.broadcast %squeeze3A_269 : f32 to vector<16xf32>
      %lt3A_279 = arith.cmpf olt, %get3A_267, %lt3A_278 : vector<16xf32>
      %broadcast_in_dim3A_280 = vector.broadcast %squeeze3A_269 : f32 to vector<16xf32>
      %select_n3A_281 = arith.select %lt3A_279, %broadcast_in_dim3A_280, %get3A_267 : vector<16xi1>, vector<16xf32>
      %select_n3A_282 = arith.select %lt3A_277, %select_n3A_275, %select_n3A_281 : vector<16xi1>, vector<16xf32>
      %swap3A_283 = arith.index_cast %mul3A_265 : i32 to index
      %swap3A_284 = tpu.vector_load %arg13[%swap3A_283] {strides = array<i32>} : memref<1024xf32, #tpu.memory_space<vmem>>, vector<16xf32>,
      tpu.vector_store %arg13[%swap3A_283], %select_n3A_282 {strides = array<i32>} : memref<1024xf32, #tpu.memory_space<vmem>>, vector<16xf32>,
      %slice3A_285 = vector.extract_strided_slice %get3A_232 {offsets = [2], sizes = [1], strides = [1]} : vector<16xi32> to vector<1xi32>
      %squeeze3A_286 = vector.extract %slice3A_285[0] : i32 from vector<1xi32>
      %sub3A_287 = arith.subi %squeeze3A_286, %mul3A_1 : i32
      %mul3A_288 = arith.constant 16 : i32
      %mul3A_289 = arith.muli %sub3A_287, %mul3A_288 : i32
      %get3A_290 = arith.index_cast %mul3A_289 : i32 to index
      %get3A_291 = tpu.vector_load %arg14[%get3A_290] {strides = array<i32>} : memref<1024xf32, #tpu.memory_space<vmem>>, vector<16xf32>,
      %slice3A_292 = vector.extract_strided_slice %get3A_238 {offsets = [2], sizes = [1], strides = [1]} : vector<16xf32> to vector<1xf32>
      %squeeze3A_293 = vector.extract %slice3A_292[0] : f32 from vector<1xf32>
      %broadcast_in_dim3A_294 = vector.shape_cast %min3A_99 : vector<16xi32> to vector<16x1xi32>
      %gather3A_295 = vector.shape_cast %broadcast_in_dim3A_294 : vector<16x1xi32> to vector<16xi32>
      %gather3A_296 = tpu.dynamic_gather %get3A_291[%gather3A_295] in [0] : vector<16xf32>, vector<16xi32> -> vector<16xf32>
      %jit3A_297 = arith.constant 3.000000e+38 : f32
      %broadcast_in_dim3A_298 = vector.broadcast %jit3A_297 : f32 to vector<16xf32>
      %select_n3A_299 = arith.select %eq3A_102, %broadcast_in_dim3A_298, %gather3A_296 : vector<16xi1>, vector<16xf32>
      %lt3A_300 = vector.broadcast %squeeze3A_293 : f32 to vector<16xf32>
      %lt3A_301 = arith.cmpf olt, %select_n3A_299, %lt3A_300 : vector<16xf32>
      %lt3A_302 = vector.broadcast %squeeze3A_293 : f32 to vector<16xf32>
      %lt3A_303 = arith.cmpf olt, %get3A_291, %lt3A_302 : vector<16xf32>
      %broadcast_in_dim3A_304 = vector.broadcast %squeeze3A_293 : f32 to vector<16xf32>
      %select_n3A_305 = arith.select %lt3A_303, %broadcast_in_dim3A_304, %get3A_291 : vector<16xi1>, vector<16xf32>
      %select_n3A_306 = arith.select %lt3A_301, %select_n3A_299, %select_n3A_305 : vector<16xi1>, vector<16xf32>
      %swap3A_307 = arith.index_cast %mul3A_289 : i32 to index
      %swap3A_308 = tpu.vector_load %arg14[%swap3A_307] {strides = array<i32>} : memref<1024xf32, #tpu.memory_space<vmem>>, vector<16xf32>,
      tpu.vector_store %arg14[%swap3A_307], %select_n3A_306 {strides = array<i32>} : memref<1024xf32, #tpu.memory_space<vmem>>, vector<16xf32>,
      %slice3A_309 = vector.extract_strided_slice %get3A_232 {offsets = [3], sizes = [1], strides = [1]} : vector<16xi32> to vector<1xi32>
      %squeeze3A_310 = vector.extract %slice3A_309[0] : i32 from vector<1xi32>
      %sub3A_311 = arith.subi %squeeze3A_310, %mul3A_1 : i32
      %mul3A_312 = arith.constant 16 : i32
      %mul3A_313 = arith.muli %sub3A_311, %mul3A_312 : i32
      %get3A_314 = arith.index_cast %mul3A_313 : i32 to index
      %get3A_315 = tpu.vector_load %arg15[%get3A_314] {strides = array<i32>} : memref<1024xf32, #tpu.memory_space<vmem>>, vector<16xf32>,
      %slice3A_316 = vector.extract_strided_slice %get3A_238 {offsets = [3], sizes = [1], strides = [1]} : vector<16xf32> to vector<1xf32>
      %squeeze3A_317 = vector.extract %slice3A_316[0] : f32 from vector<1xf32>
      %broadcast_in_dim3A_318 = vector.shape_cast %min3A_99 : vector<16xi32> to vector<16x1xi32>
      %gather3A_319 = vector.shape_cast %broadcast_in_dim3A_318 : vector<16x1xi32> to vector<16xi32>
      %gather3A_320 = tpu.dynamic_gather %get3A_315[%gather3A_319] in [0] : vector<16xf32>, vector<16xi32> -> vector<16xf32>
      %jit3A_321 = arith.constant 3.000000e+38 : f32
      %broadcast_in_dim3A_322 = vector.broadcast %jit3A_321 : f32 to vector<16xf32>
      %select_n3A_323 = arith.select %eq3A_102, %broadcast_in_dim3A_322, %gather3A_320 : vector<16xi1>, vector<16xf32>
      %lt3A_324 = vector.broadcast %squeeze3A_317 : f32 to vector<16xf32>
      %lt3A_325 = arith.cmpf olt, %select_n3A_323, %lt3A_324 : vector<16xf32>
      %lt3A_326 = vector.broadcast %squeeze3A_317 : f32 to vector<16xf32>
      %lt3A_327 = arith.cmpf olt, %get3A_315, %lt3A_326 : vector<16xf32>
      %broadcast_in_dim3A_328 = vector.broadcast %squeeze3A_317 : f32 to vector<16xf32>
      %select_n3A_329 = arith.select %lt3A_327, %broadcast_in_dim3A_328, %get3A_315 : vector<16xi1>, vector<16xf32>
      %select_n3A_330 = arith.select %lt3A_325, %select_n3A_323, %select_n3A_329 : vector<16xi1>, vector<16xf32>
      %swap3A_331 = arith.index_cast %mul3A_313 : i32 to index
      %swap3A_332 = tpu.vector_load %arg15[%swap3A_331] {strides = array<i32>} : memref<1024xf32, #tpu.memory_space<vmem>>, vector<16xf32>,
      tpu.vector_store %arg15[%swap3A_331], %select_n3A_330 {strides = array<i32>} : memref<1024xf32, #tpu.memory_space<vmem>>, vector<16xf32>,
      %slice3A_333 = vector.extract_strided_slice %get3A_232 {offsets = [4], sizes = [1], strides = [1]} : vector<16xi32> to vector<1xi32>
      %squeeze3A_334 = vector.extract %slice3A_333[0] : i32 from vector<1xi32>
      %sub3A_335 = arith.subi %squeeze3A_334, %mul3A_1 : i32
      %mul3A_336 = arith.constant 16 : i32
      %mul3A_337 = arith.muli %sub3A_335, %mul3A_336 : i32
      %get3A_338 = arith.index_cast %mul3A_337 : i32 to index
      %get3A_339 = tpu.vector_load %arg12[%get3A_338] {strides = array<i32>} : memref<1024xf32, #tpu.memory_space<vmem>>, vector<16xf32>,
      %slice3A_340 = vector.extract_strided_slice %get3A_238 {offsets = [4], sizes = [1], strides = [1]} : vector<16xf32> to vector<1xf32>
      %squeeze3A_341 = vector.extract %slice3A_340[0] : f32 from vector<1xf32>
      %broadcast_in_dim3A_342 = vector.shape_cast %min3A_99 : vector<16xi32> to vector<16x1xi32>
      %gather3A_343 = vector.shape_cast %broadcast_in_dim3A_342 : vector<16x1xi32> to vector<16xi32>
      %gather3A_344 = tpu.dynamic_gather %get3A_339[%gather3A_343] in [0] : vector<16xf32>, vector<16xi32> -> vector<16xf32>
      %jit3A_345 = arith.constant 3.000000e+38 : f32
      %broadcast_in_dim3A_346 = vector.broadcast %jit3A_345 : f32 to vector<16xf32>
      %select_n3A_347 = arith.select %eq3A_102, %broadcast_in_dim3A_346, %gather3A_344 : vector<16xi1>, vector<16xf32>
      %lt3A_348 = vector.broadcast %squeeze3A_341 : f32 to vector<16xf32>
      %lt3A_349 = arith.cmpf olt, %select_n3A_347, %lt3A_348 : vector<16xf32>
      %lt3A_350 = vector.broadcast %squeeze3A_341 : f32 to vector<16xf32>
      %lt3A_351 = arith.cmpf olt, %get3A_339, %lt3A_350 : vector<16xf32>
      %broadcast_in_dim3A_352 = vector.broadcast %squeeze3A_341 : f32 to vector<16xf32>
      %select_n3A_353 = arith.select %lt3A_351, %broadcast_in_dim3A_352, %get3A_339 : vector<16xi1>, vector<16xf32>
      %select_n3A_354 = arith.select %lt3A_349, %select_n3A_347, %select_n3A_353 : vector<16xi1>, vector<16xf32>
      %swap3A_355 = arith.index_cast %mul3A_337 : i32 to index
      %swap3A_356 = tpu.vector_load %arg12[%swap3A_355] {strides = array<i32>} : memref<1024xf32, #tpu.memory_space<vmem>>, vector<16xf32>,
      tpu.vector_store %arg12[%swap3A_355], %select_n3A_354 {strides = array<i32>} : memref<1024xf32, #tpu.memory_space<vmem>>, vector<16xf32>,
      %slice3A_357 = vector.extract_strided_slice %get3A_232 {offsets = [5], sizes = [1], strides = [1]} : vector<16xi32> to vector<1xi32>
      %squeeze3A_358 = vector.extract %slice3A_357[0] : i32 from vector<1xi32>
      %sub3A_359 = arith.subi %squeeze3A_358, %mul3A_1 : i32
      %mul3A_360 = arith.constant 16 : i32
      %mul3A_361 = arith.muli %sub3A_359, %mul3A_360 : i32
      %get3A_362 = arith.index_cast %mul3A_361 : i32 to index
      %get3A_363 = tpu.vector_load %arg13[%get3A_362] {strides = array<i32>} : memref<1024xf32, #tpu.memory_space<vmem>>, vector<16xf32>,
      %slice3A_364 = vector.extract_strided_slice %get3A_238 {offsets = [5], sizes = [1], strides = [1]} : vector<16xf32> to vector<1xf32>
      %squeeze3A_365 = vector.extract %slice3A_364[0] : f32 from vector<1xf32>
      %broadcast_in_dim3A_366 = vector.shape_cast %min3A_99 : vector<16xi32> to vector<16x1xi32>
      %gather3A_367 = vector.shape_cast %broadcast_in_dim3A_366 : vector<16x1xi32> to vector<16xi32>
      %gather3A_368 = tpu.dynamic_gather %get3A_363[%gather3A_367] in [0] : vector<16xf32>, vector<16xi32> -> vector<16xf32>
      %jit3A_369 = arith.constant 3.000000e+38 : f32
      %broadcast_in_dim3A_370 = vector.broadcast %jit3A_369 : f32 to vector<16xf32>
      %select_n3A_371 = arith.select %eq3A_102, %broadcast_in_dim3A_370, %gather3A_368 : vector<16xi1>, vector<16xf32>
      %lt3A_372 = vector.broadcast %squeeze3A_365 : f32 to vector<16xf32>
      %lt3A_373 = arith.cmpf olt, %select_n3A_371, %lt3A_372 : vector<16xf32>
      %lt3A_374 = vector.broadcast %squeeze3A_365 : f32 to vector<16xf32>
      %lt3A_375 = arith.cmpf olt, %get3A_363, %lt3A_374 : vector<16xf32>
      %broadcast_in_dim3A_376 = vector.broadcast %squeeze3A_365 : f32 to vector<16xf32>
      %select_n3A_377 = arith.select %lt3A_375, %broadcast_in_dim3A_376, %get3A_363 : vector<16xi1>, vector<16xf32>
      %select_n3A_378 = arith.select %lt3A_373, %select_n3A_371, %select_n3A_377 : vector<16xi1>, vector<16xf32>
      %swap3A_379 = arith.index_cast %mul3A_361 : i32 to index
      %swap3A_380 = tpu.vector_load %arg13[%swap3A_379] {strides = array<i32>} : memref<1024xf32, #tpu.memory_space<vmem>>, vector<16xf32>,
      tpu.vector_store %arg13[%swap3A_379], %select_n3A_378 {strides = array<i32>} : memref<1024xf32, #tpu.memory_space<vmem>>, vector<16xf32>,
      %slice3A_381 = vector.extract_strided_slice %get3A_232 {offsets = [6], sizes = [1], strides = [1]} : vector<16xi32> to vector<1xi32>
      %squeeze3A_382 = vector.extract %slice3A_381[0] : i32 from vector<1xi32>
      %sub3A_383 = arith.subi %squeeze3A_382, %mul3A_1 : i32
      %mul3A_384 = arith.constant 16 : i32
      %mul3A_385 = arith.muli %sub3A_383, %mul3A_384 : i32
      %get3A_386 = arith.index_cast %mul3A_385 : i32 to index
      %get3A_387 = tpu.vector_load %arg14[%get3A_386] {strides = array<i32>} : memref<1024xf32, #tpu.memory_space<vmem>>, vector<16xf32>,
      %slice3A_388 = vector.extract_strided_slice %get3A_238 {offsets = [6], sizes = [1], strides = [1]} : vector<16xf32> to vector<1xf32>
      %squeeze3A_389 = vector.extract %slice3A_388[0] : f32 from vector<1xf32>
      %broadcast_in_dim3A_390 = vector.shape_cast %min3A_99 : vector<16xi32> to vector<16x1xi32>
      %gather3A_391 = vector.shape_cast %broadcast_in_dim3A_390 : vector<16x1xi32> to vector<16xi32>
      %gather3A_392 = tpu.dynamic_gather %get3A_387[%gather3A_391] in [0] : vector<16xf32>, vector<16xi32> -> vector<16xf32>
      %jit3A_393 = arith.constant 3.000000e+38 : f32
      %broadcast_in_dim3A_394 = vector.broadcast %jit3A_393 : f32 to vector<16xf32>
      %select_n3A_395 = arith.select %eq3A_102, %broadcast_in_dim3A_394, %gather3A_392 : vector<16xi1>, vector<16xf32>
      %lt3A_396 = vector.broadcast %squeeze3A_389 : f32 to vector<16xf32>
      %lt3A_397 = arith.cmpf olt, %select_n3A_395, %lt3A_396 : vector<16xf32>
      %lt3A_398 = vector.broadcast %squeeze3A_389 : f32 to vector<16xf32>
      %lt3A_399 = arith.cmpf olt, %get3A_387, %lt3A_398 : vector<16xf32>
      %broadcast_in_dim3A_400 = vector.broadcast %squeeze3A_389 : f32 to vector<16xf32>
      %select_n3A_401 = arith.select %lt3A_399, %broadcast_in_dim3A_400, %get3A_387 : vector<16xi1>, vector<16xf32>
      %select_n3A_402 = arith.select %lt3A_397, %select_n3A_395, %select_n3A_401 : vector<16xi1>, vector<16xf32>
      %swap3A_403 = arith.index_cast %mul3A_385 : i32 to index
      %swap3A_404 = tpu.vector_load %arg14[%swap3A_403] {strides = array<i32>} : memref<1024xf32, #tpu.memory_space<vmem>>, vector<16xf32>,
      tpu.vector_store %arg14[%swap3A_403], %select_n3A_402 {strides = array<i32>} : memref<1024xf32, #tpu.memory_space<vmem>>, vector<16xf32>,
      %slice3A_405 = vector.extract_strided_slice %get3A_232 {offsets = [7], sizes = [1], strides = [1]} : vector<16xi32> to vector<1xi32>
      %squeeze3A_406 = vector.extract %slice3A_405[0] : i32 from vector<1xi32>
      %sub3A_407 = arith.subi %squeeze3A_406, %mul3A_1 : i32
      %mul3A_408 = arith.constant 16 : i32
      %mul3A_409 = arith.muli %sub3A_407, %mul3A_408 : i32
      %get3A_410 = arith.index_cast %mul3A_409 : i32 to index
      %get3A_411 = tpu.vector_load %arg15[%get3A_410] {strides = array<i32>} : memref<1024xf32, #tpu.memory_space<vmem>>, vector<16xf32>,
      %slice3A_412 = vector.extract_strided_slice %get3A_238 {offsets = [7], sizes = [1], strides = [1]} : vector<16xf32> to vector<1xf32>
      %squeeze3A_413 = vector.extract %slice3A_412[0] : f32 from vector<1xf32>
      %broadcast_in_dim3A_414 = vector.shape_cast %min3A_99 : vector<16xi32> to vector<16x1xi32>
      %gather3A_415 = vector.shape_cast %broadcast_in_dim3A_414 : vector<16x1xi32> to vector<16xi32>
      %gather3A_416 = tpu.dynamic_gather %get3A_411[%gather3A_415] in [0] : vector<16xf32>, vector<16xi32> -> vector<16xf32>
      %jit3A_417 = arith.constant 3.000000e+38 : f32
      %broadcast_in_dim3A_418 = vector.broadcast %jit3A_417 : f32 to vector<16xf32>
      %select_n3A_419 = arith.select %eq3A_102, %broadcast_in_dim3A_418, %gather3A_416 : vector<16xi1>, vector<16xf32>
      %lt3A_420 = vector.broadcast %squeeze3A_413 : f32 to vector<16xf32>
      %lt3A_421 = arith.cmpf olt, %select_n3A_419, %lt3A_420 : vector<16xf32>
      %lt3A_422 = vector.broadcast %squeeze3A_413 : f32 to vector<16xf32>
      %lt3A_423 = arith.cmpf olt, %get3A_411, %lt3A_422 : vector<16xf32>
      %broadcast_in_dim3A_424 = vector.broadcast %squeeze3A_413 : f32 to vector<16xf32>
      %select_n3A_425 = arith.select %lt3A_423, %broadcast_in_dim3A_424, %get3A_411 : vector<16xi1>, vector<16xf32>
      %select_n3A_426 = arith.select %lt3A_421, %select_n3A_419, %select_n3A_425 : vector<16xi1>, vector<16xf32>
      %swap3A_427 = arith.index_cast %mul3A_409 : i32 to index
      %swap3A_428 = tpu.vector_load %arg15[%swap3A_427] {strides = array<i32>} : memref<1024xf32, #tpu.memory_space<vmem>>, vector<16xf32>,
      tpu.vector_store %arg15[%swap3A_427], %select_n3A_426 {strides = array<i32>} : memref<1024xf32, #tpu.memory_space<vmem>>, vector<16xf32>,
      %slice3A_429 = vector.extract_strided_slice %get3A_232 {offsets = [8], sizes = [1], strides = [1]} : vector<16xi32> to vector<1xi32>
      %squeeze3A_430 = vector.extract %slice3A_429[0] : i32 from vector<1xi32>
      %sub3A_431 = arith.subi %squeeze3A_430, %mul3A_1 : i32
      %mul3A_432 = arith.constant 16 : i32
      %mul3A_433 = arith.muli %sub3A_431, %mul3A_432 : i32
      %get3A_434 = arith.index_cast %mul3A_433 : i32 to index
      %get3A_435 = tpu.vector_load %arg12[%get3A_434] {strides = array<i32>} : memref<1024xf32, #tpu.memory_space<vmem>>, vector<16xf32>,
      %slice3A_436 = vector.extract_strided_slice %get3A_238 {offsets = [8], sizes = [1], strides = [1]} : vector<16xf32> to vector<1xf32>
      %squeeze3A_437 = vector.extract %slice3A_436[0] : f32 from vector<1xf32>
      %broadcast_in_dim3A_438 = vector.shape_cast %min3A_99 : vector<16xi32> to vector<16x1xi32>
      %gather3A_439 = vector.shape_cast %broadcast_in_dim3A_438 : vector<16x1xi32> to vector<16xi32>
      %gather3A_440 = tpu.dynamic_gather %get3A_435[%gather3A_439] in [0] : vector<16xf32>, vector<16xi32> -> vector<16xf32>
      %jit3A_441 = arith.constant 3.000000e+38 : f32
      %broadcast_in_dim3A_442 = vector.broadcast %jit3A_441 : f32 to vector<16xf32>
      %select_n3A_443 = arith.select %eq3A_102, %broadcast_in_dim3A_442, %gather3A_440 : vector<16xi1>, vector<16xf32>
      %lt3A_444 = vector.broadcast %squeeze3A_437 : f32 to vector<16xf32>
      %lt3A_445 = arith.cmpf olt, %select_n3A_443, %lt3A_444 : vector<16xf32>
      %lt3A_446 = vector.broadcast %squeeze3A_437 : f32 to vector<16xf32>
      %lt3A_447 = arith.cmpf olt, %get3A_435, %lt3A_446 : vector<16xf32>
      %broadcast_in_dim3A_448 = vector.broadcast %squeeze3A_437 : f32 to vector<16xf32>
      %select_n3A_449 = arith.select %lt3A_447, %broadcast_in_dim3A_448, %get3A_435 : vector<16xi1>, vector<16xf32>
      %select_n3A_450 = arith.select %lt3A_445, %select_n3A_443, %select_n3A_449 : vector<16xi1>, vector<16xf32>
      %swap3A_451 = arith.index_cast %mul3A_433 : i32 to index
      %swap3A_452 = tpu.vector_load %arg12[%swap3A_451] {strides = array<i32>} : memref<1024xf32, #tpu.memory_space<vmem>>, vector<16xf32>,
      tpu.vector_store %arg12[%swap3A_451], %select_n3A_450 {strides = array<i32>} : memref<1024xf32, #tpu.memory_space<vmem>>, vector<16xf32>,
      %slice3A_453 = vector.extract_strided_slice %get3A_232 {offsets = [9], sizes = [1], strides = [1]} : vector<16xi32> to vector<1xi32>
      %squeeze3A_454 = vector.extract %slice3A_453[0] : i32 from vector<1xi32>
      %sub3A_455 = arith.subi %squeeze3A_454, %mul3A_1 : i32
      %mul3A_456 = arith.constant 16 : i32
      %mul3A_457 = arith.muli %sub3A_455, %mul3A_456 : i32
      %get3A_458 = arith.index_cast %mul3A_457 : i32 to index
      %get3A_459 = tpu.vector_load %arg13[%get3A_458] {strides = array<i32>} : memref<1024xf32, #tpu.memory_space<vmem>>, vector<16xf32>,
      %slice3A_460 = vector.extract_strided_slice %get3A_238 {offsets = [9], sizes = [1], strides = [1]} : vector<16xf32> to vector<1xf32>
      %squeeze3A_461 = vector.extract %slice3A_460[0] : f32 from vector<1xf32>
      %broadcast_in_dim3A_462 = vector.shape_cast %min3A_99 : vector<16xi32> to vector<16x1xi32>
      %gather3A_463 = vector.shape_cast %broadcast_in_dim3A_462 : vector<16x1xi32> to vector<16xi32>
      %gather3A_464 = tpu.dynamic_gather %get3A_459[%gather3A_463] in [0] : vector<16xf32>, vector<16xi32> -> vector<16xf32>
      %jit3A_465 = arith.constant 3.000000e+38 : f32
      %broadcast_in_dim3A_466 = vector.broadcast %jit3A_465 : f32 to vector<16xf32>
      %select_n3A_467 = arith.select %eq3A_102, %broadcast_in_dim3A_466, %gather3A_464 : vector<16xi1>, vector<16xf32>
      %lt3A_468 = vector.broadcast %squeeze3A_461 : f32 to vector<16xf32>
      %lt3A_469 = arith.cmpf olt, %select_n3A_467, %lt3A_468 : vector<16xf32>
      %lt3A_470 = vector.broadcast %squeeze3A_461 : f32 to vector<16xf32>
      %lt3A_471 = arith.cmpf olt, %get3A_459, %lt3A_470 : vector<16xf32>
      %broadcast_in_dim3A_472 = vector.broadcast %squeeze3A_461 : f32 to vector<16xf32>
      %select_n3A_473 = arith.select %lt3A_471, %broadcast_in_dim3A_472, %get3A_459 : vector<16xi1>, vector<16xf32>
      %select_n3A_474 = arith.select %lt3A_469, %select_n3A_467, %select_n3A_473 : vector<16xi1>, vector<16xf32>
      %swap3A_475 = arith.index_cast %mul3A_457 : i32 to index
      %swap3A_476 = tpu.vector_load %arg13[%swap3A_475] {strides = array<i32>} : memref<1024xf32, #tpu.memory_space<vmem>>, vector<16xf32>,
      tpu.vector_store %arg13[%swap3A_475], %select_n3A_474 {strides = array<i32>} : memref<1024xf32, #tpu.memory_space<vmem>>, vector<16xf32>,
      %slice3A_477 = vector.extract_strided_slice %get3A_232 {offsets = [10], sizes = [1], strides = [1]} : vector<16xi32> to vector<1xi32>
      %squeeze3A_478 = vector.extract %slice3A_477[0] : i32 from vector<1xi32>
      %sub3A_479 = arith.subi %squeeze3A_478, %mul3A_1 : i32
      %mul3A_480 = arith.constant 16 : i32
      %mul3A_481 = arith.muli %sub3A_479, %mul3A_480 : i32
      %get3A_482 = arith.index_cast %mul3A_481 : i32 to index
      %get3A_483 = tpu.vector_load %arg14[%get3A_482] {strides = array<i32>} : memref<1024xf32, #tpu.memory_space<vmem>>, vector<16xf32>,
      %slice3A_484 = vector.extract_strided_slice %get3A_238 {offsets = [10], sizes = [1], strides = [1]} : vector<16xf32> to vector<1xf32>
      %squeeze3A_485 = vector.extract %slice3A_484[0] : f32 from vector<1xf32>
      %broadcast_in_dim3A_486 = vector.shape_cast %min3A_99 : vector<16xi32> to vector<16x1xi32>
      %gather3A_487 = vector.shape_cast %broadcast_in_dim3A_486 : vector<16x1xi32> to vector<16xi32>
      %gather3A_488 = tpu.dynamic_gather %get3A_483[%gather3A_487] in [0] : vector<16xf32>, vector<16xi32> -> vector<16xf32>
      %jit3A_489 = arith.constant 3.000000e+38 : f32
      %broadcast_in_dim3A_490 = vector.broadcast %jit3A_489 : f32 to vector<16xf32>
      %select_n3A_491 = arith.select %eq3A_102, %broadcast_in_dim3A_490, %gather3A_488 : vector<16xi1>, vector<16xf32>
      %lt3A_492 = vector.broadcast %squeeze3A_485 : f32 to vector<16xf32>
      %lt3A_493 = arith.cmpf olt, %select_n3A_491, %lt3A_492 : vector<16xf32>
      %lt3A_494 = vector.broadcast %squeeze3A_485 : f32 to vector<16xf32>
      %lt3A_495 = arith.cmpf olt, %get3A_483, %lt3A_494 : vector<16xf32>
      %broadcast_in_dim3A_496 = vector.broadcast %squeeze3A_485 : f32 to vector<16xf32>
      %select_n3A_497 = arith.select %lt3A_495, %broadcast_in_dim3A_496, %get3A_483 : vector<16xi1>, vector<16xf32>
      %select_n3A_498 = arith.select %lt3A_493, %select_n3A_491, %select_n3A_497 : vector<16xi1>, vector<16xf32>
      %swap3A_499 = arith.index_cast %mul3A_481 : i32 to index
      %swap3A_500 = tpu.vector_load %arg14[%swap3A_499] {strides = array<i32>} : memref<1024xf32, #tpu.memory_space<vmem>>, vector<16xf32>,
      tpu.vector_store %arg14[%swap3A_499], %select_n3A_498 {strides = array<i32>} : memref<1024xf32, #tpu.memory_space<vmem>>, vector<16xf32>,
      %slice3A_501 = vector.extract_strided_slice %get3A_232 {offsets = [11], sizes = [1], strides = [1]} : vector<16xi32> to vector<1xi32>
      %squeeze3A_502 = vector.extract %slice3A_501[0] : i32 from vector<1xi32>
      %sub3A_503 = arith.subi %squeeze3A_502, %mul3A_1 : i32
      %mul3A_504 = arith.constant 16 : i32
      %mul3A_505 = arith.muli %sub3A_503, %mul3A_504 : i32
      %get3A_506 = arith.index_cast %mul3A_505 : i32 to index
      %get3A_507 = tpu.vector_load %arg15[%get3A_506] {strides = array<i32>} : memref<1024xf32, #tpu.memory_space<vmem>>, vector<16xf32>,
      %slice3A_508 = vector.extract_strided_slice %get3A_238 {offsets = [11], sizes = [1], strides = [1]} : vector<16xf32> to vector<1xf32>
      %squeeze3A_509 = vector.extract %slice3A_508[0] : f32 from vector<1xf32>
      %broadcast_in_dim3A_510 = vector.shape_cast %min3A_99 : vector<16xi32> to vector<16x1xi32>
      %gather3A_511 = vector.shape_cast %broadcast_in_dim3A_510 : vector<16x1xi32> to vector<16xi32>
      %gather3A_512 = tpu.dynamic_gather %get3A_507[%gather3A_511] in [0] : vector<16xf32>, vector<16xi32> -> vector<16xf32>
      %jit3A_513 = arith.constant 3.000000e+38 : f32
      %broadcast_in_dim3A_514 = vector.broadcast %jit3A_513 : f32 to vector<16xf32>
      %select_n3A_515 = arith.select %eq3A_102, %broadcast_in_dim3A_514, %gather3A_512 : vector<16xi1>, vector<16xf32>
      %lt3A_516 = vector.broadcast %squeeze3A_509 : f32 to vector<16xf32>
      %lt3A_517 = arith.cmpf olt, %select_n3A_515, %lt3A_516 : vector<16xf32>
      %lt3A_518 = vector.broadcast %squeeze3A_509 : f32 to vector<16xf32>
      %lt3A_519 = arith.cmpf olt, %get3A_507, %lt3A_518 : vector<16xf32>
      %broadcast_in_dim3A_520 = vector.broadcast %squeeze3A_509 : f32 to vector<16xf32>
      %select_n3A_521 = arith.select %lt3A_519, %broadcast_in_dim3A_520, %get3A_507 : vector<16xi1>, vector<16xf32>
      %select_n3A_522 = arith.select %lt3A_517, %select_n3A_515, %select_n3A_521 : vector<16xi1>, vector<16xf32>
      %swap3A_523 = arith.index_cast %mul3A_505 : i32 to index
      %swap3A_524 = tpu.vector_load %arg15[%swap3A_523] {strides = array<i32>} : memref<1024xf32, #tpu.memory_space<vmem>>, vector<16xf32>,
      tpu.vector_store %arg15[%swap3A_523], %select_n3A_522 {strides = array<i32>} : memref<1024xf32, #tpu.memory_space<vmem>>, vector<16xf32>,
      %slice3A_525 = vector.extract_strided_slice %get3A_232 {offsets = [12], sizes = [1], strides = [1]} : vector<16xi32> to vector<1xi32>
      %squeeze3A_526 = vector.extract %slice3A_525[0] : i32 from vector<1xi32>
      %sub3A_527 = arith.subi %squeeze3A_526, %mul3A_1 : i32
      %mul3A_528 = arith.constant 16 : i32
      %mul3A_529 = arith.muli %sub3A_527, %mul3A_528 : i32
      %get3A_530 = arith.index_cast %mul3A_529 : i32 to index
      %get3A_531 = tpu.vector_load %arg12[%get3A_530] {strides = array<i32>} : memref<1024xf32, #tpu.memory_space<vmem>>, vector<16xf32>,
      %slice3A_532 = vector.extract_strided_slice %get3A_238 {offsets = [12], sizes = [1], strides = [1]} : vector<16xf32> to vector<1xf32>
      %squeeze3A_533 = vector.extract %slice3A_532[0] : f32 from vector<1xf32>
      %broadcast_in_dim3A_534 = vector.shape_cast %min3A_99 : vector<16xi32> to vector<16x1xi32>
      %gather3A_535 = vector.shape_cast %broadcast_in_dim3A_534 : vector<16x1xi32> to vector<16xi32>
      %gather3A_536 = tpu.dynamic_gather %get3A_531[%gather3A_535] in [0] : vector<16xf32>, vector<16xi32> -> vector<16xf32>
      %jit3A_537 = arith.constant 3.000000e+38 : f32
      %broadcast_in_dim3A_538 = vector.broadcast %jit3A_537 : f32 to vector<16xf32>
      %select_n3A_539 = arith.select %eq3A_102, %broadcast_in_dim3A_538, %gather3A_536 : vector<16xi1>, vector<16xf32>
      %lt3A_540 = vector.broadcast %squeeze3A_533 : f32 to vector<16xf32>
      %lt3A_541 = arith.cmpf olt, %select_n3A_539, %lt3A_540 : vector<16xf32>
      %lt3A_542 = vector.broadcast %squeeze3A_533 : f32 to vector<16xf32>
      %lt3A_543 = arith.cmpf olt, %get3A_531, %lt3A_542 : vector<16xf32>
      %broadcast_in_dim3A_544 = vector.broadcast %squeeze3A_533 : f32 to vector<16xf32>
      %select_n3A_545 = arith.select %lt3A_543, %broadcast_in_dim3A_544, %get3A_531 : vector<16xi1>, vector<16xf32>
      %select_n3A_546 = arith.select %lt3A_541, %select_n3A_539, %select_n3A_545 : vector<16xi1>, vector<16xf32>
      %swap3A_547 = arith.index_cast %mul3A_529 : i32 to index
      %swap3A_548 = tpu.vector_load %arg12[%swap3A_547] {strides = array<i32>} : memref<1024xf32, #tpu.memory_space<vmem>>, vector<16xf32>,
      tpu.vector_store %arg12[%swap3A_547], %select_n3A_546 {strides = array<i32>} : memref<1024xf32, #tpu.memory_space<vmem>>, vector<16xf32>,
      %slice3A_549 = vector.extract_strided_slice %get3A_232 {offsets = [13], sizes = [1], strides = [1]} : vector<16xi32> to vector<1xi32>
      %squeeze3A_550 = vector.extract %slice3A_549[0] : i32 from vector<1xi32>
      %sub3A_551 = arith.subi %squeeze3A_550, %mul3A_1 : i32
      %mul3A_552 = arith.constant 16 : i32
      %mul3A_553 = arith.muli %sub3A_551, %mul3A_552 : i32
      %get3A_554 = arith.index_cast %mul3A_553 : i32 to index
      %get3A_555 = tpu.vector_load %arg13[%get3A_554] {strides = array<i32>} : memref<1024xf32, #tpu.memory_space<vmem>>, vector<16xf32>,
      %slice3A_556 = vector.extract_strided_slice %get3A_238 {offsets = [13], sizes = [1], strides = [1]} : vector<16xf32> to vector<1xf32>
      %squeeze3A_557 = vector.extract %slice3A_556[0] : f32 from vector<1xf32>
      %broadcast_in_dim3A_558 = vector.shape_cast %min3A_99 : vector<16xi32> to vector<16x1xi32>
      %gather3A_559 = vector.shape_cast %broadcast_in_dim3A_558 : vector<16x1xi32> to vector<16xi32>
      %gather3A_560 = tpu.dynamic_gather %get3A_555[%gather3A_559] in [0] : vector<16xf32>, vector<16xi32> -> vector<16xf32>
      %jit3A_561 = arith.constant 3.000000e+38 : f32
      %broadcast_in_dim3A_562 = vector.broadcast %jit3A_561 : f32 to vector<16xf32>
      %select_n3A_563 = arith.select %eq3A_102, %broadcast_in_dim3A_562, %gather3A_560 : vector<16xi1>, vector<16xf32>
      %lt3A_564 = vector.broadcast %squeeze3A_557 : f32 to vector<16xf32>
      %lt3A_565 = arith.cmpf olt, %select_n3A_563, %lt3A_564 : vector<16xf32>
      %lt3A_566 = vector.broadcast %squeeze3A_557 : f32 to vector<16xf32>
      %lt3A_567 = arith.cmpf olt, %get3A_555, %lt3A_566 : vector<16xf32>
      %broadcast_in_dim3A_568 = vector.broadcast %squeeze3A_557 : f32 to vector<16xf32>
      %select_n3A_569 = arith.select %lt3A_567, %broadcast_in_dim3A_568, %get3A_555 : vector<16xi1>, vector<16xf32>
      %select_n3A_570 = arith.select %lt3A_565, %select_n3A_563, %select_n3A_569 : vector<16xi1>, vector<16xf32>
      %swap3A_571 = arith.index_cast %mul3A_553 : i32 to index
      %swap3A_572 = tpu.vector_load %arg13[%swap3A_571] {strides = array<i32>} : memref<1024xf32, #tpu.memory_space<vmem>>, vector<16xf32>,
      tpu.vector_store %arg13[%swap3A_571], %select_n3A_570 {strides = array<i32>} : memref<1024xf32, #tpu.memory_space<vmem>>, vector<16xf32>,
      %slice3A_573 = vector.extract_strided_slice %get3A_232 {offsets = [14], sizes = [1], strides = [1]} : vector<16xi32> to vector<1xi32>
      %squeeze3A_574 = vector.extract %slice3A_573[0] : i32 from vector<1xi32>
      %sub3A_575 = arith.subi %squeeze3A_574, %mul3A_1 : i32
      %mul3A_576 = arith.constant 16 : i32
      %mul3A_577 = arith.muli %sub3A_575, %mul3A_576 : i32
      %get3A_578 = arith.index_cast %mul3A_577 : i32 to index
      %get3A_579 = tpu.vector_load %arg14[%get3A_578] {strides = array<i32>} : memref<1024xf32, #tpu.memory_space<vmem>>, vector<16xf32>,
      %slice3A_580 = vector.extract_strided_slice %get3A_238 {offsets = [14], sizes = [1], strides = [1]} : vector<16xf32> to vector<1xf32>
      %squeeze3A_581 = vector.extract %slice3A_580[0] : f32 from vector<1xf32>
      %broadcast_in_dim3A_582 = vector.shape_cast %min3A_99 : vector<16xi32> to vector<16x1xi32>
      %gather3A_583 = vector.shape_cast %broadcast_in_dim3A_582 : vector<16x1xi32> to vector<16xi32>
      %gather3A_584 = tpu.dynamic_gather %get3A_579[%gather3A_583] in [0] : vector<16xf32>, vector<16xi32> -> vector<16xf32>
      %jit3A_585 = arith.constant 3.000000e+38 : f32
      %broadcast_in_dim3A_586 = vector.broadcast %jit3A_585 : f32 to vector<16xf32>
      %select_n3A_587 = arith.select %eq3A_102, %broadcast_in_dim3A_586, %gather3A_584 : vector<16xi1>, vector<16xf32>
      %lt3A_588 = vector.broadcast %squeeze3A_581 : f32 to vector<16xf32>
      %lt3A_589 = arith.cmpf olt, %select_n3A_587, %lt3A_588 : vector<16xf32>
      %lt3A_590 = vector.broadcast %squeeze3A_581 : f32 to vector<16xf32>
      %lt3A_591 = arith.cmpf olt, %get3A_579, %lt3A_590 : vector<16xf32>
      %broadcast_in_dim3A_592 = vector.broadcast %squeeze3A_581 : f32 to vector<16xf32>
      %select_n3A_593 = arith.select %lt3A_591, %broadcast_in_dim3A_592, %get3A_579 : vector<16xi1>, vector<16xf32>
      %select_n3A_594 = arith.select %lt3A_589, %select_n3A_587, %select_n3A_593 : vector<16xi1>, vector<16xf32>
      %swap3A_595 = arith.index_cast %mul3A_577 : i32 to index
      %swap3A_596 = tpu.vector_load %arg14[%swap3A_595] {strides = array<i32>} : memref<1024xf32, #tpu.memory_space<vmem>>, vector<16xf32>,
      tpu.vector_store %arg14[%swap3A_595], %select_n3A_594 {strides = array<i32>} : memref<1024xf32, #tpu.memory_space<vmem>>, vector<16xf32>,
      %slice3A_597 = vector.extract_strided_slice %get3A_232 {offsets = [15], sizes = [1], strides = [1]} : vector<16xi32> to vector<1xi32>
      %squeeze3A_598 = vector.extract %slice3A_597[0] : i32 from vector<1xi32>
      %sub3A_599 = arith.subi %squeeze3A_598, %mul3A_1 : i32
      %mul3A_600 = arith.constant 16 : i32
      %mul3A_601 = arith.muli %sub3A_599, %mul3A_600 : i32
      %get3A_602 = arith.index_cast %mul3A_601 : i32 to index
      %get3A_603 = tpu.vector_load %arg15[%get3A_602] {strides = array<i32>} : memref<1024xf32, #tpu.memory_space<vmem>>, vector<16xf32>,
      %slice3A_604 = vector.extract_strided_slice %get3A_238 {offsets = [15], sizes = [1], strides = [1]} : vector<16xf32> to vector<1xf32>
      %squeeze3A_605 = vector.extract %slice3A_604[0] : f32 from vector<1xf32>
      %broadcast_in_dim3A_606 = vector.shape_cast %min3A_99 : vector<16xi32> to vector<16x1xi32>
      %gather3A_607 = vector.shape_cast %broadcast_in_dim3A_606 : vector<16x1xi32> to vector<16xi32>
      %gather3A_608 = tpu.dynamic_gather %get3A_603[%gather3A_607] in [0] : vector<16xf32>, vector<16xi32> -> vector<16xf32>
      %jit3A_609 = arith.constant 3.000000e+38 : f32
      %broadcast_in_dim3A_610 = vector.broadcast %jit3A_609 : f32 to vector<16xf32>
      %select_n3A_611 = arith.select %eq3A_102, %broadcast_in_dim3A_610, %gather3A_608 : vector<16xi1>, vector<16xf32>
      %lt3A_612 = vector.broadcast %squeeze3A_605 : f32 to vector<16xf32>
      %lt3A_613 = arith.cmpf olt, %select_n3A_611, %lt3A_612 : vector<16xf32>
      %lt3A_614 = vector.broadcast %squeeze3A_605 : f32 to vector<16xf32>
      %lt3A_615 = arith.cmpf olt, %get3A_603, %lt3A_614 : vector<16xf32>
      %broadcast_in_dim3A_616 = vector.broadcast %squeeze3A_605 : f32 to vector<16xf32>
      %select_n3A_617 = arith.select %lt3A_615, %broadcast_in_dim3A_616, %get3A_603 : vector<16xi1>, vector<16xf32>
      %select_n3A_618 = arith.select %lt3A_613, %select_n3A_611, %select_n3A_617 : vector<16xi1>, vector<16xf32>
      %swap3A_619 = arith.index_cast %mul3A_601 : i32 to index
      %swap3A_620 = tpu.vector_load %arg15[%swap3A_619] {strides = array<i32>} : memref<1024xf32, #tpu.memory_space<vmem>>, vector<16xf32>,
      tpu.vector_store %arg15[%swap3A_619], %select_n3A_618 {strides = array<i32>} : memref<1024xf32, #tpu.memory_space<vmem>>, vector<16xf32>,
    }
    %while3A_134 = arith.constant 1 : i32
    scf.for %while3A_227 = %while3A_132 to %while3A_128 step %while3A_134  : i32 {
      %mul3A_228 = arith.constant 16 : i32
      %mul3A_229 = arith.muli %while3A_227, %mul3A_228 : i32
      %add3A_230 = arith.constant 0 : i32
      %add3A_231 = arith.addi %add3A_230, %mul3A_229 : i32
      %get3A = arith.index_cast %add3A_231 : i32 to index
      %get3A_232 = tpu.vector_load %arg11[%get3A] {strides = array<i32>} : memref<20512xi32, #tpu.memory_space<vmem>>, vector<16xi32>,
      %mul3A_233 = arith.constant 16 : i32
      %mul3A_234 = arith.muli %while3A_227, %mul3A_233 : i32
      %add3A_235 = arith.constant 0 : i32
      %add3A_236 = arith.addi %add3A_235, %mul3A_234 : i32
      %get3A_237 = arith.index_cast %add3A_236 : i32 to index
      %get3A_238 = tpu.vector_load %arg10[%get3A_237] {strides = array<i32>} : memref<20512xf32, #tpu.memory_space<vmem>>, vector<16xf32>,
      %slice3A_239 = vector.extract_strided_slice %get3A_232 {offsets = [0], sizes = [1], strides = [1]} : vector<16xi32> to vector<1xi32>
      %squeeze3A_240 = vector.extract %slice3A_239[0] : i32 from vector<1xi32>
      %sub3A_241 = arith.subi %squeeze3A_240, %mul3A_1 : i32
      %mul3A_242 = arith.constant 16 : i32
      %mul3A_243 = arith.muli %sub3A_241, %mul3A_242 : i32
      %get3A_244 = arith.index_cast %mul3A_243 : i32 to index
      %get3A_245 = tpu.vector_load %arg12[%get3A_244] {strides = array<i32>} : memref<1024xf32, #tpu.memory_space<vmem>>, vector<16xf32>,
      %slice3A_246 = vector.extract_strided_slice %get3A_238 {offsets = [0], sizes = [1], strides = [1]} : vector<16xf32> to vector<1xf32>
      %squeeze3A_247 = vector.extract %slice3A_246[0] : f32 from vector<1xf32>
      %broadcast_in_dim3A_248 = vector.shape_cast %min3A_99 : vector<16xi32> to vector<16x1xi32>
      %gather3A = vector.shape_cast %broadcast_in_dim3A_248 : vector<16x1xi32> to vector<16xi32>
      %gather3A_249 = tpu.dynamic_gather %get3A_245[%gather3A] in [0] : vector<16xf32>, vector<16xi32> -> vector<16xf32>
      %jit3A_250 = arith.constant 3.000000e+38 : f32
      %broadcast_in_dim3A_251 = vector.broadcast %jit3A_250 : f32 to vector<16xf32>
      %select_n3A_252 = arith.select %eq3A_102, %broadcast_in_dim3A_251, %gather3A_249 : vector<16xi1>, vector<16xf32>
      %lt3A = vector.broadcast %squeeze3A_247 : f32 to vector<16xf32>
      %lt3A_253 = arith.cmpf olt, %select_n3A_252, %lt3A : vector<16xf32>
      %lt3A_254 = vector.broadcast %squeeze3A_247 : f32 to vector<16xf32>
      %lt3A_255 = arith.cmpf olt, %get3A_245, %lt3A_254 : vector<16xf32>
      %broadcast_in_dim3A_256 = vector.broadcast %squeeze3A_247 : f32 to vector<16xf32>
      %select_n3A_257 = arith.select %lt3A_255, %broadcast_in_dim3A_256, %get3A_245 : vector<16xi1>, vector<16xf32>
      %select_n3A_258 = arith.select %lt3A_253, %select_n3A_252, %select_n3A_257 : vector<16xi1>, vector<16xf32>
      %swap3A_259 = arith.index_cast %mul3A_243 : i32 to index
      %swap3A_260 = tpu.vector_load %arg12[%swap3A_259] {strides = array<i32>} : memref<1024xf32, #tpu.memory_space<vmem>>, vector<16xf32>,
      tpu.vector_store %arg12[%swap3A_259], %select_n3A_258 {strides = array<i32>} : memref<1024xf32, #tpu.memory_space<vmem>>, vector<16xf32>,
      %slice3A_261 = vector.extract_strided_slice %get3A_232 {offsets = [1], sizes = [1], strides = [1]} : vector<16xi32> to vector<1xi32>
      %squeeze3A_262 = vector.extract %slice3A_261[0] : i32 from vector<1xi32>
      %sub3A_263 = arith.subi %squeeze3A_262, %mul3A_1 : i32
      %mul3A_264 = arith.constant 16 : i32
      %mul3A_265 = arith.muli %sub3A_263, %mul3A_264 : i32
      %get3A_266 = arith.index_cast %mul3A_265 : i32 to index
      %get3A_267 = tpu.vector_load %arg13[%get3A_266] {strides = array<i32>} : memref<1024xf32, #tpu.memory_space<vmem>>, vector<16xf32>,
      %slice3A_268 = vector.extract_strided_slice %get3A_238 {offsets = [1], sizes = [1], strides = [1]} : vector<16xf32> to vector<1xf32>
      %squeeze3A_269 = vector.extract %slice3A_268[0] : f32 from vector<1xf32>
      %broadcast_in_dim3A_270 = vector.shape_cast %min3A_99 : vector<16xi32> to vector<16x1xi32>
      %gather3A_271 = vector.shape_cast %broadcast_in_dim3A_270 : vector<16x1xi32> to vector<16xi32>
      %gather3A_272 = tpu.dynamic_gather %get3A_267[%gather3A_271] in [0] : vector<16xf32>, vector<16xi32> -> vector<16xf32>
      %jit3A_273 = arith.constant 3.000000e+38 : f32
      %broadcast_in_dim3A_274 = vector.broadcast %jit3A_273 : f32 to vector<16xf32>
      %select_n3A_275 = arith.select %eq3A_102, %broadcast_in_dim3A_274, %gather3A_272 : vector<16xi1>, vector<16xf32>
      %lt3A_276 = vector.broadcast %squeeze3A_269 : f32 to vector<16xf32>
      %lt3A_277 = arith.cmpf olt, %select_n3A_275, %lt3A_276 : vector<16xf32>
      %lt3A_278 = vector.broadcast %squeeze3A_269 : f32 to vector<16xf32>
      %lt3A_279 = arith.cmpf olt, %get3A_267, %lt3A_278 : vector<16xf32>
      %broadcast_in_dim3A_280 = vector.broadcast %squeeze3A_269 : f32 to vector<16xf32>
      %select_n3A_281 = arith.select %lt3A_279, %broadcast_in_dim3A_280, %get3A_267 : vector<16xi1>, vector<16xf32>
      %select_n3A_282 = arith.select %lt3A_277, %select_n3A_275, %select_n3A_281 : vector<16xi1>, vector<16xf32>
      %swap3A_283 = arith.index_cast %mul3A_265 : i32 to index
      %swap3A_284 = tpu.vector_load %arg13[%swap3A_283] {strides = array<i32>} : memref<1024xf32, #tpu.memory_space<vmem>>, vector<16xf32>,
      tpu.vector_store %arg13[%swap3A_283], %select_n3A_282 {strides = array<i32>} : memref<1024xf32, #tpu.memory_space<vmem>>, vector<16xf32>,
      %slice3A_285 = vector.extract_strided_slice %get3A_232 {offsets = [2], sizes = [1], strides = [1]} : vector<16xi32> to vector<1xi32>
      %squeeze3A_286 = vector.extract %slice3A_285[0] : i32 from vector<1xi32>
      %sub3A_287 = arith.subi %squeeze3A_286, %mul3A_1 : i32
      %mul3A_288 = arith.constant 16 : i32
      %mul3A_289 = arith.muli %sub3A_287, %mul3A_288 : i32
      %get3A_290 = arith.index_cast %mul3A_289 : i32 to index
      %get3A_291 = tpu.vector_load %arg14[%get3A_290] {strides = array<i32>} : memref<1024xf32, #tpu.memory_space<vmem>>, vector<16xf32>,
      %slice3A_292 = vector.extract_strided_slice %get3A_238 {offsets = [2], sizes = [1], strides = [1]} : vector<16xf32> to vector<1xf32>
      %squeeze3A_293 = vector.extract %slice3A_292[0] : f32 from vector<1xf32>
      %broadcast_in_dim3A_294 = vector.shape_cast %min3A_99 : vector<16xi32> to vector<16x1xi32>
      %gather3A_295 = vector.shape_cast %broadcast_in_dim3A_294 : vector<16x1xi32> to vector<16xi32>
      %gather3A_296 = tpu.dynamic_gather %get3A_291[%gather3A_295] in [0] : vector<16xf32>, vector<16xi32> -> vector<16xf32>
      %jit3A_297 = arith.constant 3.000000e+38 : f32
      %broadcast_in_dim3A_298 = vector.broadcast %jit3A_297 : f32 to vector<16xf32>
      %select_n3A_299 = arith.select %eq3A_102, %broadcast_in_dim3A_298, %gather3A_296 : vector<16xi1>, vector<16xf32>
      %lt3A_300 = vector.broadcast %squeeze3A_293 : f32 to vector<16xf32>
      %lt3A_301 = arith.cmpf olt, %select_n3A_299, %lt3A_300 : vector<16xf32>
      %lt3A_302 = vector.broadcast %squeeze3A_293 : f32 to vector<16xf32>
      %lt3A_303 = arith.cmpf olt, %get3A_291, %lt3A_302 : vector<16xf32>
      %broadcast_in_dim3A_304 = vector.broadcast %squeeze3A_293 : f32 to vector<16xf32>
      %select_n3A_305 = arith.select %lt3A_303, %broadcast_in_dim3A_304, %get3A_291 : vector<16xi1>, vector<16xf32>
      %select_n3A_306 = arith.select %lt3A_301, %select_n3A_299, %select_n3A_305 : vector<16xi1>, vector<16xf32>
      %swap3A_307 = arith.index_cast %mul3A_289 : i32 to index
      %swap3A_308 = tpu.vector_load %arg14[%swap3A_307] {strides = array<i32>} : memref<1024xf32, #tpu.memory_space<vmem>>, vector<16xf32>,
      tpu.vector_store %arg14[%swap3A_307], %select_n3A_306 {strides = array<i32>} : memref<1024xf32, #tpu.memory_space<vmem>>, vector<16xf32>,
      %slice3A_309 = vector.extract_strided_slice %get3A_232 {offsets = [3], sizes = [1], strides = [1]} : vector<16xi32> to vector<1xi32>
      %squeeze3A_310 = vector.extract %slice3A_309[0] : i32 from vector<1xi32>
      %sub3A_311 = arith.subi %squeeze3A_310, %mul3A_1 : i32
      %mul3A_312 = arith.constant 16 : i32
      %mul3A_313 = arith.muli %sub3A_311, %mul3A_312 : i32
      %get3A_314 = arith.index_cast %mul3A_313 : i32 to index
      %get3A_315 = tpu.vector_load %arg15[%get3A_314] {strides = array<i32>} : memref<1024xf32, #tpu.memory_space<vmem>>, vector<16xf32>,
      %slice3A_316 = vector.extract_strided_slice %get3A_238 {offsets = [3], sizes = [1], strides = [1]} : vector<16xf32> to vector<1xf32>
      %squeeze3A_317 = vector.extract %slice3A_316[0] : f32 from vector<1xf32>
      %broadcast_in_dim3A_318 = vector.shape_cast %min3A_99 : vector<16xi32> to vector<16x1xi32>
      %gather3A_319 = vector.shape_cast %broadcast_in_dim3A_318 : vector<16x1xi32> to vector<16xi32>
      %gather3A_320 = tpu.dynamic_gather %get3A_315[%gather3A_319] in [0] : vector<16xf32>, vector<16xi32> -> vector<16xf32>
      %jit3A_321 = arith.constant 3.000000e+38 : f32
      %broadcast_in_dim3A_322 = vector.broadcast %jit3A_321 : f32 to vector<16xf32>
      %select_n3A_323 = arith.select %eq3A_102, %broadcast_in_dim3A_322, %gather3A_320 : vector<16xi1>, vector<16xf32>
      %lt3A_324 = vector.broadcast %squeeze3A_317 : f32 to vector<16xf32>
      %lt3A_325 = arith.cmpf olt, %select_n3A_323, %lt3A_324 : vector<16xf32>
      %lt3A_326 = vector.broadcast %squeeze3A_317 : f32 to vector<16xf32>
      %lt3A_327 = arith.cmpf olt, %get3A_315, %lt3A_326 : vector<16xf32>
      %broadcast_in_dim3A_328 = vector.broadcast %squeeze3A_317 : f32 to vector<16xf32>
      %select_n3A_329 = arith.select %lt3A_327, %broadcast_in_dim3A_328, %get3A_315 : vector<16xi1>, vector<16xf32>
      %select_n3A_330 = arith.select %lt3A_325, %select_n3A_323, %select_n3A_329 : vector<16xi1>, vector<16xf32>
      %swap3A_331 = arith.index_cast %mul3A_313 : i32 to index
      %swap3A_332 = tpu.vector_load %arg15[%swap3A_331] {strides = array<i32>} : memref<1024xf32, #tpu.memory_space<vmem>>, vector<16xf32>,
      tpu.vector_store %arg15[%swap3A_331], %select_n3A_330 {strides = array<i32>} : memref<1024xf32, #tpu.memory_space<vmem>>, vector<16xf32>,
      %slice3A_333 = vector.extract_strided_slice %get3A_232 {offsets = [4], sizes = [1], strides = [1]} : vector<16xi32> to vector<1xi32>
      %squeeze3A_334 = vector.extract %slice3A_333[0] : i32 from vector<1xi32>
      %sub3A_335 = arith.subi %squeeze3A_334, %mul3A_1 : i32
      %mul3A_336 = arith.constant 16 : i32
      %mul3A_337 = arith.muli %sub3A_335, %mul3A_336 : i32
      %get3A_338 = arith.index_cast %mul3A_337 : i32 to index
      %get3A_339 = tpu.vector_load %arg12[%get3A_338] {strides = array<i32>} : memref<1024xf32, #tpu.memory_space<vmem>>, vector<16xf32>,
      %slice3A_340 = vector.extract_strided_slice %get3A_238 {offsets = [4], sizes = [1], strides = [1]} : vector<16xf32> to vector<1xf32>
      %squeeze3A_341 = vector.extract %slice3A_340[0] : f32 from vector<1xf32>
      %broadcast_in_dim3A_342 = vector.shape_cast %min3A_99 : vector<16xi32> to vector<16x1xi32>
      %gather3A_343 = vector.shape_cast %broadcast_in_dim3A_342 : vector<16x1xi32> to vector<16xi32>
      %gather3A_344 = tpu.dynamic_gather %get3A_339[%gather3A_343] in [0] : vector<16xf32>, vector<16xi32> -> vector<16xf32>
      %jit3A_345 = arith.constant 3.000000e+38 : f32
      %broadcast_in_dim3A_346 = vector.broadcast %jit3A_345 : f32 to vector<16xf32>
      %select_n3A_347 = arith.select %eq3A_102, %broadcast_in_dim3A_346, %gather3A_344 : vector<16xi1>, vector<16xf32>
      %lt3A_348 = vector.broadcast %squeeze3A_341 : f32 to vector<16xf32>
      %lt3A_349 = arith.cmpf olt, %select_n3A_347, %lt3A_348 : vector<16xf32>
      %lt3A_350 = vector.broadcast %squeeze3A_341 : f32 to vector<16xf32>
      %lt3A_351 = arith.cmpf olt, %get3A_339, %lt3A_350 : vector<16xf32>
      %broadcast_in_dim3A_352 = vector.broadcast %squeeze3A_341 : f32 to vector<16xf32>
      %select_n3A_353 = arith.select %lt3A_351, %broadcast_in_dim3A_352, %get3A_339 : vector<16xi1>, vector<16xf32>
      %select_n3A_354 = arith.select %lt3A_349, %select_n3A_347, %select_n3A_353 : vector<16xi1>, vector<16xf32>
      %swap3A_355 = arith.index_cast %mul3A_337 : i32 to index
      %swap3A_356 = tpu.vector_load %arg12[%swap3A_355] {strides = array<i32>} : memref<1024xf32, #tpu.memory_space<vmem>>, vector<16xf32>,
      tpu.vector_store %arg12[%swap3A_355], %select_n3A_354 {strides = array<i32>} : memref<1024xf32, #tpu.memory_space<vmem>>, vector<16xf32>,
      %slice3A_357 = vector.extract_strided_slice %get3A_232 {offsets = [5], sizes = [1], strides = [1]} : vector<16xi32> to vector<1xi32>
      %squeeze3A_358 = vector.extract %slice3A_357[0] : i32 from vector<1xi32>
      %sub3A_359 = arith.subi %squeeze3A_358, %mul3A_1 : i32
      %mul3A_360 = arith.constant 16 : i32
      %mul3A_361 = arith.muli %sub3A_359, %mul3A_360 : i32
      %get3A_362 = arith.index_cast %mul3A_361 : i32 to index
      %get3A_363 = tpu.vector_load %arg13[%get3A_362] {strides = array<i32>} : memref<1024xf32, #tpu.memory_space<vmem>>, vector<16xf32>,
      %slice3A_364 = vector.extract_strided_slice %get3A_238 {offsets = [5], sizes = [1], strides = [1]} : vector<16xf32> to vector<1xf32>
      %squeeze3A_365 = vector.extract %slice3A_364[0] : f32 from vector<1xf32>
      %broadcast_in_dim3A_366 = vector.shape_cast %min3A_99 : vector<16xi32> to vector<16x1xi32>
      %gather3A_367 = vector.shape_cast %broadcast_in_dim3A_366 : vector<16x1xi32> to vector<16xi32>
      %gather3A_368 = tpu.dynamic_gather %get3A_363[%gather3A_367] in [0] : vector<16xf32>, vector<16xi32> -> vector<16xf32>
      %jit3A_369 = arith.constant 3.000000e+38 : f32
      %broadcast_in_dim3A_370 = vector.broadcast %jit3A_369 : f32 to vector<16xf32>
      %select_n3A_371 = arith.select %eq3A_102, %broadcast_in_dim3A_370, %gather3A_368 : vector<16xi1>, vector<16xf32>
      %lt3A_372 = vector.broadcast %squeeze3A_365 : f32 to vector<16xf32>
      %lt3A_373 = arith.cmpf olt, %select_n3A_371, %lt3A_372 : vector<16xf32>
      %lt3A_374 = vector.broadcast %squeeze3A_365 : f32 to vector<16xf32>
      %lt3A_375 = arith.cmpf olt, %get3A_363, %lt3A_374 : vector<16xf32>
      %broadcast_in_dim3A_376 = vector.broadcast %squeeze3A_365 : f32 to vector<16xf32>
      %select_n3A_377 = arith.select %lt3A_375, %broadcast_in_dim3A_376, %get3A_363 : vector<16xi1>, vector<16xf32>
      %select_n3A_378 = arith.select %lt3A_373, %select_n3A_371, %select_n3A_377 : vector<16xi1>, vector<16xf32>
      %swap3A_379 = arith.index_cast %mul3A_361 : i32 to index
      %swap3A_380 = tpu.vector_load %arg13[%swap3A_379] {strides = array<i32>} : memref<1024xf32, #tpu.memory_space<vmem>>, vector<16xf32>,
      tpu.vector_store %arg13[%swap3A_379], %select_n3A_378 {strides = array<i32>} : memref<1024xf32, #tpu.memory_space<vmem>>, vector<16xf32>,
      %slice3A_381 = vector.extract_strided_slice %get3A_232 {offsets = [6], sizes = [1], strides = [1]} : vector<16xi32> to vector<1xi32>
      %squeeze3A_382 = vector.extract %slice3A_381[0] : i32 from vector<1xi32>
      %sub3A_383 = arith.subi %squeeze3A_382, %mul3A_1 : i32
      %mul3A_384 = arith.constant 16 : i32
      %mul3A_385 = arith.muli %sub3A_383, %mul3A_384 : i32
      %get3A_386 = arith.index_cast %mul3A_385 : i32 to index
      %get3A_387 = tpu.vector_load %arg14[%get3A_386] {strides = array<i32>} : memref<1024xf32, #tpu.memory_space<vmem>>, vector<16xf32>,
      %slice3A_388 = vector.extract_strided_slice %get3A_238 {offsets = [6], sizes = [1], strides = [1]} : vector<16xf32> to vector<1xf32>
      %squeeze3A_389 = vector.extract %slice3A_388[0] : f32 from vector<1xf32>
      %broadcast_in_dim3A_390 = vector.shape_cast %min3A_99 : vector<16xi32> to vector<16x1xi32>
      %gather3A_391 = vector.shape_cast %broadcast_in_dim3A_390 : vector<16x1xi32> to vector<16xi32>
      %gather3A_392 = tpu.dynamic_gather %get3A_387[%gather3A_391] in [0] : vector<16xf32>, vector<16xi32> -> vector<16xf32>
      %jit3A_393 = arith.constant 3.000000e+38 : f32
      %broadcast_in_dim3A_394 = vector.broadcast %jit3A_393 : f32 to vector<16xf32>
      %select_n3A_395 = arith.select %eq3A_102, %broadcast_in_dim3A_394, %gather3A_392 : vector<16xi1>, vector<16xf32>
      %lt3A_396 = vector.broadcast %squeeze3A_389 : f32 to vector<16xf32>
      %lt3A_397 = arith.cmpf olt, %select_n3A_395, %lt3A_396 : vector<16xf32>
      %lt3A_398 = vector.broadcast %squeeze3A_389 : f32 to vector<16xf32>
      %lt3A_399 = arith.cmpf olt, %get3A_387, %lt3A_398 : vector<16xf32>
      %broadcast_in_dim3A_400 = vector.broadcast %squeeze3A_389 : f32 to vector<16xf32>
      %select_n3A_401 = arith.select %lt3A_399, %broadcast_in_dim3A_400, %get3A_387 : vector<16xi1>, vector<16xf32>
      %select_n3A_402 = arith.select %lt3A_397, %select_n3A_395, %select_n3A_401 : vector<16xi1>, vector<16xf32>
      %swap3A_403 = arith.index_cast %mul3A_385 : i32 to index
      %swap3A_404 = tpu.vector_load %arg14[%swap3A_403] {strides = array<i32>} : memref<1024xf32, #tpu.memory_space<vmem>>, vector<16xf32>,
      tpu.vector_store %arg14[%swap3A_403], %select_n3A_402 {strides = array<i32>} : memref<1024xf32, #tpu.memory_space<vmem>>, vector<16xf32>,
      %slice3A_405 = vector.extract_strided_slice %get3A_232 {offsets = [7], sizes = [1], strides = [1]} : vector<16xi32> to vector<1xi32>
      %squeeze3A_406 = vector.extract %slice3A_405[0] : i32 from vector<1xi32>
      %sub3A_407 = arith.subi %squeeze3A_406, %mul3A_1 : i32
      %mul3A_408 = arith.constant 16 : i32
      %mul3A_409 = arith.muli %sub3A_407, %mul3A_408 : i32
      %get3A_410 = arith.index_cast %mul3A_409 : i32 to index
      %get3A_411 = tpu.vector_load %arg15[%get3A_410] {strides = array<i32>} : memref<1024xf32, #tpu.memory_space<vmem>>, vector<16xf32>,
      %slice3A_412 = vector.extract_strided_slice %get3A_238 {offsets = [7], sizes = [1], strides = [1]} : vector<16xf32> to vector<1xf32>
      %squeeze3A_413 = vector.extract %slice3A_412[0] : f32 from vector<1xf32>
      %broadcast_in_dim3A_414 = vector.shape_cast %min3A_99 : vector<16xi32> to vector<16x1xi32>
      %gather3A_415 = vector.shape_cast %broadcast_in_dim3A_414 : vector<16x1xi32> to vector<16xi32>
      %gather3A_416 = tpu.dynamic_gather %get3A_411[%gather3A_415] in [0] : vector<16xf32>, vector<16xi32> -> vector<16xf32>
      %jit3A_417 = arith.constant 3.000000e+38 : f32
      %broadcast_in_dim3A_418 = vector.broadcast %jit3A_417 : f32 to vector<16xf32>
      %select_n3A_419 = arith.select %eq3A_102, %broadcast_in_dim3A_418, %gather3A_416 : vector<16xi1>, vector<16xf32>
      %lt3A_420 = vector.broadcast %squeeze3A_413 : f32 to vector<16xf32>
      %lt3A_421 = arith.cmpf olt, %select_n3A_419, %lt3A_420 : vector<16xf32>
      %lt3A_422 = vector.broadcast %squeeze3A_413 : f32 to vector<16xf32>
      %lt3A_423 = arith.cmpf olt, %get3A_411, %lt3A_422 : vector<16xf32>
      %broadcast_in_dim3A_424 = vector.broadcast %squeeze3A_413 : f32 to vector<16xf32>
      %select_n3A_425 = arith.select %lt3A_423, %broadcast_in_dim3A_424, %get3A_411 : vector<16xi1>, vector<16xf32>
      %select_n3A_426 = arith.select %lt3A_421, %select_n3A_419, %select_n3A_425 : vector<16xi1>, vector<16xf32>
      %swap3A_427 = arith.index_cast %mul3A_409 : i32 to index
      %swap3A_428 = tpu.vector_load %arg15[%swap3A_427] {strides = array<i32>} : memref<1024xf32, #tpu.memory_space<vmem>>, vector<16xf32>,
      tpu.vector_store %arg15[%swap3A_427], %select_n3A_426 {strides = array<i32>} : memref<1024xf32, #tpu.memory_space<vmem>>, vector<16xf32>,
      %slice3A_429 = vector.extract_strided_slice %get3A_232 {offsets = [8], sizes = [1], strides = [1]} : vector<16xi32> to vector<1xi32>
      %squeeze3A_430 = vector.extract %slice3A_429[0] : i32 from vector<1xi32>
      %sub3A_431 = arith.subi %squeeze3A_430, %mul3A_1 : i32
      %mul3A_432 = arith.constant 16 : i32
      %mul3A_433 = arith.muli %sub3A_431, %mul3A_432 : i32
      %get3A_434 = arith.index_cast %mul3A_433 : i32 to index
      %get3A_435 = tpu.vector_load %arg12[%get3A_434] {strides = array<i32>} : memref<1024xf32, #tpu.memory_space<vmem>>, vector<16xf32>,
      %slice3A_436 = vector.extract_strided_slice %get3A_238 {offsets = [8], sizes = [1], strides = [1]} : vector<16xf32> to vector<1xf32>
      %squeeze3A_437 = vector.extract %slice3A_436[0] : f32 from vector<1xf32>
      %broadcast_in_dim3A_438 = vector.shape_cast %min3A_99 : vector<16xi32> to vector<16x1xi32>
      %gather3A_439 = vector.shape_cast %broadcast_in_dim3A_438 : vector<16x1xi32> to vector<16xi32>
      %gather3A_440 = tpu.dynamic_gather %get3A_435[%gather3A_439] in [0] : vector<16xf32>, vector<16xi32> -> vector<16xf32>
      %jit3A_441 = arith.constant 3.000000e+38 : f32
      %broadcast_in_dim3A_442 = vector.broadcast %jit3A_441 : f32 to vector<16xf32>
      %select_n3A_443 = arith.select %eq3A_102, %broadcast_in_dim3A_442, %gather3A_440 : vector<16xi1>, vector<16xf32>
      %lt3A_444 = vector.broadcast %squeeze3A_437 : f32 to vector<16xf32>
      %lt3A_445 = arith.cmpf olt, %select_n3A_443, %lt3A_444 : vector<16xf32>
      %lt3A_446 = vector.broadcast %squeeze3A_437 : f32 to vector<16xf32>
      %lt3A_447 = arith.cmpf olt, %get3A_435, %lt3A_446 : vector<16xf32>
      %broadcast_in_dim3A_448 = vector.broadcast %squeeze3A_437 : f32 to vector<16xf32>
      %select_n3A_449 = arith.select %lt3A_447, %broadcast_in_dim3A_448, %get3A_435 : vector<16xi1>, vector<16xf32>
      %select_n3A_450 = arith.select %lt3A_445, %select_n3A_443, %select_n3A_449 : vector<16xi1>, vector<16xf32>
      %swap3A_451 = arith.index_cast %mul3A_433 : i32 to index
      %swap3A_452 = tpu.vector_load %arg12[%swap3A_451] {strides = array<i32>} : memref<1024xf32, #tpu.memory_space<vmem>>, vector<16xf32>,
      tpu.vector_store %arg12[%swap3A_451], %select_n3A_450 {strides = array<i32>} : memref<1024xf32, #tpu.memory_space<vmem>>, vector<16xf32>,
      %slice3A_453 = vector.extract_strided_slice %get3A_232 {offsets = [9], sizes = [1], strides = [1]} : vector<16xi32> to vector<1xi32>
      %squeeze3A_454 = vector.extract %slice3A_453[0] : i32 from vector<1xi32>
      %sub3A_455 = arith.subi %squeeze3A_454, %mul3A_1 : i32
      %mul3A_456 = arith.constant 16 : i32
      %mul3A_457 = arith.muli %sub3A_455, %mul3A_456 : i32
      %get3A_458 = arith.index_cast %mul3A_457 : i32 to index
      %get3A_459 = tpu.vector_load %arg13[%get3A_458] {strides = array<i32>} : memref<1024xf32, #tpu.memory_space<vmem>>, vector<16xf32>,
      %slice3A_460 = vector.extract_strided_slice %get3A_238 {offsets = [9], sizes = [1], strides = [1]} : vector<16xf32> to vector<1xf32>
      %squeeze3A_461 = vector.extract %slice3A_460[0] : f32 from vector<1xf32>
      %broadcast_in_dim3A_462 = vector.shape_cast %min3A_99 : vector<16xi32> to vector<16x1xi32>
      %gather3A_463 = vector.shape_cast %broadcast_in_dim3A_462 : vector<16x1xi32> to vector<16xi32>
      %gather3A_464 = tpu.dynamic_gather %get3A_459[%gather3A_463] in [0] : vector<16xf32>, vector<16xi32> -> vector<16xf32>
      %jit3A_465 = arith.constant 3.000000e+38 : f32
      %broadcast_in_dim3A_466 = vector.broadcast %jit3A_465 : f32 to vector<16xf32>
      %select_n3A_467 = arith.select %eq3A_102, %broadcast_in_dim3A_466, %gather3A_464 : vector<16xi1>, vector<16xf32>
      %lt3A_468 = vector.broadcast %squeeze3A_461 : f32 to vector<16xf32>
      %lt3A_469 = arith.cmpf olt, %select_n3A_467, %lt3A_468 : vector<16xf32>
      %lt3A_470 = vector.broadcast %squeeze3A_461 : f32 to vector<16xf32>
      %lt3A_471 = arith.cmpf olt, %get3A_459, %lt3A_470 : vector<16xf32>
      %broadcast_in_dim3A_472 = vector.broadcast %squeeze3A_461 : f32 to vector<16xf32>
      %select_n3A_473 = arith.select %lt3A_471, %broadcast_in_dim3A_472, %get3A_459 : vector<16xi1>, vector<16xf32>
      %select_n3A_474 = arith.select %lt3A_469, %select_n3A_467, %select_n3A_473 : vector<16xi1>, vector<16xf32>
      %swap3A_475 = arith.index_cast %mul3A_457 : i32 to index
      %swap3A_476 = tpu.vector_load %arg13[%swap3A_475] {strides = array<i32>} : memref<1024xf32, #tpu.memory_space<vmem>>, vector<16xf32>,
      tpu.vector_store %arg13[%swap3A_475], %select_n3A_474 {strides = array<i32>} : memref<1024xf32, #tpu.memory_space<vmem>>, vector<16xf32>,
      %slice3A_477 = vector.extract_strided_slice %get3A_232 {offsets = [10], sizes = [1], strides = [1]} : vector<16xi32> to vector<1xi32>
      %squeeze3A_478 = vector.extract %slice3A_477[0] : i32 from vector<1xi32>
      %sub3A_479 = arith.subi %squeeze3A_478, %mul3A_1 : i32
      %mul3A_480 = arith.constant 16 : i32
      %mul3A_481 = arith.muli %sub3A_479, %mul3A_480 : i32
      %get3A_482 = arith.index_cast %mul3A_481 : i32 to index
      %get3A_483 = tpu.vector_load %arg14[%get3A_482] {strides = array<i32>} : memref<1024xf32, #tpu.memory_space<vmem>>, vector<16xf32>,
      %slice3A_484 = vector.extract_strided_slice %get3A_238 {offsets = [10], sizes = [1], strides = [1]} : vector<16xf32> to vector<1xf32>
      %squeeze3A_485 = vector.extract %slice3A_484[0] : f32 from vector<1xf32>
      %broadcast_in_dim3A_486 = vector.shape_cast %min3A_99 : vector<16xi32> to vector<16x1xi32>
      %gather3A_487 = vector.shape_cast %broadcast_in_dim3A_486 : vector<16x1xi32> to vector<16xi32>
      %gather3A_488 = tpu.dynamic_gather %get3A_483[%gather3A_487] in [0] : vector<16xf32>, vector<16xi32> -> vector<16xf32>
      %jit3A_489 = arith.constant 3.000000e+38 : f32
      %broadcast_in_dim3A_490 = vector.broadcast %jit3A_489 : f32 to vector<16xf32>
      %select_n3A_491 = arith.select %eq3A_102, %broadcast_in_dim3A_490, %gather3A_488 : vector<16xi1>, vector<16xf32>
      %lt3A_492 = vector.broadcast %squeeze3A_485 : f32 to vector<16xf32>
      %lt3A_493 = arith.cmpf olt, %select_n3A_491, %lt3A_492 : vector<16xf32>
      %lt3A_494 = vector.broadcast %squeeze3A_485 : f32 to vector<16xf32>
      %lt3A_495 = arith.cmpf olt, %get3A_483, %lt3A_494 : vector<16xf32>
      %broadcast_in_dim3A_496 = vector.broadcast %squeeze3A_485 : f32 to vector<16xf32>
      %select_n3A_497 = arith.select %lt3A_495, %broadcast_in_dim3A_496, %get3A_483 : vector<16xi1>, vector<16xf32>
      %select_n3A_498 = arith.select %lt3A_493, %select_n3A_491, %select_n3A_497 : vector<16xi1>, vector<16xf32>
      %swap3A_499 = arith.index_cast %mul3A_481 : i32 to index
      %swap3A_500 = tpu.vector_load %arg14[%swap3A_499] {strides = array<i32>} : memref<1024xf32, #tpu.memory_space<vmem>>, vector<16xf32>,
      tpu.vector_store %arg14[%swap3A_499], %select_n3A_498 {strides = array<i32>} : memref<1024xf32, #tpu.memory_space<vmem>>, vector<16xf32>,
      %slice3A_501 = vector.extract_strided_slice %get3A_232 {offsets = [11], sizes = [1], strides = [1]} : vector<16xi32> to vector<1xi32>
      %squeeze3A_502 = vector.extract %slice3A_501[0] : i32 from vector<1xi32>
      %sub3A_503 = arith.subi %squeeze3A_502, %mul3A_1 : i32
      %mul3A_504 = arith.constant 16 : i32
      %mul3A_505 = arith.muli %sub3A_503, %mul3A_504 : i32
      %get3A_506 = arith.index_cast %mul3A_505 : i32 to index
      %get3A_507 = tpu.vector_load %arg15[%get3A_506] {strides = array<i32>} : memref<1024xf32, #tpu.memory_space<vmem>>, vector<16xf32>,
      %slice3A_508 = vector.extract_strided_slice %get3A_238 {offsets = [11], sizes = [1], strides = [1]} : vector<16xf32> to vector<1xf32>
      %squeeze3A_509 = vector.extract %slice3A_508[0] : f32 from vector<1xf32>
      %broadcast_in_dim3A_510 = vector.shape_cast %min3A_99 : vector<16xi32> to vector<16x1xi32>
      %gather3A_511 = vector.shape_cast %broadcast_in_dim3A_510 : vector<16x1xi32> to vector<16xi32>
      %gather3A_512 = tpu.dynamic_gather %get3A_507[%gather3A_511] in [0] : vector<16xf32>, vector<16xi32> -> vector<16xf32>
      %jit3A_513 = arith.constant 3.000000e+38 : f32
      %broadcast_in_dim3A_514 = vector.broadcast %jit3A_513 : f32 to vector<16xf32>
      %select_n3A_515 = arith.select %eq3A_102, %broadcast_in_dim3A_514, %gather3A_512 : vector<16xi1>, vector<16xf32>
      %lt3A_516 = vector.broadcast %squeeze3A_509 : f32 to vector<16xf32>
      %lt3A_517 = arith.cmpf olt, %select_n3A_515, %lt3A_516 : vector<16xf32>
      %lt3A_518 = vector.broadcast %squeeze3A_509 : f32 to vector<16xf32>
      %lt3A_519 = arith.cmpf olt, %get3A_507, %lt3A_518 : vector<16xf32>
      %broadcast_in_dim3A_520 = vector.broadcast %squeeze3A_509 : f32 to vector<16xf32>
      %select_n3A_521 = arith.select %lt3A_519, %broadcast_in_dim3A_520, %get3A_507 : vector<16xi1>, vector<16xf32>
      %select_n3A_522 = arith.select %lt3A_517, %select_n3A_515, %select_n3A_521 : vector<16xi1>, vector<16xf32>
      %swap3A_523 = arith.index_cast %mul3A_505 : i32 to index
      %swap3A_524 = tpu.vector_load %arg15[%swap3A_523] {strides = array<i32>} : memref<1024xf32, #tpu.memory_space<vmem>>, vector<16xf32>,
      tpu.vector_store %arg15[%swap3A_523], %select_n3A_522 {strides = array<i32>} : memref<1024xf32, #tpu.memory_space<vmem>>, vector<16xf32>,
      %slice3A_525 = vector.extract_strided_slice %get3A_232 {offsets = [12], sizes = [1], strides = [1]} : vector<16xi32> to vector<1xi32>
      %squeeze3A_526 = vector.extract %slice3A_525[0] : i32 from vector<1xi32>
      %sub3A_527 = arith.subi %squeeze3A_526, %mul3A_1 : i32
      %mul3A_528 = arith.constant 16 : i32
      %mul3A_529 = arith.muli %sub3A_527, %mul3A_528 : i32
      %get3A_530 = arith.index_cast %mul3A_529 : i32 to index
      %get3A_531 = tpu.vector_load %arg12[%get3A_530] {strides = array<i32>} : memref<1024xf32, #tpu.memory_space<vmem>>, vector<16xf32>,
      %slice3A_532 = vector.extract_strided_slice %get3A_238 {offsets = [12], sizes = [1], strides = [1]} : vector<16xf32> to vector<1xf32>
      %squeeze3A_533 = vector.extract %slice3A_532[0] : f32 from vector<1xf32>
      %broadcast_in_dim3A_534 = vector.shape_cast %min3A_99 : vector<16xi32> to vector<16x1xi32>
      %gather3A_535 = vector.shape_cast %broadcast_in_dim3A_534 : vector<16x1xi32> to vector<16xi32>
      %gather3A_536 = tpu.dynamic_gather %get3A_531[%gather3A_535] in [0] : vector<16xf32>, vector<16xi32> -> vector<16xf32>
      %jit3A_537 = arith.constant 3.000000e+38 : f32
      %broadcast_in_dim3A_538 = vector.broadcast %jit3A_537 : f32 to vector<16xf32>
      %select_n3A_539 = arith.select %eq3A_102, %broadcast_in_dim3A_538, %gather3A_536 : vector<16xi1>, vector<16xf32>
      %lt3A_540 = vector.broadcast %squeeze3A_533 : f32 to vector<16xf32>
      %lt3A_541 = arith.cmpf olt, %select_n3A_539, %lt3A_540 : vector<16xf32>
      %lt3A_542 = vector.broadcast %squeeze3A_533 : f32 to vector<16xf32>
      %lt3A_543 = arith.cmpf olt, %get3A_531, %lt3A_542 : vector<16xf32>
      %broadcast_in_dim3A_544 = vector.broadcast %squeeze3A_533 : f32 to vector<16xf32>
      %select_n3A_545 = arith.select %lt3A_543, %broadcast_in_dim3A_544, %get3A_531 : vector<16xi1>, vector<16xf32>
      %select_n3A_546 = arith.select %lt3A_541, %select_n3A_539, %select_n3A_545 : vector<16xi1>, vector<16xf32>
      %swap3A_547 = arith.index_cast %mul3A_529 : i32 to index
      %swap3A_548 = tpu.vector_load %arg12[%swap3A_547] {strides = array<i32>} : memref<1024xf32, #tpu.memory_space<vmem>>, vector<16xf32>,
      tpu.vector_store %arg12[%swap3A_547], %select_n3A_546 {strides = array<i32>} : memref<1024xf32, #tpu.memory_space<vmem>>, vector<16xf32>,
      %slice3A_549 = vector.extract_strided_slice %get3A_232 {offsets = [13], sizes = [1], strides = [1]} : vector<16xi32> to vector<1xi32>
      %squeeze3A_550 = vector.extract %slice3A_549[0] : i32 from vector<1xi32>
      %sub3A_551 = arith.subi %squeeze3A_550, %mul3A_1 : i32
      %mul3A_552 = arith.constant 16 : i32
      %mul3A_553 = arith.muli %sub3A_551, %mul3A_552 : i32
      %get3A_554 = arith.index_cast %mul3A_553 : i32 to index
      %get3A_555 = tpu.vector_load %arg13[%get3A_554] {strides = array<i32>} : memref<1024xf32, #tpu.memory_space<vmem>>, vector<16xf32>,
      %slice3A_556 = vector.extract_strided_slice %get3A_238 {offsets = [13], sizes = [1], strides = [1]} : vector<16xf32> to vector<1xf32>
      %squeeze3A_557 = vector.extract %slice3A_556[0] : f32 from vector<1xf32>
      %broadcast_in_dim3A_558 = vector.shape_cast %min3A_99 : vector<16xi32> to vector<16x1xi32>
      %gather3A_559 = vector.shape_cast %broadcast_in_dim3A_558 : vector<16x1xi32> to vector<16xi32>
      %gather3A_560 = tpu.dynamic_gather %get3A_555[%gather3A_559] in [0] : vector<16xf32>, vector<16xi32> -> vector<16xf32>
      %jit3A_561 = arith.constant 3.000000e+38 : f32
      %broadcast_in_dim3A_562 = vector.broadcast %jit3A_561 : f32 to vector<16xf32>
      %select_n3A_563 = arith.select %eq3A_102, %broadcast_in_dim3A_562, %gather3A_560 : vector<16xi1>, vector<16xf32>
      %lt3A_564 = vector.broadcast %squeeze3A_557 : f32 to vector<16xf32>
      %lt3A_565 = arith.cmpf olt, %select_n3A_563, %lt3A_564 : vector<16xf32>
      %lt3A_566 = vector.broadcast %squeeze3A_557 : f32 to vector<16xf32>
      %lt3A_567 = arith.cmpf olt, %get3A_555, %lt3A_566 : vector<16xf32>
      %broadcast_in_dim3A_568 = vector.broadcast %squeeze3A_557 : f32 to vector<16xf32>
      %select_n3A_569 = arith.select %lt3A_567, %broadcast_in_dim3A_568, %get3A_555 : vector<16xi1>, vector<16xf32>
      %select_n3A_570 = arith.select %lt3A_565, %select_n3A_563, %select_n3A_569 : vector<16xi1>, vector<16xf32>
      %swap3A_571 = arith.index_cast %mul3A_553 : i32 to index
      %swap3A_572 = tpu.vector_load %arg13[%swap3A_571] {strides = array<i32>} : memref<1024xf32, #tpu.memory_space<vmem>>, vector<16xf32>,
      tpu.vector_store %arg13[%swap3A_571], %select_n3A_570 {strides = array<i32>} : memref<1024xf32, #tpu.memory_space<vmem>>, vector<16xf32>,
      %slice3A_573 = vector.extract_strided_slice %get3A_232 {offsets = [14], sizes = [1], strides = [1]} : vector<16xi32> to vector<1xi32>
      %squeeze3A_574 = vector.extract %slice3A_573[0] : i32 from vector<1xi32>
      %sub3A_575 = arith.subi %squeeze3A_574, %mul3A_1 : i32
      %mul3A_576 = arith.constant 16 : i32
      %mul3A_577 = arith.muli %sub3A_575, %mul3A_576 : i32
      %get3A_578 = arith.index_cast %mul3A_577 : i32 to index
      %get3A_579 = tpu.vector_load %arg14[%get3A_578] {strides = array<i32>} : memref<1024xf32, #tpu.memory_space<vmem>>, vector<16xf32>,
      %slice3A_580 = vector.extract_strided_slice %get3A_238 {offsets = [14], sizes = [1], strides = [1]} : vector<16xf32> to vector<1xf32>
      %squeeze3A_581 = vector.extract %slice3A_580[0] : f32 from vector<1xf32>
      %broadcast_in_dim3A_582 = vector.shape_cast %min3A_99 : vector<16xi32> to vector<16x1xi32>
      %gather3A_583 = vector.shape_cast %broadcast_in_dim3A_582 : vector<16x1xi32> to vector<16xi32>
      %gather3A_584 = tpu.dynamic_gather %get3A_579[%gather3A_583] in [0] : vector<16xf32>, vector<16xi32> -> vector<16xf32>
      %jit3A_585 = arith.constant 3.000000e+38 : f32
      %broadcast_in_dim3A_586 = vector.broadcast %jit3A_585 : f32 to vector<16xf32>
      %select_n3A_587 = arith.select %eq3A_102, %broadcast_in_dim3A_586, %gather3A_584 : vector<16xi1>, vector<16xf32>
      %lt3A_588 = vector.broadcast %squeeze3A_581 : f32 to vector<16xf32>
      %lt3A_589 = arith.cmpf olt, %select_n3A_587, %lt3A_588 : vector<16xf32>
      %lt3A_590 = vector.broadcast %squeeze3A_581 : f32 to vector<16xf32>
      %lt3A_591 = arith.cmpf olt, %get3A_579, %lt3A_590 : vector<16xf32>
      %broadcast_in_dim3A_592 = vector.broadcast %squeeze3A_581 : f32 to vector<16xf32>
      %select_n3A_593 = arith.select %lt3A_591, %broadcast_in_dim3A_592, %get3A_579 : vector<16xi1>, vector<16xf32>
      %select_n3A_594 = arith.select %lt3A_589, %select_n3A_587, %select_n3A_593 : vector<16xi1>, vector<16xf32>
      %swap3A_595 = arith.index_cast %mul3A_577 : i32 to index
      %swap3A_596 = tpu.vector_load %arg14[%swap3A_595] {strides = array<i32>} : memref<1024xf32, #tpu.memory_space<vmem>>, vector<16xf32>,
      tpu.vector_store %arg14[%swap3A_595], %select_n3A_594 {strides = array<i32>} : memref<1024xf32, #tpu.memory_space<vmem>>, vector<16xf32>,
      %slice3A_597 = vector.extract_strided_slice %get3A_232 {offsets = [15], sizes = [1], strides = [1]} : vector<16xi32> to vector<1xi32>
      %squeeze3A_598 = vector.extract %slice3A_597[0] : i32 from vector<1xi32>
      %sub3A_599 = arith.subi %squeeze3A_598, %mul3A_1 : i32
      %mul3A_600 = arith.constant 16 : i32
      %mul3A_601 = arith.muli %sub3A_599, %mul3A_600 : i32
      %get3A_602 = arith.index_cast %mul3A_601 : i32 to index
      %get3A_603 = tpu.vector_load %arg15[%get3A_602] {strides = array<i32>} : memref<1024xf32, #tpu.memory_space<vmem>>, vector<16xf32>,
      %slice3A_604 = vector.extract_strided_slice %get3A_238 {offsets = [15], sizes = [1], strides = [1]} : vector<16xf32> to vector<1xf32>
      %squeeze3A_605 = vector.extract %slice3A_604[0] : f32 from vector<1xf32>
      %broadcast_in_dim3A_606 = vector.shape_cast %min3A_99 : vector<16xi32> to vector<16x1xi32>
      %gather3A_607 = vector.shape_cast %broadcast_in_dim3A_606 : vector<16x1xi32> to vector<16xi32>
      %gather3A_608 = tpu.dynamic_gather %get3A_603[%gather3A_607] in [0] : vector<16xf32>, vector<16xi32> -> vector<16xf32>
      %jit3A_609 = arith.constant 3.000000e+38 : f32
      %broadcast_in_dim3A_610 = vector.broadcast %jit3A_609 : f32 to vector<16xf32>
      %select_n3A_611 = arith.select %eq3A_102, %broadcast_in_dim3A_610, %gather3A_608 : vector<16xi1>, vector<16xf32>
      %lt3A_612 = vector.broadcast %squeeze3A_605 : f32 to vector<16xf32>
      %lt3A_613 = arith.cmpf olt, %select_n3A_611, %lt3A_612 : vector<16xf32>
      %lt3A_614 = vector.broadcast %squeeze3A_605 : f32 to vector<16xf32>
      %lt3A_615 = arith.cmpf olt, %get3A_603, %lt3A_614 : vector<16xf32>
      %broadcast_in_dim3A_616 = vector.broadcast %squeeze3A_605 : f32 to vector<16xf32>
      %select_n3A_617 = arith.select %lt3A_615, %broadcast_in_dim3A_616, %get3A_603 : vector<16xi1>, vector<16xf32>
      %select_n3A_618 = arith.select %lt3A_613, %select_n3A_611, %select_n3A_617 : vector<16xi1>, vector<16xf32>
      %swap3A_619 = arith.index_cast %mul3A_601 : i32 to index
      %swap3A_620 = tpu.vector_load %arg15[%swap3A_619] {strides = array<i32>} : memref<1024xf32, #tpu.memory_space<vmem>>, vector<16xf32>,
      tpu.vector_store %arg15[%swap3A_619], %select_n3A_618 {strides = array<i32>} : memref<1024xf32, #tpu.memory_space<vmem>>, vector<16xf32>,
    }
    %add3A_135 = arith.constant 16 : i32
    %add3A_136 = arith.addi %scan3A_55#1, %add3A_135 : i32
    %sub3A_137 = arith.constant 1 : i32
    %sub3A_138 = arith.subi %add3A_136, %sub3A_137 : i32
    %jit3A_139 = arith.constant 16 : i32
    %div3A_140 = arith.divsi %sub3A_138, %jit3A_139 : i32
    %sign3A_141 = arith.constant 0 : i32
    %sign3A_142 = arith.cmpi sgt, %sub3A_138, %sign3A_141 : i32
    %sign3A_143 = arith.extui %sign3A_142 : i1 to i32
    %sign3A_144 = arith.constant 0 : i32
    %sign3A_145 = arith.cmpi slt, %sub3A_138, %sign3A_144 : i32
    %sign3A_146 = arith.extui %sign3A_145 : i1 to i32
    %sign3A_147 = arith.subi %sign3A_143, %sign3A_146 : i32
    %sign3A_148 = arith.constant 0 : i32
    %sign3A_149 = arith.cmpi sgt, %jit3A_139, %sign3A_148 : i32
    %sign3A_150 = arith.extui %sign3A_149 : i1 to i32
    %sign3A_151 = arith.constant 0 : i32
    %sign3A_152 = arith.cmpi slt, %jit3A_139, %sign3A_151 : i32
    %sign3A_153 = arith.extui %sign3A_152 : i1 to i32
    %sign3A_154 = arith.subi %sign3A_150, %sign3A_153 : i32
    %ne3A_155 = arith.cmpi ne, %sign3A_147, %sign3A_154 : i32
    %rem3A_156 = arith.remsi %sub3A_138, %jit3A_139 : i32
    %ne3A_157 = arith.constant 0 : i32
    %ne3A_158 = arith.cmpi ne, %rem3A_156, %ne3A_157 : i32
    %and3A_159 = arith.andi %ne3A_155, %ne3A_158 : i1
    %sub3A_160 = arith.constant 1 : i32
    %sub3A_161 = arith.subi %div3A_140, %sub3A_160 : i32
    %select_n3A_162 = arith.select %and3A_159, %sub3A_161, %div3A_140 : i32
    %while3A_163 = arith.constant 0 : i32
    %while3A_164 = arith.constant 0 : i32
    %while3A_165 = arith.subi %select_n3A_162, %while3A_164 : i32
    %while3A_166 = arith.addi %while3A_164, %while3A_165 : i32
    %while3A_167 = arith.constant 1 : i32
    %while3A_168 = arith.divsi %while3A_165, %while3A_167 : i32
    %while3A_169 = arith.muli %while3A_168, %while3A_167 : i32
    %while3A_170 = arith.addi %while3A_164, %while3A_169 : i32
    %while3A_171 = arith.constant 1 : i32
    scf.for %while3A_227 = %while3A_164 to %while3A_170 step %while3A_171  : i32 {
      %mul3A_228 = arith.constant 16 : i32
      %mul3A_229 = arith.muli %while3A_227, %mul3A_228 : i32
      %add3A_230 = arith.constant 10256 : i32
      %add3A_231 = arith.addi %add3A_230, %mul3A_229 : i32
      %get3A = arith.index_cast %add3A_231 : i32 to index
      %get3A_232 = tpu.vector_load %arg11[%get3A] {strides = array<i32>} : memref<20512xi32, #tpu.memory_space<vmem>>, vector<16xi32>,
      %mul3A_233 = arith.constant 16 : i32
      %mul3A_234 = arith.muli %while3A_227, %mul3A_233 : i32
      %add3A_235 = arith.constant 10256 : i32
      %add3A_236 = arith.addi %add3A_235, %mul3A_234 : i32
      %get3A_237 = arith.index_cast %add3A_236 : i32 to index
      %get3A_238 = tpu.vector_load %arg10[%get3A_237] {strides = array<i32>} : memref<20512xf32, #tpu.memory_space<vmem>>, vector<16xf32>,
      %slice3A_239 = vector.extract_strided_slice %get3A_232 {offsets = [0], sizes = [1], strides = [1]} : vector<16xi32> to vector<1xi32>
      %squeeze3A_240 = vector.extract %slice3A_239[0] : i32 from vector<1xi32>
      %sub3A_241 = arith.subi %squeeze3A_240, %mul3A_1 : i32
      %mul3A_242 = arith.constant 16 : i32
      %mul3A_243 = arith.muli %sub3A_241, %mul3A_242 : i32
      %get3A_244 = arith.index_cast %mul3A_243 : i32 to index
      %get3A_245 = tpu.vector_load %arg12[%get3A_244] {strides = array<i32>} : memref<1024xf32, #tpu.memory_space<vmem>>, vector<16xf32>,
      %slice3A_246 = vector.extract_strided_slice %get3A_238 {offsets = [0], sizes = [1], strides = [1]} : vector<16xf32> to vector<1xf32>
      %squeeze3A_247 = vector.extract %slice3A_246[0] : f32 from vector<1xf32>
      %broadcast_in_dim3A_248 = vector.shape_cast %min3A_99 : vector<16xi32> to vector<16x1xi32>
      %gather3A = vector.shape_cast %broadcast_in_dim3A_248 : vector<16x1xi32> to vector<16xi32>
      %gather3A_249 = tpu.dynamic_gather %get3A_245[%gather3A] in [0] : vector<16xf32>, vector<16xi32> -> vector<16xf32>
      %jit3A_250 = arith.constant 3.000000e+38 : f32
      %broadcast_in_dim3A_251 = vector.broadcast %jit3A_250 : f32 to vector<16xf32>
      %select_n3A_252 = arith.select %eq3A_102, %broadcast_in_dim3A_251, %gather3A_249 : vector<16xi1>, vector<16xf32>
      %lt3A = vector.broadcast %squeeze3A_247 : f32 to vector<16xf32>
      %lt3A_253 = arith.cmpf olt, %select_n3A_252, %lt3A : vector<16xf32>
      %lt3A_254 = vector.broadcast %squeeze3A_247 : f32 to vector<16xf32>
      %lt3A_255 = arith.cmpf olt, %get3A_245, %lt3A_254 : vector<16xf32>
      %broadcast_in_dim3A_256 = vector.broadcast %squeeze3A_247 : f32 to vector<16xf32>
      %select_n3A_257 = arith.select %lt3A_255, %broadcast_in_dim3A_256, %get3A_245 : vector<16xi1>, vector<16xf32>
      %select_n3A_258 = arith.select %lt3A_253, %select_n3A_252, %select_n3A_257 : vector<16xi1>, vector<16xf32>
      %swap3A_259 = arith.index_cast %mul3A_243 : i32 to index
      %swap3A_260 = tpu.vector_load %arg12[%swap3A_259] {strides = array<i32>} : memref<1024xf32, #tpu.memory_space<vmem>>, vector<16xf32>,
      tpu.vector_store %arg12[%swap3A_259], %select_n3A_258 {strides = array<i32>} : memref<1024xf32, #tpu.memory_space<vmem>>, vector<16xf32>,
      %slice3A_261 = vector.extract_strided_slice %get3A_232 {offsets = [1], sizes = [1], strides = [1]} : vector<16xi32> to vector<1xi32>
      %squeeze3A_262 = vector.extract %slice3A_261[0] : i32 from vector<1xi32>
      %sub3A_263 = arith.subi %squeeze3A_262, %mul3A_1 : i32
      %mul3A_264 = arith.constant 16 : i32
      %mul3A_265 = arith.muli %sub3A_263, %mul3A_264 : i32
      %get3A_266 = arith.index_cast %mul3A_265 : i32 to index
      %get3A_267 = tpu.vector_load %arg13[%get3A_266] {strides = array<i32>} : memref<1024xf32, #tpu.memory_space<vmem>>, vector<16xf32>,
      %slice3A_268 = vector.extract_strided_slice %get3A_238 {offsets = [1], sizes = [1], strides = [1]} : vector<16xf32> to vector<1xf32>
      %squeeze3A_269 = vector.extract %slice3A_268[0] : f32 from vector<1xf32>
      %broadcast_in_dim3A_270 = vector.shape_cast %min3A_99 : vector<16xi32> to vector<16x1xi32>
      %gather3A_271 = vector.shape_cast %broadcast_in_dim3A_270 : vector<16x1xi32> to vector<16xi32>
      %gather3A_272 = tpu.dynamic_gather %get3A_267[%gather3A_271] in [0] : vector<16xf32>, vector<16xi32> -> vector<16xf32>
      %jit3A_273 = arith.constant 3.000000e+38 : f32
      %broadcast_in_dim3A_274 = vector.broadcast %jit3A_273 : f32 to vector<16xf32>
      %select_n3A_275 = arith.select %eq3A_102, %broadcast_in_dim3A_274, %gather3A_272 : vector<16xi1>, vector<16xf32>
      %lt3A_276 = vector.broadcast %squeeze3A_269 : f32 to vector<16xf32>
      %lt3A_277 = arith.cmpf olt, %select_n3A_275, %lt3A_276 : vector<16xf32>
      %lt3A_278 = vector.broadcast %squeeze3A_269 : f32 to vector<16xf32>
      %lt3A_279 = arith.cmpf olt, %get3A_267, %lt3A_278 : vector<16xf32>
      %broadcast_in_dim3A_280 = vector.broadcast %squeeze3A_269 : f32 to vector<16xf32>
      %select_n3A_281 = arith.select %lt3A_279, %broadcast_in_dim3A_280, %get3A_267 : vector<16xi1>, vector<16xf32>
      %select_n3A_282 = arith.select %lt3A_277, %select_n3A_275, %select_n3A_281 : vector<16xi1>, vector<16xf32>
      %swap3A_283 = arith.index_cast %mul3A_265 : i32 to index
      %swap3A_284 = tpu.vector_load %arg13[%swap3A_283] {strides = array<i32>} : memref<1024xf32, #tpu.memory_space<vmem>>, vector<16xf32>,
      tpu.vector_store %arg13[%swap3A_283], %select_n3A_282 {strides = array<i32>} : memref<1024xf32, #tpu.memory_space<vmem>>, vector<16xf32>,
      %slice3A_285 = vector.extract_strided_slice %get3A_232 {offsets = [2], sizes = [1], strides = [1]} : vector<16xi32> to vector<1xi32>
      %squeeze3A_286 = vector.extract %slice3A_285[0] : i32 from vector<1xi32>
      %sub3A_287 = arith.subi %squeeze3A_286, %mul3A_1 : i32
      %mul3A_288 = arith.constant 16 : i32
      %mul3A_289 = arith.muli %sub3A_287, %mul3A_288 : i32
      %get3A_290 = arith.index_cast %mul3A_289 : i32 to index
      %get3A_291 = tpu.vector_load %arg14[%get3A_290] {strides = array<i32>} : memref<1024xf32, #tpu.memory_space<vmem>>, vector<16xf32>,
      %slice3A_292 = vector.extract_strided_slice %get3A_238 {offsets = [2], sizes = [1], strides = [1]} : vector<16xf32> to vector<1xf32>
      %squeeze3A_293 = vector.extract %slice3A_292[0] : f32 from vector<1xf32>
      %broadcast_in_dim3A_294 = vector.shape_cast %min3A_99 : vector<16xi32> to vector<16x1xi32>
      %gather3A_295 = vector.shape_cast %broadcast_in_dim3A_294 : vector<16x1xi32> to vector<16xi32>
      %gather3A_296 = tpu.dynamic_gather %get3A_291[%gather3A_295] in [0] : vector<16xf32>, vector<16xi32> -> vector<16xf32>
      %jit3A_297 = arith.constant 3.000000e+38 : f32
      %broadcast_in_dim3A_298 = vector.broadcast %jit3A_297 : f32 to vector<16xf32>
      %select_n3A_299 = arith.select %eq3A_102, %broadcast_in_dim3A_298, %gather3A_296 : vector<16xi1>, vector<16xf32>
      %lt3A_300 = vector.broadcast %squeeze3A_293 : f32 to vector<16xf32>
      %lt3A_301 = arith.cmpf olt, %select_n3A_299, %lt3A_300 : vector<16xf32>
      %lt3A_302 = vector.broadcast %squeeze3A_293 : f32 to vector<16xf32>
      %lt3A_303 = arith.cmpf olt, %get3A_291, %lt3A_302 : vector<16xf32>
      %broadcast_in_dim3A_304 = vector.broadcast %squeeze3A_293 : f32 to vector<16xf32>
      %select_n3A_305 = arith.select %lt3A_303, %broadcast_in_dim3A_304, %get3A_291 : vector<16xi1>, vector<16xf32>
      %select_n3A_306 = arith.select %lt3A_301, %select_n3A_299, %select_n3A_305 : vector<16xi1>, vector<16xf32>
      %swap3A_307 = arith.index_cast %mul3A_289 : i32 to index
      %swap3A_308 = tpu.vector_load %arg14[%swap3A_307] {strides = array<i32>} : memref<1024xf32, #tpu.memory_space<vmem>>, vector<16xf32>,
      tpu.vector_store %arg14[%swap3A_307], %select_n3A_306 {strides = array<i32>} : memref<1024xf32, #tpu.memory_space<vmem>>, vector<16xf32>,
      %slice3A_309 = vector.extract_strided_slice %get3A_232 {offsets = [3], sizes = [1], strides = [1]} : vector<16xi32> to vector<1xi32>
      %squeeze3A_310 = vector.extract %slice3A_309[0] : i32 from vector<1xi32>
      %sub3A_311 = arith.subi %squeeze3A_310, %mul3A_1 : i32
      %mul3A_312 = arith.constant 16 : i32
      %mul3A_313 = arith.muli %sub3A_311, %mul3A_312 : i32
      %get3A_314 = arith.index_cast %mul3A_313 : i32 to index
      %get3A_315 = tpu.vector_load %arg15[%get3A_314] {strides = array<i32>} : memref<1024xf32, #tpu.memory_space<vmem>>, vector<16xf32>,
      %slice3A_316 = vector.extract_strided_slice %get3A_238 {offsets = [3], sizes = [1], strides = [1]} : vector<16xf32> to vector<1xf32>
      %squeeze3A_317 = vector.extract %slice3A_316[0] : f32 from vector<1xf32>
      %broadcast_in_dim3A_318 = vector.shape_cast %min3A_99 : vector<16xi32> to vector<16x1xi32>
      %gather3A_319 = vector.shape_cast %broadcast_in_dim3A_318 : vector<16x1xi32> to vector<16xi32>
      %gather3A_320 = tpu.dynamic_gather %get3A_315[%gather3A_319] in [0] : vector<16xf32>, vector<16xi32> -> vector<16xf32>
      %jit3A_321 = arith.constant 3.000000e+38 : f32
      %broadcast_in_dim3A_322 = vector.broadcast %jit3A_321 : f32 to vector<16xf32>
      %select_n3A_323 = arith.select %eq3A_102, %broadcast_in_dim3A_322, %gather3A_320 : vector<16xi1>, vector<16xf32>
      %lt3A_324 = vector.broadcast %squeeze3A_317 : f32 to vector<16xf32>
      %lt3A_325 = arith.cmpf olt, %select_n3A_323, %lt3A_324 : vector<16xf32>
      %lt3A_326 = vector.broadcast %squeeze3A_317 : f32 to vector<16xf32>
      %lt3A_327 = arith.cmpf olt, %get3A_315, %lt3A_326 : vector<16xf32>
      %broadcast_in_dim3A_328 = vector.broadcast %squeeze3A_317 : f32 to vector<16xf32>
      %select_n3A_329 = arith.select %lt3A_327, %broadcast_in_dim3A_328, %get3A_315 : vector<16xi1>, vector<16xf32>
      %select_n3A_330 = arith.select %lt3A_325, %select_n3A_323, %select_n3A_329 : vector<16xi1>, vector<16xf32>
      %swap3A_331 = arith.index_cast %mul3A_313 : i32 to index
      %swap3A_332 = tpu.vector_load %arg15[%swap3A_331] {strides = array<i32>} : memref<1024xf32, #tpu.memory_space<vmem>>, vector<16xf32>,
      tpu.vector_store %arg15[%swap3A_331], %select_n3A_330 {strides = array<i32>} : memref<1024xf32, #tpu.memory_space<vmem>>, vector<16xf32>,
      %slice3A_333 = vector.extract_strided_slice %get3A_232 {offsets = [4], sizes = [1], strides = [1]} : vector<16xi32> to vector<1xi32>
      %squeeze3A_334 = vector.extract %slice3A_333[0] : i32 from vector<1xi32>
      %sub3A_335 = arith.subi %squeeze3A_334, %mul3A_1 : i32
      %mul3A_336 = arith.constant 16 : i32
      %mul3A_337 = arith.muli %sub3A_335, %mul3A_336 : i32
      %get3A_338 = arith.index_cast %mul3A_337 : i32 to index
      %get3A_339 = tpu.vector_load %arg12[%get3A_338] {strides = array<i32>} : memref<1024xf32, #tpu.memory_space<vmem>>, vector<16xf32>,
      %slice3A_340 = vector.extract_strided_slice %get3A_238 {offsets = [4], sizes = [1], strides = [1]} : vector<16xf32> to vector<1xf32>
      %squeeze3A_341 = vector.extract %slice3A_340[0] : f32 from vector<1xf32>
      %broadcast_in_dim3A_342 = vector.shape_cast %min3A_99 : vector<16xi32> to vector<16x1xi32>
      %gather3A_343 = vector.shape_cast %broadcast_in_dim3A_342 : vector<16x1xi32> to vector<16xi32>
      %gather3A_344 = tpu.dynamic_gather %get3A_339[%gather3A_343] in [0] : vector<16xf32>, vector<16xi32> -> vector<16xf32>
      %jit3A_345 = arith.constant 3.000000e+38 : f32
      %broadcast_in_dim3A_346 = vector.broadcast %jit3A_345 : f32 to vector<16xf32>
      %select_n3A_347 = arith.select %eq3A_102, %broadcast_in_dim3A_346, %gather3A_344 : vector<16xi1>, vector<16xf32>
      %lt3A_348 = vector.broadcast %squeeze3A_341 : f32 to vector<16xf32>
      %lt3A_349 = arith.cmpf olt, %select_n3A_347, %lt3A_348 : vector<16xf32>
      %lt3A_350 = vector.broadcast %squeeze3A_341 : f32 to vector<16xf32>
      %lt3A_351 = arith.cmpf olt, %get3A_339, %lt3A_350 : vector<16xf32>
      %broadcast_in_dim3A_352 = vector.broadcast %squeeze3A_341 : f32 to vector<16xf32>
      %select_n3A_353 = arith.select %lt3A_351, %broadcast_in_dim3A_352, %get3A_339 : vector<16xi1>, vector<16xf32>
      %select_n3A_354 = arith.select %lt3A_349, %select_n3A_347, %select_n3A_353 : vector<16xi1>, vector<16xf32>
      %swap3A_355 = arith.index_cast %mul3A_337 : i32 to index
      %swap3A_356 = tpu.vector_load %arg12[%swap3A_355] {strides = array<i32>} : memref<1024xf32, #tpu.memory_space<vmem>>, vector<16xf32>,
      tpu.vector_store %arg12[%swap3A_355], %select_n3A_354 {strides = array<i32>} : memref<1024xf32, #tpu.memory_space<vmem>>, vector<16xf32>,
      %slice3A_357 = vector.extract_strided_slice %get3A_232 {offsets = [5], sizes = [1], strides = [1]} : vector<16xi32> to vector<1xi32>
      %squeeze3A_358 = vector.extract %slice3A_357[0] : i32 from vector<1xi32>
      %sub3A_359 = arith.subi %squeeze3A_358, %mul3A_1 : i32
      %mul3A_360 = arith.constant 16 : i32
      %mul3A_361 = arith.muli %sub3A_359, %mul3A_360 : i32
      %get3A_362 = arith.index_cast %mul3A_361 : i32 to index
      %get3A_363 = tpu.vector_load %arg13[%get3A_362] {strides = array<i32>} : memref<1024xf32, #tpu.memory_space<vmem>>, vector<16xf32>,
      %slice3A_364 = vector.extract_strided_slice %get3A_238 {offsets = [5], sizes = [1], strides = [1]} : vector<16xf32> to vector<1xf32>
      %squeeze3A_365 = vector.extract %slice3A_364[0] : f32 from vector<1xf32>
      %broadcast_in_dim3A_366 = vector.shape_cast %min3A_99 : vector<16xi32> to vector<16x1xi32>
      %gather3A_367 = vector.shape_cast %broadcast_in_dim3A_366 : vector<16x1xi32> to vector<16xi32>
      %gather3A_368 = tpu.dynamic_gather %get3A_363[%gather3A_367] in [0] : vector<16xf32>, vector<16xi32> -> vector<16xf32>
      %jit3A_369 = arith.constant 3.000000e+38 : f32
      %broadcast_in_dim3A_370 = vector.broadcast %jit3A_369 : f32 to vector<16xf32>
      %select_n3A_371 = arith.select %eq3A_102, %broadcast_in_dim3A_370, %gather3A_368 : vector<16xi1>, vector<16xf32>
      %lt3A_372 = vector.broadcast %squeeze3A_365 : f32 to vector<16xf32>
      %lt3A_373 = arith.cmpf olt, %select_n3A_371, %lt3A_372 : vector<16xf32>
      %lt3A_374 = vector.broadcast %squeeze3A_365 : f32 to vector<16xf32>
      %lt3A_375 = arith.cmpf olt, %get3A_363, %lt3A_374 : vector<16xf32>
      %broadcast_in_dim3A_376 = vector.broadcast %squeeze3A_365 : f32 to vector<16xf32>
      %select_n3A_377 = arith.select %lt3A_375, %broadcast_in_dim3A_376, %get3A_363 : vector<16xi1>, vector<16xf32>
      %select_n3A_378 = arith.select %lt3A_373, %select_n3A_371, %select_n3A_377 : vector<16xi1>, vector<16xf32>
      %swap3A_379 = arith.index_cast %mul3A_361 : i32 to index
      %swap3A_380 = tpu.vector_load %arg13[%swap3A_379] {strides = array<i32>} : memref<1024xf32, #tpu.memory_space<vmem>>, vector<16xf32>,
      tpu.vector_store %arg13[%swap3A_379], %select_n3A_378 {strides = array<i32>} : memref<1024xf32, #tpu.memory_space<vmem>>, vector<16xf32>,
      %slice3A_381 = vector.extract_strided_slice %get3A_232 {offsets = [6], sizes = [1], strides = [1]} : vector<16xi32> to vector<1xi32>
      %squeeze3A_382 = vector.extract %slice3A_381[0] : i32 from vector<1xi32>
      %sub3A_383 = arith.subi %squeeze3A_382, %mul3A_1 : i32
      %mul3A_384 = arith.constant 16 : i32
      %mul3A_385 = arith.muli %sub3A_383, %mul3A_384 : i32
      %get3A_386 = arith.index_cast %mul3A_385 : i32 to index
      %get3A_387 = tpu.vector_load %arg14[%get3A_386] {strides = array<i32>} : memref<1024xf32, #tpu.memory_space<vmem>>, vector<16xf32>,
      %slice3A_388 = vector.extract_strided_slice %get3A_238 {offsets = [6], sizes = [1], strides = [1]} : vector<16xf32> to vector<1xf32>
      %squeeze3A_389 = vector.extract %slice3A_388[0] : f32 from vector<1xf32>
      %broadcast_in_dim3A_390 = vector.shape_cast %min3A_99 : vector<16xi32> to vector<16x1xi32>
      %gather3A_391 = vector.shape_cast %broadcast_in_dim3A_390 : vector<16x1xi32> to vector<16xi32>
      %gather3A_392 = tpu.dynamic_gather %get3A_387[%gather3A_391] in [0] : vector<16xf32>, vector<16xi32> -> vector<16xf32>
      %jit3A_393 = arith.constant 3.000000e+38 : f32
      %broadcast_in_dim3A_394 = vector.broadcast %jit3A_393 : f32 to vector<16xf32>
      %select_n3A_395 = arith.select %eq3A_102, %broadcast_in_dim3A_394, %gather3A_392 : vector<16xi1>, vector<16xf32>
      %lt3A_396 = vector.broadcast %squeeze3A_389 : f32 to vector<16xf32>
      %lt3A_397 = arith.cmpf olt, %select_n3A_395, %lt3A_396 : vector<16xf32>
      %lt3A_398 = vector.broadcast %squeeze3A_389 : f32 to vector<16xf32>
      %lt3A_399 = arith.cmpf olt, %get3A_387, %lt3A_398 : vector<16xf32>
      %broadcast_in_dim3A_400 = vector.broadcast %squeeze3A_389 : f32 to vector<16xf32>
      %select_n3A_401 = arith.select %lt3A_399, %broadcast_in_dim3A_400, %get3A_387 : vector<16xi1>, vector<16xf32>
      %select_n3A_402 = arith.select %lt3A_397, %select_n3A_395, %select_n3A_401 : vector<16xi1>, vector<16xf32>
      %swap3A_403 = arith.index_cast %mul3A_385 : i32 to index
      %swap3A_404 = tpu.vector_load %arg14[%swap3A_403] {strides = array<i32>} : memref<1024xf32, #tpu.memory_space<vmem>>, vector<16xf32>,
      tpu.vector_store %arg14[%swap3A_403], %select_n3A_402 {strides = array<i32>} : memref<1024xf32, #tpu.memory_space<vmem>>, vector<16xf32>,
      %slice3A_405 = vector.extract_strided_slice %get3A_232 {offsets = [7], sizes = [1], strides = [1]} : vector<16xi32> to vector<1xi32>
      %squeeze3A_406 = vector.extract %slice3A_405[0] : i32 from vector<1xi32>
      %sub3A_407 = arith.subi %squeeze3A_406, %mul3A_1 : i32
      %mul3A_408 = arith.constant 16 : i32
      %mul3A_409 = arith.muli %sub3A_407, %mul3A_408 : i32
      %get3A_410 = arith.index_cast %mul3A_409 : i32 to index
      %get3A_411 = tpu.vector_load %arg15[%get3A_410] {strides = array<i32>} : memref<1024xf32, #tpu.memory_space<vmem>>, vector<16xf32>,
      %slice3A_412 = vector.extract_strided_slice %get3A_238 {offsets = [7], sizes = [1], strides = [1]} : vector<16xf32> to vector<1xf32>
      %squeeze3A_413 = vector.extract %slice3A_412[0] : f32 from vector<1xf32>
      %broadcast_in_dim3A_414 = vector.shape_cast %min3A_99 : vector<16xi32> to vector<16x1xi32>
      %gather3A_415 = vector.shape_cast %broadcast_in_dim3A_414 : vector<16x1xi32> to vector<16xi32>
      %gather3A_416 = tpu.dynamic_gather %get3A_411[%gather3A_415] in [0] : vector<16xf32>, vector<16xi32> -> vector<16xf32>
      %jit3A_417 = arith.constant 3.000000e+38 : f32
      %broadcast_in_dim3A_418 = vector.broadcast %jit3A_417 : f32 to vector<16xf32>
      %select_n3A_419 = arith.select %eq3A_102, %broadcast_in_dim3A_418, %gather3A_416 : vector<16xi1>, vector<16xf32>
      %lt3A_420 = vector.broadcast %squeeze3A_413 : f32 to vector<16xf32>
      %lt3A_421 = arith.cmpf olt, %select_n3A_419, %lt3A_420 : vector<16xf32>
      %lt3A_422 = vector.broadcast %squeeze3A_413 : f32 to vector<16xf32>
      %lt3A_423 = arith.cmpf olt, %get3A_411, %lt3A_422 : vector<16xf32>
      %broadcast_in_dim3A_424 = vector.broadcast %squeeze3A_413 : f32 to vector<16xf32>
      %select_n3A_425 = arith.select %lt3A_423, %broadcast_in_dim3A_424, %get3A_411 : vector<16xi1>, vector<16xf32>
      %select_n3A_426 = arith.select %lt3A_421, %select_n3A_419, %select_n3A_425 : vector<16xi1>, vector<16xf32>
      %swap3A_427 = arith.index_cast %mul3A_409 : i32 to index
      %swap3A_428 = tpu.vector_load %arg15[%swap3A_427] {strides = array<i32>} : memref<1024xf32, #tpu.memory_space<vmem>>, vector<16xf32>,
      tpu.vector_store %arg15[%swap3A_427], %select_n3A_426 {strides = array<i32>} : memref<1024xf32, #tpu.memory_space<vmem>>, vector<16xf32>,
      %slice3A_429 = vector.extract_strided_slice %get3A_232 {offsets = [8], sizes = [1], strides = [1]} : vector<16xi32> to vector<1xi32>
      %squeeze3A_430 = vector.extract %slice3A_429[0] : i32 from vector<1xi32>
      %sub3A_431 = arith.subi %squeeze3A_430, %mul3A_1 : i32
      %mul3A_432 = arith.constant 16 : i32
      %mul3A_433 = arith.muli %sub3A_431, %mul3A_432 : i32
      %get3A_434 = arith.index_cast %mul3A_433 : i32 to index
      %get3A_435 = tpu.vector_load %arg12[%get3A_434] {strides = array<i32>} : memref<1024xf32, #tpu.memory_space<vmem>>, vector<16xf32>,
      %slice3A_436 = vector.extract_strided_slice %get3A_238 {offsets = [8], sizes = [1], strides = [1]} : vector<16xf32> to vector<1xf32>
      %squeeze3A_437 = vector.extract %slice3A_436[0] : f32 from vector<1xf32>
      %broadcast_in_dim3A_438 = vector.shape_cast %min3A_99 : vector<16xi32> to vector<16x1xi32>
      %gather3A_439 = vector.shape_cast %broadcast_in_dim3A_438 : vector<16x1xi32> to vector<16xi32>
      %gather3A_440 = tpu.dynamic_gather %get3A_435[%gather3A_439] in [0] : vector<16xf32>, vector<16xi32> -> vector<16xf32>
      %jit3A_441 = arith.constant 3.000000e+38 : f32
      %broadcast_in_dim3A_442 = vector.broadcast %jit3A_441 : f32 to vector<16xf32>
      %select_n3A_443 = arith.select %eq3A_102, %broadcast_in_dim3A_442, %gather3A_440 : vector<16xi1>, vector<16xf32>
      %lt3A_444 = vector.broadcast %squeeze3A_437 : f32 to vector<16xf32>
      %lt3A_445 = arith.cmpf olt, %select_n3A_443, %lt3A_444 : vector<16xf32>
      %lt3A_446 = vector.broadcast %squeeze3A_437 : f32 to vector<16xf32>
      %lt3A_447 = arith.cmpf olt, %get3A_435, %lt3A_446 : vector<16xf32>
      %broadcast_in_dim3A_448 = vector.broadcast %squeeze3A_437 : f32 to vector<16xf32>
      %select_n3A_449 = arith.select %lt3A_447, %broadcast_in_dim3A_448, %get3A_435 : vector<16xi1>, vector<16xf32>
      %select_n3A_450 = arith.select %lt3A_445, %select_n3A_443, %select_n3A_449 : vector<16xi1>, vector<16xf32>
      %swap3A_451 = arith.index_cast %mul3A_433 : i32 to index
      %swap3A_452 = tpu.vector_load %arg12[%swap3A_451] {strides = array<i32>} : memref<1024xf32, #tpu.memory_space<vmem>>, vector<16xf32>,
      tpu.vector_store %arg12[%swap3A_451], %select_n3A_450 {strides = array<i32>} : memref<1024xf32, #tpu.memory_space<vmem>>, vector<16xf32>,
      %slice3A_453 = vector.extract_strided_slice %get3A_232 {offsets = [9], sizes = [1], strides = [1]} : vector<16xi32> to vector<1xi32>
      %squeeze3A_454 = vector.extract %slice3A_453[0] : i32 from vector<1xi32>
      %sub3A_455 = arith.subi %squeeze3A_454, %mul3A_1 : i32
      %mul3A_456 = arith.constant 16 : i32
      %mul3A_457 = arith.muli %sub3A_455, %mul3A_456 : i32
      %get3A_458 = arith.index_cast %mul3A_457 : i32 to index
      %get3A_459 = tpu.vector_load %arg13[%get3A_458] {strides = array<i32>} : memref<1024xf32, #tpu.memory_space<vmem>>, vector<16xf32>,
      %slice3A_460 = vector.extract_strided_slice %get3A_238 {offsets = [9], sizes = [1], strides = [1]} : vector<16xf32> to vector<1xf32>
      %squeeze3A_461 = vector.extract %slice3A_460[0] : f32 from vector<1xf32>
      %broadcast_in_dim3A_462 = vector.shape_cast %min3A_99 : vector<16xi32> to vector<16x1xi32>
      %gather3A_463 = vector.shape_cast %broadcast_in_dim3A_462 : vector<16x1xi32> to vector<16xi32>
      %gather3A_464 = tpu.dynamic_gather %get3A_459[%gather3A_463] in [0] : vector<16xf32>, vector<16xi32> -> vector<16xf32>
      %jit3A_465 = arith.constant 3.000000e+38 : f32
      %broadcast_in_dim3A_466 = vector.broadcast %jit3A_465 : f32 to vector<16xf32>
      %select_n3A_467 = arith.select %eq3A_102, %broadcast_in_dim3A_466, %gather3A_464 : vector<16xi1>, vector<16xf32>
      %lt3A_468 = vector.broadcast %squeeze3A_461 : f32 to vector<16xf32>
      %lt3A_469 = arith.cmpf olt, %select_n3A_467, %lt3A_468 : vector<16xf32>
      %lt3A_470 = vector.broadcast %squeeze3A_461 : f32 to vector<16xf32>
      %lt3A_471 = arith.cmpf olt, %get3A_459, %lt3A_470 : vector<16xf32>
      %broadcast_in_dim3A_472 = vector.broadcast %squeeze3A_461 : f32 to vector<16xf32>
      %select_n3A_473 = arith.select %lt3A_471, %broadcast_in_dim3A_472, %get3A_459 : vector<16xi1>, vector<16xf32>
      %select_n3A_474 = arith.select %lt3A_469, %select_n3A_467, %select_n3A_473 : vector<16xi1>, vector<16xf32>
      %swap3A_475 = arith.index_cast %mul3A_457 : i32 to index
      %swap3A_476 = tpu.vector_load %arg13[%swap3A_475] {strides = array<i32>} : memref<1024xf32, #tpu.memory_space<vmem>>, vector<16xf32>,
      tpu.vector_store %arg13[%swap3A_475], %select_n3A_474 {strides = array<i32>} : memref<1024xf32, #tpu.memory_space<vmem>>, vector<16xf32>,
      %slice3A_477 = vector.extract_strided_slice %get3A_232 {offsets = [10], sizes = [1], strides = [1]} : vector<16xi32> to vector<1xi32>
      %squeeze3A_478 = vector.extract %slice3A_477[0] : i32 from vector<1xi32>
      %sub3A_479 = arith.subi %squeeze3A_478, %mul3A_1 : i32
      %mul3A_480 = arith.constant 16 : i32
      %mul3A_481 = arith.muli %sub3A_479, %mul3A_480 : i32
      %get3A_482 = arith.index_cast %mul3A_481 : i32 to index
      %get3A_483 = tpu.vector_load %arg14[%get3A_482] {strides = array<i32>} : memref<1024xf32, #tpu.memory_space<vmem>>, vector<16xf32>,
      %slice3A_484 = vector.extract_strided_slice %get3A_238 {offsets = [10], sizes = [1], strides = [1]} : vector<16xf32> to vector<1xf32>
      %squeeze3A_485 = vector.extract %slice3A_484[0] : f32 from vector<1xf32>
      %broadcast_in_dim3A_486 = vector.shape_cast %min3A_99 : vector<16xi32> to vector<16x1xi32>
      %gather3A_487 = vector.shape_cast %broadcast_in_dim3A_486 : vector<16x1xi32> to vector<16xi32>
      %gather3A_488 = tpu.dynamic_gather %get3A_483[%gather3A_487] in [0] : vector<16xf32>, vector<16xi32> -> vector<16xf32>
      %jit3A_489 = arith.constant 3.000000e+38 : f32
      %broadcast_in_dim3A_490 = vector.broadcast %jit3A_489 : f32 to vector<16xf32>
      %select_n3A_491 = arith.select %eq3A_102, %broadcast_in_dim3A_490, %gather3A_488 : vector<16xi1>, vector<16xf32>
      %lt3A_492 = vector.broadcast %squeeze3A_485 : f32 to vector<16xf32>
      %lt3A_493 = arith.cmpf olt, %select_n3A_491, %lt3A_492 : vector<16xf32>
      %lt3A_494 = vector.broadcast %squeeze3A_485 : f32 to vector<16xf32>
      %lt3A_495 = arith.cmpf olt, %get3A_483, %lt3A_494 : vector<16xf32>
      %broadcast_in_dim3A_496 = vector.broadcast %squeeze3A_485 : f32 to vector<16xf32>
      %select_n3A_497 = arith.select %lt3A_495, %broadcast_in_dim3A_496, %get3A_483 : vector<16xi1>, vector<16xf32>
      %select_n3A_498 = arith.select %lt3A_493, %select_n3A_491, %select_n3A_497 : vector<16xi1>, vector<16xf32>
      %swap3A_499 = arith.index_cast %mul3A_481 : i32 to index
      %swap3A_500 = tpu.vector_load %arg14[%swap3A_499] {strides = array<i32>} : memref<1024xf32, #tpu.memory_space<vmem>>, vector<16xf32>,
      tpu.vector_store %arg14[%swap3A_499], %select_n3A_498 {strides = array<i32>} : memref<1024xf32, #tpu.memory_space<vmem>>, vector<16xf32>,
      %slice3A_501 = vector.extract_strided_slice %get3A_232 {offsets = [11], sizes = [1], strides = [1]} : vector<16xi32> to vector<1xi32>
      %squeeze3A_502 = vector.extract %slice3A_501[0] : i32 from vector<1xi32>
      %sub3A_503 = arith.subi %squeeze3A_502, %mul3A_1 : i32
      %mul3A_504 = arith.constant 16 : i32
      %mul3A_505 = arith.muli %sub3A_503, %mul3A_504 : i32
      %get3A_506 = arith.index_cast %mul3A_505 : i32 to index
      %get3A_507 = tpu.vector_load %arg15[%get3A_506] {strides = array<i32>} : memref<1024xf32, #tpu.memory_space<vmem>>, vector<16xf32>,
      %slice3A_508 = vector.extract_strided_slice %get3A_238 {offsets = [11], sizes = [1], strides = [1]} : vector<16xf32> to vector<1xf32>
      %squeeze3A_509 = vector.extract %slice3A_508[0] : f32 from vector<1xf32>
      %broadcast_in_dim3A_510 = vector.shape_cast %min3A_99 : vector<16xi32> to vector<16x1xi32>
      %gather3A_511 = vector.shape_cast %broadcast_in_dim3A_510 : vector<16x1xi32> to vector<16xi32>
      %gather3A_512 = tpu.dynamic_gather %get3A_507[%gather3A_511] in [0] : vector<16xf32>, vector<16xi32> -> vector<16xf32>
      %jit3A_513 = arith.constant 3.000000e+38 : f32
      %broadcast_in_dim3A_514 = vector.broadcast %jit3A_513 : f32 to vector<16xf32>
      %select_n3A_515 = arith.select %eq3A_102, %broadcast_in_dim3A_514, %gather3A_512 : vector<16xi1>, vector<16xf32>
      %lt3A_516 = vector.broadcast %squeeze3A_509 : f32 to vector<16xf32>
      %lt3A_517 = arith.cmpf olt, %select_n3A_515, %lt3A_516 : vector<16xf32>
      %lt3A_518 = vector.broadcast %squeeze3A_509 : f32 to vector<16xf32>
      %lt3A_519 = arith.cmpf olt, %get3A_507, %lt3A_518 : vector<16xf32>
      %broadcast_in_dim3A_520 = vector.broadcast %squeeze3A_509 : f32 to vector<16xf32>
      %select_n3A_521 = arith.select %lt3A_519, %broadcast_in_dim3A_520, %get3A_507 : vector<16xi1>, vector<16xf32>
      %select_n3A_522 = arith.select %lt3A_517, %select_n3A_515, %select_n3A_521 : vector<16xi1>, vector<16xf32>
      %swap3A_523 = arith.index_cast %mul3A_505 : i32 to index
      %swap3A_524 = tpu.vector_load %arg15[%swap3A_523] {strides = array<i32>} : memref<1024xf32, #tpu.memory_space<vmem>>, vector<16xf32>,
      tpu.vector_store %arg15[%swap3A_523], %select_n3A_522 {strides = array<i32>} : memref<1024xf32, #tpu.memory_space<vmem>>, vector<16xf32>,
      %slice3A_525 = vector.extract_strided_slice %get3A_232 {offsets = [12], sizes = [1], strides = [1]} : vector<16xi32> to vector<1xi32>
      %squeeze3A_526 = vector.extract %slice3A_525[0] : i32 from vector<1xi32>
      %sub3A_527 = arith.subi %squeeze3A_526, %mul3A_1 : i32
      %mul3A_528 = arith.constant 16 : i32
      %mul3A_529 = arith.muli %sub3A_527, %mul3A_528 : i32
      %get3A_530 = arith.index_cast %mul3A_529 : i32 to index
      %get3A_531 = tpu.vector_load %arg12[%get3A_530] {strides = array<i32>} : memref<1024xf32, #tpu.memory_space<vmem>>, vector<16xf32>,
      %slice3A_532 = vector.extract_strided_slice %get3A_238 {offsets = [12], sizes = [1], strides = [1]} : vector<16xf32> to vector<1xf32>
      %squeeze3A_533 = vector.extract %slice3A_532[0] : f32 from vector<1xf32>
      %broadcast_in_dim3A_534 = vector.shape_cast %min3A_99 : vector<16xi32> to vector<16x1xi32>
      %gather3A_535 = vector.shape_cast %broadcast_in_dim3A_534 : vector<16x1xi32> to vector<16xi32>
      %gather3A_536 = tpu.dynamic_gather %get3A_531[%gather3A_535] in [0] : vector<16xf32>, vector<16xi32> -> vector<16xf32>
      %jit3A_537 = arith.constant 3.000000e+38 : f32
      %broadcast_in_dim3A_538 = vector.broadcast %jit3A_537 : f32 to vector<16xf32>
      %select_n3A_539 = arith.select %eq3A_102, %broadcast_in_dim3A_538, %gather3A_536 : vector<16xi1>, vector<16xf32>
      %lt3A_540 = vector.broadcast %squeeze3A_533 : f32 to vector<16xf32>
      %lt3A_541 = arith.cmpf olt, %select_n3A_539, %lt3A_540 : vector<16xf32>
      %lt3A_542 = vector.broadcast %squeeze3A_533 : f32 to vector<16xf32>
      %lt3A_543 = arith.cmpf olt, %get3A_531, %lt3A_542 : vector<16xf32>
      %broadcast_in_dim3A_544 = vector.broadcast %squeeze3A_533 : f32 to vector<16xf32>
      %select_n3A_545 = arith.select %lt3A_543, %broadcast_in_dim3A_544, %get3A_531 : vector<16xi1>, vector<16xf32>
      %select_n3A_546 = arith.select %lt3A_541, %select_n3A_539, %select_n3A_545 : vector<16xi1>, vector<16xf32>
      %swap3A_547 = arith.index_cast %mul3A_529 : i32 to index
      %swap3A_548 = tpu.vector_load %arg12[%swap3A_547] {strides = array<i32>} : memref<1024xf32, #tpu.memory_space<vmem>>, vector<16xf32>,
      tpu.vector_store %arg12[%swap3A_547], %select_n3A_546 {strides = array<i32>} : memref<1024xf32, #tpu.memory_space<vmem>>, vector<16xf32>,
      %slice3A_549 = vector.extract_strided_slice %get3A_232 {offsets = [13], sizes = [1], strides = [1]} : vector<16xi32> to vector<1xi32>
      %squeeze3A_550 = vector.extract %slice3A_549[0] : i32 from vector<1xi32>
      %sub3A_551 = arith.subi %squeeze3A_550, %mul3A_1 : i32
      %mul3A_552 = arith.constant 16 : i32
      %mul3A_553 = arith.muli %sub3A_551, %mul3A_552 : i32
      %get3A_554 = arith.index_cast %mul3A_553 : i32 to index
      %get3A_555 = tpu.vector_load %arg13[%get3A_554] {strides = array<i32>} : memref<1024xf32, #tpu.memory_space<vmem>>, vector<16xf32>,
      %slice3A_556 = vector.extract_strided_slice %get3A_238 {offsets = [13], sizes = [1], strides = [1]} : vector<16xf32> to vector<1xf32>
      %squeeze3A_557 = vector.extract %slice3A_556[0] : f32 from vector<1xf32>
      %broadcast_in_dim3A_558 = vector.shape_cast %min3A_99 : vector<16xi32> to vector<16x1xi32>
      %gather3A_559 = vector.shape_cast %broadcast_in_dim3A_558 : vector<16x1xi32> to vector<16xi32>
      %gather3A_560 = tpu.dynamic_gather %get3A_555[%gather3A_559] in [0] : vector<16xf32>, vector<16xi32> -> vector<16xf32>
      %jit3A_561 = arith.constant 3.000000e+38 : f32
      %broadcast_in_dim3A_562 = vector.broadcast %jit3A_561 : f32 to vector<16xf32>
      %select_n3A_563 = arith.select %eq3A_102, %broadcast_in_dim3A_562, %gather3A_560 : vector<16xi1>, vector<16xf32>
      %lt3A_564 = vector.broadcast %squeeze3A_557 : f32 to vector<16xf32>
      %lt3A_565 = arith.cmpf olt, %select_n3A_563, %lt3A_564 : vector<16xf32>
      %lt3A_566 = vector.broadcast %squeeze3A_557 : f32 to vector<16xf32>
      %lt3A_567 = arith.cmpf olt, %get3A_555, %lt3A_566 : vector<16xf32>
      %broadcast_in_dim3A_568 = vector.broadcast %squeeze3A_557 : f32 to vector<16xf32>
      %select_n3A_569 = arith.select %lt3A_567, %broadcast_in_dim3A_568, %get3A_555 : vector<16xi1>, vector<16xf32>
      %select_n3A_570 = arith.select %lt3A_565, %select_n3A_563, %select_n3A_569 : vector<16xi1>, vector<16xf32>
      %swap3A_571 = arith.index_cast %mul3A_553 : i32 to index
      %swap3A_572 = tpu.vector_load %arg13[%swap3A_571] {strides = array<i32>} : memref<1024xf32, #tpu.memory_space<vmem>>, vector<16xf32>,
      tpu.vector_store %arg13[%swap3A_571], %select_n3A_570 {strides = array<i32>} : memref<1024xf32, #tpu.memory_space<vmem>>, vector<16xf32>,
      %slice3A_573 = vector.extract_strided_slice %get3A_232 {offsets = [14], sizes = [1], strides = [1]} : vector<16xi32> to vector<1xi32>
      %squeeze3A_574 = vector.extract %slice3A_573[0] : i32 from vector<1xi32>
      %sub3A_575 = arith.subi %squeeze3A_574, %mul3A_1 : i32
      %mul3A_576 = arith.constant 16 : i32
      %mul3A_577 = arith.muli %sub3A_575, %mul3A_576 : i32
      %get3A_578 = arith.index_cast %mul3A_577 : i32 to index
      %get3A_579 = tpu.vector_load %arg14[%get3A_578] {strides = array<i32>} : memref<1024xf32, #tpu.memory_space<vmem>>, vector<16xf32>,
      %slice3A_580 = vector.extract_strided_slice %get3A_238 {offsets = [14], sizes = [1], strides = [1]} : vector<16xf32> to vector<1xf32>
      %squeeze3A_581 = vector.extract %slice3A_580[0] : f32 from vector<1xf32>
      %broadcast_in_dim3A_582 = vector.shape_cast %min3A_99 : vector<16xi32> to vector<16x1xi32>
      %gather3A_583 = vector.shape_cast %broadcast_in_dim3A_582 : vector<16x1xi32> to vector<16xi32>
      %gather3A_584 = tpu.dynamic_gather %get3A_579[%gather3A_583] in [0] : vector<16xf32>, vector<16xi32> -> vector<16xf32>
      %jit3A_585 = arith.constant 3.000000e+38 : f32
      %broadcast_in_dim3A_586 = vector.broadcast %jit3A_585 : f32 to vector<16xf32>
      %select_n3A_587 = arith.select %eq3A_102, %broadcast_in_dim3A_586, %gather3A_584 : vector<16xi1>, vector<16xf32>
      %lt3A_588 = vector.broadcast %squeeze3A_581 : f32 to vector<16xf32>
      %lt3A_589 = arith.cmpf olt, %select_n3A_587, %lt3A_588 : vector<16xf32>
      %lt3A_590 = vector.broadcast %squeeze3A_581 : f32 to vector<16xf32>
      %lt3A_591 = arith.cmpf olt, %get3A_579, %lt3A_590 : vector<16xf32>
      %broadcast_in_dim3A_592 = vector.broadcast %squeeze3A_581 : f32 to vector<16xf32>
      %select_n3A_593 = arith.select %lt3A_591, %broadcast_in_dim3A_592, %get3A_579 : vector<16xi1>, vector<16xf32>
      %select_n3A_594 = arith.select %lt3A_589, %select_n3A_587, %select_n3A_593 : vector<16xi1>, vector<16xf32>
      %swap3A_595 = arith.index_cast %mul3A_577 : i32 to index
      %swap3A_596 = tpu.vector_load %arg14[%swap3A_595] {strides = array<i32>} : memref<1024xf32, #tpu.memory_space<vmem>>, vector<16xf32>,
      tpu.vector_store %arg14[%swap3A_595], %select_n3A_594 {strides = array<i32>} : memref<1024xf32, #tpu.memory_space<vmem>>, vector<16xf32>,
      %slice3A_597 = vector.extract_strided_slice %get3A_232 {offsets = [15], sizes = [1], strides = [1]} : vector<16xi32> to vector<1xi32>
      %squeeze3A_598 = vector.extract %slice3A_597[0] : i32 from vector<1xi32>
      %sub3A_599 = arith.subi %squeeze3A_598, %mul3A_1 : i32
      %mul3A_600 = arith.constant 16 : i32
      %mul3A_601 = arith.muli %sub3A_599, %mul3A_600 : i32
      %get3A_602 = arith.index_cast %mul3A_601 : i32 to index
      %get3A_603 = tpu.vector_load %arg15[%get3A_602] {strides = array<i32>} : memref<1024xf32, #tpu.memory_space<vmem>>, vector<16xf32>,
      %slice3A_604 = vector.extract_strided_slice %get3A_238 {offsets = [15], sizes = [1], strides = [1]} : vector<16xf32> to vector<1xf32>
      %squeeze3A_605 = vector.extract %slice3A_604[0] : f32 from vector<1xf32>
      %broadcast_in_dim3A_606 = vector.shape_cast %min3A_99 : vector<16xi32> to vector<16x1xi32>
      %gather3A_607 = vector.shape_cast %broadcast_in_dim3A_606 : vector<16x1xi32> to vector<16xi32>
      %gather3A_608 = tpu.dynamic_gather %get3A_603[%gather3A_607] in [0] : vector<16xf32>, vector<16xi32> -> vector<16xf32>
      %jit3A_609 = arith.constant 3.000000e+38 : f32
      %broadcast_in_dim3A_610 = vector.broadcast %jit3A_609 : f32 to vector<16xf32>
      %select_n3A_611 = arith.select %eq3A_102, %broadcast_in_dim3A_610, %gather3A_608 : vector<16xi1>, vector<16xf32>
      %lt3A_612 = vector.broadcast %squeeze3A_605 : f32 to vector<16xf32>
      %lt3A_613 = arith.cmpf olt, %select_n3A_611, %lt3A_612 : vector<16xf32>
      %lt3A_614 = vector.broadcast %squeeze3A_605 : f32 to vector<16xf32>
      %lt3A_615 = arith.cmpf olt, %get3A_603, %lt3A_614 : vector<16xf32>
      %broadcast_in_dim3A_616 = vector.broadcast %squeeze3A_605 : f32 to vector<16xf32>
      %select_n3A_617 = arith.select %lt3A_615, %broadcast_in_dim3A_616, %get3A_603 : vector<16xi1>, vector<16xf32>
      %select_n3A_618 = arith.select %lt3A_613, %select_n3A_611, %select_n3A_617 : vector<16xi1>, vector<16xf32>
      %swap3A_619 = arith.index_cast %mul3A_601 : i32 to index
      %swap3A_620 = tpu.vector_load %arg15[%swap3A_619] {strides = array<i32>} : memref<1024xf32, #tpu.memory_space<vmem>>, vector<16xf32>,
      tpu.vector_store %arg15[%swap3A_619], %select_n3A_618 {strides = array<i32>} : memref<1024xf32, #tpu.memory_space<vmem>>, vector<16xf32>,
    }
    %while3A_172 = arith.constant 1 : i32
    scf.for %while3A_227 = %while3A_170 to %while3A_166 step %while3A_172  : i32 {
      %mul3A_228 = arith.constant 16 : i32
      %mul3A_229 = arith.muli %while3A_227, %mul3A_228 : i32
      %add3A_230 = arith.constant 10256 : i32
      %add3A_231 = arith.addi %add3A_230, %mul3A_229 : i32
      %get3A = arith.index_cast %add3A_231 : i32 to index
      %get3A_232 = tpu.vector_load %arg11[%get3A] {strides = array<i32>} : memref<20512xi32, #tpu.memory_space<vmem>>, vector<16xi32>,
      %mul3A_233 = arith.constant 16 : i32
      %mul3A_234 = arith.muli %while3A_227, %mul3A_233 : i32
      %add3A_235 = arith.constant 10256 : i32
      %add3A_236 = arith.addi %add3A_235, %mul3A_234 : i32
      %get3A_237 = arith.index_cast %add3A_236 : i32 to index
      %get3A_238 = tpu.vector_load %arg10[%get3A_237] {strides = array<i32>} : memref<20512xf32, #tpu.memory_space<vmem>>, vector<16xf32>,
      %slice3A_239 = vector.extract_strided_slice %get3A_232 {offsets = [0], sizes = [1], strides = [1]} : vector<16xi32> to vector<1xi32>
      %squeeze3A_240 = vector.extract %slice3A_239[0] : i32 from vector<1xi32>
      %sub3A_241 = arith.subi %squeeze3A_240, %mul3A_1 : i32
      %mul3A_242 = arith.constant 16 : i32
      %mul3A_243 = arith.muli %sub3A_241, %mul3A_242 : i32
      %get3A_244 = arith.index_cast %mul3A_243 : i32 to index
      %get3A_245 = tpu.vector_load %arg12[%get3A_244] {strides = array<i32>} : memref<1024xf32, #tpu.memory_space<vmem>>, vector<16xf32>,
      %slice3A_246 = vector.extract_strided_slice %get3A_238 {offsets = [0], sizes = [1], strides = [1]} : vector<16xf32> to vector<1xf32>
      %squeeze3A_247 = vector.extract %slice3A_246[0] : f32 from vector<1xf32>
      %broadcast_in_dim3A_248 = vector.shape_cast %min3A_99 : vector<16xi32> to vector<16x1xi32>
      %gather3A = vector.shape_cast %broadcast_in_dim3A_248 : vector<16x1xi32> to vector<16xi32>
      %gather3A_249 = tpu.dynamic_gather %get3A_245[%gather3A] in [0] : vector<16xf32>, vector<16xi32> -> vector<16xf32>
      %jit3A_250 = arith.constant 3.000000e+38 : f32
      %broadcast_in_dim3A_251 = vector.broadcast %jit3A_250 : f32 to vector<16xf32>
      %select_n3A_252 = arith.select %eq3A_102, %broadcast_in_dim3A_251, %gather3A_249 : vector<16xi1>, vector<16xf32>
      %lt3A = vector.broadcast %squeeze3A_247 : f32 to vector<16xf32>
      %lt3A_253 = arith.cmpf olt, %select_n3A_252, %lt3A : vector<16xf32>
      %lt3A_254 = vector.broadcast %squeeze3A_247 : f32 to vector<16xf32>
      %lt3A_255 = arith.cmpf olt, %get3A_245, %lt3A_254 : vector<16xf32>
      %broadcast_in_dim3A_256 = vector.broadcast %squeeze3A_247 : f32 to vector<16xf32>
      %select_n3A_257 = arith.select %lt3A_255, %broadcast_in_dim3A_256, %get3A_245 : vector<16xi1>, vector<16xf32>
      %select_n3A_258 = arith.select %lt3A_253, %select_n3A_252, %select_n3A_257 : vector<16xi1>, vector<16xf32>
      %swap3A_259 = arith.index_cast %mul3A_243 : i32 to index
      %swap3A_260 = tpu.vector_load %arg12[%swap3A_259] {strides = array<i32>} : memref<1024xf32, #tpu.memory_space<vmem>>, vector<16xf32>,
      tpu.vector_store %arg12[%swap3A_259], %select_n3A_258 {strides = array<i32>} : memref<1024xf32, #tpu.memory_space<vmem>>, vector<16xf32>,
      %slice3A_261 = vector.extract_strided_slice %get3A_232 {offsets = [1], sizes = [1], strides = [1]} : vector<16xi32> to vector<1xi32>
      %squeeze3A_262 = vector.extract %slice3A_261[0] : i32 from vector<1xi32>
      %sub3A_263 = arith.subi %squeeze3A_262, %mul3A_1 : i32
      %mul3A_264 = arith.constant 16 : i32
      %mul3A_265 = arith.muli %sub3A_263, %mul3A_264 : i32
      %get3A_266 = arith.index_cast %mul3A_265 : i32 to index
      %get3A_267 = tpu.vector_load %arg13[%get3A_266] {strides = array<i32>} : memref<1024xf32, #tpu.memory_space<vmem>>, vector<16xf32>,
      %slice3A_268 = vector.extract_strided_slice %get3A_238 {offsets = [1], sizes = [1], strides = [1]} : vector<16xf32> to vector<1xf32>
      %squeeze3A_269 = vector.extract %slice3A_268[0] : f32 from vector<1xf32>
      %broadcast_in_dim3A_270 = vector.shape_cast %min3A_99 : vector<16xi32> to vector<16x1xi32>
      %gather3A_271 = vector.shape_cast %broadcast_in_dim3A_270 : vector<16x1xi32> to vector<16xi32>
      %gather3A_272 = tpu.dynamic_gather %get3A_267[%gather3A_271] in [0] : vector<16xf32>, vector<16xi32> -> vector<16xf32>
      %jit3A_273 = arith.constant 3.000000e+38 : f32
      %broadcast_in_dim3A_274 = vector.broadcast %jit3A_273 : f32 to vector<16xf32>
      %select_n3A_275 = arith.select %eq3A_102, %broadcast_in_dim3A_274, %gather3A_272 : vector<16xi1>, vector<16xf32>
      %lt3A_276 = vector.broadcast %squeeze3A_269 : f32 to vector<16xf32>
      %lt3A_277 = arith.cmpf olt, %select_n3A_275, %lt3A_276 : vector<16xf32>
      %lt3A_278 = vector.broadcast %squeeze3A_269 : f32 to vector<16xf32>
      %lt3A_279 = arith.cmpf olt, %get3A_267, %lt3A_278 : vector<16xf32>
      %broadcast_in_dim3A_280 = vector.broadcast %squeeze3A_269 : f32 to vector<16xf32>
      %select_n3A_281 = arith.select %lt3A_279, %broadcast_in_dim3A_280, %get3A_267 : vector<16xi1>, vector<16xf32>
      %select_n3A_282 = arith.select %lt3A_277, %select_n3A_275, %select_n3A_281 : vector<16xi1>, vector<16xf32>
      %swap3A_283 = arith.index_cast %mul3A_265 : i32 to index
      %swap3A_284 = tpu.vector_load %arg13[%swap3A_283] {strides = array<i32>} : memref<1024xf32, #tpu.memory_space<vmem>>, vector<16xf32>,
      tpu.vector_store %arg13[%swap3A_283], %select_n3A_282 {strides = array<i32>} : memref<1024xf32, #tpu.memory_space<vmem>>, vector<16xf32>,
      %slice3A_285 = vector.extract_strided_slice %get3A_232 {offsets = [2], sizes = [1], strides = [1]} : vector<16xi32> to vector<1xi32>
      %squeeze3A_286 = vector.extract %slice3A_285[0] : i32 from vector<1xi32>
      %sub3A_287 = arith.subi %squeeze3A_286, %mul3A_1 : i32
      %mul3A_288 = arith.constant 16 : i32
      %mul3A_289 = arith.muli %sub3A_287, %mul3A_288 : i32
      %get3A_290 = arith.index_cast %mul3A_289 : i32 to index
      %get3A_291 = tpu.vector_load %arg14[%get3A_290] {strides = array<i32>} : memref<1024xf32, #tpu.memory_space<vmem>>, vector<16xf32>,
      %slice3A_292 = vector.extract_strided_slice %get3A_238 {offsets = [2], sizes = [1], strides = [1]} : vector<16xf32> to vector<1xf32>
      %squeeze3A_293 = vector.extract %slice3A_292[0] : f32 from vector<1xf32>
      %broadcast_in_dim3A_294 = vector.shape_cast %min3A_99 : vector<16xi32> to vector<16x1xi32>
      %gather3A_295 = vector.shape_cast %broadcast_in_dim3A_294 : vector<16x1xi32> to vector<16xi32>
      %gather3A_296 = tpu.dynamic_gather %get3A_291[%gather3A_295] in [0] : vector<16xf32>, vector<16xi32> -> vector<16xf32>
      %jit3A_297 = arith.constant 3.000000e+38 : f32
      %broadcast_in_dim3A_298 = vector.broadcast %jit3A_297 : f32 to vector<16xf32>
      %select_n3A_299 = arith.select %eq3A_102, %broadcast_in_dim3A_298, %gather3A_296 : vector<16xi1>, vector<16xf32>
      %lt3A_300 = vector.broadcast %squeeze3A_293 : f32 to vector<16xf32>
      %lt3A_301 = arith.cmpf olt, %select_n3A_299, %lt3A_300 : vector<16xf32>
      %lt3A_302 = vector.broadcast %squeeze3A_293 : f32 to vector<16xf32>
      %lt3A_303 = arith.cmpf olt, %get3A_291, %lt3A_302 : vector<16xf32>
      %broadcast_in_dim3A_304 = vector.broadcast %squeeze3A_293 : f32 to vector<16xf32>
      %select_n3A_305 = arith.select %lt3A_303, %broadcast_in_dim3A_304, %get3A_291 : vector<16xi1>, vector<16xf32>
      %select_n3A_306 = arith.select %lt3A_301, %select_n3A_299, %select_n3A_305 : vector<16xi1>, vector<16xf32>
      %swap3A_307 = arith.index_cast %mul3A_289 : i32 to index
      %swap3A_308 = tpu.vector_load %arg14[%swap3A_307] {strides = array<i32>} : memref<1024xf32, #tpu.memory_space<vmem>>, vector<16xf32>,
      tpu.vector_store %arg14[%swap3A_307], %select_n3A_306 {strides = array<i32>} : memref<1024xf32, #tpu.memory_space<vmem>>, vector<16xf32>,
      %slice3A_309 = vector.extract_strided_slice %get3A_232 {offsets = [3], sizes = [1], strides = [1]} : vector<16xi32> to vector<1xi32>
      %squeeze3A_310 = vector.extract %slice3A_309[0] : i32 from vector<1xi32>
      %sub3A_311 = arith.subi %squeeze3A_310, %mul3A_1 : i32
      %mul3A_312 = arith.constant 16 : i32
      %mul3A_313 = arith.muli %sub3A_311, %mul3A_312 : i32
      %get3A_314 = arith.index_cast %mul3A_313 : i32 to index
      %get3A_315 = tpu.vector_load %arg15[%get3A_314] {strides = array<i32>} : memref<1024xf32, #tpu.memory_space<vmem>>, vector<16xf32>,
      %slice3A_316 = vector.extract_strided_slice %get3A_238 {offsets = [3], sizes = [1], strides = [1]} : vector<16xf32> to vector<1xf32>
      %squeeze3A_317 = vector.extract %slice3A_316[0] : f32 from vector<1xf32>
      %broadcast_in_dim3A_318 = vector.shape_cast %min3A_99 : vector<16xi32> to vector<16x1xi32>
      %gather3A_319 = vector.shape_cast %broadcast_in_dim3A_318 : vector<16x1xi32> to vector<16xi32>
      %gather3A_320 = tpu.dynamic_gather %get3A_315[%gather3A_319] in [0] : vector<16xf32>, vector<16xi32> -> vector<16xf32>
      %jit3A_321 = arith.constant 3.000000e+38 : f32
      %broadcast_in_dim3A_322 = vector.broadcast %jit3A_321 : f32 to vector<16xf32>
      %select_n3A_323 = arith.select %eq3A_102, %broadcast_in_dim3A_322, %gather3A_320 : vector<16xi1>, vector<16xf32>
      %lt3A_324 = vector.broadcast %squeeze3A_317 : f32 to vector<16xf32>
      %lt3A_325 = arith.cmpf olt, %select_n3A_323, %lt3A_324 : vector<16xf32>
      %lt3A_326 = vector.broadcast %squeeze3A_317 : f32 to vector<16xf32>
      %lt3A_327 = arith.cmpf olt, %get3A_315, %lt3A_326 : vector<16xf32>
      %broadcast_in_dim3A_328 = vector.broadcast %squeeze3A_317 : f32 to vector<16xf32>
      %select_n3A_329 = arith.select %lt3A_327, %broadcast_in_dim3A_328, %get3A_315 : vector<16xi1>, vector<16xf32>
      %select_n3A_330 = arith.select %lt3A_325, %select_n3A_323, %select_n3A_329 : vector<16xi1>, vector<16xf32>
      %swap3A_331 = arith.index_cast %mul3A_313 : i32 to index
      %swap3A_332 = tpu.vector_load %arg15[%swap3A_331] {strides = array<i32>} : memref<1024xf32, #tpu.memory_space<vmem>>, vector<16xf32>,
      tpu.vector_store %arg15[%swap3A_331], %select_n3A_330 {strides = array<i32>} : memref<1024xf32, #tpu.memory_space<vmem>>, vector<16xf32>,
      %slice3A_333 = vector.extract_strided_slice %get3A_232 {offsets = [4], sizes = [1], strides = [1]} : vector<16xi32> to vector<1xi32>
      %squeeze3A_334 = vector.extract %slice3A_333[0] : i32 from vector<1xi32>
      %sub3A_335 = arith.subi %squeeze3A_334, %mul3A_1 : i32
      %mul3A_336 = arith.constant 16 : i32
      %mul3A_337 = arith.muli %sub3A_335, %mul3A_336 : i32
      %get3A_338 = arith.index_cast %mul3A_337 : i32 to index
      %get3A_339 = tpu.vector_load %arg12[%get3A_338] {strides = array<i32>} : memref<1024xf32, #tpu.memory_space<vmem>>, vector<16xf32>,
      %slice3A_340 = vector.extract_strided_slice %get3A_238 {offsets = [4], sizes = [1], strides = [1]} : vector<16xf32> to vector<1xf32>
      %squeeze3A_341 = vector.extract %slice3A_340[0] : f32 from vector<1xf32>
      %broadcast_in_dim3A_342 = vector.shape_cast %min3A_99 : vector<16xi32> to vector<16x1xi32>
      %gather3A_343 = vector.shape_cast %broadcast_in_dim3A_342 : vector<16x1xi32> to vector<16xi32>
      %gather3A_344 = tpu.dynamic_gather %get3A_339[%gather3A_343] in [0] : vector<16xf32>, vector<16xi32> -> vector<16xf32>
      %jit3A_345 = arith.constant 3.000000e+38 : f32
      %broadcast_in_dim3A_346 = vector.broadcast %jit3A_345 : f32 to vector<16xf32>
      %select_n3A_347 = arith.select %eq3A_102, %broadcast_in_dim3A_346, %gather3A_344 : vector<16xi1>, vector<16xf32>
      %lt3A_348 = vector.broadcast %squeeze3A_341 : f32 to vector<16xf32>
      %lt3A_349 = arith.cmpf olt, %select_n3A_347, %lt3A_348 : vector<16xf32>
      %lt3A_350 = vector.broadcast %squeeze3A_341 : f32 to vector<16xf32>
      %lt3A_351 = arith.cmpf olt, %get3A_339, %lt3A_350 : vector<16xf32>
      %broadcast_in_dim3A_352 = vector.broadcast %squeeze3A_341 : f32 to vector<16xf32>
      %select_n3A_353 = arith.select %lt3A_351, %broadcast_in_dim3A_352, %get3A_339 : vector<16xi1>, vector<16xf32>
      %select_n3A_354 = arith.select %lt3A_349, %select_n3A_347, %select_n3A_353 : vector<16xi1>, vector<16xf32>
      %swap3A_355 = arith.index_cast %mul3A_337 : i32 to index
      %swap3A_356 = tpu.vector_load %arg12[%swap3A_355] {strides = array<i32>} : memref<1024xf32, #tpu.memory_space<vmem>>, vector<16xf32>,
      tpu.vector_store %arg12[%swap3A_355], %select_n3A_354 {strides = array<i32>} : memref<1024xf32, #tpu.memory_space<vmem>>, vector<16xf32>,
      %slice3A_357 = vector.extract_strided_slice %get3A_232 {offsets = [5], sizes = [1], strides = [1]} : vector<16xi32> to vector<1xi32>
      %squeeze3A_358 = vector.extract %slice3A_357[0] : i32 from vector<1xi32>
      %sub3A_359 = arith.subi %squeeze3A_358, %mul3A_1 : i32
      %mul3A_360 = arith.constant 16 : i32
      %mul3A_361 = arith.muli %sub3A_359, %mul3A_360 : i32
      %get3A_362 = arith.index_cast %mul3A_361 : i32 to index
      %get3A_363 = tpu.vector_load %arg13[%get3A_362] {strides = array<i32>} : memref<1024xf32, #tpu.memory_space<vmem>>, vector<16xf32>,
      %slice3A_364 = vector.extract_strided_slice %get3A_238 {offsets = [5], sizes = [1], strides = [1]} : vector<16xf32> to vector<1xf32>
      %squeeze3A_365 = vector.extract %slice3A_364[0] : f32 from vector<1xf32>
      %broadcast_in_dim3A_366 = vector.shape_cast %min3A_99 : vector<16xi32> to vector<16x1xi32>
      %gather3A_367 = vector.shape_cast %broadcast_in_dim3A_366 : vector<16x1xi32> to vector<16xi32>
      %gather3A_368 = tpu.dynamic_gather %get3A_363[%gather3A_367] in [0] : vector<16xf32>, vector<16xi32> -> vector<16xf32>
      %jit3A_369 = arith.constant 3.000000e+38 : f32
      %broadcast_in_dim3A_370 = vector.broadcast %jit3A_369 : f32 to vector<16xf32>
      %select_n3A_371 = arith.select %eq3A_102, %broadcast_in_dim3A_370, %gather3A_368 : vector<16xi1>, vector<16xf32>
      %lt3A_372 = vector.broadcast %squeeze3A_365 : f32 to vector<16xf32>
      %lt3A_373 = arith.cmpf olt, %select_n3A_371, %lt3A_372 : vector<16xf32>
      %lt3A_374 = vector.broadcast %squeeze3A_365 : f32 to vector<16xf32>
      %lt3A_375 = arith.cmpf olt, %get3A_363, %lt3A_374 : vector<16xf32>
      %broadcast_in_dim3A_376 = vector.broadcast %squeeze3A_365 : f32 to vector<16xf32>
      %select_n3A_377 = arith.select %lt3A_375, %broadcast_in_dim3A_376, %get3A_363 : vector<16xi1>, vector<16xf32>
      %select_n3A_378 = arith.select %lt3A_373, %select_n3A_371, %select_n3A_377 : vector<16xi1>, vector<16xf32>
      %swap3A_379 = arith.index_cast %mul3A_361 : i32 to index
      %swap3A_380 = tpu.vector_load %arg13[%swap3A_379] {strides = array<i32>} : memref<1024xf32, #tpu.memory_space<vmem>>, vector<16xf32>,
      tpu.vector_store %arg13[%swap3A_379], %select_n3A_378 {strides = array<i32>} : memref<1024xf32, #tpu.memory_space<vmem>>, vector<16xf32>,
      %slice3A_381 = vector.extract_strided_slice %get3A_232 {offsets = [6], sizes = [1], strides = [1]} : vector<16xi32> to vector<1xi32>
      %squeeze3A_382 = vector.extract %slice3A_381[0] : i32 from vector<1xi32>
      %sub3A_383 = arith.subi %squeeze3A_382, %mul3A_1 : i32
      %mul3A_384 = arith.constant 16 : i32
      %mul3A_385 = arith.muli %sub3A_383, %mul3A_384 : i32
      %get3A_386 = arith.index_cast %mul3A_385 : i32 to index
      %get3A_387 = tpu.vector_load %arg14[%get3A_386] {strides = array<i32>} : memref<1024xf32, #tpu.memory_space<vmem>>, vector<16xf32>,
      %slice3A_388 = vector.extract_strided_slice %get3A_238 {offsets = [6], sizes = [1], strides = [1]} : vector<16xf32> to vector<1xf32>
      %squeeze3A_389 = vector.extract %slice3A_388[0] : f32 from vector<1xf32>
      %broadcast_in_dim3A_390 = vector.shape_cast %min3A_99 : vector<16xi32> to vector<16x1xi32>
      %gather3A_391 = vector.shape_cast %broadcast_in_dim3A_390 : vector<16x1xi32> to vector<16xi32>
      %gather3A_392 = tpu.dynamic_gather %get3A_387[%gather3A_391] in [0] : vector<16xf32>, vector<16xi32> -> vector<16xf32>
      %jit3A_393 = arith.constant 3.000000e+38 : f32
      %broadcast_in_dim3A_394 = vector.broadcast %jit3A_393 : f32 to vector<16xf32>
      %select_n3A_395 = arith.select %eq3A_102, %broadcast_in_dim3A_394, %gather3A_392 : vector<16xi1>, vector<16xf32>
      %lt3A_396 = vector.broadcast %squeeze3A_389 : f32 to vector<16xf32>
      %lt3A_397 = arith.cmpf olt, %select_n3A_395, %lt3A_396 : vector<16xf32>
      %lt3A_398 = vector.broadcast %squeeze3A_389 : f32 to vector<16xf32>
      %lt3A_399 = arith.cmpf olt, %get3A_387, %lt3A_398 : vector<16xf32>
      %broadcast_in_dim3A_400 = vector.broadcast %squeeze3A_389 : f32 to vector<16xf32>
      %select_n3A_401 = arith.select %lt3A_399, %broadcast_in_dim3A_400, %get3A_387 : vector<16xi1>, vector<16xf32>
      %select_n3A_402 = arith.select %lt3A_397, %select_n3A_395, %select_n3A_401 : vector<16xi1>, vector<16xf32>
      %swap3A_403 = arith.index_cast %mul3A_385 : i32 to index
      %swap3A_404 = tpu.vector_load %arg14[%swap3A_403] {strides = array<i32>} : memref<1024xf32, #tpu.memory_space<vmem>>, vector<16xf32>,
      tpu.vector_store %arg14[%swap3A_403], %select_n3A_402 {strides = array<i32>} : memref<1024xf32, #tpu.memory_space<vmem>>, vector<16xf32>,
      %slice3A_405 = vector.extract_strided_slice %get3A_232 {offsets = [7], sizes = [1], strides = [1]} : vector<16xi32> to vector<1xi32>
      %squeeze3A_406 = vector.extract %slice3A_405[0] : i32 from vector<1xi32>
      %sub3A_407 = arith.subi %squeeze3A_406, %mul3A_1 : i32
      %mul3A_408 = arith.constant 16 : i32
      %mul3A_409 = arith.muli %sub3A_407, %mul3A_408 : i32
      %get3A_410 = arith.index_cast %mul3A_409 : i32 to index
      %get3A_411 = tpu.vector_load %arg15[%get3A_410] {strides = array<i32>} : memref<1024xf32, #tpu.memory_space<vmem>>, vector<16xf32>,
      %slice3A_412 = vector.extract_strided_slice %get3A_238 {offsets = [7], sizes = [1], strides = [1]} : vector<16xf32> to vector<1xf32>
      %squeeze3A_413 = vector.extract %slice3A_412[0] : f32 from vector<1xf32>
      %broadcast_in_dim3A_414 = vector.shape_cast %min3A_99 : vector<16xi32> to vector<16x1xi32>
      %gather3A_415 = vector.shape_cast %broadcast_in_dim3A_414 : vector<16x1xi32> to vector<16xi32>
      %gather3A_416 = tpu.dynamic_gather %get3A_411[%gather3A_415] in [0] : vector<16xf32>, vector<16xi32> -> vector<16xf32>
      %jit3A_417 = arith.constant 3.000000e+38 : f32
      %broadcast_in_dim3A_418 = vector.broadcast %jit3A_417 : f32 to vector<16xf32>
      %select_n3A_419 = arith.select %eq3A_102, %broadcast_in_dim3A_418, %gather3A_416 : vector<16xi1>, vector<16xf32>
      %lt3A_420 = vector.broadcast %squeeze3A_413 : f32 to vector<16xf32>
      %lt3A_421 = arith.cmpf olt, %select_n3A_419, %lt3A_420 : vector<16xf32>
      %lt3A_422 = vector.broadcast %squeeze3A_413 : f32 to vector<16xf32>
      %lt3A_423 = arith.cmpf olt, %get3A_411, %lt3A_422 : vector<16xf32>
      %broadcast_in_dim3A_424 = vector.broadcast %squeeze3A_413 : f32 to vector<16xf32>
      %select_n3A_425 = arith.select %lt3A_423, %broadcast_in_dim3A_424, %get3A_411 : vector<16xi1>, vector<16xf32>
      %select_n3A_426 = arith.select %lt3A_421, %select_n3A_419, %select_n3A_425 : vector<16xi1>, vector<16xf32>
      %swap3A_427 = arith.index_cast %mul3A_409 : i32 to index
      %swap3A_428 = tpu.vector_load %arg15[%swap3A_427] {strides = array<i32>} : memref<1024xf32, #tpu.memory_space<vmem>>, vector<16xf32>,
      tpu.vector_store %arg15[%swap3A_427], %select_n3A_426 {strides = array<i32>} : memref<1024xf32, #tpu.memory_space<vmem>>, vector<16xf32>,
      %slice3A_429 = vector.extract_strided_slice %get3A_232 {offsets = [8], sizes = [1], strides = [1]} : vector<16xi32> to vector<1xi32>
      %squeeze3A_430 = vector.extract %slice3A_429[0] : i32 from vector<1xi32>
      %sub3A_431 = arith.subi %squeeze3A_430, %mul3A_1 : i32
      %mul3A_432 = arith.constant 16 : i32
      %mul3A_433 = arith.muli %sub3A_431, %mul3A_432 : i32
      %get3A_434 = arith.index_cast %mul3A_433 : i32 to index
      %get3A_435 = tpu.vector_load %arg12[%get3A_434] {strides = array<i32>} : memref<1024xf32, #tpu.memory_space<vmem>>, vector<16xf32>,
      %slice3A_436 = vector.extract_strided_slice %get3A_238 {offsets = [8], sizes = [1], strides = [1]} : vector<16xf32> to vector<1xf32>
      %squeeze3A_437 = vector.extract %slice3A_436[0] : f32 from vector<1xf32>
      %broadcast_in_dim3A_438 = vector.shape_cast %min3A_99 : vector<16xi32> to vector<16x1xi32>
      %gather3A_439 = vector.shape_cast %broadcast_in_dim3A_438 : vector<16x1xi32> to vector<16xi32>
      %gather3A_440 = tpu.dynamic_gather %get3A_435[%gather3A_439] in [0] : vector<16xf32>, vector<16xi32> -> vector<16xf32>
      %jit3A_441 = arith.constant 3.000000e+38 : f32
      %broadcast_in_dim3A_442 = vector.broadcast %jit3A_441 : f32 to vector<16xf32>
      %select_n3A_443 = arith.select %eq3A_102, %broadcast_in_dim3A_442, %gather3A_440 : vector<16xi1>, vector<16xf32>
      %lt3A_444 = vector.broadcast %squeeze3A_437 : f32 to vector<16xf32>
      %lt3A_445 = arith.cmpf olt, %select_n3A_443, %lt3A_444 : vector<16xf32>
      %lt3A_446 = vector.broadcast %squeeze3A_437 : f32 to vector<16xf32>
      %lt3A_447 = arith.cmpf olt, %get3A_435, %lt3A_446 : vector<16xf32>
      %broadcast_in_dim3A_448 = vector.broadcast %squeeze3A_437 : f32 to vector<16xf32>
      %select_n3A_449 = arith.select %lt3A_447, %broadcast_in_dim3A_448, %get3A_435 : vector<16xi1>, vector<16xf32>
      %select_n3A_450 = arith.select %lt3A_445, %select_n3A_443, %select_n3A_449 : vector<16xi1>, vector<16xf32>
      %swap3A_451 = arith.index_cast %mul3A_433 : i32 to index
      %swap3A_452 = tpu.vector_load %arg12[%swap3A_451] {strides = array<i32>} : memref<1024xf32, #tpu.memory_space<vmem>>, vector<16xf32>,
      tpu.vector_store %arg12[%swap3A_451], %select_n3A_450 {strides = array<i32>} : memref<1024xf32, #tpu.memory_space<vmem>>, vector<16xf32>,
      %slice3A_453 = vector.extract_strided_slice %get3A_232 {offsets = [9], sizes = [1], strides = [1]} : vector<16xi32> to vector<1xi32>
      %squeeze3A_454 = vector.extract %slice3A_453[0] : i32 from vector<1xi32>
      %sub3A_455 = arith.subi %squeeze3A_454, %mul3A_1 : i32
      %mul3A_456 = arith.constant 16 : i32
      %mul3A_457 = arith.muli %sub3A_455, %mul3A_456 : i32
      %get3A_458 = arith.index_cast %mul3A_457 : i32 to index
      %get3A_459 = tpu.vector_load %arg13[%get3A_458] {strides = array<i32>} : memref<1024xf32, #tpu.memory_space<vmem>>, vector<16xf32>,
      %slice3A_460 = vector.extract_strided_slice %get3A_238 {offsets = [9], sizes = [1], strides = [1]} : vector<16xf32> to vector<1xf32>
      %squeeze3A_461 = vector.extract %slice3A_460[0] : f32 from vector<1xf32>
      %broadcast_in_dim3A_462 = vector.shape_cast %min3A_99 : vector<16xi32> to vector<16x1xi32>
      %gather3A_463 = vector.shape_cast %broadcast_in_dim3A_462 : vector<16x1xi32> to vector<16xi32>
      %gather3A_464 = tpu.dynamic_gather %get3A_459[%gather3A_463] in [0] : vector<16xf32>, vector<16xi32> -> vector<16xf32>
      %jit3A_465 = arith.constant 3.000000e+38 : f32
      %broadcast_in_dim3A_466 = vector.broadcast %jit3A_465 : f32 to vector<16xf32>
      %select_n3A_467 = arith.select %eq3A_102, %broadcast_in_dim3A_466, %gather3A_464 : vector<16xi1>, vector<16xf32>
      %lt3A_468 = vector.broadcast %squeeze3A_461 : f32 to vector<16xf32>
      %lt3A_469 = arith.cmpf olt, %select_n3A_467, %lt3A_468 : vector<16xf32>
      %lt3A_470 = vector.broadcast %squeeze3A_461 : f32 to vector<16xf32>
      %lt3A_471 = arith.cmpf olt, %get3A_459, %lt3A_470 : vector<16xf32>
      %broadcast_in_dim3A_472 = vector.broadcast %squeeze3A_461 : f32 to vector<16xf32>
      %select_n3A_473 = arith.select %lt3A_471, %broadcast_in_dim3A_472, %get3A_459 : vector<16xi1>, vector<16xf32>
      %select_n3A_474 = arith.select %lt3A_469, %select_n3A_467, %select_n3A_473 : vector<16xi1>, vector<16xf32>
      %swap3A_475 = arith.index_cast %mul3A_457 : i32 to index
      %swap3A_476 = tpu.vector_load %arg13[%swap3A_475] {strides = array<i32>} : memref<1024xf32, #tpu.memory_space<vmem>>, vector<16xf32>,
      tpu.vector_store %arg13[%swap3A_475], %select_n3A_474 {strides = array<i32>} : memref<1024xf32, #tpu.memory_space<vmem>>, vector<16xf32>,
      %slice3A_477 = vector.extract_strided_slice %get3A_232 {offsets = [10], sizes = [1], strides = [1]} : vector<16xi32> to vector<1xi32>
      %squeeze3A_478 = vector.extract %slice3A_477[0] : i32 from vector<1xi32>
      %sub3A_479 = arith.subi %squeeze3A_478, %mul3A_1 : i32
      %mul3A_480 = arith.constant 16 : i32
      %mul3A_481 = arith.muli %sub3A_479, %mul3A_480 : i32
      %get3A_482 = arith.index_cast %mul3A_481 : i32 to index
      %get3A_483 = tpu.vector_load %arg14[%get3A_482] {strides = array<i32>} : memref<1024xf32, #tpu.memory_space<vmem>>, vector<16xf32>,
      %slice3A_484 = vector.extract_strided_slice %get3A_238 {offsets = [10], sizes = [1], strides = [1]} : vector<16xf32> to vector<1xf32>
      %squeeze3A_485 = vector.extract %slice3A_484[0] : f32 from vector<1xf32>
      %broadcast_in_dim3A_486 = vector.shape_cast %min3A_99 : vector<16xi32> to vector<16x1xi32>
      %gather3A_487 = vector.shape_cast %broadcast_in_dim3A_486 : vector<16x1xi32> to vector<16xi32>
      %gather3A_488 = tpu.dynamic_gather %get3A_483[%gather3A_487] in [0] : vector<16xf32>, vector<16xi32> -> vector<16xf32>
      %jit3A_489 = arith.constant 3.000000e+38 : f32
      %broadcast_in_dim3A_490 = vector.broadcast %jit3A_489 : f32 to vector<16xf32>
      %select_n3A_491 = arith.select %eq3A_102, %broadcast_in_dim3A_490, %gather3A_488 : vector<16xi1>, vector<16xf32>
      %lt3A_492 = vector.broadcast %squeeze3A_485 : f32 to vector<16xf32>
      %lt3A_493 = arith.cmpf olt, %select_n3A_491, %lt3A_492 : vector<16xf32>
      %lt3A_494 = vector.broadcast %squeeze3A_485 : f32 to vector<16xf32>
      %lt3A_495 = arith.cmpf olt, %get3A_483, %lt3A_494 : vector<16xf32>
      %broadcast_in_dim3A_496 = vector.broadcast %squeeze3A_485 : f32 to vector<16xf32>
      %select_n3A_497 = arith.select %lt3A_495, %broadcast_in_dim3A_496, %get3A_483 : vector<16xi1>, vector<16xf32>
      %select_n3A_498 = arith.select %lt3A_493, %select_n3A_491, %select_n3A_497 : vector<16xi1>, vector<16xf32>
      %swap3A_499 = arith.index_cast %mul3A_481 : i32 to index
      %swap3A_500 = tpu.vector_load %arg14[%swap3A_499] {strides = array<i32>} : memref<1024xf32, #tpu.memory_space<vmem>>, vector<16xf32>,
      tpu.vector_store %arg14[%swap3A_499], %select_n3A_498 {strides = array<i32>} : memref<1024xf32, #tpu.memory_space<vmem>>, vector<16xf32>,
      %slice3A_501 = vector.extract_strided_slice %get3A_232 {offsets = [11], sizes = [1], strides = [1]} : vector<16xi32> to vector<1xi32>
      %squeeze3A_502 = vector.extract %slice3A_501[0] : i32 from vector<1xi32>
      %sub3A_503 = arith.subi %squeeze3A_502, %mul3A_1 : i32
      %mul3A_504 = arith.constant 16 : i32
      %mul3A_505 = arith.muli %sub3A_503, %mul3A_504 : i32
      %get3A_506 = arith.index_cast %mul3A_505 : i32 to index
      %get3A_507 = tpu.vector_load %arg15[%get3A_506] {strides = array<i32>} : memref<1024xf32, #tpu.memory_space<vmem>>, vector<16xf32>,
      %slice3A_508 = vector.extract_strided_slice %get3A_238 {offsets = [11], sizes = [1], strides = [1]} : vector<16xf32> to vector<1xf32>
      %squeeze3A_509 = vector.extract %slice3A_508[0] : f32 from vector<1xf32>
      %broadcast_in_dim3A_510 = vector.shape_cast %min3A_99 : vector<16xi32> to vector<16x1xi32>
      %gather3A_511 = vector.shape_cast %broadcast_in_dim3A_510 : vector<16x1xi32> to vector<16xi32>
      %gather3A_512 = tpu.dynamic_gather %get3A_507[%gather3A_511] in [0] : vector<16xf32>, vector<16xi32> -> vector<16xf32>
      %jit3A_513 = arith.constant 3.000000e+38 : f32
      %broadcast_in_dim3A_514 = vector.broadcast %jit3A_513 : f32 to vector<16xf32>
      %select_n3A_515 = arith.select %eq3A_102, %broadcast_in_dim3A_514, %gather3A_512 : vector<16xi1>, vector<16xf32>
      %lt3A_516 = vector.broadcast %squeeze3A_509 : f32 to vector<16xf32>
      %lt3A_517 = arith.cmpf olt, %select_n3A_515, %lt3A_516 : vector<16xf32>
      %lt3A_518 = vector.broadcast %squeeze3A_509 : f32 to vector<16xf32>
      %lt3A_519 = arith.cmpf olt, %get3A_507, %lt3A_518 : vector<16xf32>
      %broadcast_in_dim3A_520 = vector.broadcast %squeeze3A_509 : f32 to vector<16xf32>
      %select_n3A_521 = arith.select %lt3A_519, %broadcast_in_dim3A_520, %get3A_507 : vector<16xi1>, vector<16xf32>
      %select_n3A_522 = arith.select %lt3A_517, %select_n3A_515, %select_n3A_521 : vector<16xi1>, vector<16xf32>
      %swap3A_523 = arith.index_cast %mul3A_505 : i32 to index
      %swap3A_524 = tpu.vector_load %arg15[%swap3A_523] {strides = array<i32>} : memref<1024xf32, #tpu.memory_space<vmem>>, vector<16xf32>,
      tpu.vector_store %arg15[%swap3A_523], %select_n3A_522 {strides = array<i32>} : memref<1024xf32, #tpu.memory_space<vmem>>, vector<16xf32>,
      %slice3A_525 = vector.extract_strided_slice %get3A_232 {offsets = [12], sizes = [1], strides = [1]} : vector<16xi32> to vector<1xi32>
      %squeeze3A_526 = vector.extract %slice3A_525[0] : i32 from vector<1xi32>
      %sub3A_527 = arith.subi %squeeze3A_526, %mul3A_1 : i32
      %mul3A_528 = arith.constant 16 : i32
      %mul3A_529 = arith.muli %sub3A_527, %mul3A_528 : i32
      %get3A_530 = arith.index_cast %mul3A_529 : i32 to index
      %get3A_531 = tpu.vector_load %arg12[%get3A_530] {strides = array<i32>} : memref<1024xf32, #tpu.memory_space<vmem>>, vector<16xf32>,
      %slice3A_532 = vector.extract_strided_slice %get3A_238 {offsets = [12], sizes = [1], strides = [1]} : vector<16xf32> to vector<1xf32>
      %squeeze3A_533 = vector.extract %slice3A_532[0] : f32 from vector<1xf32>
      %broadcast_in_dim3A_534 = vector.shape_cast %min3A_99 : vector<16xi32> to vector<16x1xi32>
      %gather3A_535 = vector.shape_cast %broadcast_in_dim3A_534 : vector<16x1xi32> to vector<16xi32>
      %gather3A_536 = tpu.dynamic_gather %get3A_531[%gather3A_535] in [0] : vector<16xf32>, vector<16xi32> -> vector<16xf32>
      %jit3A_537 = arith.constant 3.000000e+38 : f32
      %broadcast_in_dim3A_538 = vector.broadcast %jit3A_537 : f32 to vector<16xf32>
      %select_n3A_539 = arith.select %eq3A_102, %broadcast_in_dim3A_538, %gather3A_536 : vector<16xi1>, vector<16xf32>
      %lt3A_540 = vector.broadcast %squeeze3A_533 : f32 to vector<16xf32>
      %lt3A_541 = arith.cmpf olt, %select_n3A_539, %lt3A_540 : vector<16xf32>
      %lt3A_542 = vector.broadcast %squeeze3A_533 : f32 to vector<16xf32>
      %lt3A_543 = arith.cmpf olt, %get3A_531, %lt3A_542 : vector<16xf32>
      %broadcast_in_dim3A_544 = vector.broadcast %squeeze3A_533 : f32 to vector<16xf32>
      %select_n3A_545 = arith.select %lt3A_543, %broadcast_in_dim3A_544, %get3A_531 : vector<16xi1>, vector<16xf32>
      %select_n3A_546 = arith.select %lt3A_541, %select_n3A_539, %select_n3A_545 : vector<16xi1>, vector<16xf32>
      %swap3A_547 = arith.index_cast %mul3A_529 : i32 to index
      %swap3A_548 = tpu.vector_load %arg12[%swap3A_547] {strides = array<i32>} : memref<1024xf32, #tpu.memory_space<vmem>>, vector<16xf32>,
      tpu.vector_store %arg12[%swap3A_547], %select_n3A_546 {strides = array<i32>} : memref<1024xf32, #tpu.memory_space<vmem>>, vector<16xf32>,
      %slice3A_549 = vector.extract_strided_slice %get3A_232 {offsets = [13], sizes = [1], strides = [1]} : vector<16xi32> to vector<1xi32>
      %squeeze3A_550 = vector.extract %slice3A_549[0] : i32 from vector<1xi32>
      %sub3A_551 = arith.subi %squeeze3A_550, %mul3A_1 : i32
      %mul3A_552 = arith.constant 16 : i32
      %mul3A_553 = arith.muli %sub3A_551, %mul3A_552 : i32
      %get3A_554 = arith.index_cast %mul3A_553 : i32 to index
      %get3A_555 = tpu.vector_load %arg13[%get3A_554] {strides = array<i32>} : memref<1024xf32, #tpu.memory_space<vmem>>, vector<16xf32>,
      %slice3A_556 = vector.extract_strided_slice %get3A_238 {offsets = [13], sizes = [1], strides = [1]} : vector<16xf32> to vector<1xf32>
      %squeeze3A_557 = vector.extract %slice3A_556[0] : f32 from vector<1xf32>
      %broadcast_in_dim3A_558 = vector.shape_cast %min3A_99 : vector<16xi32> to vector<16x1xi32>
      %gather3A_559 = vector.shape_cast %broadcast_in_dim3A_558 : vector<16x1xi32> to vector<16xi32>
      %gather3A_560 = tpu.dynamic_gather %get3A_555[%gather3A_559] in [0] : vector<16xf32>, vector<16xi32> -> vector<16xf32>
      %jit3A_561 = arith.constant 3.000000e+38 : f32
      %broadcast_in_dim3A_562 = vector.broadcast %jit3A_561 : f32 to vector<16xf32>
      %select_n3A_563 = arith.select %eq3A_102, %broadcast_in_dim3A_562, %gather3A_560 : vector<16xi1>, vector<16xf32>
      %lt3A_564 = vector.broadcast %squeeze3A_557 : f32 to vector<16xf32>
      %lt3A_565 = arith.cmpf olt, %select_n3A_563, %lt3A_564 : vector<16xf32>
      %lt3A_566 = vector.broadcast %squeeze3A_557 : f32 to vector<16xf32>
      %lt3A_567 = arith.cmpf olt, %get3A_555, %lt3A_566 : vector<16xf32>
      %broadcast_in_dim3A_568 = vector.broadcast %squeeze3A_557 : f32 to vector<16xf32>
      %select_n3A_569 = arith.select %lt3A_567, %broadcast_in_dim3A_568, %get3A_555 : vector<16xi1>, vector<16xf32>
      %select_n3A_570 = arith.select %lt3A_565, %select_n3A_563, %select_n3A_569 : vector<16xi1>, vector<16xf32>
      %swap3A_571 = arith.index_cast %mul3A_553 : i32 to index
      %swap3A_572 = tpu.vector_load %arg13[%swap3A_571] {strides = array<i32>} : memref<1024xf32, #tpu.memory_space<vmem>>, vector<16xf32>,
      tpu.vector_store %arg13[%swap3A_571], %select_n3A_570 {strides = array<i32>} : memref<1024xf32, #tpu.memory_space<vmem>>, vector<16xf32>,
      %slice3A_573 = vector.extract_strided_slice %get3A_232 {offsets = [14], sizes = [1], strides = [1]} : vector<16xi32> to vector<1xi32>
      %squeeze3A_574 = vector.extract %slice3A_573[0] : i32 from vector<1xi32>
      %sub3A_575 = arith.subi %squeeze3A_574, %mul3A_1 : i32
      %mul3A_576 = arith.constant 16 : i32
      %mul3A_577 = arith.muli %sub3A_575, %mul3A_576 : i32
      %get3A_578 = arith.index_cast %mul3A_577 : i32 to index
      %get3A_579 = tpu.vector_load %arg14[%get3A_578] {strides = array<i32>} : memref<1024xf32, #tpu.memory_space<vmem>>, vector<16xf32>,
      %slice3A_580 = vector.extract_strided_slice %get3A_238 {offsets = [14], sizes = [1], strides = [1]} : vector<16xf32> to vector<1xf32>
      %squeeze3A_581 = vector.extract %slice3A_580[0] : f32 from vector<1xf32>
      %broadcast_in_dim3A_582 = vector.shape_cast %min3A_99 : vector<16xi32> to vector<16x1xi32>
      %gather3A_583 = vector.shape_cast %broadcast_in_dim3A_582 : vector<16x1xi32> to vector<16xi32>
      %gather3A_584 = tpu.dynamic_gather %get3A_579[%gather3A_583] in [0] : vector<16xf32>, vector<16xi32> -> vector<16xf32>
      %jit3A_585 = arith.constant 3.000000e+38 : f32
      %broadcast_in_dim3A_586 = vector.broadcast %jit3A_585 : f32 to vector<16xf32>
      %select_n3A_587 = arith.select %eq3A_102, %broadcast_in_dim3A_586, %gather3A_584 : vector<16xi1>, vector<16xf32>
      %lt3A_588 = vector.broadcast %squeeze3A_581 : f32 to vector<16xf32>
      %lt3A_589 = arith.cmpf olt, %select_n3A_587, %lt3A_588 : vector<16xf32>
      %lt3A_590 = vector.broadcast %squeeze3A_581 : f32 to vector<16xf32>
      %lt3A_591 = arith.cmpf olt, %get3A_579, %lt3A_590 : vector<16xf32>
      %broadcast_in_dim3A_592 = vector.broadcast %squeeze3A_581 : f32 to vector<16xf32>
      %select_n3A_593 = arith.select %lt3A_591, %broadcast_in_dim3A_592, %get3A_579 : vector<16xi1>, vector<16xf32>
      %select_n3A_594 = arith.select %lt3A_589, %select_n3A_587, %select_n3A_593 : vector<16xi1>, vector<16xf32>
      %swap3A_595 = arith.index_cast %mul3A_577 : i32 to index
      %swap3A_596 = tpu.vector_load %arg14[%swap3A_595] {strides = array<i32>} : memref<1024xf32, #tpu.memory_space<vmem>>, vector<16xf32>,
      tpu.vector_store %arg14[%swap3A_595], %select_n3A_594 {strides = array<i32>} : memref<1024xf32, #tpu.memory_space<vmem>>, vector<16xf32>,
      %slice3A_597 = vector.extract_strided_slice %get3A_232 {offsets = [15], sizes = [1], strides = [1]} : vector<16xi32> to vector<1xi32>
      %squeeze3A_598 = vector.extract %slice3A_597[0] : i32 from vector<1xi32>
      %sub3A_599 = arith.subi %squeeze3A_598, %mul3A_1 : i32
      %mul3A_600 = arith.constant 16 : i32
      %mul3A_601 = arith.muli %sub3A_599, %mul3A_600 : i32
      %get3A_602 = arith.index_cast %mul3A_601 : i32 to index
      %get3A_603 = tpu.vector_load %arg15[%get3A_602] {strides = array<i32>} : memref<1024xf32, #tpu.memory_space<vmem>>, vector<16xf32>,
      %slice3A_604 = vector.extract_strided_slice %get3A_238 {offsets = [15], sizes = [1], strides = [1]} : vector<16xf32> to vector<1xf32>
      %squeeze3A_605 = vector.extract %slice3A_604[0] : f32 from vector<1xf32>
      %broadcast_in_dim3A_606 = vector.shape_cast %min3A_99 : vector<16xi32> to vector<16x1xi32>
      %gather3A_607 = vector.shape_cast %broadcast_in_dim3A_606 : vector<16x1xi32> to vector<16xi32>
      %gather3A_608 = tpu.dynamic_gather %get3A_603[%gather3A_607] in [0] : vector<16xf32>, vector<16xi32> -> vector<16xf32>
      %jit3A_609 = arith.constant 3.000000e+38 : f32
      %broadcast_in_dim3A_610 = vector.broadcast %jit3A_609 : f32 to vector<16xf32>
      %select_n3A_611 = arith.select %eq3A_102, %broadcast_in_dim3A_610, %gather3A_608 : vector<16xi1>, vector<16xf32>
      %lt3A_612 = vector.broadcast %squeeze3A_605 : f32 to vector<16xf32>
      %lt3A_613 = arith.cmpf olt, %select_n3A_611, %lt3A_612 : vector<16xf32>
      %lt3A_614 = vector.broadcast %squeeze3A_605 : f32 to vector<16xf32>
      %lt3A_615 = arith.cmpf olt, %get3A_603, %lt3A_614 : vector<16xf32>
      %broadcast_in_dim3A_616 = vector.broadcast %squeeze3A_605 : f32 to vector<16xf32>
      %select_n3A_617 = arith.select %lt3A_615, %broadcast_in_dim3A_616, %get3A_603 : vector<16xi1>, vector<16xf32>
      %select_n3A_618 = arith.select %lt3A_613, %select_n3A_611, %select_n3A_617 : vector<16xi1>, vector<16xf32>
      %swap3A_619 = arith.index_cast %mul3A_601 : i32 to index
      %swap3A_620 = tpu.vector_load %arg15[%swap3A_619] {strides = array<i32>} : memref<1024xf32, #tpu.memory_space<vmem>>, vector<16xf32>,
      tpu.vector_store %arg15[%swap3A_619], %select_n3A_618 {strides = array<i32>} : memref<1024xf32, #tpu.memory_space<vmem>>, vector<16xf32>,
    }
    %scan3A_173 = arith.constant 0 : i32
    %scan3A_174 = arith.constant 64 : i32
    %scan3A_175 = arith.addi %scan3A_173, %scan3A_174 : i32
    %scan3A_176 = arith.constant 1 : i32
    %scan3A_177 = scf.for %scan3A_227 = %scan3A_173 to %scan3A_175 step %scan3A_176 iter_args(%scan3A_228 = %broadcast_in_dim3A_2) -> (vector<16xf32>)  : i32 {
      %sub3A_229 = arith.constant 63 : i32
      %sub3A_230 = arith.subi %sub3A_229, %scan3A_227 : i32
      %select_n3A_231 = arith.select %eq3A_0, %scan3A_227, %sub3A_230 : i32
      %mul3A_232 = arith.constant 16 : i32
      %mul3A_233 = arith.muli %select_n3A_231, %mul3A_232 : i32
      %get3A = arith.index_cast %mul3A_233 : i32 to index
      %get3A_234 = tpu.vector_load %arg12[%get3A] {strides = array<i32>} : memref<1024xf32, #tpu.memory_space<vmem>>, vector<16xf32>,
      %mul3A_235 = arith.constant 16 : i32
      %mul3A_236 = arith.muli %select_n3A_231, %mul3A_235 : i32
      %get3A_237 = arith.index_cast %mul3A_236 : i32 to index
      %get3A_238 = tpu.vector_load %arg13[%get3A_237] {strides = array<i32>} : memref<1024xf32, #tpu.memory_space<vmem>>, vector<16xf32>,
      %rev3A = arith.constant 15 : i32
      %rev3A_239 = vector.broadcast %rev3A : i32 to vector<16xi32>
      %rev3A_240 = tpu.iota {dimensions = array<i32: 0>} : vector<16xi32>
      %rev3A_241 = arith.subi %rev3A_239, %rev3A_240 : vector<16xi32>
      %rev3A_242 = tpu.dynamic_gather %get3A_238[%rev3A_241] in [0] : vector<16xf32>, vector<16xi32> -> vector<16xf32>
      %max3A = arith.maximumf %get3A_234, %rev3A_242 : vector<16xf32>
      %sort3A_243 = arith.constant dense<true> : vector<16xi1>
      %sort3A_244, %sort3A_245, %sort3A_246 = tpu.sort %max3A, %max3A masked %sort3A_243 : (vector<16xf32>, vector<16xf32>, vector<16xi1>) -> (vector<16xi1>, vector<16xf32>, vector<16xf32>)
      %mul3A_247 = arith.constant 16 : i32
      %mul3A_248 = arith.muli %select_n3A_231, %mul3A_247 : i32
      %get3A_249 = arith.index_cast %mul3A_248 : i32 to index
      %get3A_250 = tpu.vector_load %arg14[%get3A_249] {strides = array<i32>} : memref<1024xf32, #tpu.memory_space<vmem>>, vector<16xf32>,
      %mul3A_251 = arith.constant 16 : i32
      %mul3A_252 = arith.muli %select_n3A_231, %mul3A_251 : i32
      %get3A_253 = arith.index_cast %mul3A_252 : i32 to index
      %get3A_254 = tpu.vector_load %arg15[%get3A_253] {strides = array<i32>} : memref<1024xf32, #tpu.memory_space<vmem>>, vector<16xf32>,
      %rev3A_255 = arith.constant 15 : i32
      %rev3A_256 = vector.broadcast %rev3A_255 : i32 to vector<16xi32>
      %rev3A_257 = tpu.iota {dimensions = array<i32: 0>} : vector<16xi32>
      %rev3A_258 = arith.subi %rev3A_256, %rev3A_257 : vector<16xi32>
      %rev3A_259 = tpu.dynamic_gather %get3A_254[%rev3A_258] in [0] : vector<16xf32>, vector<16xi32> -> vector<16xf32>
      %max3A_260 = arith.maximumf %get3A_250, %rev3A_259 : vector<16xf32>
      %sort3A_261 = arith.constant dense<true> : vector<16xi1>
      %sort3A_262, %sort3A_263, %sort3A_264 = tpu.sort %max3A_260, %max3A_260 masked %sort3A_261 : (vector<16xf32>, vector<16xf32>, vector<16xi1>) -> (vector<16xi1>, vector<16xf32>, vector<16xf32>)
      %rev3A_265 = arith.constant 15 : i32
      %rev3A_266 = vector.broadcast %rev3A_265 : i32 to vector<16xi32>
      %rev3A_267 = tpu.iota {dimensions = array<i32: 0>} : vector<16xi32>
      %rev3A_268 = arith.subi %rev3A_266, %rev3A_267 : vector<16xi32>
      %rev3A_269 = tpu.dynamic_gather %sort3A_263[%rev3A_268] in [0] : vector<16xf32>, vector<16xi32> -> vector<16xf32>
      %max3A_270 = arith.maximumf %sort3A_245, %rev3A_269 : vector<16xf32>
      %sort3A_271 = arith.constant dense<true> : vector<16xi1>
      %sort3A_272, %sort3A_273, %sort3A_274 = tpu.sort %max3A_270, %max3A_270 masked %sort3A_271 : (vector<16xf32>, vector<16xf32>, vector<16xi1>) -> (vector<16xi1>, vector<16xf32>, vector<16xf32>)
      %rev3A_275 = arith.constant 15 : i32
      %rev3A_276 = vector.broadcast %rev3A_275 : i32 to vector<16xi32>
      %rev3A_277 = tpu.iota {dimensions = array<i32: 0>} : vector<16xi32>
      %rev3A_278 = arith.subi %rev3A_276, %rev3A_277 : vector<16xi32>
      %rev3A_279 = tpu.dynamic_gather %sort3A_273[%rev3A_278] in [0] : vector<16xf32>, vector<16xi32> -> vector<16xf32>
      %max3A_280 = arith.maximumf %scan3A_228, %rev3A_279 : vector<16xf32>
      %sort3A_281 = arith.constant dense<true> : vector<16xi1>
      %sort3A_282, %sort3A_283, %sort3A_284 = tpu.sort %max3A_280, %max3A_280 masked %sort3A_281 : (vector<16xf32>, vector<16xf32>, vector<16xi1>) -> (vector<16xi1>, vector<16xf32>, vector<16xf32>)
      %select_n3A_285 = arith.select %eq3A_0, %sort3A_283, %scan3A_228 : vector<16xf32>
      %mul3A_286 = arith.constant 16 : i32
      %mul3A_287 = arith.muli %select_n3A_231, %mul3A_286 : i32
      %swap3A_288 = arith.index_cast %mul3A_287 : i32 to index
      %swap3A_289 = tpu.vector_load %arg16[%swap3A_288] {strides = array<i32>} : memref<1024xf32, #tpu.memory_space<vmem>>, vector<16xf32>,
      tpu.vector_store %arg16[%swap3A_288], %select_n3A_285 {strides = array<i32>} : memref<1024xf32, #tpu.memory_space<vmem>>, vector<16xf32>,
      scf.yield %sort3A_283 : vector<16xf32>
    }
    %scan3A_178 = arith.constant 64 : i32
    %swap3A_179 = arith.constant 0 : index
    %swap3A_180 = tpu.vector_load %arg19[%swap3A_179] {strides = array<i32>} : memref<16xf32, #tpu.memory_space<vmem>>, vector<16xf32>,
    tpu.vector_store %arg19[%swap3A_179], %scan3A_177 {strides = array<i32>} : memref<16xf32, #tpu.memory_space<vmem>>, vector<16xf32>,
    %mul3A_181 = arith.constant 16 : i32
    %mul3A_182 = arith.muli %arg0, %mul3A_181 : i32
    %add3A_183 = arith.addi %mul3A_182, %arg1 : i32
    %mul3A_184 = arith.constant 16 : i32
    %mul3A_185 = arith.muli %add3A_183, %mul3A_184 : i32
    "tpu.region"() ({
      %run_scoped3A = tpu.sem_alloc : memref<!tpu.dma_semaphore, #tpu.memory_space<semaphore_mem>>
      %dma_start3A = tpu.memref_slice %arg6[%mul3A_185] : memref<512xf32, #tpu.memory_space<hbm>> -> memref<16xf32, #tpu.memory_space<hbm>>
      %dma_start3A_227 = tpu.memref_slice %arg6[%mul3A_185] : memref<512xf32, #tpu.memory_space<hbm>> -> memref<16xf32, #tpu.memory_space<hbm>>
      tpu.enqueue_dma source(%arg19 : memref<16xf32, #tpu.memory_space<vmem>>) target(%dma_start3A_227 : memref<16xf32, #tpu.memory_space<hbm>>) target_semaphore(%run_scoped3A : memref<!tpu.dma_semaphore, #tpu.memory_space<semaphore_mem>>)
      %dma_wait3A = tpu.memref_slice %arg6[%mul3A_185] : memref<512xf32, #tpu.memory_space<hbm>> -> memref<16xf32, #tpu.memory_space<hbm>>
      %dma_wait3A_228 = tpu.memref_slice %arg6[%mul3A_185] : memref<512xf32, #tpu.memory_space<hbm>> -> memref<16xf32, #tpu.memory_space<hbm>>
      tpu.wait_dma2 semaphore(%run_scoped3A : memref<!tpu.dma_semaphore, #tpu.memory_space<semaphore_mem>>) src(%arg19 : memref<16xf32, #tpu.memory_space<vmem>>) dst(%dma_wait3A_228 : memref<16xf32, #tpu.memory_space<hbm>>)
      tpu.yield
    }) : () -> ()
    %barrier3A_186 = arith.constant 0 : index
    tpu.barrier barrier_id(%barrier3A_186)
    %mul3A_187 = arith.constant 16 : i32
    %mul3A_188 = arith.muli %arg0, %mul3A_187 : i32
    %mul3A_189 = arith.constant 16 : i32
    %mul3A_190 = arith.muli %mul3A_188, %mul3A_189 : i32
    "tpu.region"() ({
      %run_scoped3A = tpu.sem_alloc : memref<!tpu.dma_semaphore, #tpu.memory_space<semaphore_mem>>
      %dma_start3A = tpu.memref_slice %arg6[%mul3A_190] : memref<512xf32, #tpu.memory_space<hbm>> -> memref<256xf32, #tpu.memory_space<hbm>>
      %dma_start3A_227 = tpu.memref_slice %arg6[%mul3A_190] : memref<512xf32, #tpu.memory_space<hbm>> -> memref<256xf32, #tpu.memory_space<hbm>>
      tpu.enqueue_dma source(%dma_start3A_227 : memref<256xf32, #tpu.memory_space<hbm>>) target(%arg18 : memref<256xf32, #tpu.memory_space<vmem>>) target_semaphore(%run_scoped3A : memref<!tpu.dma_semaphore, #tpu.memory_space<semaphore_mem>>)
      %dma_wait3A = tpu.memref_slice %arg6[%mul3A_190] : memref<512xf32, #tpu.memory_space<hbm>> -> memref<256xf32, #tpu.memory_space<hbm>>
      %dma_wait3A_228 = tpu.memref_slice %arg6[%mul3A_190] : memref<512xf32, #tpu.memory_space<hbm>> -> memref<256xf32, #tpu.memory_space<hbm>>
      tpu.wait_dma2 semaphore(%run_scoped3A : memref<!tpu.dma_semaphore, #tpu.memory_space<semaphore_mem>>) src(%dma_wait3A_228 : memref<256xf32, #tpu.memory_space<hbm>>) dst(%arg18 : memref<256xf32, #tpu.memory_space<vmem>>)
      tpu.yield
    }) : () -> ()
    %while3A_191 = arith.constant 0 : i32
    %while3A_192 = arith.subi %arg1, %while3A_191 : i32
    %while3A_193 = arith.addi %while3A_191, %while3A_192 : i32
    %while3A_194 = arith.constant 1 : i32
    %while3A_195 = arith.divsi %while3A_192, %while3A_194 : i32
    %while3A_196 = arith.muli %while3A_195, %while3A_194 : i32
    %while3A_197 = arith.addi %while3A_191, %while3A_196 : i32
    %while3A_198 = arith.constant 1 : i32
    %while3A_199 = scf.for %while3A_227 = %while3A_191 to %while3A_197 step %while3A_198 iter_args(%while3A_228 = %broadcast_in_dim3A_2) -> (vector<16xf32>)  : i32 {
      %mul3A_229 = arith.constant 16 : i32
      %mul3A_230 = arith.muli %while3A_227, %mul3A_229 : i32
      %get3A = arith.index_cast %mul3A_230 : i32 to index
      %get3A_231 = tpu.vector_load %arg18[%get3A] {strides = array<i32>} : memref<256xf32, #tpu.memory_space<vmem>>, vector<16xf32>,
      %rev3A = arith.constant 15 : i32
      %rev3A_232 = vector.broadcast %rev3A : i32 to vector<16xi32>
      %rev3A_233 = tpu.iota {dimensions = array<i32: 0>} : vector<16xi32>
      %rev3A_234 = arith.subi %rev3A_232, %rev3A_233 : vector<16xi32>
      %rev3A_235 = tpu.dynamic_gather %get3A_231[%rev3A_234] in [0] : vector<16xf32>, vector<16xi32> -> vector<16xf32>
      %max3A = arith.maximumf %while3A_228, %rev3A_235 : vector<16xf32>
      %sort3A_236 = arith.constant dense<true> : vector<16xi1>
      %sort3A_237, %sort3A_238, %sort3A_239 = tpu.sort %max3A, %max3A masked %sort3A_236 : (vector<16xf32>, vector<16xf32>, vector<16xi1>) -> (vector<16xi1>, vector<16xf32>, vector<16xf32>)
      scf.yield %sort3A_238 : vector<16xf32>
    }
    %while3A_200 = arith.constant 1 : i32
    %while3A_201 = scf.for %while3A_227 = %while3A_197 to %while3A_193 step %while3A_200 iter_args(%while3A_228 = %while3A_199) -> (vector<16xf32>)  : i32 {
      %mul3A_229 = arith.constant 16 : i32
      %mul3A_230 = arith.muli %while3A_227, %mul3A_229 : i32
      %get3A = arith.index_cast %mul3A_230 : i32 to index
      %get3A_231 = tpu.vector_load %arg18[%get3A] {strides = array<i32>} : memref<256xf32, #tpu.memory_space<vmem>>, vector<16xf32>,
      %rev3A = arith.constant 15 : i32
      %rev3A_232 = vector.broadcast %rev3A : i32 to vector<16xi32>
      %rev3A_233 = tpu.iota {dimensions = array<i32: 0>} : vector<16xi32>
      %rev3A_234 = arith.subi %rev3A_232, %rev3A_233 : vector<16xi32>
      %rev3A_235 = tpu.dynamic_gather %get3A_231[%rev3A_234] in [0] : vector<16xf32>, vector<16xi32> -> vector<16xf32>
      %max3A = arith.maximumf %while3A_228, %rev3A_235 : vector<16xf32>
      %sort3A_236 = arith.constant dense<true> : vector<16xi1>
      %sort3A_237, %sort3A_238, %sort3A_239 = tpu.sort %max3A, %max3A masked %sort3A_236 : (vector<16xf32>, vector<16xf32>, vector<16xi1>) -> (vector<16xi1>, vector<16xf32>, vector<16xf32>)
      scf.yield %sort3A_238 : vector<16xf32>
    }
    %add3A_202 = arith.constant 1 : i32
    %add3A_203 = arith.addi %arg1, %add3A_202 : i32
    %while3A_204 = arith.constant 16 : i32
    %while3A_205 = arith.subi %while3A_204, %add3A_203 : i32
    %while3A_206 = arith.addi %add3A_203, %while3A_205 : i32
    %while3A_207 = arith.constant 1 : i32
    %while3A_208 = arith.divsi %while3A_205, %while3A_207 : i32
    %while3A_209 = arith.muli %while3A_208, %while3A_207 : i32
    %while3A_210 = arith.addi %add3A_203, %while3A_209 : i32
    %while3A_211 = arith.constant 1 : i32
    %while3A_212 = scf.for %while3A_227 = %add3A_203 to %while3A_210 step %while3A_211 iter_args(%while3A_228 = %broadcast_in_dim3A_2) -> (vector<16xf32>)  : i32 {
      %mul3A_229 = arith.constant 16 : i32
      %mul3A_230 = arith.muli %while3A_227, %mul3A_229 : i32
      %get3A = arith.index_cast %mul3A_230 : i32 to index
      %get3A_231 = tpu.vector_load %arg18[%get3A] {strides = array<i32>} : memref<256xf32, #tpu.memory_space<vmem>>, vector<16xf32>,
      %rev3A = arith.constant 15 : i32
      %rev3A_232 = vector.broadcast %rev3A : i32 to vector<16xi32>
      %rev3A_233 = tpu.iota {dimensions = array<i32: 0>} : vector<16xi32>
      %rev3A_234 = arith.subi %rev3A_232, %rev3A_233 : vector<16xi32>
      %rev3A_235 = tpu.dynamic_gather %get3A_231[%rev3A_234] in [0] : vector<16xf32>, vector<16xi32> -> vector<16xf32>
      %max3A = arith.maximumf %while3A_228, %rev3A_235 : vector<16xf32>
      %sort3A_236 = arith.constant dense<true> : vector<16xi1>
      %sort3A_237, %sort3A_238, %sort3A_239 = tpu.sort %max3A, %max3A masked %sort3A_236 : (vector<16xf32>, vector<16xf32>, vector<16xi1>) -> (vector<16xi1>, vector<16xf32>, vector<16xf32>)
      scf.yield %sort3A_238 : vector<16xf32>
    }
    %while3A_213 = arith.constant 1 : i32
    %while3A_214 = scf.for %while3A_227 = %while3A_210 to %while3A_206 step %while3A_213 iter_args(%while3A_228 = %while3A_212) -> (vector<16xf32>)  : i32 {
      %mul3A_229 = arith.constant 16 : i32
      %mul3A_230 = arith.muli %while3A_227, %mul3A_229 : i32
      %get3A = arith.index_cast %mul3A_230 : i32 to index
      %get3A_231 = tpu.vector_load %arg18[%get3A] {strides = array<i32>} : memref<256xf32, #tpu.memory_space<vmem>>, vector<16xf32>,
      %rev3A = arith.constant 15 : i32
      %rev3A_232 = vector.broadcast %rev3A : i32 to vector<16xi32>
      %rev3A_233 = tpu.iota {dimensions = array<i32: 0>} : vector<16xi32>
      %rev3A_234 = arith.subi %rev3A_232, %rev3A_233 : vector<16xi32>
      %rev3A_235 = tpu.dynamic_gather %get3A_231[%rev3A_234] in [0] : vector<16xf32>, vector<16xi32> -> vector<16xf32>
      %max3A = arith.maximumf %while3A_228, %rev3A_235 : vector<16xf32>
      %sort3A_236 = arith.constant dense<true> : vector<16xi1>
      %sort3A_237, %sort3A_238, %sort3A_239 = tpu.sort %max3A, %max3A masked %sort3A_236 : (vector<16xf32>, vector<16xf32>, vector<16xi1>) -> (vector<16xi1>, vector<16xf32>, vector<16xf32>)
      scf.yield %sort3A_238 : vector<16xf32>
    }
    %select_n3A_215 = arith.select %eq3A_0, %while3A_201, %while3A_214 : vector<16xf32>
    %scan3A_216 = arith.constant 0 : i32
    %scan3A_217 = arith.constant 0 : i32
    %scan3A_218 = arith.constant 64 : i32
    %scan3A_219 = arith.addi %scan3A_217, %scan3A_218 : i32
    %scan3A_220 = arith.constant 1 : i32
    scf.for %scan3A_227 = %scan3A_217 to %scan3A_219 step %scan3A_220  : i32 {
      %mul3A_228 = arith.constant 16 : i32
      %mul3A_229 = arith.muli %scan3A_227, %mul3A_228 : i32
      %get3A = arith.index_cast %mul3A_229 : i32 to index
      %get3A_230 = tpu.vector_load %arg16[%get3A] {strides = array<i32>} : memref<1024xf32, #tpu.memory_space<vmem>>, vector<16xf32>,
      %rev3A = arith.constant 15 : i32
      %rev3A_231 = vector.broadcast %rev3A : i32 to vector<16xi32>
      %rev3A_232 = tpu.iota {dimensions = array<i32: 0>} : vector<16xi32>
      %rev3A_233 = arith.subi %rev3A_231, %rev3A_232 : vector<16xi32>
      %rev3A_234 = tpu.dynamic_gather %select_n3A_215[%rev3A_233] in [0] : vector<16xf32>, vector<16xi32> -> vector<16xf32>
      %max3A = arith.maximumf %get3A_230, %rev3A_234 : vector<16xf32>
      %sort3A_235 = arith.constant dense<true> : vector<16xi1>
      %sort3A_236, %sort3A_237, %sort3A_238 = tpu.sort %max3A, %max3A masked %sort3A_235 : (vector<16xf32>, vector<16xf32>, vector<16xi1>) -> (vector<16xi1>, vector<16xf32>, vector<16xf32>)
      %swap3A_239 = arith.index_cast %scan3A_227 : i32 to index
      %swap3A_240 = arith.constant 0 : index
      %swap3A_241 = tpu.vector_load %arg17[%swap3A_239, %swap3A_240] {strides = array<i32>} : memref<64x16xf32, #tpu.memory_space<vmem>>, vector<16xf32>,
      tpu.vector_store %arg17[%swap3A_239, %swap3A_240], %sort3A_237 {strides = array<i32>} : memref<64x16xf32, #tpu.memory_space<vmem>>, vector<16xf32>,
    }
    %scan3A_221 = arith.constant 64 : i32
    %convert_element_type3A = arith.extui %eq3A_0 : i1 to i32
    %cond3A = arith.constant 0 : i32
    %cond3A_222 = arith.cmpi ne, %convert_element_type3A, %cond3A : i32
    scf.if %cond3A_222 {
      "tpu.region"() ({
        %run_scoped3A = tpu.sem_alloc : memref<!tpu.dma_semaphore, #tpu.memory_space<semaphore_mem>>
        %dma_start3A = arith.constant 0 : i32
        %dma_start3A_227 = tpu.memref_slice %arg4[%mul3A_1, %dma_start3A] : memref<1024x16xf32, #tpu.memory_space<hbm>> -> memref<64x16xf32, #tpu.memory_space<hbm>>
        %dma_start3A_228 = arith.constant 0 : i32
        %dma_start3A_229 = tpu.memref_slice %arg4[%mul3A_1, %dma_start3A_228] : memref<1024x16xf32, #tpu.memory_space<hbm>> -> memref<64x16xf32, #tpu.memory_space<hbm>>
        tpu.enqueue_dma source(%arg17 : memref<64x16xf32, #tpu.memory_space<vmem>>) target(%dma_start3A_229 : memref<64x16xf32, #tpu.memory_space<hbm>>) target_semaphore(%run_scoped3A : memref<!tpu.dma_semaphore, #tpu.memory_space<semaphore_mem>>)
        %dma_wait3A = arith.constant 0 : i32
        %dma_wait3A_230 = tpu.memref_slice %arg4[%mul3A_1, %dma_wait3A] : memref<1024x16xf32, #tpu.memory_space<hbm>> -> memref<64x16xf32, #tpu.memory_space<hbm>>
        %dma_wait3A_231 = arith.constant 0 : i32
        %dma_wait3A_232 = tpu.memref_slice %arg4[%mul3A_1, %dma_wait3A_231] : memref<1024x16xf32, #tpu.memory_space<hbm>> -> memref<64x16xf32, #tpu.memory_space<hbm>>
        tpu.wait_dma2 semaphore(%run_scoped3A : memref<!tpu.dma_semaphore, #tpu.memory_space<semaphore_mem>>) src(%arg17 : memref<64x16xf32, #tpu.memory_space<vmem>>) dst(%dma_wait3A_232 : memref<64x16xf32, #tpu.memory_space<hbm>>)
        tpu.yield
      }) : () -> ()
    } else {
    }
    %not3A = arith.constant true
    %not3A_223 = arith.xori %eq3A_0, %not3A : i1
    %convert_element_type3A_224 = arith.extui %not3A_223 : i1 to i32
    %cond3A_225 = arith.constant 0 : i32
    %cond3A_226 = arith.cmpi ne, %convert_element_type3A_224, %cond3A_225 : i32
    scf.if %cond3A_226 {
      "tpu.region"() ({
        %run_scoped3A = tpu.sem_alloc : memref<!tpu.dma_semaphore, #tpu.memory_space<semaphore_mem>>
        %dma_start3A = arith.constant 0 : i32
        %dma_start3A_227 = tpu.memref_slice %arg5[%mul3A_1, %dma_start3A] : memref<1024x16xf32, #tpu.memory_space<hbm>> -> memref<64x16xf32, #tpu.memory_space<hbm>>
        %dma_start3A_228 = arith.constant 0 : i32
        %dma_start3A_229 = tpu.memref_slice %arg5[%mul3A_1, %dma_start3A_228] : memref<1024x16xf32, #tpu.memory_space<hbm>> -> memref<64x16xf32, #tpu.memory_space<hbm>>
        tpu.enqueue_dma source(%arg17 : memref<64x16xf32, #tpu.memory_space<vmem>>) target(%dma_start3A_229 : memref<64x16xf32, #tpu.memory_space<hbm>>) target_semaphore(%run_scoped3A : memref<!tpu.dma_semaphore, #tpu.memory_space<semaphore_mem>>)
        %dma_wait3A = arith.constant 0 : i32
        %dma_wait3A_230 = tpu.memref_slice %arg5[%mul3A_1, %dma_wait3A] : memref<1024x16xf32, #tpu.memory_space<hbm>> -> memref<64x16xf32, #tpu.memory_space<hbm>>
        %dma_wait3A_231 = arith.constant 0 : i32
        %dma_wait3A_232 = tpu.memref_slice %arg5[%mul3A_1, %dma_wait3A_231] : memref<1024x16xf32, #tpu.memory_space<hbm>> -> memref<64x16xf32, #tpu.memory_space<hbm>>
        tpu.wait_dma2 semaphore(%run_scoped3A : memref<!tpu.dma_semaphore, #tpu.memory_space<semaphore_mem>>) src(%arg17 : memref<64x16xf32, #tpu.memory_space<vmem>>) dst(%dma_wait3A_232 : memref<64x16xf32, #tpu.memory_space<hbm>>)
        tpu.yield
      }) : () -> ()
    } else {
    }
    return
  }
}

module attributes {stable_mosaic.version = 14 : i64} {
  func.func @_combine_body(%arg0: memref<20000x2xf32, #tpu.memory_space<vmem>>, %arg1: memref<16x1024xf32, #tpu.memory_space<vmem>>, %arg2: memref<16x1024xf32, #tpu.memory_space<vmem>>, %arg3: memref<8x1024xf32, #tpu.memory_space<vmem>>) attributes {dimension_semantics = [], scalar_prefetch = 0 : i64, scratch_operands = 0 : i64, tpu.core_type = #tpu.core_type<tc>} {
    %get3A = arith.constant 0 : index
    %get3A_0 = arith.constant 0 : index
    %get3A_1 = vector.load %arg0[%get3A, %get3A_0] : memref<20000x2xf32, #tpu.memory_space<vmem>>, vector<20000x1xf32>
    %reduce_min3A = vector.shape_cast %get3A_1 : vector<20000x1xf32> to vector<1x20000x1xf32>
    %reduce_min3A_2 = arith.constant dense<0x7F800000> : vector<1xf32>
    %reduce_min3A_3 = vector.multi_reduction <minimumf>, %reduce_min3A, %reduce_min3A_2 [1, 2] : vector<1x20000x1xf32> to vector<1xf32>
    %reduce_min3A_4 = vector.shape_cast %reduce_min3A_3 : vector<1xf32> to vector<1x1x1xf32>
    %reduce_min3A_5 = vector.extract %reduce_min3A_4[0, 0, 0] : f32 from vector<1x1x1xf32>
    %get3A_6 = arith.constant 0 : index
    %get3A_7 = arith.constant 1 : index
    %get3A_8 = vector.load %arg0[%get3A_6, %get3A_7] : memref<20000x2xf32, #tpu.memory_space<vmem>>, vector<20000x1xf32>
    %reduce_max3A = vector.shape_cast %get3A_8 : vector<20000x1xf32> to vector<1x20000x1xf32>
    %reduce_max3A_9 = arith.constant dense<0xFF800000> : vector<1xf32>
    %reduce_max3A_10 = vector.multi_reduction <maximumf>, %reduce_max3A, %reduce_max3A_9 [1, 2] : vector<1x20000x1xf32> to vector<1xf32>
    %reduce_max3A_11 = vector.shape_cast %reduce_max3A_10 : vector<1xf32> to vector<1x1x1xf32>
    %reduce_max3A_12 = vector.extract %reduce_max3A_11[0, 0, 0] : f32 from vector<1x1x1xf32>
    %sub3A = arith.subf %reduce_max3A_12, %reduce_min3A_5 : f32
    %div3A = arith.constant 1.023000e+03 : f32
    %div3A_13 = arith.divf %sub3A, %div3A : f32
    %iota3A = tpu.iota {dimensions = array<i32: 1>} : vector<1x1024xi32>
    %convert_element_type3A = arith.sitofp %iota3A : vector<1x1024xi32> to vector<1x1024xf32>
    %mul3A = vector.broadcast %div3A_13 : f32 to vector<1x1024xf32>
    %mul3A_14 = arith.mulf %mul3A, %convert_element_type3A : vector<1x1024xf32>
    %add3A = vector.broadcast %reduce_min3A_5 : f32 to vector<1x1024xf32>
    %add3A_15 = arith.addf %add3A, %mul3A_14 : vector<1x1024xf32>
    %broadcast_in_dim3A = arith.constant 0.000000e+00 : f32
    %broadcast_in_dim3A_16 = vector.broadcast %broadcast_in_dim3A : f32 to vector<1x1024xf32>
    %get3A_17 = arith.constant 11 : index
    %get3A_18 = arith.constant 0 : index
    %get3A_19 = vector.load %arg1[%get3A_17, %get3A_18] : memref<16x1024xf32, #tpu.memory_space<vmem>>, vector<1x1024xf32>
    %sub3A_20 = arith.subf %get3A_19, %add3A_15 : vector<1x1024xf32>
    %max3A = arith.maximumf %broadcast_in_dim3A_16, %sub3A_20 : vector<1x1024xf32>
    %min3A = arith.minimumf %broadcast_in_dim3A_16, %sub3A_20 : vector<1x1024xf32>
    %max3A_21 = arith.maximumf %broadcast_in_dim3A_16, %min3A : vector<1x1024xf32>
    %min3A_22 = arith.minimumf %broadcast_in_dim3A_16, %min3A : vector<1x1024xf32>
    %max3A_23 = arith.maximumf %broadcast_in_dim3A_16, %min3A_22 : vector<1x1024xf32>
    %min3A_24 = arith.minimumf %broadcast_in_dim3A_16, %min3A_22 : vector<1x1024xf32>
    %max3A_25 = arith.maximumf %broadcast_in_dim3A_16, %min3A_24 : vector<1x1024xf32>
    %min3A_26 = arith.minimumf %broadcast_in_dim3A_16, %min3A_24 : vector<1x1024xf32>
    %max3A_27 = arith.maximumf %broadcast_in_dim3A_16, %min3A_26 : vector<1x1024xf32>
    %get3A_28 = arith.constant 11 : index
    %get3A_29 = arith.constant 0 : index
    %get3A_30 = vector.load %arg2[%get3A_28, %get3A_29] : memref<16x1024xf32, #tpu.memory_space<vmem>>, vector<1x1024xf32>
    %add3A_31 = arith.addf %add3A_15, %get3A_30 : vector<1x1024xf32>
    %max3A_32 = arith.maximumf %max3A, %add3A_31 : vector<1x1024xf32>
    %min3A_33 = arith.minimumf %max3A, %add3A_31 : vector<1x1024xf32>
    %max3A_34 = arith.maximumf %max3A_21, %min3A_33 : vector<1x1024xf32>
    %min3A_35 = arith.minimumf %max3A_21, %min3A_33 : vector<1x1024xf32>
    %max3A_36 = arith.maximumf %max3A_23, %min3A_35 : vector<1x1024xf32>
    %min3A_37 = arith.minimumf %max3A_23, %min3A_35 : vector<1x1024xf32>
    %max3A_38 = arith.maximumf %max3A_25, %min3A_37 : vector<1x1024xf32>
    %min3A_39 = arith.minimumf %max3A_25, %min3A_37 : vector<1x1024xf32>
    %max3A_40 = arith.maximumf %max3A_27, %min3A_39 : vector<1x1024xf32>
    %get3A_41 = arith.constant 12 : index
    %get3A_42 = arith.constant 0 : index
    %get3A_43 = vector.load %arg1[%get3A_41, %get3A_42] : memref<16x1024xf32, #tpu.memory_space<vmem>>, vector<1x1024xf32>
    %sub3A_44 = arith.subf %get3A_43, %add3A_15 : vector<1x1024xf32>
    %max3A_45 = arith.maximumf %max3A_32, %sub3A_44 : vector<1x1024xf32>
    %min3A_46 = arith.minimumf %max3A_32, %sub3A_44 : vector<1x1024xf32>
    %max3A_47 = arith.maximumf %max3A_34, %min3A_46 : vector<1x1024xf32>
    %min3A_48 = arith.minimumf %max3A_34, %min3A_46 : vector<1x1024xf32>
    %max3A_49 = arith.maximumf %max3A_36, %min3A_48 : vector<1x1024xf32>
    %min3A_50 = arith.minimumf %max3A_36, %min3A_48 : vector<1x1024xf32>
    %max3A_51 = arith.maximumf %max3A_38, %min3A_50 : vector<1x1024xf32>
    %min3A_52 = arith.minimumf %max3A_38, %min3A_50 : vector<1x1024xf32>
    %max3A_53 = arith.maximumf %max3A_40, %min3A_52 : vector<1x1024xf32>
    %get3A_54 = arith.constant 12 : index
    %get3A_55 = arith.constant 0 : index
    %get3A_56 = vector.load %arg2[%get3A_54, %get3A_55] : memref<16x1024xf32, #tpu.memory_space<vmem>>, vector<1x1024xf32>
    %add3A_57 = arith.addf %add3A_15, %get3A_56 : vector<1x1024xf32>
    %max3A_58 = arith.maximumf %max3A_45, %add3A_57 : vector<1x1024xf32>
    %min3A_59 = arith.minimumf %max3A_45, %add3A_57 : vector<1x1024xf32>
    %max3A_60 = arith.maximumf %max3A_47, %min3A_59 : vector<1x1024xf32>
    %min3A_61 = arith.minimumf %max3A_47, %min3A_59 : vector<1x1024xf32>
    %max3A_62 = arith.maximumf %max3A_49, %min3A_61 : vector<1x1024xf32>
    %min3A_63 = arith.minimumf %max3A_49, %min3A_61 : vector<1x1024xf32>
    %max3A_64 = arith.maximumf %max3A_51, %min3A_63 : vector<1x1024xf32>
    %min3A_65 = arith.minimumf %max3A_51, %min3A_63 : vector<1x1024xf32>
    %max3A_66 = arith.maximumf %max3A_53, %min3A_65 : vector<1x1024xf32>
    %get3A_67 = arith.constant 13 : index
    %get3A_68 = arith.constant 0 : index
    %get3A_69 = vector.load %arg1[%get3A_67, %get3A_68] : memref<16x1024xf32, #tpu.memory_space<vmem>>, vector<1x1024xf32>
    %sub3A_70 = arith.subf %get3A_69, %add3A_15 : vector<1x1024xf32>
    %max3A_71 = arith.maximumf %max3A_58, %sub3A_70 : vector<1x1024xf32>
    %min3A_72 = arith.minimumf %max3A_58, %sub3A_70 : vector<1x1024xf32>
    %max3A_73 = arith.maximumf %max3A_60, %min3A_72 : vector<1x1024xf32>
    %min3A_74 = arith.minimumf %max3A_60, %min3A_72 : vector<1x1024xf32>
    %max3A_75 = arith.maximumf %max3A_62, %min3A_74 : vector<1x1024xf32>
    %min3A_76 = arith.minimumf %max3A_62, %min3A_74 : vector<1x1024xf32>
    %max3A_77 = arith.maximumf %max3A_64, %min3A_76 : vector<1x1024xf32>
    %min3A_78 = arith.minimumf %max3A_64, %min3A_76 : vector<1x1024xf32>
    %max3A_79 = arith.maximumf %max3A_66, %min3A_78 : vector<1x1024xf32>
    %get3A_80 = arith.constant 13 : index
    %get3A_81 = arith.constant 0 : index
    %get3A_82 = vector.load %arg2[%get3A_80, %get3A_81] : memref<16x1024xf32, #tpu.memory_space<vmem>>, vector<1x1024xf32>
    %add3A_83 = arith.addf %add3A_15, %get3A_82 : vector<1x1024xf32>
    %max3A_84 = arith.maximumf %max3A_71, %add3A_83 : vector<1x1024xf32>
    %min3A_85 = arith.minimumf %max3A_71, %add3A_83 : vector<1x1024xf32>
    %max3A_86 = arith.maximumf %max3A_73, %min3A_85 : vector<1x1024xf32>
    %min3A_87 = arith.minimumf %max3A_73, %min3A_85 : vector<1x1024xf32>
    %max3A_88 = arith.maximumf %max3A_75, %min3A_87 : vector<1x1024xf32>
    %min3A_89 = arith.minimumf %max3A_75, %min3A_87 : vector<1x1024xf32>
    %max3A_90 = arith.maximumf %max3A_77, %min3A_89 : vector<1x1024xf32>
    %min3A_91 = arith.minimumf %max3A_77, %min3A_89 : vector<1x1024xf32>
    %max3A_92 = arith.maximumf %max3A_79, %min3A_91 : vector<1x1024xf32>
    %get3A_93 = arith.constant 14 : index
    %get3A_94 = arith.constant 0 : index
    %get3A_95 = vector.load %arg1[%get3A_93, %get3A_94] : memref<16x1024xf32, #tpu.memory_space<vmem>>, vector<1x1024xf32>
    %sub3A_96 = arith.subf %get3A_95, %add3A_15 : vector<1x1024xf32>
    %max3A_97 = arith.maximumf %max3A_84, %sub3A_96 : vector<1x1024xf32>
    %min3A_98 = arith.minimumf %max3A_84, %sub3A_96 : vector<1x1024xf32>
    %max3A_99 = arith.maximumf %max3A_86, %min3A_98 : vector<1x1024xf32>
    %min3A_100 = arith.minimumf %max3A_86, %min3A_98 : vector<1x1024xf32>
    %max3A_101 = arith.maximumf %max3A_88, %min3A_100 : vector<1x1024xf32>
    %min3A_102 = arith.minimumf %max3A_88, %min3A_100 : vector<1x1024xf32>
    %max3A_103 = arith.maximumf %max3A_90, %min3A_102 : vector<1x1024xf32>
    %min3A_104 = arith.minimumf %max3A_90, %min3A_102 : vector<1x1024xf32>
    %max3A_105 = arith.maximumf %max3A_92, %min3A_104 : vector<1x1024xf32>
    %get3A_106 = arith.constant 14 : index
    %get3A_107 = arith.constant 0 : index
    %get3A_108 = vector.load %arg2[%get3A_106, %get3A_107] : memref<16x1024xf32, #tpu.memory_space<vmem>>, vector<1x1024xf32>
    %add3A_109 = arith.addf %add3A_15, %get3A_108 : vector<1x1024xf32>
    %max3A_110 = arith.maximumf %max3A_97, %add3A_109 : vector<1x1024xf32>
    %min3A_111 = arith.minimumf %max3A_97, %add3A_109 : vector<1x1024xf32>
    %max3A_112 = arith.maximumf %max3A_99, %min3A_111 : vector<1x1024xf32>
    %min3A_113 = arith.minimumf %max3A_99, %min3A_111 : vector<1x1024xf32>
    %max3A_114 = arith.maximumf %max3A_101, %min3A_113 : vector<1x1024xf32>
    %min3A_115 = arith.minimumf %max3A_101, %min3A_113 : vector<1x1024xf32>
    %max3A_116 = arith.maximumf %max3A_103, %min3A_115 : vector<1x1024xf32>
    %min3A_117 = arith.minimumf %max3A_103, %min3A_115 : vector<1x1024xf32>
    %max3A_118 = arith.maximumf %max3A_105, %min3A_117 : vector<1x1024xf32>
    %get3A_119 = arith.constant 15 : index
    %get3A_120 = arith.constant 0 : index
    %get3A_121 = vector.load %arg1[%get3A_119, %get3A_120] : memref<16x1024xf32, #tpu.memory_space<vmem>>, vector<1x1024xf32>
    %sub3A_122 = arith.subf %get3A_121, %add3A_15 : vector<1x1024xf32>
    %max3A_123 = arith.maximumf %max3A_110, %sub3A_122 : vector<1x1024xf32>
    %min3A_124 = arith.minimumf %max3A_110, %sub3A_122 : vector<1x1024xf32>
    %max3A_125 = arith.maximumf %max3A_112, %min3A_124 : vector<1x1024xf32>
    %min3A_126 = arith.minimumf %max3A_112, %min3A_124 : vector<1x1024xf32>
    %max3A_127 = arith.maximumf %max3A_114, %min3A_126 : vector<1x1024xf32>
    %min3A_128 = arith.minimumf %max3A_114, %min3A_126 : vector<1x1024xf32>
    %max3A_129 = arith.maximumf %max3A_116, %min3A_128 : vector<1x1024xf32>
    %min3A_130 = arith.minimumf %max3A_116, %min3A_128 : vector<1x1024xf32>
    %max3A_131 = arith.maximumf %max3A_118, %min3A_130 : vector<1x1024xf32>
    %get3A_132 = arith.constant 15 : index
    %get3A_133 = arith.constant 0 : index
    %get3A_134 = vector.load %arg2[%get3A_132, %get3A_133] : memref<16x1024xf32, #tpu.memory_space<vmem>>, vector<1x1024xf32>
    %add3A_135 = arith.addf %add3A_15, %get3A_134 : vector<1x1024xf32>
    %max3A_136 = arith.maximumf %max3A_123, %add3A_135 : vector<1x1024xf32>
    %min3A_137 = arith.minimumf %max3A_123, %add3A_135 : vector<1x1024xf32>
    %max3A_138 = arith.maximumf %max3A_125, %min3A_137 : vector<1x1024xf32>
    %min3A_139 = arith.minimumf %max3A_125, %min3A_137 : vector<1x1024xf32>
    %max3A_140 = arith.maximumf %max3A_127, %min3A_139 : vector<1x1024xf32>
    %min3A_141 = arith.minimumf %max3A_127, %min3A_139 : vector<1x1024xf32>
    %max3A_142 = arith.maximumf %max3A_129, %min3A_141 : vector<1x1024xf32>
    %min3A_143 = arith.minimumf %max3A_129, %min3A_141 : vector<1x1024xf32>
    %max3A_144 = arith.maximumf %max3A_131, %min3A_143 : vector<1x1024xf32>
    %broadcast_in_dim3A_145 = arith.constant 0.000000e+00 : f32
    %broadcast_in_dim3A_146 = vector.broadcast %broadcast_in_dim3A_145 : f32 to vector<3x1024xf32>
    %concatenate3A = tpu.concatenate %max3A_136, %max3A_138, %max3A_140, %max3A_142, %max3A_144, %broadcast_in_dim3A_146 in 0 : vector<1x1024xf32>, vector<1x1024xf32>, vector<1x1024xf32>, vector<1x1024xf32>, vector<1x1024xf32>, vector<3x1024xf32> -> vector<8x1024xf32>
    %swap3A = arith.constant 0 : index
    %swap3A_147 = arith.constant 0 : index
    %swap3A_148 = vector.load %arg3[%swap3A, %swap3A_147] : memref<8x1024xf32, #tpu.memory_space<vmem>>, vector<8x1024xf32>
    tpu.vector_store %arg3[%swap3A, %swap3A_147], %concatenate3A {strides = array<i32>} : memref<8x1024xf32, #tpu.memory_space<vmem>>, vector<8x1024xf32>,
    return
  }
}

</mosaic_0001>

<sc_bundles>
// kernel: kernel.4.cloned.1.call-start
scs
__scs_entry_jumppad:
0x0: {  	(pc) =	sbr.rel $0x88, $3  }
0x1: {  	(tag) =	ssettag $0x0;
	lr =	simm.s32 $0x1  }
0x2: {  	[smem:$0x3FA0] =	sst lr;
	_ =	strace $0xD0000000  }
0x3: {  	_ = 	snop  }
0x4: {  	_ = 	snop  }
0x5: {  	_ = 	snop  }
0x6: {  	_ = 	snop  }
0x7: {  	_ = 	snop  }
__scs_overlays_trampoline_lowered:
0x8: {  	[smem:$0x3FAF] =	sst s0  }
0x9: {  	[smem:$0x3FB0] =	sst s1  }
0xa: {  	[smem:$0x3FB1] =	sst s2  }
0xb: {  	[smem:$0x3FB2] =	sst s3  }
0xc: {  	[smem:$0x3FB3] =	sst s4  }
0xd: {  	[smem:$0x3FB4] =	sst s5  }
0xe: {  	[smem:$0x3FB5] =	sst s6  }
0xf: {  	[smem:$0x3FB6] =	sst s7  }
0x10: {  	[smem:$0x3FB7] =	sst s8  }
0x11: {  	[smem:$0x3FB8] =	sst s9;
	s0 =	simm.s32 @!p0 $0x0  }
0x12: {  	s1 =	sld [smem:$0x3F9E];
	s0 =	simm.s32 @p0 $0x1  }
0x13: {  	[smem:$0x3FB9] =	sst s0;
	s0 =	simm.s32 @!p1 $0x0  }
0x14: {  	s2 =	sld [smem:$0x3F9D];
	s0 =	simm.s32 @p1 $0x1  }
0x15: {  	[smem:$0x3FBA] =	sst s0;
	s0 =	simm.s32 @!p2 $0x0  }
0x16: {  	s3 =	sld [smem:$0x3FDB];
	s0 =	simm.s32 @p2 $0x1  }
0x17: {  	s4 =	simm.s32 $0x1BF5;
	[smem:$0x3FBC] =	sst s0  }
0x18: {  	s0 =	sld [smem:$0x3F9F];
	_ =	swait.ge [sflag:s4], $0x0  }
0x19: {  	s7 =	sld [smem:$0x3FA0]  }
0x1a: {  	s8 =	sadd.s32 $0xFFFFE003, lr  }
0x1b: {  	s9 =	sadd.s32 $0xFFFFFEF7, lr;
	s5 =	simm.s32 $0xFFFFFFFF;
	p2 =	slt.u32 s8, $0xFFFFF086  }
0x1c: {  	p1 =	slt.u32 s9, $0xF7A;
	s5 =	simm.s32 @!p2 $0x0  }
0x1d: {  	s5 =	simm.s32 @p1 $0x1;
	p0 =	seq.s32 s7, s2  }
0x1e: {  	s7 =	smul.u32 @!p0 $0xF7A, s2;
	p2 =	seq.s32 @!p0 s5, $0x0  }
0x1f: {  	s9 =	smul.u32 $0xF7A, s1;
	s8 =	simm.s32 @!p0 $0x1BF5;
	p2 =	por !p2, p0  }
0x20: {  	[sflag:s8] =	ssyncset.s32 @!p0 $0xFFFFF086;
	s6 =	sadd.s32 @!p0 s3, s7;
	s7 =	simm.s32 @!p0 $0x108  }
0x21: {  	s3 =	sadd.s32 s3, s9;
	s6 =	sadd.s32 @!p0 $0x88, s6;
	s7 =	simm.s32 @p2 $0x1082  }
0x22: {  	[simem:s7], [sflag:s8] =	dma.local @!p0 [hbm:s6], $0xF7A  }
0x23: {  	s9 =	sor.u32 $0xD0000000, s2;
	s6 =	simm.s32 $0x108;
	_ =	swait.ge @!p0 [sflag:s8], $0x0  }
0x24: {  	s3 =	sadd.s32 $0x88, s3;
	s6 =	simm.s32 @!p1 $0x1082;
	[sflag:s4] =	ssyncset.s32 $0xFFFFF086  }
0x25: {  	[simem:s6], [sflag:s4] =	dma.local [hbm:s3], $0xF7A  }
0x26: {  	[smem:$0x3FA0] =	sst s1;
	(tag) =	ssettag s2;
	_ =	strace s9  }
0x27: {  	s1 =	sld [smem:$0x3FB0]  }
0x28: {  	s2 =	sld [smem:$0x3FB1]  }
0x29: {  	s4 =	sld [smem:$0x3FB3]  }
0x2a: {  	p0 =	seq.s32 s5, $0x0;
	s5 =	sld [smem:$0x3FB4]  }
0x2b: {  	s6 =	sld [smem:$0x3FB5]  }
0x2c: {  	s7 =	sld [smem:$0x3FB6]  }
0x2d: {  	s3 =	simm.s32 $0x108;
	s8 =	sld [smem:$0x3FB7]  }
0x2e: {  	s3 =	simm.s32 @!p0 $0x1082;
	s9 =	sld [smem:$0x3FB8]  }
0x2f: {  	lr =	sadd.s32 s0, s3;
	s0 =	sld [smem:$0x3FAF]  }
0x30: {  	s3 =	sld [smem:$0x3FB2]  }
0x31: {  	[smem:$0x3FBB] =	sst s10  }
0x32: {  	s10 =	sld [smem:$0x3FB9];
	_ =	sdelay $0x3  }
0x33: {  	p0 =	seq.s32 s10, $0x1;
	s10 =	sld [smem:$0x3FBB];
	_ =	sdelay $0x3  }
0x34: {  	[smem:$0x3FBB] =	sst s10  }
0x35: {  	s10 =	sld [smem:$0x3FBA];
	_ =	sdelay $0x3  }
0x36: {  	p1 =	seq.s32 s10, $0x1;
	s10 =	sld [smem:$0x3FBB];
	_ =	sdelay $0x3  }
0x37: {  	[smem:$0x3FBB] =	sst s10  }
0x38: {  	s10 =	sld [smem:$0x3FBC]  }
0x39: {  	_ = 	snop;
	(pc) =	sbr.ind lr, $3  }
0x3a: {  	_ = 	snop  }
0x3b: {  	_ = 	snop  }
0x3c: {  	p2 =	seq.s32 s10, $0x1;
	s10 =	sld [smem:$0x3FBB]  }
0x3d: {  	_ =	shalt  }
0x3e: {  	_ =	shalt  }
0x3f: {  	_ =	shalt  }
0x40: {  	_ =	shalt  }
0x41: {  	_ =	shalt  }
0x42: {  	_ =	shalt  }
0x43: {  	_ =	shalt  }
0x44: {  	_ =	shalt  }
0x45: {  	_ =	shalt  }
0x46: {  	_ =	shalt  }
0x47: {  	_ =	shalt  }
0x48: {  	_ =	shalt  }
0x49: {  	_ =	shalt  }
0x4a: {  	_ =	shalt  }
0x4b: {  	_ =	shalt  }
0x4c: {  	_ =	shalt  }
0x4d: {  	_ =	shalt  }
0x4e: {  	_ =	shalt  }
0x4f: {  	_ =	shalt  }
0x50: {  	_ =	shalt  }
0x51: {  	_ =	shalt  }
0x52: {  	_ =	shalt  }
0x53: {  	_ =	shalt  }
0x54: {  	_ =	shalt  }
0x55: {  	_ =	shalt  }
0x56: {  	_ =	shalt  }
0x57: {  	_ =	shalt  }
0x58: {  	_ =	shalt  }
0x59: {  	_ =	shalt  }
0x5a: {  	_ =	shalt  }
0x5b: {  	_ =	shalt  }
0x5c: {  	_ =	shalt  }
0x5d: {  	_ =	shalt  }
0x5e: {  	_ =	shalt  }
0x5f: {  	_ =	shalt  }
0x60: {  	_ =	shalt  }
0x61: {  	_ =	shalt  }
0x62: {  	_ =	shalt  }
0x63: {  	_ =	shalt  }
0x64: {  	_ =	shalt  }
0x65: {  	_ =	shalt  }
0x66: {  	_ =	shalt  }
0x67: {  	_ =	shalt  }
0x68: {  	_ =	shalt  }
0x69: {  	_ =	shalt  }
0x6a: {  	_ =	shalt  }
0x6b: {  	_ =	shalt  }
0x6c: {  	_ =	shalt  }
0x6d: {  	_ =	shalt  }
0x6e: {  	_ =	shalt  }
0x6f: {  	_ =	shalt  }
0x70: {  	_ =	shalt  }
0x71: {  	_ =	shalt  }
0x72: {  	_ =	shalt  }
0x73: {  	_ =	shalt  }
0x74: {  	_ =	shalt  }
0x75: {  	_ =	shalt  }
0x76: {  	_ =	shalt  }
0x77: {  	_ =	shalt  }
0x78: {  	_ =	shalt  }
0x79: {  	_ =	shalt  }
0x7a: {  	_ =	shalt  }
0x7b: {  	_ =	shalt  }
0x7c: {  	_ =	shalt  }
0x7d: {  	_ =	shalt  }
0x7e: {  	_ =	shalt  }
0x7f: {  	_ =	shalt  }
0x80: {  	_ =	shalt  }
0x81: {  	_ =	shalt  }
0x82: {  	_ =	shalt  }
0x83: {  	_ =	shalt  }
0x84: {  	_ =	shalt  }
0x85: {  	_ =	shalt  }
0x86: {  	_ =	shalt  }
0x87: {  	_ =	shalt  }
.Lfunc_end0:
.L_simem_size_0:
called_computation_lowered:
.L_overlay_start_0:
0x88: {  	s2 =	sld [smem:$0x3FD9]  }
0x89: {  	s3 =	sld [smem:$0x3FFE];
	_ =	sdelay $0x1  }
0x8a: {  	s1 =	srdreg.scid  }
0x8b: {  	s0 =	sand.u32 $0x1, s1  }
0x8c: {  	s17 =	sshll.u32 s0, $0xA;
	s2 =	sadd.s32 s3, s2  }
0x8d: {  	s2 =	sadd.s32 s2, s17  }
0x8e: {  	[smem:$0x3FC7] =	sst s2  }
0x8f: {  	_ = 	snop  }
0x90: {  	s2 =	sld [smem:$0x3FD0];
	(tm) =	ssettm $0x1  }
0x91: {  	s18 =	sld [smem:$0x3FFB];
	_ =	sdelay $0x3  }
0x92: {  	_ =	strace s18  }
0x93: {  	s3 =	sld [smem:$0x3FFC];
	_ =	sdelay $0x3  }
0x94: {  	_ =	strace s3  }
0x95: {  	s3 =	sld [smem:$0x3FFD];
	_ =	sdelay $0x3  }
0x96: {  	_ =	strace s3  }
0x97: {  	_ =	strace $0x8FFFFFFF  }
0x98: {  	s19 =	sld [smem:$0x3FDB];
	_ =	sdelay $0x1  }
0x99: {  	s4 =	simm.s32 $_scs_section_size  }
0x9a: {  	s5 =	simm.s32 $_size__tile_overlayer_lowered;
	s6 =	simm.s32 $_tile_overlayer_lowered  }
0x9b: {  	s22 =	simm.s32 $0x1BFF;
	s21 =	sshll.u32 s6, $0x1;
	s3 =	sadd.s32 s4, s19  }
0x9c: {  	s7 =	simm.s32 $0x0;
	s20 =	sshll.u32 s5, $0x1;
	s5 =	sadd.s32 s21, s3  }
0x9d: {  	[timem:s7], [sflag:s22] =	dma.local [hbm:s5], s20  }
0x9e: {  	_ =	swait.ge [sflag:s22], s20  }
0x9f: {  	s4 =	ssub.s32 $0x0, s20;
	[sflag:s22] =	ssyncset.done $0x0  }
0xa0: {  	[sflag:s22] =	ssyncadd.s32 s4;
	_ =	sdelay $0x1  }
0xa1: {  	s23 =	simm.s32 $0x1B8B  }
0xa2: {  	_ =	swait.ge [sflag:s23], $0x1  }
0xa3: {  	[sflag:s23] =	ssyncset.done $0x0  }
0xa4: {  	s25 =	simm.s32 $0x1B8E;
	s24 =	sld [smem:$0x3FFE];
	[sflag:s23] =	ssyncadd.s32 $0xFFFFFFFF  }
0xa5: {  	s26 =	simm.s32 $execute0_lowered;
	[smem:$0x3FD2] =	sst s25  }
0xa6: {  	s5 =	sshll.u32 s26, $0x1;
	_ =	strace $0x80000046;
	[dreg:$0x1] =	wrdreg $0xFFFFFFFF  }
0xa7: {  	s28 =	simm.s32 $_size_execute0_lowered;
	s3 =	sadd.s32 s3, s5;
	[dreg:$0x0] =	wrdreg $0x0  }
0xa8: {  	s5 =	sshll.u32 s28, $0x1;
	[dreg:$0x2] =	wrdreg s3  }
0xa9: {  	[dreg:$0x3] =	wrdreg s5  }
0xaa: {  	[dreg:$0x4] =	wrdreg $0xC0  }
0xab: {  	_ =	task [dreg:s7], $0x5FFFF  }
0xac: {  	[dreg:$0x1] =	wrdreg $0xFFFFFFFF  }
0xad: {  	[dreg:$0x0] =	wrdreg $0x60  }
0xae: {  	[dreg:$0x2] =	wrdreg s24  }
0xaf: {  	[dreg:$0x3] =	wrdreg s2  }
0xb0: {  	[dreg:$0x4] =	wrdreg $0x9  }
0xb1: {  	_ =	task.clear_ibuf [dreg:s7], $0x5FFFF;
	_ =	strace $0x90000046  }
0xb2: {  	s29 =	simm.s32 $0x9;
	_ =	strace $0x80000048  }
0xb3: {  	_ =	swait.ge [sflag:s29], $0x1  }
0xb4: {  	[sflag:s29] =	ssyncadd.s32 $0xFFFFFFFF  }
0xb5: {  	_ =	strace $0x90000048  }
0xb6: {  	_ =	sfence  }
0xb7: {  	s30 =	sld [smem:$0x0];
	_ =	sdelay $0x2  }
0xb8: {  	s31 =	sshll.u32 s1, $0xD;
	s1 =	sshrl.u32 s1, $0x2  }
0xb9: {  	s3 =	sand.u32 $0x4000, s31;
	s1 =	sadd.s32 s1, s30  }
0xba: {  	s0 =	sor.u32 s3, s0;
	s1 =	sshll.u32 s1, $0x11  }
0xbb: {  	s0 =	sor.u32 s1, s0  }
0xbc: {  	s0 =	sadd.s32 $0x8F2B, s0  }
0xbd: {  	[sflag:s0] =	ssyncadd.remote.s32 $0x1  }
0xbe: {  	_ =	sfence.sel $0xFFFF  }
0xbf: {  	[dreg:$0x0] =	wrdreg $0xFFFFFFFF;
	(pc) =	sbr.abs _section_cstart, $3  }
0xc0: {  	[dreg:$0x1] =	wrdreg $0xFFFFFFFF  }
0xc1: {  	_ =	task.clear_ibuf [dreg:s7], $0x2FFFF;
	_ =	strace $0x9FFFFFFF  }
0xc2: {  	(tm) =	ssettm $0x7FFFFFFF  }
0xc3: {  	_ =	shalt  }
tec
execute0_lowered:
.L_overlay_start_1:
0x0: {  	(tag) =	ssettag $0x1  }
0x1: {  	s1 =	rddreg [dreg:$0x0]  }
0x2: {  	s6 =	rddreg [dreg:$0x1]  }
0x3: {  	s0 =	rddreg [dreg:$0x2];
	s2 =	simm.s32 $0x0  }
0x4: {  	s3 =	srdreg.scid;
	s14 =	simm.s32 $0x5000;
	s17 =	simm.s32 $0xA000  }
0x5: {  	s18 =	simm.s32 $0xF080;
	s19 =	simm.s32 $0x17600;
	s20 =	simm.s32 $0x15500  }
0x6: {  	[smem:$0x7FF] =	sst s2;
	s7 =	sand.u32 $0x1, s3;
	s4 =	sadd.s32 $0xA00, s1  }
0x7: {  	s3 =	stileid.u32;
	s10 =	sadd.s32 $0x1400, s1;
	_ =	strace $0x80000047  }
0x8: {  	s5 =	ssub.s32 $0x2, s7;
	s9 =	sshll.u32 s7, $0x4;
	p0 =	seq.s32 s7, $0x0  }
0x9: {  	s28 =	sshll.u32 s7, $0x6;
	s15 =	sshll.u32 s3, $0x6;
	s29 =	sshll.u32 s7, $0x5  }
0xa: {  	s12 =	sshll.u32 s3, $0xA;
	s13 =	smul.u32 $0x1400, s3;
	s30 =	smax.u32 s3, $0xE  }
0xb: {  	p1 =	seq.s32 s3, $0x0;
	p2 =	seq.s32 s3, $0xF;
	s8 =	sshrl.u32 s5, $0x1  }
0xc: {  	v0 =	vimm.s32 $0xFFEDCBA9;
	v1 =	vimm.s32 $0x87654321;
	s25 =	sor.u32 s3, s9;
	s16 =	sadd.s32 $0x40, s15;
	s11 =	ssub.s32 s5, s8  }
0xd: {  	v0 =	vunpack.c.l.s4.s8 v0;
	v1 =	vunpack.c.l.s4.s8 v1;
	s26 =	sshll.u32 s25, $0x2;
	s8 =	sshll.u32 s25, $0x1;
	s21 =	sshrl.u32 s13, $0x2  }
0xe: {  	s31 =	sshrl.u32 s16, $0x2;
	s13 =	simm.s32 $0x1;
	s5 =	sadd.s32 s6, s26  }
0xf: {  	v0 =	vunpack.c.0.s8.s32 v0;
	v1 =	vunpack.c.0.s8.s32 v1;
	s6 =	sadd.s32 s6, s28;
	s7 =	sadd.s32 s10, s8;
	s8 =	sadd.s32 s10, s29  }
0x10: {  	s10 =	simm.s32 $0x5600;
	s9 =	smax.u32 s11, $0x1;
	s11 =	ssub.s32 s30, s3  }
0x11: {  	v2 =	vimm.s32 $0x0;
	s22 =	sadd.s32 $0x5000, s21;
	v4 =	vcombine.low v1, v0;
	v0 =	vmov s15;
	s15 =	simm.s32 $0x17680;
	s10 =	simm.s32 @!p0 $0x1600  }
0x12: {  	v3 =	vimm.f32 $-1.000000020e+30;
	v1 =	vmov s16;
	s16 =	simm.s32 $0x17700;
	v6 =	vmov s21;
	s21 =	simm.s32 $0x0;
	s10 =	sadd.s32 s10, s1  }
0x13: {  	v5 =	vlaneseq.u32;
	s11 =	sadd.s32 $0x1, s11;
	v7 =	vmov s22;
	v4 =	vand.u32 $0xF, v4;
	s10 =	sadd.s32 s10, s12;
	s12 =	sadd.s32 $0x17500, s31  }
.LBB2_1:
0x14: {  	[tilespmem:s2], [sflag:$0x1] =	stream.linear.gather [hbm4b:s4+s2], $0x5000, $0x38;
	[tilespmem:$0x17900] =	vst v63  }
0x15: {  	_ =	swait.ge [sflag:s13], $0x5000  }
0x16: {  	[sflag:s13] =	ssyncset.done $0x0  }
0x17: {  	[sflag:s13] =	ssyncadd.s32 $0xFFFFB000  }
0x18: {  	[tilespmem:s14], [sflag:$0x1] =	stream.linear.gather [hbm4b:s1+s2], $0x5000, $0x38;
	[tilespmem:$0x17900] =	vst v63  }
0x19: {  	_ =	swait.ge [sflag:s13], $0x5000  }
0x1a: {  	[sflag:s13] =	ssyncset.done $0x0  }
0x1b: {  	s23 =	simm.s32 $0x0;
	[sflag:s13] =	ssyncadd.s32 $0xFFFFB000  }
0x1c: {  	v8 =	vld.idx.msk [tilespmem:v7+s23+$0x0 ss:$0x1], $0xffff  }
0x1d: {  	v9 =	vimm.f32 $1.000000020e+30;
	s22 =	simm.s32 $0x40;
	v10 =	vimm.f32 $-1.000000020e+30;
	v11 =	vld.idx.msk [tilespmem:v6+s23+$0x0 ss:$0x1], $0xffff  }
.LBB2_2:
0x1e: {  	p3 =	sne.s32 s22, $0x13C0  }
.Ltmp0:
0x1f: {  	_ = 	snop;
	(pc) =	sbr.rel @p3 .LBB2_2-.Ltmp0, $4  }
0x20: {  	_ = 	snop  }
0x21: {  	s23 =	sshra.s32 s22, $0x2;
	s22 =	sadd.s32 $0x40, s22  }
0x22: {  	v10 =	vmax.f32 v10, v8;
	v8 =	vld.idx.msk [tilespmem:v7+s23+$0x0 ss:$0x1], $0xffff  }
0x23: {  	v9 =	vmin.f32 v9, v11;
	v11 =	vld.idx.msk [tilespmem:v6+s23+$0x0 ss:$0x1], $0xffff  }
0x24: {  	_ =	sdelay $0x2  }
0x25: {  	v8 =	vmax.f32 v10, v8  }
0x26: {  	v9 =	vmin.f32 v9, v11;
	[tilespmem:$0x17690] =	vst v8  }
0x27: {  	s22 =	simm.s32 $0x0;
	[tilespmem:$0x17680] =	vst v9  }
0x28: {  	[hbm4b:s5+s22] =	stream.linear.scatter [tilespmem:s15], [sflag:$0x1], $0x20, $0x38;
	[tilespmem:$0x17900] =	vst v63  }
0x29: {  	_ =	swait.ge [sflag:s13], $0x20  }
0x2a: {  	[sflag:s13] =	ssyncset.done $0x0  }
0x2b: {  	[sflag:s13] =	ssyncadd.s32 $0xFFFFFFE0  }
0x2c: {  	[bflag:$0x0] =	sbarrier.arrive $0xFFFF  }
0x2d: {  	[tilespmem:s16], [sflag:$0x1] =	stream.linear.gather [hbm4b:s6+s22], $0x200, $0x38;
	[tilespmem:$0x17900] =	vst v63  }
0x2e: {  	_ =	swait.ge [sflag:s13], $0x200  }
0x2f: {  	[sflag:s13] =	ssyncset.done $0x0  }
0x30: {  	[sflag:s13] =	ssyncadd.s32 $0xFFFFFE00  }
0x31: {  	v8 =	vld [tilespmem:$0x17700]  }
0x32: {  	v9 =	vld [tilespmem:$0x17710]  }
0x33: {  	v10 =	vld [tilespmem:$0x17720]  }
0x34: {  	v11 =	vld [tilespmem:$0x17730]  }
0x35: {  	v12 =	vld [tilespmem:$0x17740]  }
0x36: {  	v13 =	vld [tilespmem:$0x17750]  }
0x37: {  	v14 =	vld [tilespmem:$0x17760]  }
0x38: {  	v15 =	vld [tilespmem:$0x17770]  }
0x39: {  	v16 =	vld [tilespmem:$0x17780]  }
0x3a: {  	v17 =	vld [tilespmem:$0x17790]  }
0x3b: {  	v18 =	vld [tilespmem:$0x177A0]  }
0x3c: {  	v19 =	vld [tilespmem:$0x177B0]  }
0x3d: {  	v20 =	vld [tilespmem:$0x177C0]  }
0x3e: {  	v21 =	vld [tilespmem:$0x177D0]  }
0x3f: {  	v22 =	vld [tilespmem:$0x177E0]  }
0x40: {  	v23 =	vld [tilespmem:$0x177F0]  }
0x41: {  	v24 =	vld [tilespmem:$0x17800]  }
0x42: {  	v25 =	vld [tilespmem:$0x17810]  }
0x43: {  	v26 =	vld [tilespmem:$0x17820]  }
0x44: {  	v27 =	vld [tilespmem:$0x17830]  }
0x45: {  	v28 =	vld [tilespmem:$0x17840];
	v8 =	vmin.f32 v8, $1.000000020e+30  }
0x46: {  	v60 =	vld [tilespmem:$0x178B0];
	v9 =	vmax.f32 v9, $-1.000000020e+30;
	v8 =	vmin.f32 v8, v10  }
0x47: {  	v61 =	vld [tilespmem:$0x178C0];
	v9 =	vmax.f32 v9, v11;
	v8 =	vmin.f32 v8, v12  }
0x48: {  	v10 =	vld [tilespmem:$0x17850];
	v9 =	vmax.f32 v9, v13;
	v8 =	vmin.f32 v8, v14  }
0x49: {  	v11 =	vld [tilespmem:$0x17860];
	v9 =	vmax.f32 v9, v15;
	v8 =	vmin.f32 v8, v16  }
0x4a: {  	v12 =	vld [tilespmem:$0x17870];
	v9 =	vmax.f32 v9, v17;
	v8 =	vmin.f32 v8, v18  }
0x4b: {  	v13 =	vld [tilespmem:$0x17880];
	v9 =	vmax.f32 v9, v19;
	v8 =	vmin.f32 v8, v20  }
0x4c: {  	v14 =	vld [tilespmem:$0x17890];
	v9 =	vmax.f32 v9, v21;
	v8 =	vmin.f32 v8, v22  }
0x4d: {  	v15 =	vld [tilespmem:$0x178A0];
	v9 =	vmax.f32 v9, v23;
	v8 =	vmin.f32 v8, v24  }
0x4e: {  	v62 =	vld [tilespmem:$0x178D0];
	v9 =	vmax.f32 v9, v25;
	v8 =	vmin.f32 v8, v26  }
0x4f: {  	v63 =	vld [tilespmem:$0x178E0];
	v9 =	vmax.f32 v9, v27;
	v8 =	vmin.f32 v8, v28  }
0x50: {  	v9 =	vmax.f32 v9, v10;
	v10 =	vld [tilespmem:$0x178F0];
	v8 =	vmin.f32 v8, v11  }
0x51: {  	v9 =	vmax.f32 v9, v12;
	v8 =	vmin.f32 v8, v13  }
0x52: {  	v9 =	vmax.f32 v9, v14;
	v8 =	vmin.f32 v8, v15  }
0x53: {  	v9 =	vmax.f32 v9, v60;
	v8 =	vmin.f32 v8, v61  }
0x54: {  	v9 =	vmax.f32 v9, v62;
	v8 =	vmin.f32 v8, v63  }
0x55: {  	v9 =	vmax.f32 v9, v10;
	(xrf1) =	vsort.ascd.msk.f32 $0xffff, v8, v8  }
0x56: {  	(xrf1) =	vsort.ascd.msk.f32 $0xffff, v9, v9;
	_ =	sdelay $0xc  }
0x57: {  	v8, _, _ =	vpop (xrf1)  }
0x58: {  	(v2sf) =	vpush v8, $0x0;
	v9, _, _ =	vpop (xrf1)  }
0x59: {  	(v2sf) =	vpush v9, $0xF;
	_ =	sdelay $0xd  }
0x5a: {  	s23 =	spop (v2sf)  }
0x5b: {  	s24 =	spop (v2sf)  }
0x5c: {  	s23 =	ssub.f32 s24, s23;
	_ =	sdelay $0x1  }
0x5d: {  	v9 =	vmov s23  }
0x5e: {  	s31 =	simm.s32 $0x5000;
	(erf) = vrcp.f32 v9  }
0x5f: {  	v11 =	vld [tilespmem:s31+$0x0]  }
0x60: {  	v10 =	vld [tilespmem:s22+$0x0];
	_ =	sdelay $0x4  }
0x61: {  	v12 =	vadd.f32 v11, v10;
	_ =	sdelay $0x1  }
0x62: {  	v12 =	vmul.f32 $5.000000000e-01, v12;
	v8 =	vbroadcast v8, $0x0;
	v13 =	vpop (erf)  }
0x63: {  	v13 =	vmul.f32 $1.023000000e+03, v13  }
0x64: {  	v12 =	vsub.f32 v12, v8;
	vm0 =	vgt.f32 v9, $0.0e+00  }
0x65: {  	v9 =	vnsel vm0, $0x0, v13  }
0x66: {  	v12 =	vmul.f32 v12, v9;
	_ =	sdelay $0x1  }
0x67: {  	v13 =	vtrunc.f32 v12  }
0x68: {  	v14 =	vcvt.f32.s32 v13;
	vm13 =	vgt.f32 v12, v13  }
0x69: {  	v12 =	vsel vm13, $0x1, v2  }
0x6a: {  	v12 =	vadd.s32 v14, v12  }
0x6b: {  	vm14 =	vgt.s32 v12, $0x0  }
0x6c: {  	v12 =	vnsel vm14, $0x0, v12  }
0x6d: {  	v12 =	vmin.u32 v12, $0x3FF  }
0x6e: {  	vm15 =	vge.u32 v12, v0;
	vm1 =	vlt.u32 v12, v1  }
0x6f: {  	vm0 =	vmand vm15, vm1  }
0x70: {  	v13 =	vsel vm0, $0x1, v2  }
0x71: {  	(xrf0) =	vadd.scan.msk.s32 $0xffff, v13;
	_ =	sdelay $0x4  }
0x72: {  	v13 =	vsel vm0, $0xFFFFFFFF, v2  }
0x73: {  	v13 =	vadd.s32 s22, v13;
	v14, _, _ =	vpop (xrf0)  }
0x74: {  	v13 =	vadd.s32 v14, v13;
	_ =	sdelay $0x1  }
0x75: {  	v10 =	vsub.f32 $0.0e+00, v10;
	_ =	sdelay $0x1  }
0x76: {  	v10 =	vpsel p0, v11, v10  }
0x77: {  	[tilespmem:v13+s17+$0x0] =	vst.idx.msk vm0, v10  }
0x78: {  	s25 =	sand.u32 $0x3FE0, s22;
	[tilespmem:v13+s18+$0x0] =	vst.idx.msk vm0, v12  }
0x79: {  	v10 =	vld [tilespmem:s25+$0x2800]  }
0x7a: {  	v11 =	vld [tilespmem:s25+$0x7800];
	_ =	sdelay $0x4  }
0x7b: {  	v12 =	vadd.f32 v11, v10;
	_ =	sdelay $0x1  }
0x7c: {  	v12 =	vmul.f32 $5.000000000e-01, v12;
	_ =	sdelay $0x1  }
0x7d: {  	v12 =	vsub.f32 v12, v8;
	_ =	sdelay $0x1  }
0x7e: {  	v12 =	vmul.f32 v12, v9;
	_ =	sdelay $0x1  }
0x7f: {  	v13 =	vtrunc.f32 v12  }
0x80: {  	v15 =	vcvt.f32.s32 v13;
	vm4 =	vgt.f32 v12, v13  }
0x81: {  	v12 =	vsel vm4, $0x1, v2  }
0x82: {  	v12 =	vadd.s32 v15, v12  }
0x83: {  	vm5 =	vgt.s32 v12, $0x0  }
0x84: {  	v12 =	vnsel vm5, $0x0, v12  }
0x85: {  	v12 =	vmin.u32 v12, $0x3FF  }
0x86: {  	vm6 =	vge.u32 v12, v0;
	vm7 =	vlt.u32 v12, v1  }
0x87: {  	vm0 =	vmand vm6, vm7  }
0x88: {  	v13 =	vsel vm0, $0x1, v2  }
0x89: {  	(xrf0) =	vadd.scan.msk.s32 $0xffff, v13;
	_ =	sdelay $0x4  }
0x8a: {  	s26 =	simm.s32 $0x2810;
	v13 =	vsel vm0, $0xFFFFFFFF, v2  }
0x8b: {  	v13 =	vadd.s32 s26, v13;
	v15, _, _ =	vpop (xrf0)  }
0x8c: {  	v13 =	vadd.s32 v15, v13;
	_ =	sdelay $0x1  }
0x8d: {  	v10 =	vsub.f32 $0.0e+00, v10;
	_ =	sdelay $0x1  }
0x8e: {  	v10 =	vpsel p0, v11, v10  }
0x8f: {  	[tilespmem:v13+s17+$0x0] =	vst.idx.msk vm0, v10  }
0x90: {  	[tilespmem:v13+s18+$0x0] =	vst.idx.msk vm0, v12  }
0x91: {  	v10 =	vld [tilespmem:s22+$0x10]  }
0x92: {  	v11 =	vld [tilespmem:s31+$0x10];
	_ =	sdelay $0x4  }
0x93: {  	v12 =	vadd.f32 v11, v10;
	_ =	sdelay $0x1  }
0x94: {  	v12 =	vmul.f32 $5.000000000e-01, v12;
	_ =	sdelay $0x1  }
0x95: {  	v12 =	vsub.f32 v12, v8;
	_ =	sdelay $0x1  }
0x96: {  	v12 =	vmul.f32 v12, v9  }
0x97: {  	(v2sf) =	vpush v14, $0xF  }
0x98: {  	v13 =	vtrunc.f32 v12  }
0x99: {  	v14 =	vcvt.f32.s32 v13;
	vm8 =	vgt.f32 v12, v13  }
0x9a: {  	v12 =	vsel vm8, $0x1, v2  }
0x9b: {  	v12 =	vadd.s32 v14, v12  }
0x9c: {  	vm9 =	vgt.s32 v12, $0x0  }
0x9d: {  	v12 =	vnsel vm9, $0x0, v12  }
0x9e: {  	v12 =	vmin.u32 v12, $0x3FF  }
0x9f: {  	vm10 =	vge.u32 v12, v0;
	vm11 =	vlt.u32 v12, v1  }
0xa0: {  	vm0 =	vmand vm10, vm11  }
0xa1: {  	v13 =	vsel vm0, $0x1, v2  }
0xa2: {  	(xrf0) =	vadd.scan.msk.s32 $0xffff, v13;
	_ =	sdelay $0x3  }
0xa3: {  	s29 =	spop (v2sf)  }
0xa4: {  	s24 =	sadd.s32 $0x0, s29;
	v13 =	vsel vm0, $0xFFFFFFFF, v2  }
0xa5: {  	v13 =	vadd.s32 s24, v13;
	v14, _, _ =	vpop (xrf0)  }
0xa6: {  	v13 =	vadd.s32 v14, v13;
	_ =	sdelay $0x1  }
0xa7: {  	v10 =	vsub.f32 $0.0e+00, v10;
	_ =	sdelay $0x1  }
0xa8: {  	v10 =	vpsel p0, v11, v10  }
0xa9: {  	[tilespmem:v13+s17+$0x0] =	vst.idx.msk vm0, v10  }
0xaa: {  	[tilespmem:v13+s18+$0x0] =	vst.idx.msk vm0, v12  }
0xab: {  	v10 =	vld [tilespmem:s22+$0x2810]  }
0xac: {  	(v2sf) =	vpush v15, $0xF;
	v11 =	vld [tilespmem:s31+$0x2810];
	_ =	sdelay $0x4  }
0xad: {  	v12 =	vadd.f32 v11, v10;
	_ =	sdelay $0x1  }
0xae: {  	v12 =	vmul.f32 $5.000000000e-01, v12;
	_ =	sdelay $0x1  }
0xaf: {  	v12 =	vsub.f32 v12, v8;
	_ =	sdelay $0x1  }
0xb0: {  	v12 =	vmul.f32 v12, v9;
	_ =	sdelay $0x1  }
0xb1: {  	v13 =	vtrunc.f32 v12  }
0xb2: {  	vm12 =	vgt.f32 v12, v13;
	v12 =	vcvt.f32.s32 v13  }
0xb3: {  	s30 =	spop (v2sf);
	(v2sf) =	vpush v14, $0xF;
	v13 =	vsel vm12, $0x1, v2  }
0xb4: {  	v12 =	vadd.s32 v12, v13  }
0xb5: {  	vm13 =	vgt.s32 v12, $0x0  }
0xb6: {  	v12 =	vnsel vm13, $0x0, v12  }
0xb7: {  	v12 =	vmin.u32 v12, $0x3FF  }
0xb8: {  	vm14 =	vge.u32 v12, v0;
	vm15 =	vlt.u32 v12, v1  }
0xb9: {  	vm0 =	vmand vm14, vm15  }
0xba: {  	v13 =	vsel vm0, $0x1, v2  }
0xbb: {  	(xrf0) =	vadd.scan.msk.s32 $0xffff, v13;
	_ =	sdelay $0x3  }
0xbc: {  	s28 =	sadd.s32 $0x0, s30  }
0xbd: {  	s22 =	sadd.s32 $0x2810, s28;
	v13 =	vsel vm0, $0xFFFFFFFF, v2  }
0xbe: {  	v13 =	vadd.s32 s22, v13;
	v14, _, _ =	vpop (xrf0)  }
0xbf: {  	s31 =	spop (v2sf);
	v13 =	vadd.s32 v14, v13;
	(v2sf) =	vpush v14, $0xF;
	_ =	sdelay $0x1  }
0xc0: {  	v10 =	vsub.f32 $0.0e+00, v10;
	_ =	sdelay $0x1  }
0xc1: {  	v10 =	vpsel p0, v11, v10  }
0xc2: {  	[tilespmem:v13+s17+$0x0] =	vst.idx.msk vm0, v10  }
0xc3: {  	s25 =	simm.s32 $0x20;
	[tilespmem:v13+s18+$0x0] =	vst.idx.msk vm0, v12  }
0xc4: {  	s22 =	simm.s32 $0x5020;
	v12 =	vld [tilespmem:s25+$0x0]  }
0xc5: {  	v10 =	vld [tilespmem:s22+$0x0];
	_ =	sdelay $0x3  }
0xc6: {  	s23 =	simm.s32 $0x20;
	s26 =	simm.s32 $0x40;
	s24 =	sadd.s32 s24, s31;
	v11 =	vsub.f32 $0.0e+00, v12  }
.LBB2_4:
0xc7: {  	p3 =	sne.s32 s26, $0x27E0;
	v12 =	vadd.f32 v10, v12;
	s29 =	smov.u32 s26;
	s26 =	sadd.s32 $0x20, s26  }
0xc8: {  	v10 =	vpsel p0, v10, v11  }
0xc9: {  	v11 =	vmul.f32 $5.000000000e-01, v12;
	s30 =	spop (v2sf)  }
0xca: {  	s28 =	sadd.s32 s28, s30  }
0xcb: {  	v11 =	vsub.f32 v11, v8;
	_ =	sdelay $0x1  }
0xcc: {  	v11 =	vmul.f32 v11, v9;
	_ =	sdelay $0x1  }
0xcd: {  	v12 =	vtrunc.f32 v11  }
0xce: {  	v13 =	vcvt.f32.s32 v12;
	vm0 =	vgt.f32 v11, v12  }
0xcf: {  	v11 =	vsel vm0, $0x1, v2  }
0xd0: {  	v11 =	vadd.s32 v13, v11  }
0xd1: {  	vm0 =	vgt.s32 v11, $0x0  }
0xd2: {  	v11 =	vnsel vm0, $0x0, v11  }
0xd3: {  	v11 =	vmin.u32 v11, $0x3FF  }
0xd4: {  	vm0 =	vge.u32 v11, v0;
	vm1 =	vlt.u32 v11, v1  }
0xd5: {  	vm0 =	vmand vm0, vm1  }
0xd6: {  	v12 =	vsel vm0, $0xFFFFFFFF, v2;
	v13 =	vsel vm0, $0x1, v2  }
0xd7: {  	(xrf0) =	vadd.scan.msk.s32 $0xffff, v13;
	_ =	sdelay $0x5  }
0xd8: {  	v12 =	vadd.s32 s24, v12;
	v13, _, _ =	vpop (xrf0)  }
0xd9: {  	v12 =	vadd.s32 v13, v12;
	(v2sf) =	vpush v13, $0xF;
	_ =	sdelay $0x4  }
0xda: {  	[tilespmem:v12+s17+$0x0] =	vst.idx.msk vm0, v10  }
0xdb: {  	s30 =	sand.u32 $0x3FE0, s25;
	s25 =	smov.u32 s29;
	[tilespmem:v12+s18+$0x0] =	vst.idx.msk vm0, v11  }
0xdc: {  	v10 =	vld [tilespmem:s30+$0x2800]  }
0xdd: {  	v11 =	vld [tilespmem:s30+$0x7800];
	_ =	sdelay $0x3  }
0xde: {  	v12 =	vsub.f32 $0.0e+00, v10  }
0xdf: {  	v10 =	vadd.f32 v11, v10  }
0xe0: {  	v11 =	vpsel p0, v11, v12  }
0xe1: {  	v10 =	vmul.f32 $5.000000000e-01, v10;
	s30 =	spop (v2sf);
	_ =	sdelay $0x1  }
0xe2: {  	v10 =	vsub.f32 v10, v8;
	_ =	sdelay $0x1  }
0xe3: {  	v10 =	vmul.f32 v10, v9;
	_ =	sdelay $0x1  }
0xe4: {  	v12 =	vtrunc.f32 v10  }
0xe5: {  	v13 =	vcvt.f32.s32 v12;
	vm0 =	vgt.f32 v10, v12  }
0xe6: {  	v10 =	vsel vm0, $0x1, v2  }
0xe7: {  	v10 =	vadd.s32 v13, v10  }
0xe8: {  	vm0 =	vgt.s32 v10, $0x0  }
0xe9: {  	v10 =	vnsel vm0, $0x0, v10  }
0xea: {  	v10 =	vmin.u32 v10, $0x3FF  }
0xeb: {  	vm0 =	vge.u32 v10, v0;
	vm1 =	vlt.u32 v10, v1  }
0xec: {  	vm0 =	vmand vm0, vm1  }
0xed: {  	v12 =	vsel vm0, $0xFFFFFFFF, v2;
	v13 =	vsel vm0, $0x1, v2  }
0xee: {  	(xrf0) =	vadd.scan.msk.s32 $0xffff, v13;
	_ =	sdelay $0x3  }
0xef: {  	s29 =	sadd.s32 $0x2810, s28  }
0xf0: {  	v12 =	vadd.s32 s29, v12  }
0xf1: {  	v13, _, _ =	vpop (xrf0)  }
0xf2: {  	v12 =	vadd.s32 v13, v12;
	(v2sf) =	vpush v13, $0xF;
	_ =	sdelay $0x4  }
0xf3: {  	[tilespmem:v12+s17+$0x0] =	vst.idx.msk vm0, v11  }
0xf4: {  	[tilespmem:v12+s18+$0x0] =	vst.idx.msk vm0, v10  }
0xf5: {  	v10 =	vld [tilespmem:s23+$0x10]  }
0xf6: {  	v11 =	vld [tilespmem:s22+$0x10];
	_ =	sdelay $0x3  }
0xf7: {  	v12 =	vsub.f32 $0.0e+00, v10  }
0xf8: {  	v10 =	vadd.f32 v11, v10  }
0xf9: {  	v11 =	vpsel p0, v11, v12  }
0xfa: {  	v10 =	vmul.f32 $5.000000000e-01, v10;
	s29 =	spop (v2sf);
	_ =	sdelay $0x1  }
0xfb: {  	v10 =	vsub.f32 v10, v8;
	_ =	sdelay $0x1  }
0xfc: {  	v10 =	vmul.f32 v10, v9;
	_ =	sdelay $0x1  }
0xfd: {  	v12 =	vtrunc.f32 v10  }
0xfe: {  	v13 =	vcvt.f32.s32 v12;
	vm0 =	vgt.f32 v10, v12  }
0xff: {  	v10 =	vsel vm0, $0x1, v2  }
0x100: {  	v10 =	vadd.s32 v13, v10  }
0x101: {  	vm0 =	vgt.s32 v10, $0x0  }
0x102: {  	v10 =	vnsel vm0, $0x0, v10  }
0x103: {  	v10 =	vmin.u32 v10, $0x3FF  }
0x104: {  	vm0 =	vge.u32 v10, v0;
	vm1 =	vlt.u32 v10, v1  }
0x105: {  	vm0 =	vmand vm0, vm1  }
0x106: {  	v12 =	vsel vm0, $0xFFFFFFFF, v2;
	v13 =	vsel vm0, $0x1, v2  }
0x107: {  	(xrf0) =	vadd.scan.msk.s32 $0xffff, v13;
	_ =	sdelay $0x2  }
0x108: {  	s24 =	sadd.s32 s24, s30  }
0x109: {  	v12 =	vadd.s32 s24, v12;
	_ =	sdelay $0x1  }
0x10a: {  	v13, _, _ =	vpop (xrf0)  }
0x10b: {  	v12 =	vadd.s32 v13, v12;
	(v2sf) =	vpush v13, $0xF;
	_ =	sdelay $0x4  }
0x10c: {  	[tilespmem:v12+s17+$0x0] =	vst.idx.msk vm0, v11  }
0x10d: {  	[tilespmem:v12+s18+$0x0] =	vst.idx.msk vm0, v10  }
0x10e: {  	v10 =	vld [tilespmem:s23+$0x2810]  }
0x10f: {  	v11 =	vld [tilespmem:s22+$0x2810];
	_ =	sdelay $0x3  }
0x110: {  	v12 =	vsub.f32 $0.0e+00, v10  }
0x111: {  	v10 =	vadd.f32 v11, v10  }
0x112: {  	v11 =	vpsel p0, v11, v12  }
0x113: {  	v10 =	vmul.f32 $5.000000000e-01, v10;
	s30 =	spop (v2sf)  }
0x114: {  	s24 =	sadd.s32 s24, s30  }
0x115: {  	v10 =	vsub.f32 v10, v8;
	_ =	sdelay $0x1  }
0x116: {  	v10 =	vmul.f32 v10, v9;
	_ =	sdelay $0x1  }
0x117: {  	v12 =	vtrunc.f32 v10  }
0x118: {  	v13 =	vcvt.f32.s32 v12;
	vm0 =	vgt.f32 v10, v12  }
0x119: {  	v10 =	vsel vm0, $0x1, v2  }
0x11a: {  	v10 =	vadd.s32 v13, v10  }
0x11b: {  	vm0 =	vgt.s32 v10, $0x0  }
0x11c: {  	v10 =	vnsel vm0, $0x0, v10  }
0x11d: {  	v10 =	vmin.u32 v10, $0x3FF  }
0x11e: {  	vm0 =	vge.u32 v10, v0;
	vm1 =	vlt.u32 v10, v1  }
0x11f: {  	vm0 =	vmand vm0, vm1  }
0x120: {  	v12 =	vsel vm0, $0xFFFFFFFF, v2;
	v13 =	vsel vm0, $0x1, v2  }
0x121: {  	(xrf0) =	vadd.scan.msk.s32 $0xffff, v13;
	_ =	sdelay $0x3  }
0x122: {  	s28 =	sadd.s32 s28, s29  }
0x123: {  	s29 =	sadd.s32 $0x2810, s28  }
0x124: {  	v12 =	vadd.s32 s29, v12;
	v13, _, _ =	vpop (xrf0)  }
0x125: {  	v12 =	vadd.s32 v13, v12;
	(v2sf) =	vpush v13, $0xF;
	_ =	sdelay $0x4  }
0x126: {  	[tilespmem:v12+s17+$0x0] =	vst.idx.msk vm0, v11  }
0x127: {  	s23 =	sadd.s32 $0x20, s23;
	[tilespmem:v12+s18+$0x0] =	vst.idx.msk vm0, v10  }
0x128: {  	s22 =	sadd.s32 $0x20, s22;
	v12 =	vld [tilespmem:s23+$0x0]  }
.Ltmp1:
0x129: {  	v10 =	vld [tilespmem:s22+$0x0];
	(pc) =	sbr.rel @p3 .LBB2_4-.Ltmp1, $2  }
0x12a: {  	_ =	sdelay $0x2  }
0x12b: {  	v11 =	vsub.f32 $0.0e+00, v12  }
0x12c: {  	v12 =	vadd.f32 v10, v12;
	_ =	sdelay $0x1  }
0x12d: {  	v12 =	vmul.f32 $5.000000000e-01, v12;
	_ =	sdelay $0x1  }
0x12e: {  	v12 =	vsub.f32 v12, v8;
	_ =	sdelay $0x1  }
0x12f: {  	v12 =	vmul.f32 v12, v9;
	_ =	sdelay $0x1  }
0x130: {  	v13 =	vtrunc.f32 v12  }
0x131: {  	v14 =	vcvt.f32.s32 v13;
	vm0 =	vgt.f32 v12, v13  }
0x132: {  	v12 =	vsel vm0, $0x1, v2  }
0x133: {  	v12 =	vadd.s32 v14, v12  }
0x134: {  	vm14 =	vgt.s32 v12, $0x0  }
0x135: {  	v12 =	vnsel vm14, $0x0, v12  }
0x136: {  	v12 =	vmin.u32 v12, $0x3FF  }
0x137: {  	vm15 =	vge.u32 v12, v0;
	vm1 =	vlt.u32 v12, v1  }
0x138: {  	vm0 =	vmand vm15, vm1  }
0x139: {  	v42 =	vsel vm0, $0x1, v2  }
0x13a: {  	(xrf0) =	vadd.scan.msk.s32 $0xffff, v42;
	_ =	sdelay $0x4  }
0x13b: {  	v43 =	vsel vm0, $0xFFFFFFFF, v2  }
0x13c: {  	v13 =	vadd.s32 s24, v43;
	v44, _, _ =	vpop (xrf0)  }
0x13d: {  	v13 =	vadd.s32 v44, v13;
	_ =	sdelay $0x3  }
0x13e: {  	v45 =	vpsel p0, v10, v11  }
0x13f: {  	[tilespmem:v13+s17+$0x0] =	vst.idx.msk vm0, v45  }
0x140: {  	s25 =	sand.u32 $0x3FE0, s25;
	[tilespmem:v13+s18+$0x0] =	vst.idx.msk vm0, v12  }
0x141: {  	v10 =	vld [tilespmem:s25+$0x2800]  }
0x142: {  	v46 =	vld [tilespmem:s25+$0x7800];
	_ =	sdelay $0x4  }
0x143: {  	v47 =	vadd.f32 v46, v10;
	_ =	sdelay $0x1  }
0x144: {  	v12 =	vmul.f32 $5.000000000e-01, v47;
	_ =	sdelay $0x1  }
0x145: {  	v12 =	vsub.f32 v12, v8;
	_ =	sdelay $0x1  }
0x146: {  	v12 =	vmul.f32 v12, v9;
	_ =	sdelay $0x1  }
0x147: {  	v48 =	vtrunc.f32 v12  }
0x148: {  	v15 =	vcvt.f32.s32 v48;
	vm4 =	vgt.f32 v12, v48  }
0x149: {  	v12 =	vsel vm4, $0x1, v2  }
0x14a: {  	v12 =	vadd.s32 v15, v12  }
0x14b: {  	vm5 =	vgt.s32 v12, $0x0  }
0x14c: {  	v12 =	vnsel vm5, $0x0, v12  }
0x14d: {  	v12 =	vmin.u32 v12, $0x3FF  }
0x14e: {  	vm6 =	vge.u32 v12, v0;
	vm7 =	vlt.u32 v12, v1  }
0x14f: {  	vm0 =	vmand vm6, vm7  }
0x150: {  	v49 =	vsel vm0, $0x1, v2  }
0x151: {  	(xrf0) =	vadd.scan.msk.s32 $0xffff, v49;
	_ =	sdelay $0x2  }
0x152: {  	s30 =	spop (v2sf)  }
0x153: {  	s25 =	sadd.s32 s28, s30  }
0x154: {  	s26 =	sadd.s32 $0x2810, s25;
	v50 =	vsel vm0, $0xFFFFFFFF, v2  }
0x155: {  	v13 =	vadd.s32 s26, v50;
	v51, _, _ =	vpop (xrf0)  }
0x156: {  	v13 =	vadd.s32 v51, v13;
	_ =	sdelay $0x1  }
0x157: {  	v10 =	vsub.f32 $0.0e+00, v10;
	_ =	sdelay $0x1  }
0x158: {  	v10 =	vpsel p0, v46, v10  }
0x159: {  	[tilespmem:v13+s17+$0x0] =	vst.idx.msk vm0, v10  }
0x15a: {  	[tilespmem:v13+s18+$0x0] =	vst.idx.msk vm0, v12  }
0x15b: {  	v10 =	vld [tilespmem:s23+$0x10]  }
0x15c: {  	v52 =	vld [tilespmem:s22+$0x10];
	_ =	sdelay $0x4  }
0x15d: {  	v53 =	vadd.f32 v52, v10;
	_ =	sdelay $0x1  }
0x15e: {  	v12 =	vmul.f32 $5.000000000e-01, v53;
	_ =	sdelay $0x1  }
0x15f: {  	v12 =	vsub.f32 v12, v8;
	_ =	sdelay $0x1  }
0x160: {  	v12 =	vmul.f32 v12, v9  }
0x161: {  	(v2sf) =	vpush v44, $0xF  }
0x162: {  	v54 =	vtrunc.f32 v12  }
0x163: {  	v55 =	vcvt.f32.s32 v54;
	vm8 =	vgt.f32 v12, v54  }
0x164: {  	v12 =	vsel vm8, $0x1, v2  }
0x165: {  	v12 =	vadd.s32 v55, v12  }
0x166: {  	vm9 =	vgt.s32 v12, $0x0  }
0x167: {  	v12 =	vnsel vm9, $0x0, v12  }
0x168: {  	v12 =	vmin.u32 v12, $0x3FF  }
0x169: {  	vm10 =	vge.u32 v12, v0;
	vm11 =	vlt.u32 v12, v1  }
0x16a: {  	vm0 =	vmand vm10, vm11  }
0x16b: {  	v56 =	vsel vm0, $0x1, v2  }
0x16c: {  	(xrf0) =	vadd.scan.msk.s32 $0xffff, v56;
	_ =	sdelay $0x3  }
0x16d: {  	s31 =	spop (v2sf)  }
0x16e: {  	s26 =	sadd.s32 s24, s31;
	v57 =	vsel vm0, $0xFFFFFFFF, v2  }
0x16f: {  	v13 =	vadd.s32 s26, v57;
	v58, _, _ =	vpop (xrf0)  }
0x170: {  	v13 =	vadd.s32 v58, v13;
	_ =	sdelay $0x1  }
0x171: {  	v10 =	vsub.f32 $0.0e+00, v10;
	_ =	sdelay $0x1  }
0x172: {  	v10 =	vpsel p0, v52, v10  }
0x173: {  	[tilespmem:v13+s17+$0x0] =	vst.idx.msk vm0, v10  }
0x174: {  	[tilespmem:v13+s18+$0x0] =	vst.idx.msk vm0, v12  }
0x175: {  	v10 =	vld [tilespmem:s23+$0x2810]  }
0x176: {  	v59 =	vld [tilespmem:s22+$0x2810];
	_ =	sdelay $0x4  }
0x177: {  	v60 =	vadd.f32 v59, v10;
	_ =	sdelay $0x1  }
0x178: {  	v12 =	vmul.f32 $5.000000000e-01, v60;
	_ =	sdelay $0x1  }
0x179: {  	v8 =	vsub.f32 v12, v8;
	_ =	sdelay $0x1  }
0x17a: {  	v8 =	vmul.f32 v8, v9;
	_ =	sdelay $0x1  }
0x17b: {  	v9 =	vtrunc.f32 v8  }
0x17c: {  	vm12 =	vgt.f32 v8, v9;
	v8 =	vcvt.f32.s32 v9  }
0x17d: {  	v61 =	vsel vm12, $0x1, v2  }
0x17e: {  	v8 =	vadd.s32 v8, v61  }
0x17f: {  	vm13 =	vgt.s32 v8, $0x0  }
0x180: {  	v8 =	vnsel vm13, $0x0, v8  }
0x181: {  	v8 =	vmin.u32 v8, $0x3FF  }
0x182: {  	vm14 =	vge.u32 v8, v0;
	vm15 =	vlt.u32 v8, v1  }
0x183: {  	(v2sf) =	vpush v51, $0xF;
	vm0 =	vmand vm14, vm15  }
0x184: {  	v62 =	vsel vm0, $0x1, v2  }
0x185: {  	(xrf0) =	vadd.scan.msk.s32 $0xffff, v62;
	_ =	sdelay $0x5  }
0x186: {  	(v2sf) =	vpush v58, $0xF;
	v9, _, _ =	vpop (xrf0)  }
0x187: {  	(v2sf) =	vpush v9, $0xF;
	_ =	sdelay $0x5  }
0x188: {  	s28 =	spop (v2sf)  }
0x189: {  	s22 =	sadd.s32 s25, s28  }
0x18a: {  	s29 =	sadd.s32 $0x2810, s22;
	v63 =	vsel vm0, $0xFFFFFFFF, v2  }
0x18b: {  	v12 =	vadd.s32 s29, v63  }
0x18c: {  	v9 =	vadd.s32 v9, v12;
	_ =	sdelay $0x1  }
0x18d: {  	v10 =	vsub.f32 $0.0e+00, v10;
	_ =	sdelay $0x1  }
0x18e: {  	v10 =	vpsel p0, v59, v10;
	s30 =	spop (v2sf)  }
0x18f: {  	s24 =	simm.s32 $0x40;
	[tilespmem:v9+s17+$0x0] =	vst.idx.msk vm0, v10;
	s31 =	spop (v2sf)  }
0x190: {  	s25 =	simm.s32 $0x0;
	s23 =	sadd.s32 s26, s30;
	[tilespmem:v9+s18+$0x0] =	vst.idx.msk vm0, v8;
	s22 =	sadd.s32 s22, s31  }
.LBB2_6:
0x191: {  	p3 =	sne.s32 s24, $0xFC0;
	[tilespmem:s25+$0x14100] =	vst v3;
	s25 =	smov.u32 s24;
	s24 =	sadd.s32 $0x40, s24  }
.Ltmp2:
0x192: {  	(pc) =	sbr.rel @p3 .LBB2_6-.Ltmp2, $2  }
0x193: {  	_ =	sdelay $0x2  }
0x194: {  	s25 =	sshra.s32 s25, $0x2  }
0x195: {  	[tilespmem:s25+$0x14100] =	vst v3;
	s24 =	simm.s32 $0x0;
	s25 =	simm.s32 $0x40;
	s26 =	simm.s32 $0x0  }
.LBB2_8:
0x196: {  	p3 =	sne.s32 s25, $0xFC0;
	[tilespmem:s26+$0x14500] =	vst v3;
	s26 =	smov.u32 s25;
	s25 =	sadd.s32 $0x40, s25  }
.Ltmp3:
0x197: {  	(pc) =	sbr.rel @p3 .LBB2_8-.Ltmp3, $2  }
0x198: {  	_ =	sdelay $0x2  }
0x199: {  	s26 =	sshra.s32 s26, $0x2  }
0x19a: {  	[tilespmem:s26+$0x14500] =	vst v3  }
.LBB2_10:
0x19b: {  	p3 =	sne.s32 s24, $0xFC0  }
.Ltmp4:
0x19c: {  	_ = 	snop;
	(pc) =	sbr.rel @p3 .LBB2_10-.Ltmp4, $3  }
0x19d: {  	_ =	sdelay $0x1  }
0x19e: {  	s25 =	sshra.s32 s24, $0x2  }
0x19f: {  	s24 =	sadd.s32 $0x40, s24;
	[tilespmem:s25+$0x14900] =	vst v3  }
0x1a0: {  	s24 =	simm.s32 $0x40;
	s25 =	simm.s32 $0x0  }
.LBB2_12:
0x1a1: {  	p3 =	sne.s32 s24, $0xFC0;
	[tilespmem:s25+$0x14D00] =	vst v3;
	s25 =	smov.u32 s24;
	s24 =	sadd.s32 $0x40, s24  }
.Ltmp5:
0x1a2: {  	(pc) =	sbr.rel @p3 .LBB2_12-.Ltmp5, $2  }
0x1a3: {  	_ =	sdelay $0x2  }
0x1a4: {  	s25 =	sshra.s32 s25, $0x2  }
0x1a5: {  	s24 =	sadd.s32 $0xF, s23  }
0x1a6: {  	s26 =	sand.u32 $0xF, s24  }
0x1a7: {  	s31 =	sshra.s32 s24, $0x1F;
	p4 =	slt.s32 s24, $0x1;
	p3 =	sne.s32 s26, $0x0  }
0x1a8: {  	s26 =	sshrl.u32 s31, $0x1C;
	p3 =	por !p4, !p3  }
0x1a9: {  	[tilespmem:s25+$0x14D00] =	vst v3;
	s25 =	simm.s32 $0x1;
	s24 =	sadd.s32 s26, s24;
	p3 =	por !p3, !p3  }
0x1aa: {  	s24 =	sshra.s32 s24, $0x4;
	s25 =	simm.s32 @!p3 $0x0  }
0x1ab: {  	s25 =	ssub.s32 s24, s25  }
0x1ac: {  	p3 =	slt.s32 s25, $0x1  }
.Ltmp6:
0x1ad: {  	_ = 	snop;
	(pc) =	sbr.rel @p3 .LBB2_17-.Ltmp6, $4  }
0x1ae: {  	[tilespmem:s23+$0xF080] =	vst v0  }
0x1af: {  	[tilespmem:s23+$0xA000] =	vst v3  }
0x1b0: {  	[tilespmem:s22+$0x11890] =	vst v0  }
0x1b1: {  	[tilespmem:s22+$0xC810] =	vst v3  }
0x1b2: {  	s23 =	simm.s32 $0xF080  }
0x1b3: {  	v8 =	vld [tilespmem:s23+$0x0];
	_ =	sdelay $0x4  }
0x1b4: {  	v8 =	vsub.s32 v8, v0  }
0x1b5: {  	v8 =	vshll.u32 v8, $0x6  }
0x1b6: {  	v10 =	vshra.s32 v8, $0x2  }
0x1b7: {  	v12 =	vadd.s32 $0x14100, v10  }
0x1b8: {  	(v2sf) =	vpush v12, $0x0;
	_ =	sdelay $0x9  }
0x1b9: {  	v11 =	vadd.s32 $0x14500, v10  }
0x1ba: {  	(v2sf) =	vpush v11, $0x1;
	_ =	sdelay $0x2  }
0x1bb: {  	s24 =	simm.s32 $0xA000  }
0x1bc: {  	v8 =	vld [tilespmem:s24+$0x0];
	s26 =	spop (v2sf)  }
0x1bd: {  	v13 =	vld [tilespmem:s26+$0x0];
	_ =	sdelay $0x4  }
0x1be: {  	v9 =	vadd.s32 $0x14900, v10;
	v14 =	vbroadcast v8, $0x0;
	v15 =	vperm.xlane v13, v4  }
0x1bf: {  	vm0 =	veq.s32 v5, $0xF;
	(v2sf) =	vpush v9, $0x2  }
0x1c0: {  	vm1 =	vlt.f32 v13, v14;
	v15 =	vsel vm0, $0x7F61B1E6, v15  }
0x1c1: {  	v13 =	vsel vm1, v14, v13;
	vm1 =	vlt.f32 v15, v14  }
0x1c2: {  	v13 =	vsel vm1, v15, v13  }
0x1c3: {  	s30 =	spop (v2sf);
	[tilespmem:s26+$0x0] =	vst v13  }
0x1c4: {  	v13 =	vld [tilespmem:s30+$0x0];
	_ =	sdelay $0x4  }
0x1c5: {  	v10 =	vadd.s32 $0x14D00, v10;
	v38 =	vbroadcast v8, $0x1;
	v39 =	vperm.xlane v13, v4  }
0x1c6: {  	(v2sf) =	vpush v10, $0x3  }
0x1c7: {  	vm1 =	vlt.f32 v13, v38;
	v15 =	vsel vm0, $0x7F61B1E6, v39  }
0x1c8: {  	v13 =	vsel vm1, v38, v13;
	vm1 =	vlt.f32 v15, v38  }
0x1c9: {  	v13 =	vsel vm1, v15, v13  }
0x1ca: {  	s31 =	spop (v2sf);
	[tilespmem:s30+$0x0] =	vst v13  }
0x1cb: {  	v13 =	vld [tilespmem:s31+$0x0];
	_ =	sdelay $0x4  }
0x1cc: {  	v40 =	vbroadcast v8, $0x2;
	v41 =	vperm.xlane v13, v4  }
0x1cd: {  	(v2sf) =	vpush v12, $0x4  }
0x1ce: {  	vm1 =	vlt.f32 v13, v40;
	v15 =	vsel vm0, $0x7F61B1E6, v41  }
0x1cf: {  	v13 =	vsel vm1, v40, v13;
	vm1 =	vlt.f32 v15, v40  }
0x1d0: {  	v13 =	vsel vm1, v15, v13  }
0x1d1: {  	s28 =	spop (v2sf);
	[tilespmem:s31+$0x0] =	vst v13  }
0x1d2: {  	v13 =	vld [tilespmem:s28+$0x0];
	_ =	sdelay $0x4  }
0x1d3: {  	v42 =	vbroadcast v8, $0x3;
	v43 =	vperm.xlane v13, v4  }
0x1d4: {  	(v2sf) =	vpush v11, $0x5  }
0x1d5: {  	vm1 =	vlt.f32 v13, v42;
	v15 =	vsel vm0, $0x7F61B1E6, v43  }
0x1d6: {  	v13 =	vsel vm1, v42, v13;
	vm1 =	vlt.f32 v15, v42  }
0x1d7: {  	v13 =	vsel vm1, v15, v13  }
0x1d8: {  	s29 =	spop (v2sf);
	[tilespmem:s28+$0x0] =	vst v13  }
0x1d9: {  	v13 =	vld [tilespmem:s29+$0x0];
	_ =	sdelay $0x4  }
0x1da: {  	v44 =	vbroadcast v8, $0x4;
	v45 =	vperm.xlane v13, v4  }
0x1db: {  	(v2sf) =	vpush v9, $0x6  }
0x1dc: {  	vm1 =	vlt.f32 v13, v44;
	v15 =	vsel vm0, $0x7F61B1E6, v45  }
0x1dd: {  	v13 =	vsel vm1, v44, v13;
	vm1 =	vlt.f32 v15, v44  }
0x1de: {  	v13 =	vsel vm1, v15, v13  }
0x1df: {  	s30 =	spop (v2sf);
	[tilespmem:s29+$0x0] =	vst v13  }
0x1e0: {  	v13 =	vld [tilespmem:s30+$0x0];
	_ =	sdelay $0x4  }
0x1e1: {  	v46 =	vbroadcast v8, $0x5;
	v47 =	vperm.xlane v13, v4  }
0x1e2: {  	(v2sf) =	vpush v10, $0x7  }
0x1e3: {  	vm1 =	vlt.f32 v13, v46;
	v15 =	vsel vm0, $0x7F61B1E6, v47  }
0x1e4: {  	v13 =	vsel vm1, v46, v13;
	vm1 =	vlt.f32 v15, v46  }
0x1e5: {  	v13 =	vsel vm1, v15, v13  }
0x1e6: {  	s31 =	spop (v2sf);
	[tilespmem:s30+$0x0] =	vst v13  }
0x1e7: {  	v13 =	vld [tilespmem:s31+$0x0];
	_ =	sdelay $0x4  }
0x1e8: {  	v48 =	vbroadcast v8, $0x6;
	v49 =	vperm.xlane v13, v4  }
0x1e9: {  	(v2sf) =	vpush v12, $0x8  }
0x1ea: {  	vm1 =	vlt.f32 v13, v48;
	v15 =	vsel vm0, $0x7F61B1E6, v49  }
0x1eb: {  	v13 =	vsel vm1, v48, v13;
	vm1 =	vlt.f32 v15, v48  }
0x1ec: {  	v13 =	vsel vm1, v15, v13  }
0x1ed: {  	s28 =	spop (v2sf);
	[tilespmem:s31+$0x0] =	vst v13  }
0x1ee: {  	v13 =	vld [tilespmem:s28+$0x0];
	_ =	sdelay $0x4  }
0x1ef: {  	v50 =	vbroadcast v8, $0x7;
	v51 =	vperm.xlane v13, v4  }
0x1f0: {  	(v2sf) =	vpush v11, $0x9  }
0x1f1: {  	vm1 =	vlt.f32 v13, v50;
	v15 =	vsel vm0, $0x7F61B1E6, v51  }
0x1f2: {  	v13 =	vsel vm1, v50, v13;
	vm1 =	vlt.f32 v15, v50  }
0x1f3: {  	v13 =	vsel vm1, v15, v13  }
0x1f4: {  	s29 =	spop (v2sf);
	[tilespmem:s28+$0x0] =	vst v13  }
0x1f5: {  	v13 =	vld [tilespmem:s29+$0x0];
	_ =	sdelay $0x4  }
0x1f6: {  	v52 =	vbroadcast v8, $0x8;
	v53 =	vperm.xlane v13, v4  }
0x1f7: {  	(v2sf) =	vpush v9, $0xA  }
0x1f8: {  	vm1 =	vlt.f32 v13, v52;
	v15 =	vsel vm0, $0x7F61B1E6, v53  }
0x1f9: {  	v13 =	vsel vm1, v52, v13;
	vm1 =	vlt.f32 v15, v52  }
0x1fa: {  	v13 =	vsel vm1, v15, v13  }
0x1fb: {  	s30 =	spop (v2sf);
	[tilespmem:s29+$0x0] =	vst v13  }
0x1fc: {  	v13 =	vld [tilespmem:s30+$0x0];
	_ =	sdelay $0x4  }
0x1fd: {  	v54 =	vbroadcast v8, $0x9;
	v55 =	vperm.xlane v13, v4  }
0x1fe: {  	(v2sf) =	vpush v10, $0xB  }
0x1ff: {  	vm1 =	vlt.f32 v13, v54;
	v15 =	vsel vm0, $0x7F61B1E6, v55  }
0x200: {  	v13 =	vsel vm1, v54, v13;
	vm1 =	vlt.f32 v15, v54  }
0x201: {  	v13 =	vsel vm1, v15, v13  }
0x202: {  	s31 =	spop (v2sf);
	[tilespmem:s30+$0x0] =	vst v13  }
0x203: {  	v13 =	vld [tilespmem:s31+$0x0];
	_ =	sdelay $0x4  }
0x204: {  	v56 =	vbroadcast v8, $0xA;
	v57 =	vperm.xlane v13, v4  }
0x205: {  	(v2sf) =	vpush v12, $0xC  }
0x206: {  	vm1 =	vlt.f32 v13, v56;
	v58 =	vsel vm0, $0x7F61B1E6, v57  }
0x207: {  	v13 =	vsel vm1, v56, v13;
	vm1 =	vlt.f32 v58, v56  }
0x208: {  	v12 =	vsel vm1, v58, v13  }
0x209: {  	s28 =	spop (v2sf);
	[tilespmem:s31+$0x0] =	vst v12  }
0x20a: {  	v12 =	vld [tilespmem:s28+$0x0];
	_ =	sdelay $0x4  }
0x20b: {  	v59 =	vbroadcast v8, $0xB;
	v60 =	vperm.xlane v12, v4  }
0x20c: {  	(v2sf) =	vpush v11, $0xD  }
0x20d: {  	vm1 =	vlt.f32 v12, v59;
	v11 =	vsel vm0, $0x7F61B1E6, v60  }
0x20e: {  	v12 =	vsel vm1, v59, v12;
	vm1 =	vlt.f32 v11, v59  }
0x20f: {  	v11 =	vsel vm1, v11, v12  }
0x210: {  	s29 =	spop (v2sf);
	[tilespmem:s28+$0x0] =	vst v11  }
0x211: {  	v11 =	vld [tilespmem:s29+$0x0];
	_ =	sdelay $0x4  }
0x212: {  	v61 =	vbroadcast v8, $0xC;
	v62 =	vperm.xlane v11, v4  }
0x213: {  	(v2sf) =	vpush v9, $0xE  }
0x214: {  	vm1 =	vlt.f32 v11, v61;
	v9 =	vsel vm0, $0x7F61B1E6, v62  }
0x215: {  	v11 =	vsel vm1, v61, v11;
	vm1 =	vlt.f32 v9, v61  }
0x216: {  	v9 =	vsel vm1, v9, v11  }
0x217: {  	s30 =	spop (v2sf);
	[tilespmem:s29+$0x0] =	vst v9  }
0x218: {  	v9 =	vld [tilespmem:s30+$0x0];
	_ =	sdelay $0x4  }
0x219: {  	v11 =	vbroadcast v8, $0xD;
	v63 =	vperm.xlane v9, v4  }
0x21a: {  	(v2sf) =	vpush v10, $0xF  }
0x21b: {  	vm1 =	vlt.f32 v9, v11;
	v10 =	vsel vm0, $0x7F61B1E6, v63  }
0x21c: {  	v9 =	vsel vm1, v11, v9;
	vm1 =	vlt.f32 v10, v11  }
0x21d: {  	v9 =	vsel vm1, v10, v9  }
0x21e: {  	s31 =	spop (v2sf);
	[tilespmem:s30+$0x0] =	vst v9  }
0x21f: {  	v9 =	vld [tilespmem:s31+$0x0];
	_ =	sdelay $0x4  }
0x220: {  	v10 =	vbroadcast v8, $0xE;
	v11 =	vperm.xlane v9, v4;
	_ =	sdelay $0x1  }
0x221: {  	vm1 =	vlt.f32 v9, v10;
	v11 =	vsel vm0, $0x7F61B1E6, v11  }
0x222: {  	v9 =	vsel vm1, v10, v9;
	vm1 =	vlt.f32 v11, v10  }
0x223: {  	v9 =	vsel vm1, v11, v9  }
0x224: {  	s26 =	spop (v2sf);
	[tilespmem:s31+$0x0] =	vst v9  }
0x225: {  	v9 =	vld [tilespmem:s26+$0x0];
	_ =	sdelay $0x3  }
0x226: {  	p3 =	sne.s32 s25, $0x1  }
.Ltmp7:
0x227: {  	v8 =	vbroadcast v8, $0xF;
	v10 =	vperm.xlane v9, v4;
	(pc) =	sbr.rel @!p3 .LBB2_16-.Ltmp7, $4  }
0x228: {  	_ = 	snop  }
0x229: {  	vm1 =	vlt.f32 v9, v8;
	v10 =	vsel vm0, $0x7F61B1E6, v10  }
0x22a: {  	v9 =	vsel vm1, v8, v9;
	vm1 =	vlt.f32 v10, v8  }
0x22b: {  	s25 =	sadd.s32 $0xFFFFFFFF, s25;
	v8 =	vsel vm1, v10, v9  }
.LBB2_15:
0x22c: {  	p3 =	sne.s32 s25, $0x1;
	[tilespmem:s26+$0x0] =	vst v8;
	s23 =	sadd.s32 $0x10, s23;
	s24 =	sadd.s32 $0x10, s24  }
0x22d: {  	s25 =	sadd.s32 $0xFFFFFFFF, s25;
	v8 =	vld [tilespmem:s23+$0x0];
	_ =	sdelay $0x4  }
0x22e: {  	v8 =	vsub.s32 v8, v0  }
0x22f: {  	v8 =	vshll.u32 v8, $0x6  }
0x230: {  	v8 =	vshra.s32 v8, $0x2  }
0x231: {  	v12 =	vadd.s32 $0x14100, v8;
	v11 =	vadd.s32 $0x14500, v8;
	v10 =	vadd.s32 $0x14900, v8  }
0x232: {  	v9 =	vadd.s32 $0x14D00, v8;
	(v2sf) =	vpush v12, $0x0;
	_ =	sdelay $0xa  }
0x233: {  	(v2sf) =	vpush v11, $0x1;
	_ =	sdelay $0x2  }
0x234: {  	v8 =	vld [tilespmem:s24+$0x0]  }
0x235: {  	s26 =	spop (v2sf)  }
0x236: {  	v13 =	vld [tilespmem:s26+$0x0];
	_ =	sdelay $0x2  }
0x237: {  	v14 =	vbroadcast v8, $0x0;
	_ =	sdelay $0x1  }
0x238: {  	v15 =	vperm.xlane v13, v4;
	vm1 =	vlt.f32 v13, v14  }
0x239: {  	v13 =	vsel vm1, v14, v13;
	(v2sf) =	vpush v10, $0x2  }
0x23a: {  	v15 =	vsel vm0, $0x7F61B1E6, v15  }
0x23b: {  	vm1 =	vlt.f32 v15, v14  }
0x23c: {  	v13 =	vsel vm1, v15, v13  }
0x23d: {  	[tilespmem:s26+$0x0] =	vst v13;
	s26 =	spop (v2sf)  }
0x23e: {  	v13 =	vld [tilespmem:s26+$0x0];
	_ =	sdelay $0x2  }
0x23f: {  	v14 =	vbroadcast v8, $0x1;
	_ =	sdelay $0x1  }
0x240: {  	v15 =	vperm.xlane v13, v4;
	vm1 =	vlt.f32 v13, v14  }
0x241: {  	v13 =	vsel vm1, v14, v13;
	(v2sf) =	vpush v9, $0x3  }
0x242: {  	v15 =	vsel vm0, $0x7F61B1E6, v15  }
0x243: {  	vm1 =	vlt.f32 v15, v14  }
0x244: {  	v13 =	vsel vm1, v15, v13  }
0x245: {  	[tilespmem:s26+$0x0] =	vst v13;
	s26 =	spop (v2sf)  }
0x246: {  	v13 =	vld [tilespmem:s26+$0x0];
	_ =	sdelay $0x2  }
0x247: {  	v14 =	vbroadcast v8, $0x2;
	_ =	sdelay $0x1  }
0x248: {  	v15 =	vperm.xlane v13, v4;
	vm1 =	vlt.f32 v13, v14  }
0x249: {  	v13 =	vsel vm1, v14, v13;
	(v2sf) =	vpush v12, $0x4  }
0x24a: {  	v15 =	vsel vm0, $0x7F61B1E6, v15  }
0x24b: {  	vm1 =	vlt.f32 v15, v14  }
0x24c: {  	v13 =	vsel vm1, v15, v13  }
0x24d: {  	[tilespmem:s26+$0x0] =	vst v13;
	s26 =	spop (v2sf)  }
0x24e: {  	v13 =	vld [tilespmem:s26+$0x0];
	_ =	sdelay $0x2  }
0x24f: {  	v14 =	vbroadcast v8, $0x3;
	_ =	sdelay $0x1  }
0x250: {  	v15 =	vperm.xlane v13, v4;
	vm1 =	vlt.f32 v13, v14  }
0x251: {  	v13 =	vsel vm1, v14, v13;
	(v2sf) =	vpush v11, $0x5  }
0x252: {  	v15 =	vsel vm0, $0x7F61B1E6, v15  }
0x253: {  	vm1 =	vlt.f32 v15, v14  }
0x254: {  	v13 =	vsel vm1, v15, v13  }
0x255: {  	[tilespmem:s26+$0x0] =	vst v13;
	s26 =	spop (v2sf)  }
0x256: {  	v13 =	vld [tilespmem:s26+$0x0];
	_ =	sdelay $0x2  }
0x257: {  	v14 =	vbroadcast v8, $0x4;
	_ =	sdelay $0x1  }
0x258: {  	v15 =	vperm.xlane v13, v4;
	vm1 =	vlt.f32 v13, v14  }
0x259: {  	v13 =	vsel vm1, v14, v13;
	(v2sf) =	vpush v10, $0x6  }
0x25a: {  	v15 =	vsel vm0, $0x7F61B1E6, v15  }
0x25b: {  	vm1 =	vlt.f32 v15, v14  }
0x25c: {  	v13 =	vsel vm1, v15, v13  }
0x25d: {  	[tilespmem:s26+$0x0] =	vst v13;
	s26 =	spop (v2sf)  }
0x25e: {  	v13 =	vld [tilespmem:s26+$0x0];
	_ =	sdelay $0x2  }
0x25f: {  	v14 =	vbroadcast v8, $0x5;
	_ =	sdelay $0x1  }
0x260: {  	v15 =	vperm.xlane v13, v4;
	vm1 =	vlt.f32 v13, v14  }
0x261: {  	v13 =	vsel vm1, v14, v13;
	(v2sf) =	vpush v9, $0x7  }
0x262: {  	v15 =	vsel vm0, $0x7F61B1E6, v15  }
0x263: {  	vm1 =	vlt.f32 v15, v14  }
0x264: {  	v13 =	vsel vm1, v15, v13  }
0x265: {  	[tilespmem:s26+$0x0] =	vst v13;
	s26 =	spop (v2sf)  }
0x266: {  	v13 =	vld [tilespmem:s26+$0x0];
	_ =	sdelay $0x2  }
0x267: {  	v14 =	vbroadcast v8, $0x6;
	_ =	sdelay $0x1  }
0x268: {  	v15 =	vperm.xlane v13, v4;
	vm1 =	vlt.f32 v13, v14  }
0x269: {  	v13 =	vsel vm1, v14, v13;
	(v2sf) =	vpush v12, $0x8  }
0x26a: {  	v15 =	vsel vm0, $0x7F61B1E6, v15  }
0x26b: {  	vm1 =	vlt.f32 v15, v14  }
0x26c: {  	v13 =	vsel vm1, v15, v13  }
0x26d: {  	[tilespmem:s26+$0x0] =	vst v13;
	s26 =	spop (v2sf)  }
0x26e: {  	v13 =	vld [tilespmem:s26+$0x0];
	_ =	sdelay $0x2  }
0x26f: {  	v14 =	vbroadcast v8, $0x7;
	_ =	sdelay $0x1  }
0x270: {  	v15 =	vperm.xlane v13, v4;
	vm1 =	vlt.f32 v13, v14  }
0x271: {  	v13 =	vsel vm1, v14, v13;
	(v2sf) =	vpush v11, $0x9  }
0x272: {  	v15 =	vsel vm0, $0x7F61B1E6, v15  }
0x273: {  	vm1 =	vlt.f32 v15, v14  }
0x274: {  	v13 =	vsel vm1, v15, v13  }
0x275: {  	[tilespmem:s26+$0x0] =	vst v13;
	s26 =	spop (v2sf)  }
0x276: {  	v13 =	vld [tilespmem:s26+$0x0];
	_ =	sdelay $0x2  }
0x277: {  	v14 =	vbroadcast v8, $0x8;
	_ =	sdelay $0x1  }
0x278: {  	v15 =	vperm.xlane v13, v4;
	vm1 =	vlt.f32 v13, v14  }
0x279: {  	v13 =	vsel vm1, v14, v13;
	(v2sf) =	vpush v10, $0xA  }
0x27a: {  	v15 =	vsel vm0, $0x7F61B1E6, v15  }
0x27b: {  	vm1 =	vlt.f32 v15, v14  }
0x27c: {  	v13 =	vsel vm1, v15, v13  }
0x27d: {  	[tilespmem:s26+$0x0] =	vst v13;
	s26 =	spop (v2sf)  }
0x27e: {  	v13 =	vld [tilespmem:s26+$0x0];
	_ =	sdelay $0x2  }
0x27f: {  	v14 =	vbroadcast v8, $0x9;
	_ =	sdelay $0x1  }
0x280: {  	v15 =	vperm.xlane v13, v4;
	vm1 =	vlt.f32 v13, v14  }
0x281: {  	v13 =	vsel vm1, v14, v13;
	(v2sf) =	vpush v9, $0xB  }
0x282: {  	v15 =	vsel vm0, $0x7F61B1E6, v15  }
0x283: {  	vm1 =	vlt.f32 v15, v14  }
0x284: {  	v13 =	vsel vm1, v15, v13  }
0x285: {  	[tilespmem:s26+$0x0] =	vst v13;
	s26 =	spop (v2sf)  }
0x286: {  	v13 =	vld [tilespmem:s26+$0x0];
	_ =	sdelay $0x2  }
0x287: {  	v14 =	vbroadcast v8, $0xA;
	_ =	sdelay $0x1  }
0x288: {  	v15 =	vperm.xlane v13, v4;
	vm1 =	vlt.f32 v13, v14  }
0x289: {  	v13 =	vsel vm1, v14, v13;
	(v2sf) =	vpush v12, $0xC  }
0x28a: {  	v12 =	vsel vm0, $0x7F61B1E6, v15  }
0x28b: {  	vm1 =	vlt.f32 v12, v14  }
0x28c: {  	v12 =	vsel vm1, v12, v13  }
0x28d: {  	[tilespmem:s26+$0x0] =	vst v12;
	s26 =	spop (v2sf)  }
0x28e: {  	v12 =	vld [tilespmem:s26+$0x0];
	_ =	sdelay $0x2  }
0x28f: {  	v13 =	vbroadcast v8, $0xB;
	_ =	sdelay $0x1  }
0x290: {  	v14 =	vperm.xlane v12, v4;
	vm1 =	vlt.f32 v12, v13  }
0x291: {  	v12 =	vsel vm1, v13, v12;
	(v2sf) =	vpush v11, $0xD  }
0x292: {  	v11 =	vsel vm0, $0x7F61B1E6, v14  }
0x293: {  	vm1 =	vlt.f32 v11, v13  }
0x294: {  	v11 =	vsel vm1, v11, v12  }
0x295: {  	[tilespmem:s26+$0x0] =	vst v11;
	s26 =	spop (v2sf)  }
0x296: {  	v11 =	vld [tilespmem:s26+$0x0];
	_ =	sdelay $0x2  }
0x297: {  	v12 =	vbroadcast v8, $0xC;
	_ =	sdelay $0x1  }
0x298: {  	v13 =	vperm.xlane v11, v4;
	vm1 =	vlt.f32 v11, v12  }
0x299: {  	v11 =	vsel vm1, v12, v11;
	(v2sf) =	vpush v10, $0xE  }
0x29a: {  	v10 =	vsel vm0, $0x7F61B1E6, v13  }
0x29b: {  	vm1 =	vlt.f32 v10, v12  }
0x29c: {  	v10 =	vsel vm1, v10, v11  }
0x29d: {  	[tilespmem:s26+$0x0] =	vst v10;
	s26 =	spop (v2sf)  }
0x29e: {  	v10 =	vld [tilespmem:s26+$0x0];
	_ =	sdelay $0x2  }
0x29f: {  	v11 =	vbroadcast v8, $0xD;
	_ =	sdelay $0x1  }
0x2a0: {  	v12 =	vperm.xlane v10, v4;
	vm1 =	vlt.f32 v10, v11  }
0x2a1: {  	v10 =	vsel vm1, v11, v10;
	(v2sf) =	vpush v9, $0xF  }
0x2a2: {  	v9 =	vsel vm0, $0x7F61B1E6, v12  }
0x2a3: {  	vm1 =	vlt.f32 v9, v11  }
0x2a4: {  	v9 =	vsel vm1, v9, v10  }
0x2a5: {  	[tilespmem:s26+$0x0] =	vst v9;
	s26 =	spop (v2sf)  }
0x2a6: {  	v9 =	vld [tilespmem:s26+$0x0];
	_ =	sdelay $0x2  }
0x2a7: {  	v10 =	vbroadcast v8, $0xE;
	_ =	sdelay $0x1  }
0x2a8: {  	v11 =	vperm.xlane v9, v4;
	vm1 =	vlt.f32 v9, v10  }
0x2a9: {  	v9 =	vsel vm1, v10, v9  }
0x2aa: {  	v11 =	vsel vm0, $0x7F61B1E6, v11  }
0x2ab: {  	vm1 =	vlt.f32 v11, v10  }
0x2ac: {  	v9 =	vsel vm1, v11, v9  }
0x2ad: {  	[tilespmem:s26+$0x0] =	vst v9;
	s26 =	spop (v2sf)  }
0x2ae: {  	v9 =	vld [tilespmem:s26+$0x0];
	_ =	sdelay $0x2  }
0x2af: {  	v8 =	vbroadcast v8, $0xF;
	_ =	sdelay $0x1  }
.Ltmp8:
0x2b0: {  	v10 =	vperm.xlane v9, v4;
	vm1 =	vlt.f32 v9, v8;
	(pc) =	sbr.rel @p3 .LBB2_15-.Ltmp8, $4  }
0x2b1: {  	v9 =	vsel vm1, v8, v9  }
0x2b2: {  	v10 =	vsel vm0, $0x7F61B1E6, v10  }
0x2b3: {  	vm1 =	vlt.f32 v10, v8  }
0x2b4: {  	v8 =	vsel vm1, v10, v9  }
.LBB2_16:
0x2b5: {  	[tilespmem:s26+$0x0] =	vst v8  }
.LBB2_17:
0x2b6: {  	s22 =	sadd.s32 $0xF, s22  }
0x2b7: {  	s23 =	sand.u32 $0xF, s22  }
0x2b8: {  	s24 =	sshra.s32 s22, $0x1F;
	p3 =	slt.s32 s22, $0x1;
	p4 =	sne.s32 s23, $0x0  }
0x2b9: {  	s31 =	sshrl.u32 s24, $0x1C;
	p3 =	por !p3, !p4  }
0x2ba: {  	s23 =	simm.s32 $0x1;
	s22 =	sadd.s32 s31, s22;
	p3 =	por !p3, !p3  }
0x2bb: {  	s22 =	sshra.s32 s22, $0x4;
	s23 =	simm.s32 @!p3 $0x0  }
0x2bc: {  	s24 =	ssub.s32 s22, s23  }
0x2bd: {  	p3 =	slt.s32 s24, $0x1  }
.Ltmp9:
0x2be: {  	_ = 	snop;
	(pc) =	sbr.rel @p3 .LBB2_21-.Ltmp9, $1  }
0x2bf: {  	_ =	sdelay $0x3  }
0x2c0: {  	s22 =	simm.s32 $0x11890  }
0x2c1: {  	v8 =	vld [tilespmem:s22+$0x0];
	_ =	sdelay $0x4  }
0x2c2: {  	v8 =	vsub.s32 v8, v0  }
0x2c3: {  	v8 =	vshll.u32 v8, $0x6  }
0x2c4: {  	v10 =	vshra.s32 v8, $0x2  }
0x2c5: {  	v12 =	vadd.s32 $0x14100, v10  }
0x2c6: {  	(v2sf) =	vpush v12, $0x0;
	_ =	sdelay $0x9  }
0x2c7: {  	v11 =	vadd.s32 $0x14500, v10  }
0x2c8: {  	(v2sf) =	vpush v11, $0x1;
	_ =	sdelay $0x2  }
0x2c9: {  	s23 =	simm.s32 $0xC810  }
0x2ca: {  	v8 =	vld [tilespmem:s23+$0x0];
	s25 =	spop (v2sf)  }
0x2cb: {  	v13 =	vld [tilespmem:s25+$0x0];
	_ =	sdelay $0x4  }
0x2cc: {  	v9 =	vadd.s32 $0x14900, v10;
	v14 =	vbroadcast v8, $0x0;
	v15 =	vperm.xlane v13, v4  }
0x2cd: {  	vm0 =	veq.s32 v5, $0xF;
	(v2sf) =	vpush v9, $0x2  }
0x2ce: {  	vm1 =	vlt.f32 v13, v14;
	v15 =	vsel vm0, $0x7F61B1E6, v15  }
0x2cf: {  	v13 =	vsel vm1, v14, v13;
	vm1 =	vlt.f32 v15, v14  }
0x2d0: {  	v13 =	vsel vm1, v15, v13  }
0x2d1: {  	s28 =	spop (v2sf);
	[tilespmem:s25+$0x0] =	vst v13  }
0x2d2: {  	v13 =	vld [tilespmem:s28+$0x0];
	_ =	sdelay $0x4  }
0x2d3: {  	v10 =	vadd.s32 $0x14D00, v10;
	v38 =	vbroadcast v8, $0x1;
	v39 =	vperm.xlane v13, v4  }
0x2d4: {  	(v2sf) =	vpush v10, $0x3  }
0x2d5: {  	vm1 =	vlt.f32 v13, v38;
	v15 =	vsel vm0, $0x7F61B1E6, v39  }
0x2d6: {  	v13 =	vsel vm1, v38, v13;
	vm1 =	vlt.f32 v15, v38  }
0x2d7: {  	v13 =	vsel vm1, v15, v13  }
0x2d8: {  	s29 =	spop (v2sf);
	[tilespmem:s28+$0x0] =	vst v13  }
0x2d9: {  	v13 =	vld [tilespmem:s29+$0x0];
	_ =	sdelay $0x4  }
0x2da: {  	v40 =	vbroadcast v8, $0x2;
	v41 =	vperm.xlane v13, v4  }
0x2db: {  	(v2sf) =	vpush v12, $0x4  }
0x2dc: {  	vm1 =	vlt.f32 v13, v40;
	v15 =	vsel vm0, $0x7F61B1E6, v41  }
0x2dd: {  	v13 =	vsel vm1, v40, v13;
	vm1 =	vlt.f32 v15, v40  }
0x2de: {  	v13 =	vsel vm1, v15, v13  }
0x2df: {  	s30 =	spop (v2sf);
	[tilespmem:s29+$0x0] =	vst v13  }
0x2e0: {  	v13 =	vld [tilespmem:s30+$0x0];
	_ =	sdelay $0x4  }
0x2e1: {  	v42 =	vbroadcast v8, $0x3;
	v43 =	vperm.xlane v13, v4  }
0x2e2: {  	(v2sf) =	vpush v11, $0x5  }
0x2e3: {  	vm1 =	vlt.f32 v13, v42;
	v15 =	vsel vm0, $0x7F61B1E6, v43  }
0x2e4: {  	v13 =	vsel vm1, v42, v13;
	vm1 =	vlt.f32 v15, v42  }
0x2e5: {  	v13 =	vsel vm1, v15, v13  }
0x2e6: {  	s31 =	spop (v2sf);
	[tilespmem:s30+$0x0] =	vst v13  }
0x2e7: {  	v13 =	vld [tilespmem:s31+$0x0];
	_ =	sdelay $0x4  }
0x2e8: {  	v44 =	vbroadcast v8, $0x4;
	v45 =	vperm.xlane v13, v4  }
0x2e9: {  	(v2sf) =	vpush v9, $0x6  }
0x2ea: {  	vm1 =	vlt.f32 v13, v44;
	v15 =	vsel vm0, $0x7F61B1E6, v45  }
0x2eb: {  	v13 =	vsel vm1, v44, v13;
	vm1 =	vlt.f32 v15, v44  }
0x2ec: {  	v13 =	vsel vm1, v15, v13  }
0x2ed: {  	s26 =	spop (v2sf);
	[tilespmem:s31+$0x0] =	vst v13  }
0x2ee: {  	v13 =	vld [tilespmem:s26+$0x0];
	_ =	sdelay $0x4  }
0x2ef: {  	v46 =	vbroadcast v8, $0x5;
	v47 =	vperm.xlane v13, v4  }
0x2f0: {  	(v2sf) =	vpush v10, $0x7  }
0x2f1: {  	vm1 =	vlt.f32 v13, v46;
	v15 =	vsel vm0, $0x7F61B1E6, v47  }
0x2f2: {  	v13 =	vsel vm1, v46, v13;
	vm1 =	vlt.f32 v15, v46  }
0x2f3: {  	v13 =	vsel vm1, v15, v13  }
0x2f4: {  	s28 =	spop (v2sf);
	[tilespmem:s26+$0x0] =	vst v13  }
0x2f5: {  	v13 =	vld [tilespmem:s28+$0x0];
	_ =	sdelay $0x4  }
0x2f6: {  	v48 =	vbroadcast v8, $0x6;
	v49 =	vperm.xlane v13, v4  }
0x2f7: {  	(v2sf) =	vpush v12, $0x8  }
0x2f8: {  	vm1 =	vlt.f32 v13, v48;
	v15 =	vsel vm0, $0x7F61B1E6, v49  }
0x2f9: {  	v13 =	vsel vm1, v48, v13;
	vm1 =	vlt.f32 v15, v48  }
0x2fa: {  	v13 =	vsel vm1, v15, v13  }
0x2fb: {  	s29 =	spop (v2sf);
	[tilespmem:s28+$0x0] =	vst v13  }
0x2fc: {  	v13 =	vld [tilespmem:s29+$0x0];
	_ =	sdelay $0x4  }
0x2fd: {  	v50 =	vbroadcast v8, $0x7;
	v51 =	vperm.xlane v13, v4  }
0x2fe: {  	(v2sf) =	vpush v11, $0x9  }
0x2ff: {  	vm1 =	vlt.f32 v13, v50;
	v15 =	vsel vm0, $0x7F61B1E6, v51  }
0x300: {  	v13 =	vsel vm1, v50, v13;
	vm1 =	vlt.f32 v15, v50  }
0x301: {  	v13 =	vsel vm1, v15, v13  }
0x302: {  	s30 =	spop (v2sf);
	[tilespmem:s29+$0x0] =	vst v13  }
0x303: {  	v13 =	vld [tilespmem:s30+$0x0];
	_ =	sdelay $0x4  }
0x304: {  	v52 =	vbroadcast v8, $0x8;
	v53 =	vperm.xlane v13, v4  }
0x305: {  	(v2sf) =	vpush v9, $0xA  }
0x306: {  	vm1 =	vlt.f32 v13, v52;
	v15 =	vsel vm0, $0x7F61B1E6, v53  }
0x307: {  	v13 =	vsel vm1, v52, v13;
	vm1 =	vlt.f32 v15, v52  }
0x308: {  	v13 =	vsel vm1, v15, v13  }
0x309: {  	s31 =	spop (v2sf);
	[tilespmem:s30+$0x0] =	vst v13  }
0x30a: {  	v13 =	vld [tilespmem:s31+$0x0];
	_ =	sdelay $0x4  }
0x30b: {  	v54 =	vbroadcast v8, $0x9;
	v55 =	vperm.xlane v13, v4  }
0x30c: {  	(v2sf) =	vpush v10, $0xB  }
0x30d: {  	vm1 =	vlt.f32 v13, v54;
	v15 =	vsel vm0, $0x7F61B1E6, v55  }
0x30e: {  	v13 =	vsel vm1, v54, v13;
	vm1 =	vlt.f32 v15, v54  }
0x30f: {  	v13 =	vsel vm1, v15, v13  }
0x310: {  	s26 =	spop (v2sf);
	[tilespmem:s31+$0x0] =	vst v13  }
0x311: {  	v13 =	vld [tilespmem:s26+$0x0];
	_ =	sdelay $0x4  }
0x312: {  	v56 =	vbroadcast v8, $0xA;
	v57 =	vperm.xlane v13, v4  }
0x313: {  	(v2sf) =	vpush v12, $0xC  }
0x314: {  	vm1 =	vlt.f32 v13, v56;
	v58 =	vsel vm0, $0x7F61B1E6, v57  }
0x315: {  	v13 =	vsel vm1, v56, v13;
	vm1 =	vlt.f32 v58, v56  }
0x316: {  	v12 =	vsel vm1, v58, v13  }
0x317: {  	s28 =	spop (v2sf);
	[tilespmem:s26+$0x0] =	vst v12  }
0x318: {  	v12 =	vld [tilespmem:s28+$0x0];
	_ =	sdelay $0x4  }
0x319: {  	v59 =	vbroadcast v8, $0xB;
	v60 =	vperm.xlane v12, v4  }
0x31a: {  	(v2sf) =	vpush v11, $0xD  }
0x31b: {  	vm1 =	vlt.f32 v12, v59;
	v11 =	vsel vm0, $0x7F61B1E6, v60  }
0x31c: {  	v12 =	vsel vm1, v59, v12;
	vm1 =	vlt.f32 v11, v59  }
0x31d: {  	v11 =	vsel vm1, v11, v12  }
0x31e: {  	s29 =	spop (v2sf);
	[tilespmem:s28+$0x0] =	vst v11  }
0x31f: {  	v11 =	vld [tilespmem:s29+$0x0];
	_ =	sdelay $0x4  }
0x320: {  	v61 =	vbroadcast v8, $0xC;
	v62 =	vperm.xlane v11, v4  }
0x321: {  	(v2sf) =	vpush v9, $0xE  }
0x322: {  	vm1 =	vlt.f32 v11, v61;
	v9 =	vsel vm0, $0x7F61B1E6, v62  }
0x323: {  	v11 =	vsel vm1, v61, v11;
	vm1 =	vlt.f32 v9, v61  }
0x324: {  	v9 =	vsel vm1, v9, v11  }
0x325: {  	s30 =	spop (v2sf);
	[tilespmem:s29+$0x0] =	vst v9  }
0x326: {  	v9 =	vld [tilespmem:s30+$0x0];
	_ =	sdelay $0x4  }
0x327: {  	v11 =	vbroadcast v8, $0xD;
	v63 =	vperm.xlane v9, v4  }
0x328: {  	(v2sf) =	vpush v10, $0xF  }
0x329: {  	vm1 =	vlt.f32 v9, v11;
	v10 =	vsel vm0, $0x7F61B1E6, v63  }
0x32a: {  	v9 =	vsel vm1, v11, v9;
	vm1 =	vlt.f32 v10, v11  }
0x32b: {  	v9 =	vsel vm1, v10, v9  }
0x32c: {  	s31 =	spop (v2sf);
	[tilespmem:s30+$0x0] =	vst v9  }
0x32d: {  	v9 =	vld [tilespmem:s31+$0x0];
	_ =	sdelay $0x4  }
0x32e: {  	v10 =	vbroadcast v8, $0xE;
	v11 =	vperm.xlane v9, v4;
	_ =	sdelay $0x1  }
0x32f: {  	vm1 =	vlt.f32 v9, v10;
	v11 =	vsel vm0, $0x7F61B1E6, v11  }
0x330: {  	v9 =	vsel vm1, v10, v9;
	vm1 =	vlt.f32 v11, v10  }
0x331: {  	v9 =	vsel vm1, v11, v9  }
0x332: {  	s25 =	spop (v2sf);
	[tilespmem:s31+$0x0] =	vst v9  }
0x333: {  	v9 =	vld [tilespmem:s25+$0x0];
	_ =	sdelay $0x3  }
0x334: {  	p3 =	sne.s32 s24, $0x1  }
.Ltmp10:
0x335: {  	v8 =	vbroadcast v8, $0xF;
	v10 =	vperm.xlane v9, v4;
	(pc) =	sbr.rel @!p3 .LBB2_20-.Ltmp10, $4  }
0x336: {  	_ = 	snop  }
0x337: {  	vm1 =	vlt.f32 v9, v8;
	v10 =	vsel vm0, $0x7F61B1E6, v10  }
0x338: {  	v9 =	vsel vm1, v8, v9;
	vm1 =	vlt.f32 v10, v8  }
0x339: {  	s24 =	sadd.s32 $0xFFFFFFFF, s24;
	v8 =	vsel vm1, v10, v9  }
.LBB2_19:
0x33a: {  	p3 =	sne.s32 s24, $0x1;
	[tilespmem:s25+$0x0] =	vst v8;
	s22 =	sadd.s32 $0x10, s22;
	s23 =	sadd.s32 $0x10, s23  }
0x33b: {  	s24 =	sadd.s32 $0xFFFFFFFF, s24;
	v8 =	vld [tilespmem:s22+$0x0];
	_ =	sdelay $0x4  }
0x33c: {  	v8 =	vsub.s32 v8, v0  }
0x33d: {  	v8 =	vshll.u32 v8, $0x6  }
0x33e: {  	v8 =	vshra.s32 v8, $0x2  }
0x33f: {  	v12 =	vadd.s32 $0x14100, v8;
	v11 =	vadd.s32 $0x14500, v8;
	v10 =	vadd.s32 $0x14900, v8  }
0x340: {  	v9 =	vadd.s32 $0x14D00, v8;
	(v2sf) =	vpush v12, $0x0;
	_ =	sdelay $0xa  }
0x341: {  	(v2sf) =	vpush v11, $0x1;
	_ =	sdelay $0x2  }
0x342: {  	v8 =	vld [tilespmem:s23+$0x0]  }
0x343: {  	s25 =	spop (v2sf)  }
0x344: {  	v13 =	vld [tilespmem:s25+$0x0];
	_ =	sdelay $0x2  }
0x345: {  	v14 =	vbroadcast v8, $0x0;
	_ =	sdelay $0x1  }
0x346: {  	v15 =	vperm.xlane v13, v4;
	vm1 =	vlt.f32 v13, v14  }
0x347: {  	v13 =	vsel vm1, v14, v13;
	(v2sf) =	vpush v10, $0x2  }
0x348: {  	v15 =	vsel vm0, $0x7F61B1E6, v15  }
0x349: {  	vm1 =	vlt.f32 v15, v14  }
0x34a: {  	v13 =	vsel vm1, v15, v13  }
0x34b: {  	[tilespmem:s25+$0x0] =	vst v13;
	s25 =	spop (v2sf)  }
0x34c: {  	v13 =	vld [tilespmem:s25+$0x0];
	_ =	sdelay $0x2  }
0x34d: {  	v14 =	vbroadcast v8, $0x1;
	_ =	sdelay $0x1  }
0x34e: {  	v15 =	vperm.xlane v13, v4;
	vm1 =	vlt.f32 v13, v14  }
0x34f: {  	v13 =	vsel vm1, v14, v13;
	(v2sf) =	vpush v9, $0x3  }
0x350: {  	v15 =	vsel vm0, $0x7F61B1E6, v15  }
0x351: {  	vm1 =	vlt.f32 v15, v14  }
0x352: {  	v13 =	vsel vm1, v15, v13  }
0x353: {  	[tilespmem:s25+$0x0] =	vst v13;
	s25 =	spop (v2sf)  }
0x354: {  	v13 =	vld [tilespmem:s25+$0x0];
	_ =	sdelay $0x2  }
0x355: {  	v14 =	vbroadcast v8, $0x2;
	_ =	sdelay $0x1  }
0x356: {  	v15 =	vperm.xlane v13, v4;
	vm1 =	vlt.f32 v13, v14  }
0x357: {  	v13 =	vsel vm1, v14, v13;
	(v2sf) =	vpush v12, $0x4  }
0x358: {  	v15 =	vsel vm0, $0x7F61B1E6, v15  }
0x359: {  	vm1 =	vlt.f32 v15, v14  }
0x35a: {  	v13 =	vsel vm1, v15, v13  }
0x35b: {  	[tilespmem:s25+$0x0] =	vst v13;
	s25 =	spop (v2sf)  }
0x35c: {  	v13 =	vld [tilespmem:s25+$0x0];
	_ =	sdelay $0x2  }
0x35d: {  	v14 =	vbroadcast v8, $0x3;
	_ =	sdelay $0x1  }
0x35e: {  	v15 =	vperm.xlane v13, v4;
	vm1 =	vlt.f32 v13, v14  }
0x35f: {  	v13 =	vsel vm1, v14, v13;
	(v2sf) =	vpush v11, $0x5  }
0x360: {  	v15 =	vsel vm0, $0x7F61B1E6, v15  }
0x361: {  	vm1 =	vlt.f32 v15, v14  }
0x362: {  	v13 =	vsel vm1, v15, v13  }
0x363: {  	[tilespmem:s25+$0x0] =	vst v13;
	s25 =	spop (v2sf)  }
0x364: {  	v13 =	vld [tilespmem:s25+$0x0];
	_ =	sdelay $0x2  }
0x365: {  	v14 =	vbroadcast v8, $0x4;
	_ =	sdelay $0x1  }
0x366: {  	v15 =	vperm.xlane v13, v4;
	vm1 =	vlt.f32 v13, v14  }
0x367: {  	v13 =	vsel vm1, v14, v13;
	(v2sf) =	vpush v10, $0x6  }
0x368: {  	v15 =	vsel vm0, $0x7F61B1E6, v15  }
0x369: {  	vm1 =	vlt.f32 v15, v14  }
0x36a: {  	v13 =	vsel vm1, v15, v13  }
0x36b: {  	[tilespmem:s25+$0x0] =	vst v13;
	s25 =	spop (v2sf)  }
0x36c: {  	v13 =	vld [tilespmem:s25+$0x0];
	_ =	sdelay $0x2  }
0x36d: {  	v14 =	vbroadcast v8, $0x5;
	_ =	sdelay $0x1  }
0x36e: {  	v15 =	vperm.xlane v13, v4;
	vm1 =	vlt.f32 v13, v14  }
0x36f: {  	v13 =	vsel vm1, v14, v13;
	(v2sf) =	vpush v9, $0x7  }
0x370: {  	v15 =	vsel vm0, $0x7F61B1E6, v15  }
0x371: {  	vm1 =	vlt.f32 v15, v14  }
0x372: {  	v13 =	vsel vm1, v15, v13  }
0x373: {  	[tilespmem:s25+$0x0] =	vst v13;
	s25 =	spop (v2sf)  }
0x374: {  	v13 =	vld [tilespmem:s25+$0x0];
	_ =	sdelay $0x2  }
0x375: {  	v14 =	vbroadcast v8, $0x6;
	_ =	sdelay $0x1  }
0x376: {  	v15 =	vperm.xlane v13, v4;
	vm1 =	vlt.f32 v13, v14  }
0x377: {  	v13 =	vsel vm1, v14, v13;
	(v2sf) =	vpush v12, $0x8  }
0x378: {  	v15 =	vsel vm0, $0x7F61B1E6, v15  }
0x379: {  	vm1 =	vlt.f32 v15, v14  }
0x37a: {  	v13 =	vsel vm1, v15, v13  }
0x37b: {  	[tilespmem:s25+$0x0] =	vst v13;
	s25 =	spop (v2sf)  }
0x37c: {  	v13 =	vld [tilespmem:s25+$0x0];
	_ =	sdelay $0x2  }
0x37d: {  	v14 =	vbroadcast v8, $0x7;
	_ =	sdelay $0x1  }
0x37e: {  	v15 =	vperm.xlane v13, v4;
	vm1 =	vlt.f32 v13, v14  }
0x37f: {  	v13 =	vsel vm1, v14, v13;
	(v2sf) =	vpush v11, $0x9  }
0x380: {  	v15 =	vsel vm0, $0x7F61B1E6, v15  }
0x381: {  	vm1 =	vlt.f32 v15, v14  }
0x382: {  	v13 =	vsel vm1, v15, v13  }
0x383: {  	[tilespmem:s25+$0x0] =	vst v13;
	s25 =	spop (v2sf)  }
0x384: {  	v13 =	vld [tilespmem:s25+$0x0];
	_ =	sdelay $0x2  }
0x385: {  	v14 =	vbroadcast v8, $0x8;
	_ =	sdelay $0x1  }
0x386: {  	v15 =	vperm.xlane v13, v4;
	vm1 =	vlt.f32 v13, v14  }
0x387: {  	v13 =	vsel vm1, v14, v13;
	(v2sf) =	vpush v10, $0xA  }
0x388: {  	v15 =	vsel vm0, $0x7F61B1E6, v15  }
0x389: {  	vm1 =	vlt.f32 v15, v14  }
0x38a: {  	v13 =	vsel vm1, v15, v13  }
0x38b: {  	[tilespmem:s25+$0x0] =	vst v13;
	s25 =	spop (v2sf)  }
0x38c: {  	v13 =	vld [tilespmem:s25+$0x0];
	_ =	sdelay $0x2  }
0x38d: {  	v14 =	vbroadcast v8, $0x9;
	_ =	sdelay $0x1  }
0x38e: {  	v15 =	vperm.xlane v13, v4;
	vm1 =	vlt.f32 v13, v14  }
0x38f: {  	v13 =	vsel vm1, v14, v13;
	(v2sf) =	vpush v9, $0xB  }
0x390: {  	v15 =	vsel vm0, $0x7F61B1E6, v15  }
0x391: {  	vm1 =	vlt.f32 v15, v14  }
0x392: {  	v13 =	vsel vm1, v15, v13  }
0x393: {  	[tilespmem:s25+$0x0] =	vst v13;
	s25 =	spop (v2sf)  }
0x394: {  	v13 =	vld [tilespmem:s25+$0x0];
	_ =	sdelay $0x2  }
0x395: {  	v14 =	vbroadcast v8, $0xA;
	_ =	sdelay $0x1  }
0x396: {  	v15 =	vperm.xlane v13, v4;
	vm1 =	vlt.f32 v13, v14  }
0x397: {  	v13 =	vsel vm1, v14, v13;
	(v2sf) =	vpush v12, $0xC  }
0x398: {  	v12 =	vsel vm0, $0x7F61B1E6, v15  }
0x399: {  	vm1 =	vlt.f32 v12, v14  }
0x39a: {  	v12 =	vsel vm1, v12, v13  }
0x39b: {  	[tilespmem:s25+$0x0] =	vst v12;
	s25 =	spop (v2sf)  }
0x39c: {  	v12 =	vld [tilespmem:s25+$0x0];
	_ =	sdelay $0x2  }
0x39d: {  	v13 =	vbroadcast v8, $0xB;
	_ =	sdelay $0x1  }
0x39e: {  	v14 =	vperm.xlane v12, v4;
	vm1 =	vlt.f32 v12, v13  }
0x39f: {  	v12 =	vsel vm1, v13, v12;
	(v2sf) =	vpush v11, $0xD  }
0x3a0: {  	v11 =	vsel vm0, $0x7F61B1E6, v14  }
0x3a1: {  	vm1 =	vlt.f32 v11, v13  }
0x3a2: {  	v11 =	vsel vm1, v11, v12  }
0x3a3: {  	[tilespmem:s25+$0x0] =	vst v11;
	s25 =	spop (v2sf)  }
0x3a4: {  	v11 =	vld [tilespmem:s25+$0x0];
	_ =	sdelay $0x2  }
0x3a5: {  	v12 =	vbroadcast v8, $0xC;
	_ =	sdelay $0x1  }
0x3a6: {  	v13 =	vperm.xlane v11, v4;
	vm1 =	vlt.f32 v11, v12  }
0x3a7: {  	v11 =	vsel vm1, v12, v11;
	(v2sf) =	vpush v10, $0xE  }
0x3a8: {  	v10 =	vsel vm0, $0x7F61B1E6, v13  }
0x3a9: {  	vm1 =	vlt.f32 v10, v12  }
0x3aa: {  	v10 =	vsel vm1, v10, v11  }
0x3ab: {  	[tilespmem:s25+$0x0] =	vst v10;
	s25 =	spop (v2sf)  }
0x3ac: {  	v10 =	vld [tilespmem:s25+$0x0];
	_ =	sdelay $0x2  }
0x3ad: {  	v11 =	vbroadcast v8, $0xD;
	_ =	sdelay $0x1  }
0x3ae: {  	v12 =	vperm.xlane v10, v4;
	vm1 =	vlt.f32 v10, v11  }
0x3af: {  	v10 =	vsel vm1, v11, v10;
	(v2sf) =	vpush v9, $0xF  }
0x3b0: {  	v9 =	vsel vm0, $0x7F61B1E6, v12  }
0x3b1: {  	vm1 =	vlt.f32 v9, v11  }
0x3b2: {  	v9 =	vsel vm1, v9, v10  }
0x3b3: {  	[tilespmem:s25+$0x0] =	vst v9;
	s25 =	spop (v2sf)  }
0x3b4: {  	v9 =	vld [tilespmem:s25+$0x0];
	_ =	sdelay $0x2  }
0x3b5: {  	v10 =	vbroadcast v8, $0xE;
	_ =	sdelay $0x1  }
0x3b6: {  	v11 =	vperm.xlane v9, v4;
	vm1 =	vlt.f32 v9, v10  }
0x3b7: {  	v9 =	vsel vm1, v10, v9  }
0x3b8: {  	v11 =	vsel vm0, $0x7F61B1E6, v11  }
0x3b9: {  	vm1 =	vlt.f32 v11, v10  }
0x3ba: {  	v9 =	vsel vm1, v11, v9  }
0x3bb: {  	[tilespmem:s25+$0x0] =	vst v9;
	s25 =	spop (v2sf)  }
0x3bc: {  	v9 =	vld [tilespmem:s25+$0x0];
	_ =	sdelay $0x2  }
0x3bd: {  	v8 =	vbroadcast v8, $0xF;
	_ =	sdelay $0x1  }
.Ltmp11:
0x3be: {  	v10 =	vperm.xlane v9, v4;
	vm1 =	vlt.f32 v9, v8;
	(pc) =	sbr.rel @p3 .LBB2_19-.Ltmp11, $4  }
0x3bf: {  	v9 =	vsel vm1, v8, v9  }
0x3c0: {  	v10 =	vsel vm0, $0x7F61B1E6, v10  }
0x3c1: {  	vm1 =	vlt.f32 v10, v8  }
0x3c2: {  	v8 =	vsel vm1, v10, v9  }
.LBB2_20:
0x3c3: {  	[tilespmem:s25+$0x0] =	vst v8  }
.LBB2_21:
0x3c4: {  	s22 =	simm.s32 $0x0;
	s23 =	simm.s32 $0x3F  }
0x3c5: {  	s23 =	smov.u32 @p0 s22  }
0x3c6: {  	s22 =	sshll.u32 s23, $0x4  }
0x3c7: {  	v9 =	vld [tilespmem:s22+$0x14D00]  }
0x3c8: {  	v10 =	vld [tilespmem:s22+$0x14500]  }
0x3c9: {  	v8 =	vmul.u32 $0xFFFFFFFF, v5;
	v11 =	vld [tilespmem:s22+$0x14900];
	_ =	sdelay $0x1  }
0x3ca: {  	v8 =	vadd.s32 $0xF, v8;
	v12 =	vld [tilespmem:s22+$0x14100]  }
0x3cb: {  	v9 =	vperm.xlane v9, v8;
	_ =	sdelay $0x1  }
0x3cc: {  	v10 =	vperm.xlane v10, v8;
	v9 =	vmax.f32 v11, v9  }
0x3cd: {  	(xrf1) =	vsort.ascd.msk.f32 $0xffff, v9, v9  }
0x3ce: {  	v9 =	vmax.f32 v12, v10  }
0x3cf: {  	(xrf1) =	vsort.ascd.msk.f32 $0xffff, v9, v9;
	_ =	sdelay $0x2  }
0x3d0: {  	s24 =	simm.s32 $0x1;
	s23 =	simm.s32 $0x3E  }
0x3d1: {  	s23 =	smov.u32 @p0 s24  }
0x3d2: {  	s23 =	sshll.u32 s23, $0x4  }
0x3d3: {  	v9 =	vld [tilespmem:s23+$0x14D00]  }
0x3d4: {  	v10 =	vld [tilespmem:s23+$0x14500]  }
0x3d5: {  	v11 =	vld [tilespmem:s23+$0x14900]  }
0x3d6: {  	v58 =	vld [tilespmem:s23+$0x14100];
	_ =	sdelay $0x1  }
0x3d7: {  	v9 =	vperm.xlane v9, v8  }
0x3d8: {  	v10 =	vperm.xlane v10, v8;
	v13, _, _ =	vpop (xrf1)  }
0x3d9: {  	v9 =	vmax.f32 v11, v9;
	v11 =	vperm.xlane v13, v8  }
0x3da: {  	v10 =	vmax.f32 v58, v10;
	v59, _, _ =	vpop (xrf1);
	(xrf1) =	vsort.ascd.msk.f32 $0xffff, v9, v9  }
0x3db: {  	(xrf1) =	vsort.ascd.msk.f32 $0xffff, v10, v10;
	v9 =	vmax.f32 v59, v11  }
0x3dc: {  	(xrf1) =	vsort.ascd.msk.f32 $0xffff, v9, v9;
	_ =	sdelay $0x3  }
0x3dd: {  	s25 =	simm.s32 $0x2;
	s24 =	simm.s32 $0x3D  }
0x3de: {  	s24 =	smov.u32 @p0 s25  }
0x3df: {  	s24 =	sshll.u32 s24, $0x4  }
0x3e0: {  	v9 =	vld [tilespmem:s24+$0x14D00]  }
0x3e1: {  	v10 =	vld [tilespmem:s24+$0x14500]  }
0x3e2: {  	v11 =	vld [tilespmem:s24+$0x14900]  }
0x3e3: {  	v60 =	vld [tilespmem:s24+$0x14100];
	_ =	sdelay $0x1  }
0x3e4: {  	v9 =	vperm.xlane v9, v8;
	v61, _, _ =	vpop (xrf1)  }
0x3e5: {  	v10 =	vperm.xlane v10, v8;
	v14, _, _ =	vpop (xrf1)  }
0x3e6: {  	v9 =	vmax.f32 v11, v9;
	v11 =	vperm.xlane v61, v8;
	v62, _, _ =	vpop (xrf1)  }
0x3e7: {  	v10 =	vmax.f32 v60, v10;
	(xrf1) =	vsort.ascd.msk.f32 $0xffff, v9, v9;
	v63 =	vperm.xlane v62, v8  }
0x3e8: {  	v9 =	vimm.f32 $-1.000000020e+30;
	(xrf1) =	vsort.ascd.msk.f32 $0xffff, v10, v10;
	v10 =	vmax.f32 v14, v11  }
0x3e9: {  	(xrf1) =	vsort.ascd.msk.f32 $0xffff, v10, v10;
	v10 =	vmax.f32 v9, v63;
	_ =	sdelay $0x2  }
0x3ea: {  	s26 =	simm.s32 $0x3;
	s25 =	simm.s32 $0x3C;
	v11 =	vmov v8;
	(xrf1) =	vsort.ascd.msk.f32 $0xffff, v10, v10;
	v10 =	vmov v8  }
.LBB2_22:
0x3eb: {  	s28 =	smov.u32 s25  }
0x3ec: {  	p3 =	sne.s32 s26, $0x3F;
	s28 =	smov.u32 @p0 s26  }
0x3ed: {  	s28 =	sshll.u32 s28, $0x4  }
0x3ee: {  	v12 =	vld [tilespmem:s28+$0x14D00]  }
0x3ef: {  	v13 =	vld [tilespmem:s28+$0x14500]  }
0x3f0: {  	v14 =	vld [tilespmem:s28+$0x14900]  }
0x3f1: {  	v15 =	vld [tilespmem:s28+$0x14100];
	_ =	sdelay $0x1  }
0x3f2: {  	v18 =	vperm.xlane v12, v8  }
0x3f3: {  	v13 =	vperm.xlane v13, v8;
	v16, _, _ =	vpop (xrf1)  }
0x3f4: {  	v17 =	vmax.f32 v14, v18;
	v14 =	vperm.xlane v16, v10;
	v16, _, _ =	vpop (xrf1)  }
0x3f5: {  	v15 =	vmax.f32 v15, v13;
	(xrf1) =	vsort.ascd.msk.f32 $0xffff, v17, v17;
	v12, _, _ =	vpop (xrf1)  }
.Ltmp12:
0x3f6: {  	(xrf1) =	vsort.ascd.msk.f32 $0xffff, v15, v15;
	v14 =	vmax.f32 v16, v14;
	v12 =	vperm.xlane v12, v11;
	v11 =	vmov v10;
	(pc) =	sbr.rel @p3 .LBB2_22-.Ltmp12, $4  }
0x3f7: {  	v10 =	vmov v8;
	(xrf1) =	vsort.ascd.msk.f32 $0xffff, v14, v14;
	v13, _, _ =	vpop (xrf1)  }
0x3f8: {  	v12 =	vmax.f32 v13, v12;
	v14 =	vpsel p0, v13, v9;
	v9 =	vmov v13  }
0x3f9: {  	(xrf1) =	vsort.ascd.msk.f32 $0xffff, v12, v12;
	[tilespmem:s22+$0x15100] =	vst v14;
	s22 =	smov.u32 s23;
	s23 =	smov.u32 s24;
	s24 =	smov.u32 s28  }
0x3fa: {  	s25 =	sadd.s32 $0xFFFFFFFF, s25;
	s26 =	sadd.s32 $0x1, s26  }
0x3fb: {  	_ =	sdelay $0x7  }
0x3fc: {  	v12, _, _ =	vpop (xrf1)  }
0x3fd: {  	v12 =	vperm.xlane v12, v10;
	v13, _, _ =	vpop (xrf1)  }
0x3fe: {  	v14, _, _ =	vpop (xrf1)  }
0x3ff: {  	v12 =	vmax.f32 v13, v12;
	v11 =	vperm.xlane v14, v11  }
0x400: {  	(xrf1) =	vsort.ascd.msk.f32 $0xffff, v12, v12;
	v63, _, _ =	vpop (xrf1)  }
0x401: {  	v11 =	vmax.f32 v63, v11  }
0x402: {  	(xrf1) =	vsort.ascd.msk.f32 $0xffff, v11, v11;
	_ =	sdelay $0xb  }
0x403: {  	v11, _, _ =	vpop (xrf1)  }
0x404: {  	v10 =	vperm.xlane v11, v10  }
0x405: {  	v11, _, _ =	vpop (xrf1)  }
0x406: {  	v10 =	vmax.f32 v11, v10  }
0x407: {  	(xrf1) =	vsort.ascd.msk.f32 $0xffff, v10, v10;
	_ =	sdelay $0xc  }
0x408: {  	v9 =	vpsel p0, v63, v9  }
0x409: {  	[tilespmem:s22+$0x15100] =	vst v9;
	v9 =	vpsel p0, v11, v63;
	v10, _, _ =	vpop (xrf1)  }
0x40a: {  	[tilespmem:s23+$0x15100] =	vst v9;
	v9 =	vpsel p0, v10, v11  }
0x40b: {  	[tilespmem:s24+$0x15100] =	vst v9  }
0x40c: {  	[tilespmem:$0x17600] =	vst v10  }
0x40d: {  	[hbm4b:s7+s2] =	stream.linear.scatter [tilespmem:s19], [sflag:$0x1], $0x10, $0x38;
	[tilespmem:$0x17900] =	vst v63  }
0x40e: {  	_ =	swait.ge [sflag:s13], $0x10  }
0x40f: {  	[sflag:s13] =	ssyncset.done $0x0  }
0x410: {  	[sflag:s13] =	ssyncadd.s32 $0xFFFFFFF0  }
.Ltmp13:
0x411: {  	s22 =	simm.s32 $0x17500;
	[bflag:$0x0] =	sbarrier.arrive $0xFFFF;
	(pc) =	sbr.rel @p1 .LBB2_27-.Ltmp13, $4  }
0x412: {  	[tilespmem:s22], [sflag:$0x1] =	stream.linear.gather [hbm4b:s8+s2], $0x100, $0x38;
	[tilespmem:$0x17900] =	vst v63  }
0x413: {  	_ =	swait.ge [sflag:s13], $0x100  }
0x414: {  	[sflag:s13] =	ssyncset.done $0x0  }
0x415: {  	v9 =	vimm.f32 $-1.000000020e+30;
	v10 =	vimm.f32 $-1.000000020e+30;
	[sflag:s13] =	ssyncadd.s32 $0xFFFFFF00  }
0x416: {  	p4 =	seq.s32 s3, $0x1  }
.Ltmp14:
0x417: {  	_ = 	snop;
	(pc) =	sbr.rel @p4 .LBB2_25-.Ltmp14, $2  }
0x418: {  	_ =	sdelay $0x2  }
0x419: {  	v10 =	vld [tilespmem:s22+$0x0];
	s23 =	sadd.s32 $0xFFFFFFFF, s3;
	p3 =	por $0x0, $0x0  }
0x41a: {  	_ =	sdelay $0x3  }
0x41b: {  	v10 =	vperm.xlane v10, v8;
	_ =	sdelay $0x1  }
0x41c: {  	v10 =	vmax.f32 v9, v10  }
0x41d: {  	(xrf1) =	vsort.ascd.msk.f32 $0xffff, v10, v10;
	_ =	sdelay $0x2  }
0x41e: {  	p4 =	seq.s32 s23, $0x1  }
.Ltmp15:
0x41f: {  	_ = 	snop;
	(pc) =	sbr.rel @p4 .LBB2_31-.Ltmp15, $3  }
0x420: {  	_ =	sdelay $0x1  }
0x421: {  	s22 =	sadd.s32 $0x10, s22  }
0x422: {  	s23 =	sadd.s32 $0xFFFFFFFF, s23;
	p3 =	por $0x1, $0x1;
	v10 =	vld [tilespmem:s22+$0x0]  }
.LBB2_30:
0x423: {  	p4 =	seq.s32 s23, $0x1;
	_ =	sdelay $0x3  }
0x424: {  	v10 =	vperm.xlane v10, v8  }
0x425: {  	v11, _, _ =	vpop (xrf1)  }
0x426: {  	v10 =	vmax.f32 v11, v10  }
0x427: {  	(xrf1) =	vsort.ascd.msk.f32 $0xffff, v10, v10;
	_ =	sdelay $0x3  }
.Ltmp16:
0x428: {  	(pc) =	sbr.rel @!p4 .LBB2_30-.Ltmp16, $3  }
0x429: {  	_ =	sdelay $0x1  }
0x42a: {  	s22 =	sadd.s32 $0x10, s22  }
0x42b: {  	s23 =	sadd.s32 $0xFFFFFFFF, s23;
	v10 =	vld [tilespmem:s22+$0x0]  }
.LBB2_31:
0x42c: {  	_ =	sdelay $0x4  }
0x42d: {  	v10 =	vperm.xlane v10, v8;
	v11, _, _ =	vpop @p3 (xrf1)  }
0x42e: {  	v11 =	vpsel p3, v11, v9  }
0x42f: {  	v10 =	vmax.f32 v11, v10  }
0x430: {  	(xrf1) =	vsort.ascd.msk.f32 $0xffff, v10, v10;
	_ =	sdelay $0xd  }
0x431: {  	v10, _, _ =	vpop (xrf1)  }
.Ltmp17:
0x432: {  	(pc) =	sbr.rel @p2 .LBB2_35-.Ltmp17, $2  }
0x433: {  	_ =	sdelay $0x2  }
0x434: {  	v11 =	vimm.f32 $-1.000000020e+30  }
.LBB2_27:
0x435: {  	p4 =	sne.s32 s11, $0x1  }
.Ltmp18:
0x436: {  	_ = 	snop;
	(pc) =	sbr.rel @!p4 .LBB2_28-.Ltmp18, $2  }
0x437: {  	_ =	sdelay $0x2  }
0x438: {  	v11 =	vld [tilespmem:s12+$0x0];
	s23 =	sadd.s32 $0xFFFFFFFF, s11;
	p3 =	por $0x0, $0x0  }
0x439: {  	_ =	sdelay $0x3  }
0x43a: {  	v11 =	vperm.xlane v11, v8;
	_ =	sdelay $0x1  }
0x43b: {  	v11 =	vmax.f32 v9, v11  }
0x43c: {  	(xrf1) =	vsort.ascd.msk.f32 $0xffff, v11, v11;
	_ =	sdelay $0x2  }
0x43d: {  	p4 =	sne.s32 s23, $0x1  }
.Ltmp19:
0x43e: {  	_ = 	snop;
	(pc) =	sbr.rel @!p4 .LBB2_34-.Ltmp19, $3  }
0x43f: {  	_ =	sdelay $0x1  }
0x440: {  	s22 =	sadd.s32 $0x10, s12  }
0x441: {  	s23 =	sadd.s32 $0xFFFFFFFF, s23;
	p3 =	por $0x1, $0x1;
	v11 =	vld [tilespmem:s22+$0x0]  }
.LBB2_33:
0x442: {  	p4 =	sne.s32 s23, $0x1;
	_ =	sdelay $0x3  }
0x443: {  	v11 =	vperm.xlane v11, v8  }
0x444: {  	v12, _, _ =	vpop (xrf1)  }
0x445: {  	v11 =	vmax.f32 v12, v11  }
0x446: {  	(xrf1) =	vsort.ascd.msk.f32 $0xffff, v11, v11;
	_ =	sdelay $0x3  }
.Ltmp20:
0x447: {  	(pc) =	sbr.rel @p4 .LBB2_33-.Ltmp20, $3  }
0x448: {  	_ =	sdelay $0x1  }
0x449: {  	s22 =	sadd.s32 $0x10, s22  }
0x44a: {  	s23 =	sadd.s32 $0xFFFFFFFF, s23;
	v11 =	vld [tilespmem:s22+$0x0]  }
.LBB2_34:
0x44b: {  	_ =	sdelay $0x4  }
0x44c: {  	v11 =	vperm.xlane v11, v8;
	v12, _, _ =	vpop @p3 (xrf1)  }
0x44d: {  	v9 =	vpsel p3, v12, v9  }
0x44e: {  	v9 =	vmax.f32 v9, v11  }
0x44f: {  	(xrf1) =	vsort.ascd.msk.f32 $0xffff, v9, v9;
	_ =	sdelay $0xd  }
0x450: {  	v11, _, _ =	vpop (xrf1)  }
.LBB2_35:
0x451: {  	s22 =	simm.s32 $0x0  }
0x452: {  	v9 =	vld [tilespmem:s22+$0x15100];
	_ =	sdelay $0x1  }
0x453: {  	v10 =	vpsel p0, v10, v11  }
0x454: {  	v8 =	vperm.xlane v10, v8;
	_ =	sdelay $0x1  }
0x455: {  	v9 =	vmax.f32 v9, v8  }
0x456: {  	(xrf1) =	vsort.ascd.msk.f32 $0xffff, v9, v9;
	_ =	sdelay $0xd  }
0x457: {  	s22 =	simm.s32 $0x15500;
	v9, _, _ =	vpop (xrf1)  }
0x458: {  	s24 =	simm.s32 $0x10;
	s23 =	simm.s32 $0x80;
	[tilespmem:s22+$0x0] =	vst v9  }
.LBB2_36:
0x459: {  	p3 =	sne.s32 s23, $0xFC0;
	v9 =	vld [tilespmem:s24+$0x15100];
	_ =	sdelay $0x4  }
0x45a: {  	v9 =	vmax.f32 v9, v8  }
0x45b: {  	(xrf1) =	vsort.ascd.msk.f32 $0xffff, v9, v9;
	_ =	sdelay $0xa  }
.Ltmp21:
0x45c: {  	(pc) =	sbr.rel @p3 .LBB2_36-.Ltmp21, $3  }
0x45d: {  	_ =	sdelay $0x1  }
0x45e: {  	s22 =	sadd.s32 $0x80, s22;
	v9, _, _ =	vpop (xrf1)  }
0x45f: {  	s24 =	sshra.s32 s23, $0x2;
	s23 =	sadd.s32 $0x40, s23;
	[tilespmem:s22+$0x0] =	vst v9  }
0x460: {  	v9 =	vld [tilespmem:s24+$0x15100];
	_ =	sdelay $0x4  }
0x461: {  	v8 =	vmax.f32 v9, v8  }
0x462: {  	(xrf1) =	vsort.ascd.msk.f32 $0xffff, v8, v8;
	_ =	sdelay $0xd  }
0x463: {  	s22 =	sadd.s32 $0x80, s22;
	s21 =	sadd.s32 $0x1, s21;
	v8, _, _ =	vpop (xrf1)  }
0x464: {  	p3 =	sne.s32 s21, s9;
	[tilespmem:s22+$0x0] =	vst v8  }
0x465: {  	[hbm4b:s10+s2] =	stream.linear.scatter [tilespmem:s20], [sflag:$0x1], $0x2000, $0x38;
	[tilespmem:$0x17900] =	vst v63  }
.Ltmp22:
0x466: {  	_ = 	snop;
	(pc) =	sbr.rel @p3 .LBB2_1-.Ltmp22, $4  }
.Ltmp23:
0x467: {  	_ = 	snop;
	(pc) =	sbr.rel @!p3 .LBB2_38-.Ltmp23, $4  }
0x468: {  	_ =	swait.ge [sflag:s13], $0x2000  }
0x469: {  	[sflag:s13] =	ssyncset.done $0x0  }
0x46a: {  	[sflag:s13] =	ssyncadd.s32 $0xFFFFE000  }
0x46b: {  	_ = 	snop  }
.LBB2_28:
.Ltmp24:
0x46c: {  	(pc) =	sbr.rel .LBB2_34-.Ltmp24, $2  }
0x46d: {  	_ =	sdelay $0x2  }
0x46e: {  	_ = 	snop  }
.LBB2_25:
.Ltmp25:
0x46f: {  	(pc) =	sbr.rel .LBB2_31-.Ltmp25, $2  }
0x470: {  	_ =	sdelay $0x2  }
0x471: {  	_ = 	snop  }
.LBB2_38:
0x472: {  	_ =	sfence.sel $0x180000  }
0x473: {  	[bflag:$0x0] =	sbarrier.arrive $0xFFFF  }
0x474: {  	p0 =	sne.s32 s3, $0x0;
	_ =	strace $0x90000047  }
0x475: {  	s0 =	sadd.s32 @!p0 $0x100000, s0;
	[bflag:$0x2] =	sbarrier.arrive $0xFFFF  }
0x476: {  	[sflag:s0] =	ssyncadd.tile.s32 @!p0 $0x1;
	_ =	shalt  }
.Lfunc_end2:
_tile_overlayer_lowered:
.L_overlay_start_2:
0x477: {  	(tag) =	ssettag $0x2  }
0x478: {  	s0 =	rddreg [dreg:$0x0];
	s2 =	stileid.u32  }
0x479: {  	s1 =	rddreg [dreg:$0x1];
	p0 =	sne.s32 s2, $0x0  }
0x47a: {  	s3 =	rddreg [dreg:$0x2];
	[bflag:$0x3] =	sbarrier.arrive $0xFFFF;
	s2 =	simm.s32 @!p0 $0x1C01  }
0x47b: {  	[timem:s3], [sflag:s2] =	dma.local @!p0 [hbm:s0], s1  }
0x47c: {  	s0 =	simm.s32 @!p0 $0x1  }
0x47d: {  	_ =	swait.ge @!p0 [sflag:s0], s1  }
0x47e: {  	s1 =	ssub.s32 @!p0 $0x0, s1;
	[sflag:s0] =	ssyncset.done @!p0 $0x0  }
0x47f: {  	[sflag:s0] =	ssyncadd.s32 @!p0 s1  }
0x480: {  	[bflag:$0x3] =	sbarrier.arrive $0xFFFF  }
0x481: {  	_ =	shalt  }

</sc_bundles>
